<compile_context>
chip_gen: v7x
topology: tpu7x:2x2x1
jax: 0.10.2.dev20260603
libtpu: 0.0.44.dev20260713+nightly
codegen_flags: <defaults>
</compile_context>

<pallas_src>
import functools

import jax
import jax.numpy as jnp
from jax import lax
from jax.experimental import pallas as pl
from jax.experimental.pallas import tpu as pltpu
from jax.experimental.pallas import tpu_sc as plsc

NN = 50000
EE = 800000
BB = 2
NP = 51200
EP = 802816
NS = NP // 16
EPT = EP // 16
STE = 256
NST = EPT // STE
PCH = 64
NCH = NS // PCH
BLK = 1024

_mesh = plsc.VectorSubcoreMesh(core_axis_name="c", subcore_axis_name="s")
_params = pltpu.CompilerParams(use_tc_tiling_on_sc=False)


def _fill(ref, rows, width, val):
    v = jnp.full((16,), val, jnp.float32)

    def body(r, _):
        for h in range(width // 16):
            ref[r, pl.ds(h * 16, 16)] = v
        return 0

    lax.fori_loop(0, rows, body, 0)


def _wt(src, dst, sem):
    pltpu.make_async_copy(src, dst, sem).wait()


@functools.partial(
    pl.kernel,
    out_type=jax.ShapeDtypeStruct((2 * NP, 16), jnp.float32),
    mesh=_mesh,
    scratch_types=[
        pltpu.VMEM_SHARED((NP, 16), jnp.float32),
        pltpu.VMEM((512,), jnp.int32),
        pltpu.VMEM((512, 16), jnp.float32),
        pltpu.VMEM((PCH, 16), jnp.float32),
        pltpu.SemaphoreType.DMA,
    ],
    compiler_params=_params,
)
def _deg_kernel(col1d, degp, dacc, cbuf, ones, zb, sem):
    c = lax.axis_index("c")
    s = lax.axis_index("s")
    _fill(ones, 512, 16, 1.0)
    _fill(zb, PCH, 16, 0.0)

    def zero(i, _):
        pltpu.sync_copy(zb, dacc.at[pl.ds(s * NS + i * PCH, PCH)])
        return 0

    lax.fori_loop(0, NS // PCH, zero, 0)
    plsc.subcore_barrier()

    base = c * (EP // 2) + s * (EP // 32)

    def stage(t, _):
        pltpu.sync_copy(col1d.at[pl.ds(base + t * 512, 512)], cbuf)
        pltpu.async_copy(ones, dacc.at[cbuf], sem, add=True).wait()
        return 0

    lax.fori_loop(0, 49, stage, 0)
    plsc.subcore_barrier()

    def out(i, _):
        g = s * NS + i * PCH
        pltpu.sync_copy(dacc.at[pl.ds(g, PCH)], zb)
        pltpu.sync_copy(zb, degp.at[pl.ds(c * NP + g, PCH)])
        return 0

    lax.fori_loop(0, NS // PCH, out, 0)


CPT = EP // 128 // 16
PPC = 128


def _make_hops(width):
    halves = width // 16

    @functools.partial(
        pl.kernel,
        out_type=(
            jax.ShapeDtypeStruct((BB * NP, width), jnp.float32),
            jax.ShapeDtypeStruct((BB * NP, width), jnp.float32),
        ),
        mesh=_mesh,
        scratch_types=[
            pltpu.VMEM_SHARED((NP, width), jnp.float32),
            pltpu.VMEM((512,), jnp.int32),
            pltpu.VMEM((4, 128), jnp.int32),
            pltpu.VMEM((128, width), jnp.float32),
            pltpu.VMEM((128, width), jnp.float32),
            pltpu.VMEM((128, width), jnp.float32),
            pltpu.VMEM((128, width), jnp.float32),
            pltpu.SemaphoreType.DMA,
            pltpu.SemaphoreType.DMA,
            pltpu.SemaphoreType.DMA,
            pltpu.SemaphoreType.DMA,
            pltpu.SemaphoreType.DMA,
            pltpu.SemaphoreType.DMA,
            pltpu.SemaphoreType.DMA,
            pltpu.SemaphoreType.DMA,
            pltpu.SemaphoreType.DMA,
        ],
        compiler_params=_params,
    )
    def hops(p_init, qd2, qd1, zz, d2x, d1x, rowB, col2d, z, ptmp,
             acc, rbig, cbig, gb0, gb1, gb2, gb3,
             gs0, gs1, gs2, gs3, ss0, ss1, ss2, ss3, isem):
        c = lax.axis_index("c")
        s = lax.axis_index("s")
        nbase = s * NS
        ebase = c * EP + s * EPT
        gbs = [gb0, gb1, gb2, gb3]
        gss = [gs0, gs1, gs2, gs3]
        sss = [ss0, ss1, ss2, ss3]

        def edge_phase(tab):
            def body(i, _):
                pltpu.sync_copy(rowB.at[pl.ds(ebase + i * 512, 512)], rbig)
                pltpu.sync_copy(col2d.at[pl.ds(s * CPT + i * 4, 4)], cbig)
                hg = [
                    pltpu.async_copy(
                        tab.at[rbig.at[pl.ds(j * 128, 128)]], gbs[j], gss[j])
                    for j in range(4)
                ]
                hs = []
                for j in range(4):
                    hg[j].wait()
                    hs.append(pltpu.async_copy(
                        gbs[j], acc.at[cbig.at[j]], sss[j], add=True))
                for h in hs:
                    h.wait()
                return 0

            lax.fori_loop(0, EPT // 512, body, 0)

        def comp(ab, db):
            def rowfn(r, _):
                for h in range(halves):
                    sl = pl.ds(h * 16, 16)
                    ab[r, sl] = ab[r, sl] * db[r, sl]
                return 0

            lax.fori_loop(0, PPC, rowfn, 0)

        def post(dref, dst, initsrc, init_off):
            ioff = (c * NP + nbase) if init_off else nbase

            def chunk(i, _):
                g = nbase + i * PPC
                pltpu.async_copy(acc.at[pl.ds(g, PPC)], gb0, gs0).wait()
                pltpu.async_copy(dref.at[pl.ds(g, PPC)], gb1, gs1).wait()
                comp(gb0, gb1)
                pltpu.async_copy(
                    gb0, dst.at[pl.ds(c * NP + g, PPC)], ss0).wait()
                if initsrc is not None:
                    pltpu.async_copy(
                        initsrc.at[pl.ds(ioff + i * PPC, PPC)], gb2,
                        isem).wait()
                    pltpu.sync_copy(gb2, acc.at[pl.ds(g, PPC)])
                return 0

            lax.fori_loop(0, NS // PPC, chunk, 0)

        def init0(i, _):
            g = nbase + i * PPC
            pltpu.async_copy(
                qd2.at[pl.ds(c * NP + g, PPC)], gb2, isem).wait()
            pltpu.sync_copy(gb2, acc.at[pl.ds(g, PPC)])
            return 0

        lax.fori_loop(0, NS // PPC, init0, 0)
        plsc.subcore_barrier()
        edge_phase(p_init)
        plsc.subcore_barrier()
        post(d2x, ptmp, qd1, True)
        plsc.subcore_barrier()
        edge_phase(ptmp)
        plsc.subcore_barrier()
        post(d2x, ptmp, zz, False)
        plsc.subcore_barrier()
        edge_phase(ptmp)
        plsc.subcore_barrier()
        post(d1x, z, None, False)

    return hops


_hops32 = _make_hops(32)


@functools.partial(
    pl.kernel,
    out_type=jax.ShapeDtypeStruct((BB * NP, 16), jnp.float32),
    mesh=_mesh,
    scratch_types=[
        pltpu.VMEM_SHARED((NP, 16), jnp.float32),
        pltpu.VMEM((1024,), jnp.int32),
        pltpu.VMEM((1024,), jnp.int32),
        pltpu.VMEM((1024,), jnp.int32),
        pltpu.VMEM((1024,), jnp.int32),
        pltpu.VMEM((1024, 16), jnp.float32),
        pltpu.VMEM((1024, 16), jnp.float32),
        pltpu.VMEM((PPC, 16), jnp.float32),
        pltpu.VMEM((PPC, 16), jnp.float32),
        pltpu.VMEM((PPC, 16), jnp.float32),
        pltpu.VMEM((PPC, 16), jnp.float32),
        pltpu.VMEM((1, 16), jnp.float32),
        pltpu.SemaphoreType.DMA,
        pltpu.SemaphoreType.DMA,
        pltpu.SemaphoreType.DMA,
        pltpu.SemaphoreType.DMA,
        pltpu.SemaphoreType.DMA,
    ],
    compiler_params=_params,
)
def _hops16(p_init, qd2, qd1, zz, d2x, d1x, y0, b3r, vminp, vmaxp,
            rowB, col1d, out,
            acc, r0, c0, r1, c1, gb0, gb1, aA, dA, xA, xB, bv,
            gs0, gs1, ss0, ss1, isem):
    c = lax.axis_index("c")
    s = lax.axis_index("s")
    nbase = s * NS
    ebase = c * EP + s * EPT
    cbase = s * EPT

    pltpu.sync_copy(b3r, bv)

    def edge_phase(tab):
        def body(i, _):
            t0 = i * 2048
            pltpu.sync_copy(rowB.at[pl.ds(ebase + t0, 1024)], r0)
            hg0 = pltpu.async_copy(tab.at[r0], gb0, gs0)
            pltpu.sync_copy(rowB.at[pl.ds(ebase + t0 + 1024, 1024)], r1)
            hg1 = pltpu.async_copy(tab.at[r1], gb1, gs1)
            pltpu.sync_copy(col1d.at[pl.ds(cbase + t0, 1024)], c0)
            pltpu.sync_copy(col1d.at[pl.ds(cbase + t0 + 1024, 1024)], c1)
            hg0.wait()
            hs0 = pltpu.async_copy(gb0, acc.at[c0], ss0, add=True)
            hg1.wait()
            hs1 = pltpu.async_copy(gb1, acc.at[c1], ss1, add=True)
            hs0.wait()
            hs1.wait()
            return 0

        lax.fori_loop(0, EPT // 2048, body, 0)

    def comp(ab, db):
        def rowfn(r, _):
            sl = pl.ds(0, 16)
            ab[r, sl] = ab[r, sl] * db[r, sl]
            return 0

        lax.fori_loop(0, PPC, rowfn, 0)

    def post(dref, dst, initsrc, init_off):
        ioff = (c * NP + nbase) if init_off else nbase

        def chunk(i, _):
            g = nbase + i * PPC
            pltpu.async_copy(acc.at[pl.ds(g, PPC)], aA, gs0).wait()
            pltpu.async_copy(dref.at[pl.ds(g, PPC)], dA, gs1).wait()
            comp(aA, dA)
            pltpu.async_copy(aA, dst.at[pl.ds(c * NP + g, PPC)], ss0).wait()
            if initsrc is not None:
                pltpu.async_copy(
                    initsrc.at[pl.ds(ioff + i * PPC, PPC)], xA, isem).wait()
                pltpu.sync_copy(xA, acc.at[pl.ds(g, PPC)])
            return 0

        lax.fori_loop(0, NS // PPC, chunk, 0)

    def post_final():
        b3 = bv[0, pl.ds(0, 16)]

        def chunk(i, _):
            g = nbase + i * PPC
            pltpu.async_copy(acc.at[pl.ds(g, PPC)], aA, gs0).wait()
            pltpu.async_copy(d1x.at[pl.ds(g, PPC)], dA, gs1).wait()
            pltpu.async_copy(y0.at[pl.ds(c * NP + g, PPC)], xA, isem).wait()
            pltpu.async_copy(vminp.at[pl.ds(g, PPC)], xB, ss1).wait()

            def rowfn(r, _):
                sl = pl.ds(0, 16)
                t = (xA[r, sl] + aA[r, sl] * dA[r, sl] + b3) * 0.1
                sg = 1.0 / (1.0 + jnp.exp(-t))
                aA[r, sl] = sg
                return 0

            lax.fori_loop(0, PPC, rowfn, 0)
            pltpu.async_copy(vmaxp.at[pl.ds(g, PPC)], dA, ss1).wait()

            def rowfn2(r, _):
                sl = pl.ds(0, 16)
                aA[r, sl] = xB[r, sl] + (dA[r, sl] - xB[r, sl]) * aA[r, sl]
                return 0

            lax.fori_loop(0, PPC, rowfn2, 0)
            pltpu.async_copy(aA, out.at[pl.ds(c * NP + g, PPC)], ss0).wait()
            return 0

        lax.fori_loop(0, NS // PPC, chunk, 0)

    def init0(i, _):
        g = nbase + i * PPC
        pltpu.async_copy(qd2.at[pl.ds(c * NP + g, PPC)], xA, isem).wait()
        pltpu.sync_copy(xA, acc.at[pl.ds(g, PPC)])
        return 0

    lax.fori_loop(0, NS // PPC, init0, 0)
    plsc.subcore_barrier()
    edge_phase(p_init)
    plsc.subcore_barrier()
    post(d2x, out, qd1, True)
    plsc.subcore_barrier()
    edge_phase(out)
    plsc.subcore_barrier()
    post(d2x, out, zz, False)
    plsc.subcore_barrier()
    edge_phase(out)
    plsc.subcore_barrier()
    post_final()


def _prep1_body(x_ref, degp_ref, wc_ref,
                y0, qd1, qd2, p3, d2x, d1x, d2x16, d1x16, dis_o, sdeg_o):
    deg = degp_ref[0, :, 0] + degp_ref[1, :, 0]
    dis = jnp.where(deg > 0, lax.rsqrt(jnp.maximum(deg, 1e-12)), 0.0)
    dis = dis.reshape(BLK, 1)
    sdeg = jnp.sqrt(deg).reshape(BLK, 1)
    xw = jnp.dot(x_ref[...], wc_ref[...], preferred_element_type=jnp.float32)
    y0[...] = xw[:, 0:32]
    qd1[...] = sdeg * xw[:, 32:64]
    qd2[...] = sdeg * xw[:, 64:96]
    p3[...] = dis * xw[:, 96:128]
    d2 = dis * dis
    d2x[...] = jnp.broadcast_to(d2, (BLK, 32))
    d1x[...] = jnp.broadcast_to(dis, (BLK, 32))
    d2x16[...] = jnp.broadcast_to(d2, (BLK, 16))
    d1x16[...] = jnp.broadcast_to(dis, (BLK, 16))
    dis_o[...] = dis
    sdeg_o[...] = sdeg


def _prep1(xf, degp2, wc1):
    nb = NP // BLK
    fo32 = jax.ShapeDtypeStruct((BB * NP, 32), jnp.float32)
    n32 = jax.ShapeDtypeStruct((NP, 32), jnp.float32)
    n16 = jax.ShapeDtypeStruct((NP, 16), jnp.float32)
    n1 = jax.ShapeDtypeStruct((NP, 1), jnp.float32)
    bs_bn = pl.BlockSpec((BLK, 32), lambda i: (i, 0))
    bs_n32 = pl.BlockSpec((BLK, 32), lambda i: (i % nb, 0))
    bs_n16 = pl.BlockSpec((BLK, 16), lambda i: (i % nb, 0))
    bs_n1 = pl.BlockSpec((BLK, 1), lambda i: (i % nb, 0))
    return pl.pallas_call(
        _prep1_body,
        grid=(BB * NP // BLK,),
        in_specs=[
            bs_bn,
            pl.BlockSpec((2, BLK, 16), lambda i: (0, i % nb, 0)),
            pl.BlockSpec((32, 128), lambda i: (0, 0)),
        ],
        out_specs=[bs_bn, bs_bn, bs_bn, bs_bn,
                   bs_n32, bs_n32, bs_n16, bs_n16, bs_n1, bs_n1],
        out_shape=[fo32, fo32, fo32, fo32, n32, n32, n16, n16, n1, n1],
    )(xf, degp2, wc1)


def _mid_body(wo, y0_ref, z_ref, g_ref, be_ref, dis_ref, sdeg_ref, b_ref,
              wc_ref, y0n, qd1n, qd2n, p3n):
    fo = wo // 4
    t = y0_ref[...] + z_ref[...] + b_ref[...]
    m = jnp.mean(t, axis=0, keepdims=True)
    v = jnp.mean((t - m) ** 2, axis=0, keepdims=True)
    h = g_ref[...] * (t - m) / jnp.sqrt(v + 1e-5) + be_ref[...]
    h = jnp.where(h >= 0, h, 0.01 * h)
    hw = jnp.dot(h.reshape(BB * BLK, 32), wc_ref[...],
                 preferred_element_type=jnp.float32).reshape(BB, BLK, wo)
    dis = dis_ref[...].reshape(1, BLK, 1)
    sdeg = sdeg_ref[...].reshape(1, BLK, 1)
    y0n[...] = hw[..., 0:fo]
    qd1n[...] = sdeg * hw[..., fo:2 * fo]
    qd2n[...] = sdeg * hw[..., 2 * fo:3 * fo]
    p3n[...] = dis * hw[..., 3 * fo:4 * fo]


def _mid(y0, zz, gp, bep, dis, sdeg, br, wc):
    wo = wc.shape[1]
    fo = wo // 4
    out = jax.ShapeDtypeStruct((BB, NP, fo), jnp.float32)
    bs_o = pl.BlockSpec((BB, BLK, fo), lambda i: (0, i, 0))
    return pl.pallas_call(
        functools.partial(_mid_body, wo),
        grid=(NP // BLK,),
        in_specs=[
            pl.BlockSpec((BB, BLK, 32), lambda i: (0, i, 0)),
            pl.BlockSpec((BB, BLK, 32), lambda i: (0, i, 0)),
            pl.BlockSpec((BLK, 32), lambda i: (i, 0)),
            pl.BlockSpec((BLK, 32), lambda i: (i, 0)),
            pl.BlockSpec((BLK, 1), lambda i: (i, 0)),
            pl.BlockSpec((BLK, 1), lambda i: (i, 0)),
            pl.BlockSpec((1, 32), lambda i: (0, 0)),
            pl.BlockSpec((32, wo), lambda i: (0, 0)),
        ],
        out_specs=[bs_o, bs_o, bs_o, bs_o],
        out_shape=[out, out, out, out],
    )(y0, zz, gp, bep, dis, sdeg, br, wc)


def _final_body(y0_ref, z_ref, b_ref, vmin_ref, vmax_ref, o_ref):
    t = y0_ref[...] + z_ref[...] + b_ref[...]
    sg = jax.nn.sigmoid(t * 0.1)
    a = vmin_ref[...][None]
    b = vmax_ref[...][None]
    o_ref[...] = a + (b - a) * sg


def _final(y0, zz, b3r, vminp, vmaxp):
    return pl.pallas_call(
        _final_body,
        grid=(NP // BLK,),
        in_specs=[
            pl.BlockSpec((BB, BLK, 16), lambda i: (0, i, 0)),
            pl.BlockSpec((BB, BLK, 16), lambda i: (0, i, 0)),
            pl.BlockSpec((1, 16), lambda i: (0, 0)),
            pl.BlockSpec((BLK, 16), lambda i: (i, 0)),
            pl.BlockSpec((BLK, 16), lambda i: (i, 0)),
        ],
        out_specs=pl.BlockSpec((BB, BLK, 16), lambda i: (0, i, 0)),
        out_shape=jax.ShapeDtypeStruct((BB, NP, 16), jnp.float32),
    )(y0, zz, b3r, vminp, vmaxp)


@jax.jit
def kernel(x, edge_index, W1, b1, W2, b2, W3, b3, g1, be1, g2, be2,
           val_min, val_max):
    row = edge_index[0]
    col = edge_index[1]
    rowp = jnp.concatenate([row, jnp.full((EP - EE,), NN, jnp.int32)])
    colp = jnp.concatenate([col, jnp.full((EP - EE,), NN + 1, jnp.int32)])
    rowB = jnp.concatenate([rowp, rowp + NP])
    col1d = colp

    xf = jnp.pad(x, ((0, 0), (0, NP - NN), (0, 0))).reshape(BB * NP, 32)
    wc1 = jnp.concatenate([W1[0], W1[1], W1[2], W1[3]], axis=1)
    wc2 = jnp.concatenate([W2[0], W2[1], W2[2], W2[3]], axis=1)
    w3p = jnp.pad(W3, ((0, 0), (0, 0), (0, 13)))
    wc3 = jnp.concatenate([w3p[0], w3p[1], w3p[2], w3p[3]], axis=1)
    g1p = jnp.pad(g1.reshape(NN, 32), ((0, NP - NN), (0, 0)))
    be1p = jnp.pad(be1.reshape(NN, 32), ((0, NP - NN), (0, 0)))
    g2p = jnp.pad(g2.reshape(NN, 32), ((0, NP - NN), (0, 0)))
    be2p = jnp.pad(be2.reshape(NN, 32), ((0, NP - NN), (0, 0)))
    vminp = jnp.pad(val_min, ((0, NP - NN), (0, 13)))
    vmaxp = jnp.pad(val_max, ((0, NP - NN), (0, 13)))
    b1r = b1.reshape(1, 32)
    b2r = b2.reshape(1, 32)
    b3r = jnp.pad(b3, (0, 13)).reshape(1, 16)
    z32 = jnp.zeros((NP, 32), jnp.float32)
    z16 = jnp.zeros((NP, 16), jnp.float32)

    degp = _deg_kernel(col1d)
    y0a, qd1a, qd2a, p3a, d2x, d1x, d2x16, d1x16, dis, sdeg = _prep1(
        xf, degp.reshape(2, NP, 16), wc1)

    col2d = colp.reshape(EP // 128, 128)
    z1, _ = _hops32(p3a, qd2a, qd1a, z32, d2x, d1x, rowB, col2d)

    y0b, qd1b, qd2b, p3b = _mid(y0a.reshape(BB, NP, 32),
                                z1.reshape(BB, NP, 32),
                                g1p, be1p, dis, sdeg, b1r, wc2)
    z2, _ = _hops32(p3b.reshape(BB * NP, 32), qd2b.reshape(BB * NP, 32),
                    qd1b.reshape(BB * NP, 32), z32, d2x, d1x, rowB, col2d)

    y0c, qd1c, qd2c, p3c = _mid(y0b, z2.reshape(BB, NP, 32),
                                g2p, be2p, dis, sdeg, b2r, wc3)
    res = _hops16(p3c.reshape(BB * NP, 16), qd2c.reshape(BB * NP, 16),
                  qd1c.reshape(BB * NP, 16), z16, d2x16, d1x16,
                  y0c.reshape(BB * NP, 16), b3r, vminp, vmaxp, rowB, col1d)

    return res.reshape(BB, NP, 16)[:, :NN, :3]

# --- scband reference (transcript-rebuilt; emitter-appended) ---
"""Pipeline reference for scband-gnnunsupervised-71322226917734 (READ-ONLY COPY).

The authoritative reference and input builder live on the scoring server;
editing this copy changes nothing except your own understanding.
"""

import jax, jax.numpy as jnp
import numpy as np

N = 50000
E = 800000
B = 2
DIMS = [32, 32, 32, 3]
K = [3, 3, 3]


def setup_inputs(seed: int = 0) -> dict:
    key = jax.random.key(seed)
    ks = jax.random.split(key, 12)
    x = jax.random.normal(ks[0], (B, N, DIMS[0]), dtype=jnp.float32)
    edge_index = jax.random.randint(ks[1], (2, E), 0, N, dtype=jnp.int32)
    # TAGConv layer l has K[l]+1 linear maps (no bias) plus one bias vector
    W1 = jax.random.normal(ks[2], (K[0] + 1, DIMS[0], DIMS[1]), dtype=jnp.float32) * 0.1
    b1 = jnp.zeros((DIMS[1],), dtype=jnp.float32)
    W2 = jax.random.normal(ks[3], (K[1] + 1, DIMS[1], DIMS[2]), dtype=jnp.float32) * 0.1
    b2 = jnp.zeros((DIMS[2],), dtype=jnp.float32)
    W3 = jax.random.normal(ks[4], (K[2] + 1, DIMS[2], DIMS[3]), dtype=jnp.float32) * 0.1
    b3 = jnp.zeros((DIMS[3],), dtype=jnp.float32)
    g1 = jnp.ones((N * DIMS[1],), dtype=jnp.float32)
    be1 = jnp.zeros((N * DIMS[1],), dtype=jnp.float32)
    g2 = jnp.ones((N * DIMS[2],), dtype=jnp.float32)
    be2 = jnp.zeros((N * DIMS[2],), dtype=jnp.float32)
    val_min = -jnp.abs(jax.random.normal(ks[5], (N, DIMS[3]), dtype=jnp.float32)) - 0.1
    val_max = val_min + jnp.abs(jax.random.normal(ks[6], (N, DIMS[3]), dtype=jnp.float32)) + 0.2
    return {"x": x, "edge_index": edge_index, "W1": W1, "b1": b1, "W2": W2, "b2": b2,
            "W3": W3, "b3": b3, "g1": g1, "be1": be1, "g2": g2, "be2": be2,
            "val_min": val_min, "val_max": val_max}


def _gcn_norm(edge_index):
    # gcn_norm with edge_weight=None (weights of 1), add_self_loops=False (TAGConv default)
    row, col = edge_index[0], edge_index[1]
    w = jnp.ones((E,), dtype=jnp.float32)
    deg = jnp.zeros((N,), dtype=jnp.float32).at[col].add(w)
    dis = jnp.where(deg > 0, jax.lax.rsqrt(jnp.maximum(deg, 1e-12)), 0.0)
    return dis[row] * w * dis[col]


def _tag_conv(x, row, col, norm, W, b):
    # x: [B, N, F_in]; W: [K+1, F_in, F_out]; hops happen in input feature space
    out = jnp.einsum('bnf,fg->bng', x, W[0])
    h = x
    for k in range(1, W.shape[0]):
        msg = h[:, row, :] * norm[None, :, None]
        h = jnp.zeros((x.shape[0], N, x.shape[2]), dtype=x.dtype).at[:, col, :].add(msg)
        out = out + jnp.einsum('bnf,fg->bng', h, W[k])
    return out + b


def _batchnorm(x2d, gamma, beta):
    # training-mode BatchNorm1d math (biased variance over the batch dim), eps=1e-5
    mean = jnp.mean(x2d, axis=0)
    var = jnp.mean((x2d - mean) ** 2, axis=0)
    return gamma * (x2d - mean) / jnp.sqrt(var + 1e-5) + beta


def _leaky_relu(x):
    return jnp.where(x >= 0, x, 0.01 * x)


def _forward(x, W1, b1, W2, b2, W3, b3, g1, be1, g2, be2, val_min, val_max, edge_index):
    row, col = edge_index[0], edge_index[1]
    norm = _gcn_norm(edge_index)
    out = _tag_conv(x, row, col, norm, W1, b1)
    out = _batchnorm(out.reshape(-1, N * DIMS[1]), g1, be1).reshape(-1, N, DIMS[1])
    out = _leaky_relu(out)  # dropout is identity in eval mode
    out = _tag_conv(out, row, col, norm, W2, b2)
    out = _batchnorm(out.reshape(-1, N * DIMS[2]), g2, be2).reshape(-1, N, DIMS[2])
    out = _leaky_relu(out)
    out = _tag_conv(out, row, col, norm, W3, b3)
    a = jnp.broadcast_to(val_min[None, :, :], out.shape)
    bb = jnp.broadcast_to(val_max[None, :, :], out.shape)
    return a + (bb - a) * jax.nn.sigmoid(out / 10.0)


def reference(x, edge_index, W1, b1, W2, b2, W3, b3, g1, be1, g2, be2, val_min, val_max):
    return _forward(x, W1, b1, W2, b2, W3, b3, g1, be1, g2, be2, val_min, val_max, edge_index)

if __name__ == "__main__":
    import jax
    _d = setup_inputs()
    print(jax.jit(kernel)(*tuple(_d.values())))

</pallas_src>

<mosaic_0001>
#map = affine_map<(d0, d1) -> (0)>
#map1 = affine_map<(d0, d1) -> (0, 0)>
module attributes {stable_mosaic.version = 14 : i64} {
  func.func @_deg_kernel(%arg0: i32, %arg1: i32, %arg2: memref<802816xi32, #tpu.memory_space<hbm>>, %arg3: memref<102400x16xf32, #tpu.memory_space<hbm>>, %arg4: memref<51200x16xf32, #tpu.memory_space<vmem_shared>>, %arg5: memref<512xi32, #tpu.memory_space<vmem>>, %arg6: memref<512x16xf32, #tpu.memory_space<vmem>>, %arg7: memref<64x16xf32, #tpu.memory_space<vmem>>, %arg8: memref<!tpu.dma_semaphore, #tpu.memory_space<semaphore_mem>>) attributes {dimension_semantics = [#tpu.dimension_semantics<core_parallel>, #tpu.dimension_semantics<subcore_parallel>], iteration_bounds = array<i64: 2, 16>, scalar_prefetch = 0 : i64, scratch_operands = 5 : i64, tpu.core_type = #tpu.core_type<sc_vector_subcore>, window_params = [{transform_indices = #map}, {transform_indices = #map1}]} {
    %broadcast_in_dim3A = arith.constant 1.000000e+00 : f32
    %broadcast_in_dim3A_0 = vector.broadcast %broadcast_in_dim3A : f32 to vector<16xf32>
    %scan3A = arith.constant 0 : i32
    %scan3A_1 = arith.constant 0 : i32
    %scan3A_2 = arith.constant 512 : i32
    %scan3A_3 = arith.addi %scan3A_1, %scan3A_2 : i32
    %scan3A_4 = arith.constant 1 : i32
    %scan3A_5 = scf.for %scan3A_41 = %scan3A_1 to %scan3A_3 step %scan3A_4 iter_args(%scan3A_42 = %scan3A) -> (i32)  : i32 {
      %swap3A = arith.index_cast %scan3A_41 : i32 to index
      %swap3A_43 = arith.constant 0 : index
      %swap3A_44 = tpu.vector_load %arg6[%swap3A, %swap3A_43] {strides = array<i32>} : memref<512x16xf32, #tpu.memory_space<vmem>>, vector<1x16xf32>,
      %swap3A_45 = vector.shape_cast %swap3A_44 : vector<1x16xf32> to vector<16xf32>
      %swap3A_46 = vector.shape_cast %broadcast_in_dim3A_0 : vector<16xf32> to vector<1x16xf32>
      tpu.vector_store %arg6[%swap3A, %swap3A_43], %swap3A_46 {strides = array<i32>} : memref<512x16xf32, #tpu.memory_space<vmem>>, vector<1x16xf32>,
      %scan3A_47 = arith.constant 0 : i32
      scf.yield %scan3A_47 : i32
    }
    %scan3A_6 = arith.constant 512 : i32
    %broadcast_in_dim3A_7 = arith.constant 0.000000e+00 : f32
    %broadcast_in_dim3A_8 = vector.broadcast %broadcast_in_dim3A_7 : f32 to vector<16xf32>
    %scan3A_9 = arith.constant 0 : i32
    %scan3A_10 = arith.constant 0 : i32
    %scan3A_11 = arith.constant 64 : i32
    %scan3A_12 = arith.addi %scan3A_10, %scan3A_11 : i32
    %scan3A_13 = arith.constant 1 : i32
    %scan3A_14 = scf.for %scan3A_41 = %scan3A_10 to %scan3A_12 step %scan3A_13 iter_args(%scan3A_42 = %scan3A_9) -> (i32)  : i32 {
      %swap3A = arith.index_cast %scan3A_41 : i32 to index
      %swap3A_43 = arith.constant 0 : index
      %swap3A_44 = tpu.vector_load %arg7[%swap3A, %swap3A_43] {strides = array<i32>} : memref<64x16xf32, #tpu.memory_space<vmem>>, vector<1x16xf32>,
      %swap3A_45 = vector.shape_cast %swap3A_44 : vector<1x16xf32> to vector<16xf32>
      %swap3A_46 = vector.shape_cast %broadcast_in_dim3A_8 : vector<16xf32> to vector<1x16xf32>
      tpu.vector_store %arg7[%swap3A, %swap3A_43], %swap3A_46 {strides = array<i32>} : memref<64x16xf32, #tpu.memory_space<vmem>>, vector<1x16xf32>,
      %scan3A_47 = arith.constant 0 : i32
      scf.yield %scan3A_47 : i32
    }
    %scan3A_15 = arith.constant 64 : i32
    %scan3A_16 = arith.constant 0 : i32
    %scan3A_17 = arith.constant 0 : i32
    %scan3A_18 = arith.constant 50 : i32
    %scan3A_19 = arith.addi %scan3A_17, %scan3A_18 : i32
    %scan3A_20 = arith.constant 1 : i32
    %scan3A_21 = scf.for %scan3A_41 = %scan3A_17 to %scan3A_19 step %scan3A_20 iter_args(%scan3A_42 = %scan3A_16) -> (i32)  : i32 {
      %mul3A_43 = arith.constant 3200 : i32
      %mul3A_44 = arith.muli %arg1, %mul3A_43 : i32
      %mul3A_45 = arith.constant 64 : i32
      %mul3A_46 = arith.muli %scan3A_41, %mul3A_45 : i32
      %add3A_47 = arith.addi %mul3A_44, %mul3A_46 : i32
      "tpu.region"() ({
        %run_scoped3A = tpu.sem_alloc : memref<!tpu.dma_semaphore, #tpu.memory_space<semaphore_mem>>
        %dma_start3A = arith.constant 0 : i32
        %dma_start3A_49 = tpu.memref_slice %arg4[%add3A_47, %dma_start3A] : memref<51200x16xf32, #tpu.memory_space<vmem_shared>> -> memref<64x16xf32, #tpu.memory_space<vmem_shared>>
        %dma_start3A_50 = arith.constant 0 : i32
        %dma_start3A_51 = tpu.memref_slice %arg4[%add3A_47, %dma_start3A_50] : memref<51200x16xf32, #tpu.memory_space<vmem_shared>> -> memref<64x16xf32, #tpu.memory_space<vmem_shared>>
        tpu.enqueue_dma source(%arg7 : memref<64x16xf32, #tpu.memory_space<vmem>>) target(%dma_start3A_51 : memref<64x16xf32, #tpu.memory_space<vmem_shared>>) target_semaphore(%run_scoped3A : memref<!tpu.dma_semaphore, #tpu.memory_space<semaphore_mem>>)
        %dma_wait3A = arith.constant 0 : i32
        %dma_wait3A_52 = tpu.memref_slice %arg4[%add3A_47, %dma_wait3A] : memref<51200x16xf32, #tpu.memory_space<vmem_shared>> -> memref<64x16xf32, #tpu.memory_space<vmem_shared>>
        %dma_wait3A_53 = arith.constant 0 : i32
        %dma_wait3A_54 = tpu.memref_slice %arg4[%add3A_47, %dma_wait3A_53] : memref<51200x16xf32, #tpu.memory_space<vmem_shared>> -> memref<64x16xf32, #tpu.memory_space<vmem_shared>>
        tpu.wait_dma2 semaphore(%run_scoped3A : memref<!tpu.dma_semaphore, #tpu.memory_space<semaphore_mem>>) src(%arg7 : memref<64x16xf32, #tpu.memory_space<vmem>>) dst(%dma_wait3A_54 : memref<64x16xf32, #tpu.memory_space<vmem_shared>>)
        tpu.yield
      }) : () -> ()
      %scan3A_48 = arith.constant 0 : i32
      scf.yield %scan3A_48 : i32
    }
    %scan3A_22 = arith.constant 50 : i32
    %barrier3A = arith.constant 0 : index
    tpu.barrier barrier_id(%barrier3A)
    %mul3A = arith.constant 401408 : i32
    %mul3A_23 = arith.muli %arg0, %mul3A : i32
    %mul3A_24 = arith.constant 25088 : i32
    %mul3A_25 = arith.muli %arg1, %mul3A_24 : i32
    %add3A = arith.addi %mul3A_23, %mul3A_25 : i32
    %scan3A_26 = arith.constant 0 : i32
    %scan3A_27 = arith.constant 0 : i32
    %scan3A_28 = arith.constant 49 : i32
    %scan3A_29 = arith.addi %scan3A_27, %scan3A_28 : i32
    %scan3A_30 = arith.constant 1 : i32
    %scan3A_31 = scf.for %scan3A_41 = %scan3A_27 to %scan3A_29 step %scan3A_30 iter_args(%scan3A_42 = %scan3A_26) -> (i32)  : i32 {
      %mul3A_43 = arith.constant 512 : i32
      %mul3A_44 = arith.muli %scan3A_41, %mul3A_43 : i32
      %add3A_45 = arith.addi %add3A, %mul3A_44 : i32
      "tpu.region"() ({
        %run_scoped3A = tpu.sem_alloc : memref<!tpu.dma_semaphore, #tpu.memory_space<semaphore_mem>>
        %dma_start3A_51 = tpu.memref_slice %arg2[%add3A_45] : memref<802816xi32, #tpu.memory_space<hbm>> -> memref<512xi32, #tpu.memory_space<hbm>>
        %dma_start3A_52 = tpu.memref_slice %arg2[%add3A_45] : memref<802816xi32, #tpu.memory_space<hbm>> -> memref<512xi32, #tpu.memory_space<hbm>>
        tpu.enqueue_dma source(%dma_start3A_52 : memref<512xi32, #tpu.memory_space<hbm>>) target(%arg5 : memref<512xi32, #tpu.memory_space<vmem>>) target_semaphore(%run_scoped3A : memref<!tpu.dma_semaphore, #tpu.memory_space<semaphore_mem>>)
        %dma_wait3A_53 = tpu.memref_slice %arg2[%add3A_45] : memref<802816xi32, #tpu.memory_space<hbm>> -> memref<512xi32, #tpu.memory_space<hbm>>
        %dma_wait3A_54 = tpu.memref_slice %arg2[%add3A_45] : memref<802816xi32, #tpu.memory_space<hbm>> -> memref<512xi32, #tpu.memory_space<hbm>>
        tpu.wait_dma2 semaphore(%run_scoped3A : memref<!tpu.dma_semaphore, #tpu.memory_space<semaphore_mem>>) src(%dma_wait3A_54 : memref<512xi32, #tpu.memory_space<hbm>>) dst(%arg5 : memref<512xi32, #tpu.memory_space<vmem>>)
        tpu.yield
      }) : () -> ()
      %dma_start3A = arith.constant 0 : i32
      %dma_start3A_46 = arith.constant 0 : i32
      %dma_start3A_47 = tpu.memref_slice %arg4[%dma_start3A, %dma_start3A_46] : memref<51200x16xf32, #tpu.memory_space<vmem_shared>> -> memref<51200x16xf32, #tpu.memory_space<vmem_shared>>
      tpu.enqueue_indirect_dma source(%arg6 : memref<512x16xf32, #tpu.memory_space<vmem>>) target(%dma_start3A_47 : memref<51200x16xf32, #tpu.memory_space<vmem_shared>>) offsets(%arg5 : memref<512xi32, #tpu.memory_space<vmem>>) semaphore(%arg8 : memref<!tpu.dma_semaphore, #tpu.memory_space<semaphore_mem>>) {add = true}
      %dma_wait3A = arith.constant 0 : i32
      %dma_wait3A_48 = arith.constant 0 : i32
      %dma_wait3A_49 = tpu.memref_slice %arg4[%dma_wait3A, %dma_wait3A_48] : memref<51200x16xf32, #tpu.memory_space<vmem_shared>> -> memref<51200x16xf32, #tpu.memory_space<vmem_shared>>
      tpu.wait_indirect_dma semaphore(%arg8 : memref<!tpu.dma_semaphore, #tpu.memory_space<semaphore_mem>>) src(%arg6 : memref<512x16xf32, #tpu.memory_space<vmem>>) dst(%dma_wait3A_49 : memref<51200x16xf32, #tpu.memory_space<vmem_shared>>)
      %scan3A_50 = arith.constant 0 : i32
      scf.yield %scan3A_50 : i32
    }
    %scan3A_32 = arith.constant 49 : i32
    %barrier3A_33 = arith.constant 0 : index
    tpu.barrier barrier_id(%barrier3A_33)
    %scan3A_34 = arith.constant 0 : i32
    %scan3A_35 = arith.constant 0 : i32
    %scan3A_36 = arith.constant 50 : i32
    %scan3A_37 = arith.addi %scan3A_35, %scan3A_36 : i32
    %scan3A_38 = arith.constant 1 : i32
    %scan3A_39 = scf.for %scan3A_41 = %scan3A_35 to %scan3A_37 step %scan3A_38 iter_args(%scan3A_42 = %scan3A_34) -> (i32)  : i32 {
      %mul3A_43 = arith.constant 3200 : i32
      %mul3A_44 = arith.muli %arg1, %mul3A_43 : i32
      %mul3A_45 = arith.constant 64 : i32
      %mul3A_46 = arith.muli %scan3A_41, %mul3A_45 : i32
      %add3A_47 = arith.addi %mul3A_44, %mul3A_46 : i32
      "tpu.region"() ({
        %run_scoped3A = tpu.sem_alloc : memref<!tpu.dma_semaphore, #tpu.memory_space<semaphore_mem>>
        %dma_start3A = arith.constant 0 : i32
        %dma_start3A_52 = tpu.memref_slice %arg4[%add3A_47, %dma_start3A] : memref<51200x16xf32, #tpu.memory_space<vmem_shared>> -> memref<64x16xf32, #tpu.memory_space<vmem_shared>>
        %dma_start3A_53 = arith.constant 0 : i32
        %dma_start3A_54 = tpu.memref_slice %arg4[%add3A_47, %dma_start3A_53] : memref<51200x16xf32, #tpu.memory_space<vmem_shared>> -> memref<64x16xf32, #tpu.memory_space<vmem_shared>>
        tpu.enqueue_dma source(%dma_start3A_54 : memref<64x16xf32, #tpu.memory_space<vmem_shared>>) target(%arg7 : memref<64x16xf32, #tpu.memory_space<vmem>>) target_semaphore(%run_scoped3A : memref<!tpu.dma_semaphore, #tpu.memory_space<semaphore_mem>>)
        %dma_wait3A = arith.constant 0 : i32
        %dma_wait3A_55 = tpu.memref_slice %arg4[%add3A_47, %dma_wait3A] : memref<51200x16xf32, #tpu.memory_space<vmem_shared>> -> memref<64x16xf32, #tpu.memory_space<vmem_shared>>
        %dma_wait3A_56 = arith.constant 0 : i32
        %dma_wait3A_57 = tpu.memref_slice %arg4[%add3A_47, %dma_wait3A_56] : memref<51200x16xf32, #tpu.memory_space<vmem_shared>> -> memref<64x16xf32, #tpu.memory_space<vmem_shared>>
        tpu.wait_dma2 semaphore(%run_scoped3A : memref<!tpu.dma_semaphore, #tpu.memory_space<semaphore_mem>>) src(%dma_wait3A_57 : memref<64x16xf32, #tpu.memory_space<vmem_shared>>) dst(%arg7 : memref<64x16xf32, #tpu.memory_space<vmem>>)
        tpu.yield
      }) : () -> ()
      %mul3A_48 = arith.constant 51200 : i32
      %mul3A_49 = arith.muli %arg0, %mul3A_48 : i32
      %add3A_50 = arith.addi %mul3A_49, %add3A_47 : i32
      "tpu.region"() ({
        %run_scoped3A = tpu.sem_alloc : memref<!tpu.dma_semaphore, #tpu.memory_space<semaphore_mem>>
        %dma_start3A = arith.constant 0 : i32
        %dma_start3A_52 = tpu.memref_slice %arg3[%add3A_50, %dma_start3A] : memref<102400x16xf32, #tpu.memory_space<hbm>> -> memref<64x16xf32, #tpu.memory_space<hbm>>
        %dma_start3A_53 = arith.constant 0 : i32
        %dma_start3A_54 = tpu.memref_slice %arg3[%add3A_50, %dma_start3A_53] : memref<102400x16xf32, #tpu.memory_space<hbm>> -> memref<64x16xf32, #tpu.memory_space<hbm>>
        tpu.enqueue_dma source(%arg7 : memref<64x16xf32, #tpu.memory_space<vmem>>) target(%dma_start3A_54 : memref<64x16xf32, #tpu.memory_space<hbm>>) target_semaphore(%run_scoped3A : memref<!tpu.dma_semaphore, #tpu.memory_space<semaphore_mem>>)
        %dma_wait3A = arith.constant 0 : i32
        %dma_wait3A_55 = tpu.memref_slice %arg3[%add3A_50, %dma_wait3A] : memref<102400x16xf32, #tpu.memory_space<hbm>> -> memref<64x16xf32, #tpu.memory_space<hbm>>
        %dma_wait3A_56 = arith.constant 0 : i32
        %dma_wait3A_57 = tpu.memref_slice %arg3[%add3A_50, %dma_wait3A_56] : memref<102400x16xf32, #tpu.memory_space<hbm>> -> memref<64x16xf32, #tpu.memory_space<hbm>>
        tpu.wait_dma2 semaphore(%run_scoped3A : memref<!tpu.dma_semaphore, #tpu.memory_space<semaphore_mem>>) src(%arg7 : memref<64x16xf32, #tpu.memory_space<vmem>>) dst(%dma_wait3A_57 : memref<64x16xf32, #tpu.memory_space<hbm>>)
        tpu.yield
      }) : () -> ()
      %scan3A_51 = arith.constant 0 : i32
      scf.yield %scan3A_51 : i32
    }
    %scan3A_40 = arith.constant 50 : i32
    return
  }
}

#map = affine_map<(d0, d1) -> (0, 0)>
#map1 = affine_map<(d0, d1) -> (0)>
module attributes {stable_mosaic.version = 14 : i64} {
  func.func @_hops16(%arg0: i32, %arg1: i32, %arg2: memref<102400x16xf32, #tpu.memory_space<hbm>>, %arg3: memref<102400x16xf32, #tpu.memory_space<hbm>>, %arg4: memref<102400x16xf32, #tpu.memory_space<hbm>>, %arg5: memref<51200x16xf32, #tpu.memory_space<hbm>>, %arg6: memref<51200x16xf32, #tpu.memory_space<hbm>>, %arg7: memref<51200x16xf32, #tpu.memory_space<hbm>>, %arg8: memref<102400x16xf32, #tpu.memory_space<hbm>>, %arg9: memref<1x16xf32, #tpu.memory_space<hbm>>, %arg10: memref<51200x16xf32, #tpu.memory_space<hbm>>, %arg11: memref<51200x16xf32, #tpu.memory_space<hbm>>, %arg12: memref<1605632xi32, #tpu.memory_space<hbm>>, %arg13: memref<802816xi32, #tpu.memory_space<hbm>>, %arg14: memref<102400x16xf32, #tpu.memory_space<hbm>>, %arg15: memref<51200x16xf32, #tpu.memory_space<vmem_shared>>, %arg16: memref<1024xi32, #tpu.memory_space<vmem>>, %arg17: memref<1024xi32, #tpu.memory_space<vmem>>, %arg18: memref<1024xi32, #tpu.memory_space<vmem>>, %arg19: memref<1024xi32, #tpu.memory_space<vmem>>, %arg20: memref<1024x16xf32, #tpu.memory_space<vmem>>, %arg21: memref<1024x16xf32, #tpu.memory_space<vmem>>, %arg22: memref<128x16xf32, #tpu.memory_space<vmem>>, %arg23: memref<128x16xf32, #tpu.memory_space<vmem>>, %arg24: memref<128x16xf32, #tpu.memory_space<vmem>>, %arg25: memref<128x16xf32, #tpu.memory_space<vmem>>, %arg26: memref<1x16xf32, #tpu.memory_space<vmem>>, %arg27: memref<!tpu.dma_semaphore, #tpu.memory_space<semaphore_mem>>, %arg28: memref<!tpu.dma_semaphore, #tpu.memory_space<semaphore_mem>>, %arg29: memref<!tpu.dma_semaphore, #tpu.memory_space<semaphore_mem>>, %arg30: memref<!tpu.dma_semaphore, #tpu.memory_space<semaphore_mem>>, %arg31: memref<!tpu.dma_semaphore, #tpu.memory_space<semaphore_mem>>) attributes {dimension_semantics = [#tpu.dimension_semantics<core_parallel>, #tpu.dimension_semantics<subcore_parallel>], iteration_bounds = array<i64: 2, 16>, scalar_prefetch = 0 : i64, scratch_operands = 17 : i64, tpu.core_type = #tpu.core_type<sc_vector_subcore>, window_params = [{transform_indices = #map}, {transform_indices = #map}, {transform_indices = #map}, {transform_indices = #map}, {transform_indices = #map}, {transform_indices = #map}, {transform_indices = #map}, {transform_indices = #map}, {transform_indices = #map}, {transform_indices = #map}, {transform_indices = #map1}, {transform_indices = #map1}, {transform_indices = #map}]} {
    %mul3A = arith.constant 3200 : i32
    %mul3A_0 = arith.muli %arg1, %mul3A : i32
    %mul3A_1 = arith.constant 802816 : i32
    %mul3A_2 = arith.muli %arg0, %mul3A_1 : i32
    %mul3A_3 = arith.constant 50176 : i32
    %mul3A_4 = arith.muli %arg1, %mul3A_3 : i32
    %add3A = arith.addi %mul3A_2, %mul3A_4 : i32
    %mul3A_5 = arith.constant 50176 : i32
    %mul3A_6 = arith.muli %arg1, %mul3A_5 : i32
    "tpu.region"() ({
      %run_scoped3A = tpu.sem_alloc : memref<!tpu.dma_semaphore, #tpu.memory_space<semaphore_mem>>
      tpu.enqueue_dma source(%arg9 : memref<1x16xf32, #tpu.memory_space<hbm>>) target(%arg26 : memref<1x16xf32, #tpu.memory_space<vmem>>) target_semaphore(%run_scoped3A : memref<!tpu.dma_semaphore, #tpu.memory_space<semaphore_mem>>)
      tpu.wait_dma2 semaphore(%run_scoped3A : memref<!tpu.dma_semaphore, #tpu.memory_space<semaphore_mem>>) src(%arg9 : memref<1x16xf32, #tpu.memory_space<hbm>>) dst(%arg26 : memref<1x16xf32, #tpu.memory_space<vmem>>)
      tpu.yield
    }) : () -> ()
    %scan3A = arith.constant 0 : i32
    %scan3A_7 = arith.constant 0 : i32
    %scan3A_8 = arith.constant 25 : i32
    %scan3A_9 = arith.addi %scan3A_7, %scan3A_8 : i32
    %scan3A_10 = arith.constant 1 : i32
    %scan3A_11 = scf.for %scan3A_67 = %scan3A_7 to %scan3A_9 step %scan3A_10 iter_args(%scan3A_68 = %scan3A) -> (i32)  : i32 {
      %mul3A_69 = arith.constant 128 : i32
      %mul3A_70 = arith.muli %scan3A_67, %mul3A_69 : i32
      %add3A_71 = arith.addi %mul3A_0, %mul3A_70 : i32
      %mul3A_72 = arith.constant 51200 : i32
      %mul3A_73 = arith.muli %arg0, %mul3A_72 : i32
      %add3A_74 = arith.addi %mul3A_73, %add3A_71 : i32
      %dma_start3A = arith.constant 0 : i32
      %dma_start3A_75 = tpu.memref_slice %arg3[%add3A_74, %dma_start3A] : memref<102400x16xf32, #tpu.memory_space<hbm>> -> memref<128x16xf32, #tpu.memory_space<hbm>>
      %dma_start3A_76 = arith.constant 0 : i32
      %dma_start3A_77 = tpu.memref_slice %arg3[%add3A_74, %dma_start3A_76] : memref<102400x16xf32, #tpu.memory_space<hbm>> -> memref<128x16xf32, #tpu.memory_space<hbm>>
      tpu.enqueue_dma source(%dma_start3A_77 : memref<128x16xf32, #tpu.memory_space<hbm>>) target(%arg24 : memref<128x16xf32, #tpu.memory_space<vmem>>) target_semaphore(%arg31 : memref<!tpu.dma_semaphore, #tpu.memory_space<semaphore_mem>>)
      %dma_wait3A = arith.constant 0 : i32
      %dma_wait3A_78 = tpu.memref_slice %arg3[%add3A_74, %dma_wait3A] : memref<102400x16xf32, #tpu.memory_space<hbm>> -> memref<128x16xf32, #tpu.memory_space<hbm>>
      %dma_wait3A_79 = arith.constant 0 : i32
      %dma_wait3A_80 = tpu.memref_slice %arg3[%add3A_74, %dma_wait3A_79] : memref<102400x16xf32, #tpu.memory_space<hbm>> -> memref<128x16xf32, #tpu.memory_space<hbm>>
      tpu.wait_dma2 semaphore(%arg31 : memref<!tpu.dma_semaphore, #tpu.memory_space<semaphore_mem>>) src(%dma_wait3A_80 : memref<128x16xf32, #tpu.memory_space<hbm>>) dst(%arg24 : memref<128x16xf32, #tpu.memory_space<vmem>>)
      "tpu.region"() ({
        %run_scoped3A = tpu.sem_alloc : memref<!tpu.dma_semaphore, #tpu.memory_space<semaphore_mem>>
        %dma_start3A_82 = arith.constant 0 : i32
        %dma_start3A_83 = tpu.memref_slice %arg15[%add3A_71, %dma_start3A_82] : memref<51200x16xf32, #tpu.memory_space<vmem_shared>> -> memref<128x16xf32, #tpu.memory_space<vmem_shared>>
        %dma_start3A_84 = arith.constant 0 : i32
        %dma_start3A_85 = tpu.memref_slice %arg15[%add3A_71, %dma_start3A_84] : memref<51200x16xf32, #tpu.memory_space<vmem_shared>> -> memref<128x16xf32, #tpu.memory_space<vmem_shared>>
        tpu.enqueue_dma source(%arg24 : memref<128x16xf32, #tpu.memory_space<vmem>>) target(%dma_start3A_85 : memref<128x16xf32, #tpu.memory_space<vmem_shared>>) target_semaphore(%run_scoped3A : memref<!tpu.dma_semaphore, #tpu.memory_space<semaphore_mem>>)
        %dma_wait3A_86 = arith.constant 0 : i32
        %dma_wait3A_87 = tpu.memref_slice %arg15[%add3A_71, %dma_wait3A_86] : memref<51200x16xf32, #tpu.memory_space<vmem_shared>> -> memref<128x16xf32, #tpu.memory_space<vmem_shared>>
        %dma_wait3A_88 = arith.constant 0 : i32
        %dma_wait3A_89 = tpu.memref_slice %arg15[%add3A_71, %dma_wait3A_88] : memref<51200x16xf32, #tpu.memory_space<vmem_shared>> -> memref<128x16xf32, #tpu.memory_space<vmem_shared>>
        tpu.wait_dma2 semaphore(%run_scoped3A : memref<!tpu.dma_semaphore, #tpu.memory_space<semaphore_mem>>) src(%arg24 : memref<128x16xf32, #tpu.memory_space<vmem>>) dst(%dma_wait3A_89 : memref<128x16xf32, #tpu.memory_space<vmem_shared>>)
        tpu.yield
      }) : () -> ()
      %scan3A_81 = arith.constant 0 : i32
      scf.yield %scan3A_81 : i32
    }
    %scan3A_12 = arith.constant 25 : i32
    %barrier3A = arith.constant 0 : index
    tpu.barrier barrier_id(%barrier3A)
    %scan3A_13 = arith.constant 0 : i32
    %scan3A_14 = arith.constant 0 : i32
    %scan3A_15 = arith.constant 24 : i32
    %scan3A_16 = arith.addi %scan3A_14, %scan3A_15 : i32
    %scan3A_17 = arith.constant 1 : i32
    %scan3A_18 = scf.for %scan3A_67 = %scan3A_14 to %scan3A_16 step %scan3A_17 iter_args(%scan3A_68 = %scan3A_13) -> (i32)  : i32 {
      %mul3A_69 = arith.constant 2048 : i32
      %mul3A_70 = arith.muli %scan3A_67, %mul3A_69 : i32
      %add3A_71 = arith.addi %add3A, %mul3A_70 : i32
      "tpu.region"() ({
        %run_scoped3A = tpu.sem_alloc : memref<!tpu.dma_semaphore, #tpu.memory_space<semaphore_mem>>
        %dma_start3A_102 = tpu.memref_slice %arg12[%add3A_71] : memref<1605632xi32, #tpu.memory_space<hbm>> -> memref<1024xi32, #tpu.memory_space<hbm>>
        %dma_start3A_103 = tpu.memref_slice %arg12[%add3A_71] : memref<1605632xi32, #tpu.memory_space<hbm>> -> memref<1024xi32, #tpu.memory_space<hbm>>
        tpu.enqueue_dma source(%dma_start3A_103 : memref<1024xi32, #tpu.memory_space<hbm>>) target(%arg16 : memref<1024xi32, #tpu.memory_space<vmem>>) target_semaphore(%run_scoped3A : memref<!tpu.dma_semaphore, #tpu.memory_space<semaphore_mem>>)
        %dma_wait3A_104 = tpu.memref_slice %arg12[%add3A_71] : memref<1605632xi32, #tpu.memory_space<hbm>> -> memref<1024xi32, #tpu.memory_space<hbm>>
        %dma_wait3A_105 = tpu.memref_slice %arg12[%add3A_71] : memref<1605632xi32, #tpu.memory_space<hbm>> -> memref<1024xi32, #tpu.memory_space<hbm>>
        tpu.wait_dma2 semaphore(%run_scoped3A : memref<!tpu.dma_semaphore, #tpu.memory_space<semaphore_mem>>) src(%dma_wait3A_105 : memref<1024xi32, #tpu.memory_space<hbm>>) dst(%arg16 : memref<1024xi32, #tpu.memory_space<vmem>>)
        tpu.yield
      }) : () -> ()
      %dma_start3A = arith.constant 0 : i32
      %dma_start3A_72 = arith.constant 0 : i32
      %dma_start3A_73 = tpu.memref_slice %arg2[%dma_start3A, %dma_start3A_72] : memref<102400x16xf32, #tpu.memory_space<hbm>> -> memref<102400x16xf32, #tpu.memory_space<hbm>>
      tpu.enqueue_indirect_dma source(%dma_start3A_73 : memref<102400x16xf32, #tpu.memory_space<hbm>>) target(%arg20 : memref<1024x16xf32, #tpu.memory_space<vmem>>) offsets(%arg16 : memref<1024xi32, #tpu.memory_space<vmem>>) semaphore(%arg27 : memref<!tpu.dma_semaphore, #tpu.memory_space<semaphore_mem>>)
      %add3A_74 = arith.addi %add3A, %mul3A_70 : i32
      %add3A_75 = arith.constant 1024 : i32
      %add3A_76 = arith.addi %add3A_74, %add3A_75 : i32
      "tpu.region"() ({
        %run_scoped3A = tpu.sem_alloc : memref<!tpu.dma_semaphore, #tpu.memory_space<semaphore_mem>>
        %dma_start3A_102 = tpu.memref_slice %arg12[%add3A_76] : memref<1605632xi32, #tpu.memory_space<hbm>> -> memref<1024xi32, #tpu.memory_space<hbm>>
        %dma_start3A_103 = tpu.memref_slice %arg12[%add3A_76] : memref<1605632xi32, #tpu.memory_space<hbm>> -> memref<1024xi32, #tpu.memory_space<hbm>>
        tpu.enqueue_dma source(%dma_start3A_103 : memref<1024xi32, #tpu.memory_space<hbm>>) target(%arg18 : memref<1024xi32, #tpu.memory_space<vmem>>) target_semaphore(%run_scoped3A : memref<!tpu.dma_semaphore, #tpu.memory_space<semaphore_mem>>)
        %dma_wait3A_104 = tpu.memref_slice %arg12[%add3A_76] : memref<1605632xi32, #tpu.memory_space<hbm>> -> memref<1024xi32, #tpu.memory_space<hbm>>
        %dma_wait3A_105 = tpu.memref_slice %arg12[%add3A_76] : memref<1605632xi32, #tpu.memory_space<hbm>> -> memref<1024xi32, #tpu.memory_space<hbm>>
        tpu.wait_dma2 semaphore(%run_scoped3A : memref<!tpu.dma_semaphore, #tpu.memory_space<semaphore_mem>>) src(%dma_wait3A_105 : memref<1024xi32, #tpu.memory_space<hbm>>) dst(%arg18 : memref<1024xi32, #tpu.memory_space<vmem>>)
        tpu.yield
      }) : () -> ()
      %dma_start3A_77 = arith.constant 0 : i32
      %dma_start3A_78 = arith.constant 0 : i32
      %dma_start3A_79 = tpu.memref_slice %arg2[%dma_start3A_77, %dma_start3A_78] : memref<102400x16xf32, #tpu.memory_space<hbm>> -> memref<102400x16xf32, #tpu.memory_space<hbm>>
      tpu.enqueue_indirect_dma source(%dma_start3A_79 : memref<102400x16xf32, #tpu.memory_space<hbm>>) target(%arg21 : memref<1024x16xf32, #tpu.memory_space<vmem>>) offsets(%arg18 : memref<1024xi32, #tpu.memory_space<vmem>>) semaphore(%arg28 : memref<!tpu.dma_semaphore, #tpu.memory_space<semaphore_mem>>)
      %add3A_80 = arith.addi %mul3A_6, %mul3A_70 : i32
      "tpu.region"() ({
        %run_scoped3A = tpu.sem_alloc : memref<!tpu.dma_semaphore, #tpu.memory_space<semaphore_mem>>
        %dma_start3A_102 = tpu.memref_slice %arg13[%add3A_80] : memref<802816xi32, #tpu.memory_space<hbm>> -> memref<1024xi32, #tpu.memory_space<hbm>>
        %dma_start3A_103 = tpu.memref_slice %arg13[%add3A_80] : memref<802816xi32, #tpu.memory_space<hbm>> -> memref<1024xi32, #tpu.memory_space<hbm>>
        tpu.enqueue_dma source(%dma_start3A_103 : memref<1024xi32, #tpu.memory_space<hbm>>) target(%arg17 : memref<1024xi32, #tpu.memory_space<vmem>>) target_semaphore(%run_scoped3A : memref<!tpu.dma_semaphore, #tpu.memory_space<semaphore_mem>>)
        %dma_wait3A_104 = tpu.memref_slice %arg13[%add3A_80] : memref<802816xi32, #tpu.memory_space<hbm>> -> memref<1024xi32, #tpu.memory_space<hbm>>
        %dma_wait3A_105 = tpu.memref_slice %arg13[%add3A_80] : memref<802816xi32, #tpu.memory_space<hbm>> -> memref<1024xi32, #tpu.memory_space<hbm>>
        tpu.wait_dma2 semaphore(%run_scoped3A : memref<!tpu.dma_semaphore, #tpu.memory_space<semaphore_mem>>) src(%dma_wait3A_105 : memref<1024xi32, #tpu.memory_space<hbm>>) dst(%arg17 : memref<1024xi32, #tpu.memory_space<vmem>>)
        tpu.yield
      }) : () -> ()
      %add3A_81 = arith.addi %mul3A_6, %mul3A_70 : i32
      %add3A_82 = arith.constant 1024 : i32
      %add3A_83 = arith.addi %add3A_81, %add3A_82 : i32
      "tpu.region"() ({
        %run_scoped3A = tpu.sem_alloc : memref<!tpu.dma_semaphore, #tpu.memory_space<semaphore_mem>>
        %dma_start3A_102 = tpu.memref_slice %arg13[%add3A_83] : memref<802816xi32, #tpu.memory_space<hbm>> -> memref<1024xi32, #tpu.memory_space<hbm>>
        %dma_start3A_103 = tpu.memref_slice %arg13[%add3A_83] : memref<802816xi32, #tpu.memory_space<hbm>> -> memref<1024xi32, #tpu.memory_space<hbm>>
        tpu.enqueue_dma source(%dma_start3A_103 : memref<1024xi32, #tpu.memory_space<hbm>>) target(%arg19 : memref<1024xi32, #tpu.memory_space<vmem>>) target_semaphore(%run_scoped3A : memref<!tpu.dma_semaphore, #tpu.memory_space<semaphore_mem>>)
        %dma_wait3A_104 = tpu.memref_slice %arg13[%add3A_83] : memref<802816xi32, #tpu.memory_space<hbm>> -> memref<1024xi32, #tpu.memory_space<hbm>>
        %dma_wait3A_105 = tpu.memref_slice %arg13[%add3A_83] : memref<802816xi32, #tpu.memory_space<hbm>> -> memref<1024xi32, #tpu.memory_space<hbm>>
        tpu.wait_dma2 semaphore(%run_scoped3A : memref<!tpu.dma_semaphore, #tpu.memory_space<semaphore_mem>>) src(%dma_wait3A_105 : memref<1024xi32, #tpu.memory_space<hbm>>) dst(%arg19 : memref<1024xi32, #tpu.memory_space<vmem>>)
        tpu.yield
      }) : () -> ()
      %dma_wait3A = arith.constant 0 : i32
      %dma_wait3A_84 = arith.constant 0 : i32
      %dma_wait3A_85 = tpu.memref_slice %arg2[%dma_wait3A, %dma_wait3A_84] : memref<102400x16xf32, #tpu.memory_space<hbm>> -> memref<102400x16xf32, #tpu.memory_space<hbm>>
      tpu.wait_indirect_dma semaphore(%arg27 : memref<!tpu.dma_semaphore, #tpu.memory_space<semaphore_mem>>) src(%dma_wait3A_85 : memref<102400x16xf32, #tpu.memory_space<hbm>>) dst(%arg20 : memref<1024x16xf32, #tpu.memory_space<vmem>>)
      %dma_start3A_86 = arith.constant 0 : i32
      %dma_start3A_87 = arith.constant 0 : i32
      %dma_start3A_88 = tpu.memref_slice %arg15[%dma_start3A_86, %dma_start3A_87] : memref<51200x16xf32, #tpu.memory_space<vmem_shared>> -> memref<51200x16xf32, #tpu.memory_space<vmem_shared>>
      tpu.enqueue_indirect_dma source(%arg20 : memref<1024x16xf32, #tpu.memory_space<vmem>>) target(%dma_start3A_88 : memref<51200x16xf32, #tpu.memory_space<vmem_shared>>) offsets(%arg17 : memref<1024xi32, #tpu.memory_space<vmem>>) semaphore(%arg29 : memref<!tpu.dma_semaphore, #tpu.memory_space<semaphore_mem>>) {add = true}
      %dma_wait3A_89 = arith.constant 0 : i32
      %dma_wait3A_90 = arith.constant 0 : i32
      %dma_wait3A_91 = tpu.memref_slice %arg2[%dma_wait3A_89, %dma_wait3A_90] : memref<102400x16xf32, #tpu.memory_space<hbm>> -> memref<102400x16xf32, #tpu.memory_space<hbm>>
      tpu.wait_indirect_dma semaphore(%arg28 : memref<!tpu.dma_semaphore, #tpu.memory_space<semaphore_mem>>) src(%dma_wait3A_91 : memref<102400x16xf32, #tpu.memory_space<hbm>>) dst(%arg21 : memref<1024x16xf32, #tpu.memory_space<vmem>>)
      %dma_start3A_92 = arith.constant 0 : i32
      %dma_start3A_93 = arith.constant 0 : i32
      %dma_start3A_94 = tpu.memref_slice %arg15[%dma_start3A_92, %dma_start3A_93] : memref<51200x16xf32, #tpu.memory_space<vmem_shared>> -> memref<51200x16xf32, #tpu.memory_space<vmem_shared>>
      tpu.enqueue_indirect_dma source(%arg21 : memref<1024x16xf32, #tpu.memory_space<vmem>>) target(%dma_start3A_94 : memref<51200x16xf32, #tpu.memory_space<vmem_shared>>) offsets(%arg19 : memref<1024xi32, #tpu.memory_space<vmem>>) semaphore(%arg30 : memref<!tpu.dma_semaphore, #tpu.memory_space<semaphore_mem>>) {add = true}
      %dma_wait3A_95 = arith.constant 0 : i32
      %dma_wait3A_96 = arith.constant 0 : i32
      %dma_wait3A_97 = tpu.memref_slice %arg15[%dma_wait3A_95, %dma_wait3A_96] : memref<51200x16xf32, #tpu.memory_space<vmem_shared>> -> memref<51200x16xf32, #tpu.memory_space<vmem_shared>>
      tpu.wait_indirect_dma semaphore(%arg29 : memref<!tpu.dma_semaphore, #tpu.memory_space<semaphore_mem>>) src(%arg20 : memref<1024x16xf32, #tpu.memory_space<vmem>>) dst(%dma_wait3A_97 : memref<51200x16xf32, #tpu.memory_space<vmem_shared>>)
      %dma_wait3A_98 = arith.constant 0 : i32
      %dma_wait3A_99 = arith.constant 0 : i32
      %dma_wait3A_100 = tpu.memref_slice %arg15[%dma_wait3A_98, %dma_wait3A_99] : memref<51200x16xf32, #tpu.memory_space<vmem_shared>> -> memref<51200x16xf32, #tpu.memory_space<vmem_shared>>
      tpu.wait_indirect_dma semaphore(%arg30 : memref<!tpu.dma_semaphore, #tpu.memory_space<semaphore_mem>>) src(%arg21 : memref<1024x16xf32, #tpu.memory_space<vmem>>) dst(%dma_wait3A_100 : memref<51200x16xf32, #tpu.memory_space<vmem_shared>>)
      %scan3A_101 = arith.constant 0 : i32
      scf.yield %scan3A_101 : i32
    }
    %scan3A_19 = arith.constant 24 : i32
    %barrier3A_20 = arith.constant 0 : index
    tpu.barrier barrier_id(%barrier3A_20)
    %mul3A_21 = arith.constant 51200 : i32
    %mul3A_22 = arith.muli %arg0, %mul3A_21 : i32
    %add3A_23 = arith.addi %mul3A_22, %mul3A_0 : i32
    %scan3A_24 = arith.constant 0 : i32
    %scan3A_25 = arith.constant 0 : i32
    %scan3A_26 = arith.constant 25 : i32
    %scan3A_27 = arith.addi %scan3A_25, %scan3A_26 : i32
    %scan3A_28 = arith.constant 1 : i32
    %scan3A_29 = scf.for %scan3A_67 = %scan3A_25 to %scan3A_27 step %scan3A_28 iter_args(%scan3A_68 = %scan3A_24) -> (i32)  : i32 {
      %mul3A_69 = arith.constant 128 : i32
      %mul3A_70 = arith.muli %scan3A_67, %mul3A_69 : i32
      %add3A_71 = arith.addi %mul3A_0, %mul3A_70 : i32
      %dma_start3A = arith.constant 0 : i32
      %dma_start3A_72 = tpu.memref_slice %arg15[%add3A_71, %dma_start3A] : memref<51200x16xf32, #tpu.memory_space<vmem_shared>> -> memref<128x16xf32, #tpu.memory_space<vmem_shared>>
      %dma_start3A_73 = arith.constant 0 : i32
      %dma_start3A_74 = tpu.memref_slice %arg15[%add3A_71, %dma_start3A_73] : memref<51200x16xf32, #tpu.memory_space<vmem_shared>> -> memref<128x16xf32, #tpu.memory_space<vmem_shared>>
      tpu.enqueue_dma source(%dma_start3A_74 : memref<128x16xf32, #tpu.memory_space<vmem_shared>>) target(%arg22 : memref<128x16xf32, #tpu.memory_space<vmem>>) target_semaphore(%arg27 : memref<!tpu.dma_semaphore, #tpu.memory_space<semaphore_mem>>)
      %dma_wait3A = arith.constant 0 : i32
      %dma_wait3A_75 = tpu.memref_slice %arg15[%add3A_71, %dma_wait3A] : memref<51200x16xf32, #tpu.memory_space<vmem_shared>> -> memref<128x16xf32, #tpu.memory_space<vmem_shared>>
      %dma_wait3A_76 = arith.constant 0 : i32
      %dma_wait3A_77 = tpu.memref_slice %arg15[%add3A_71, %dma_wait3A_76] : memref<51200x16xf32, #tpu.memory_space<vmem_shared>> -> memref<128x16xf32, #tpu.memory_space<vmem_shared>>
      tpu.wait_dma2 semaphore(%arg27 : memref<!tpu.dma_semaphore, #tpu.memory_space<semaphore_mem>>) src(%dma_wait3A_77 : memref<128x16xf32, #tpu.memory_space<vmem_shared>>) dst(%arg22 : memref<128x16xf32, #tpu.memory_space<vmem>>)
      %dma_start3A_78 = arith.constant 0 : i32
      %dma_start3A_79 = tpu.memref_slice %arg6[%add3A_71, %dma_start3A_78] : memref<51200x16xf32, #tpu.memory_space<hbm>> -> memref<128x16xf32, #tpu.memory_space<hbm>>
      %dma_start3A_80 = arith.constant 0 : i32
      %dma_start3A_81 = tpu.memref_slice %arg6[%add3A_71, %dma_start3A_80] : memref<51200x16xf32, #tpu.memory_space<hbm>> -> memref<128x16xf32, #tpu.memory_space<hbm>>
      tpu.enqueue_dma source(%dma_start3A_81 : memref<128x16xf32, #tpu.memory_space<hbm>>) target(%arg23 : memref<128x16xf32, #tpu.memory_space<vmem>>) target_semaphore(%arg28 : memref<!tpu.dma_semaphore, #tpu.memory_space<semaphore_mem>>)
      %dma_wait3A_82 = arith.constant 0 : i32
      %dma_wait3A_83 = tpu.memref_slice %arg6[%add3A_71, %dma_wait3A_82] : memref<51200x16xf32, #tpu.memory_space<hbm>> -> memref<128x16xf32, #tpu.memory_space<hbm>>
      %dma_wait3A_84 = arith.constant 0 : i32
      %dma_wait3A_85 = tpu.memref_slice %arg6[%add3A_71, %dma_wait3A_84] : memref<51200x16xf32, #tpu.memory_space<hbm>> -> memref<128x16xf32, #tpu.memory_space<hbm>>
      tpu.wait_dma2 semaphore(%arg28 : memref<!tpu.dma_semaphore, #tpu.memory_space<semaphore_mem>>) src(%dma_wait3A_85 : memref<128x16xf32, #tpu.memory_space<hbm>>) dst(%arg23 : memref<128x16xf32, #tpu.memory_space<vmem>>)
      %scan3A_86 = arith.constant 0 : i32
      %scan3A_87 = arith.constant 0 : i32
      %scan3A_88 = arith.constant 128 : i32
      %scan3A_89 = arith.addi %scan3A_87, %scan3A_88 : i32
      %scan3A_90 = arith.constant 1 : i32
      %scan3A_91 = scf.for %scan3A_116 = %scan3A_87 to %scan3A_89 step %scan3A_90 iter_args(%scan3A_117 = %scan3A_86) -> (i32)  : i32 {
        %get3A_118 = arith.index_cast %scan3A_116 : i32 to index
        %get3A_119 = arith.constant 0 : index
        %get3A_120 = tpu.vector_load %arg22[%get3A_118, %get3A_119] {strides = array<i32>} : memref<128x16xf32, #tpu.memory_space<vmem>>, vector<1x16xf32>,
        %get3A_121 = vector.shape_cast %get3A_120 : vector<1x16xf32> to vector<16xf32>
        %get3A_122 = arith.index_cast %scan3A_116 : i32 to index
        %get3A_123 = arith.constant 0 : index
        %get3A_124 = tpu.vector_load %arg23[%get3A_122, %get3A_123] {strides = array<i32>} : memref<128x16xf32, #tpu.memory_space<vmem>>, vector<1x16xf32>,
        %get3A_125 = vector.shape_cast %get3A_124 : vector<1x16xf32> to vector<16xf32>
        %mul3A_126 = arith.mulf %get3A_121, %get3A_125 : vector<16xf32>
        %swap3A = arith.index_cast %scan3A_116 : i32 to index
        %swap3A_127 = arith.constant 0 : index
        %swap3A_128 = tpu.vector_load %arg22[%swap3A, %swap3A_127] {strides = array<i32>} : memref<128x16xf32, #tpu.memory_space<vmem>>, vector<1x16xf32>,
        %swap3A_129 = vector.shape_cast %swap3A_128 : vector<1x16xf32> to vector<16xf32>
        %swap3A_130 = vector.shape_cast %mul3A_126 : vector<16xf32> to vector<1x16xf32>
        tpu.vector_store %arg22[%swap3A, %swap3A_127], %swap3A_130 {strides = array<i32>} : memref<128x16xf32, #tpu.memory_space<vmem>>, vector<1x16xf32>,
        %scan3A_131 = arith.constant 0 : i32
        scf.yield %scan3A_131 : i32
      }
      %scan3A_92 = arith.constant 128 : i32
      %mul3A_93 = arith.constant 51200 : i32
      %mul3A_94 = arith.muli %arg0, %mul3A_93 : i32
      %add3A_95 = arith.addi %mul3A_94, %add3A_71 : i32
      %dma_start3A_96 = arith.constant 0 : i32
      %dma_start3A_97 = tpu.memref_slice %arg14[%add3A_95, %dma_start3A_96] : memref<102400x16xf32, #tpu.memory_space<hbm>> -> memref<128x16xf32, #tpu.memory_space<hbm>>
      %dma_start3A_98 = arith.constant 0 : i32
      %dma_start3A_99 = tpu.memref_slice %arg14[%add3A_95, %dma_start3A_98] : memref<102400x16xf32, #tpu.memory_space<hbm>> -> memref<128x16xf32, #tpu.memory_space<hbm>>
      tpu.enqueue_dma source(%arg22 : memref<128x16xf32, #tpu.memory_space<vmem>>) target(%dma_start3A_99 : memref<128x16xf32, #tpu.memory_space<hbm>>) target_semaphore(%arg29 : memref<!tpu.dma_semaphore, #tpu.memory_space<semaphore_mem>>)
      %dma_wait3A_100 = arith.constant 0 : i32
      %dma_wait3A_101 = tpu.memref_slice %arg14[%add3A_95, %dma_wait3A_100] : memref<102400x16xf32, #tpu.memory_space<hbm>> -> memref<128x16xf32, #tpu.memory_space<hbm>>
      %dma_wait3A_102 = arith.constant 0 : i32
      %dma_wait3A_103 = tpu.memref_slice %arg14[%add3A_95, %dma_wait3A_102] : memref<102400x16xf32, #tpu.memory_space<hbm>> -> memref<128x16xf32, #tpu.memory_space<hbm>>
      tpu.wait_dma2 semaphore(%arg29 : memref<!tpu.dma_semaphore, #tpu.memory_space<semaphore_mem>>) src(%arg22 : memref<128x16xf32, #tpu.memory_space<vmem>>) dst(%dma_wait3A_103 : memref<128x16xf32, #tpu.memory_space<hbm>>)
      %mul3A_104 = arith.constant 128 : i32
      %mul3A_105 = arith.muli %scan3A_67, %mul3A_104 : i32
      %add3A_106 = arith.addi %add3A_23, %mul3A_105 : i32
      %dma_start3A_107 = arith.constant 0 : i32
      %dma_start3A_108 = tpu.memref_slice %arg4[%add3A_106, %dma_start3A_107] : memref<102400x16xf32, #tpu.memory_space<hbm>> -> memref<128x16xf32, #tpu.memory_space<hbm>>
      %dma_start3A_109 = arith.constant 0 : i32
      %dma_start3A_110 = tpu.memref_slice %arg4[%add3A_106, %dma_start3A_109] : memref<102400x16xf32, #tpu.memory_space<hbm>> -> memref<128x16xf32, #tpu.memory_space<hbm>>
      tpu.enqueue_dma source(%dma_start3A_110 : memref<128x16xf32, #tpu.memory_space<hbm>>) target(%arg24 : memref<128x16xf32, #tpu.memory_space<vmem>>) target_semaphore(%arg31 : memref<!tpu.dma_semaphore, #tpu.memory_space<semaphore_mem>>)
      %dma_wait3A_111 = arith.constant 0 : i32
      %dma_wait3A_112 = tpu.memref_slice %arg4[%add3A_106, %dma_wait3A_111] : memref<102400x16xf32, #tpu.memory_space<hbm>> -> memref<128x16xf32, #tpu.memory_space<hbm>>
      %dma_wait3A_113 = arith.constant 0 : i32
      %dma_wait3A_114 = tpu.memref_slice %arg4[%add3A_106, %dma_wait3A_113] : memref<102400x16xf32, #tpu.memory_space<hbm>> -> memref<128x16xf32, #tpu.memory_space<hbm>>
      tpu.wait_dma2 semaphore(%arg31 : memref<!tpu.dma_semaphore, #tpu.memory_space<semaphore_mem>>) src(%dma_wait3A_114 : memref<128x16xf32, #tpu.memory_space<hbm>>) dst(%arg24 : memref<128x16xf32, #tpu.memory_space<vmem>>)
      "tpu.region"() ({
        %run_scoped3A = tpu.sem_alloc : memref<!tpu.dma_semaphore, #tpu.memory_space<semaphore_mem>>
        %dma_start3A_116 = arith.constant 0 : i32
        %dma_start3A_117 = tpu.memref_slice %arg15[%add3A_71, %dma_start3A_116] : memref<51200x16xf32, #tpu.memory_space<vmem_shared>> -> memref<128x16xf32, #tpu.memory_space<vmem_shared>>
        %dma_start3A_118 = arith.constant 0 : i32
        %dma_start3A_119 = tpu.memref_slice %arg15[%add3A_71, %dma_start3A_118] : memref<51200x16xf32, #tpu.memory_space<vmem_shared>> -> memref<128x16xf32, #tpu.memory_space<vmem_shared>>
        tpu.enqueue_dma source(%arg24 : memref<128x16xf32, #tpu.memory_space<vmem>>) target(%dma_start3A_119 : memref<128x16xf32, #tpu.memory_space<vmem_shared>>) target_semaphore(%run_scoped3A : memref<!tpu.dma_semaphore, #tpu.memory_space<semaphore_mem>>)
        %dma_wait3A_120 = arith.constant 0 : i32
        %dma_wait3A_121 = tpu.memref_slice %arg15[%add3A_71, %dma_wait3A_120] : memref<51200x16xf32, #tpu.memory_space<vmem_shared>> -> memref<128x16xf32, #tpu.memory_space<vmem_shared>>
        %dma_wait3A_122 = arith.constant 0 : i32
        %dma_wait3A_123 = tpu.memref_slice %arg15[%add3A_71, %dma_wait3A_122] : memref<51200x16xf32, #tpu.memory_space<vmem_shared>> -> memref<128x16xf32, #tpu.memory_space<vmem_shared>>
        tpu.wait_dma2 semaphore(%run_scoped3A : memref<!tpu.dma_semaphore, #tpu.memory_space<semaphore_mem>>) src(%arg24 : memref<128x16xf32, #tpu.memory_space<vmem>>) dst(%dma_wait3A_123 : memref<128x16xf32, #tpu.memory_space<vmem_shared>>)
        tpu.yield
      }) : () -> ()
      %scan3A_115 = arith.constant 0 : i32
      scf.yield %scan3A_115 : i32
    }
    %scan3A_30 = arith.constant 25 : i32
    %barrier3A_31 = arith.constant 0 : index
    tpu.barrier barrier_id(%barrier3A_31)
    %scan3A_32 = arith.constant 0 : i32
    %scan3A_33 = arith.constant 0 : i32
    %scan3A_34 = arith.constant 24 : i32
    %scan3A_35 = arith.addi %scan3A_33, %scan3A_34 : i32
    %scan3A_36 = arith.constant 1 : i32
    %scan3A_37 = scf.for %scan3A_67 = %scan3A_33 to %scan3A_35 step %scan3A_36 iter_args(%scan3A_68 = %scan3A_32) -> (i32)  : i32 {
      %mul3A_69 = arith.constant 2048 : i32
      %mul3A_70 = arith.muli %scan3A_67, %mul3A_69 : i32
      %add3A_71 = arith.addi %add3A, %mul3A_70 : i32
      "tpu.region"() ({
        %run_scoped3A = tpu.sem_alloc : memref<!tpu.dma_semaphore, #tpu.memory_space<semaphore_mem>>
        %dma_start3A_102 = tpu.memref_slice %arg12[%add3A_71] : memref<1605632xi32, #tpu.memory_space<hbm>> -> memref<1024xi32, #tpu.memory_space<hbm>>
        %dma_start3A_103 = tpu.memref_slice %arg12[%add3A_71] : memref<1605632xi32, #tpu.memory_space<hbm>> -> memref<1024xi32, #tpu.memory_space<hbm>>
        tpu.enqueue_dma source(%dma_start3A_103 : memref<1024xi32, #tpu.memory_space<hbm>>) target(%arg16 : memref<1024xi32, #tpu.memory_space<vmem>>) target_semaphore(%run_scoped3A : memref<!tpu.dma_semaphore, #tpu.memory_space<semaphore_mem>>)
        %dma_wait3A_104 = tpu.memref_slice %arg12[%add3A_71] : memref<1605632xi32, #tpu.memory_space<hbm>> -> memref<1024xi32, #tpu.memory_space<hbm>>
        %dma_wait3A_105 = tpu.memref_slice %arg12[%add3A_71] : memref<1605632xi32, #tpu.memory_space<hbm>> -> memref<1024xi32, #tpu.memory_space<hbm>>
        tpu.wait_dma2 semaphore(%run_scoped3A : memref<!tpu.dma_semaphore, #tpu.memory_space<semaphore_mem>>) src(%dma_wait3A_105 : memref<1024xi32, #tpu.memory_space<hbm>>) dst(%arg16 : memref<1024xi32, #tpu.memory_space<vmem>>)
        tpu.yield
      }) : () -> ()
      %dma_start3A = arith.constant 0 : i32
      %dma_start3A_72 = arith.constant 0 : i32
      %dma_start3A_73 = tpu.memref_slice %arg14[%dma_start3A, %dma_start3A_72] : memref<102400x16xf32, #tpu.memory_space<hbm>> -> memref<102400x16xf32, #tpu.memory_space<hbm>>
      tpu.enqueue_indirect_dma source(%dma_start3A_73 : memref<102400x16xf32, #tpu.memory_space<hbm>>) target(%arg20 : memref<1024x16xf32, #tpu.memory_space<vmem>>) offsets(%arg16 : memref<1024xi32, #tpu.memory_space<vmem>>) semaphore(%arg27 : memref<!tpu.dma_semaphore, #tpu.memory_space<semaphore_mem>>)
      %add3A_74 = arith.addi %add3A, %mul3A_70 : i32
      %add3A_75 = arith.constant 1024 : i32
      %add3A_76 = arith.addi %add3A_74, %add3A_75 : i32
      "tpu.region"() ({
        %run_scoped3A = tpu.sem_alloc : memref<!tpu.dma_semaphore, #tpu.memory_space<semaphore_mem>>
        %dma_start3A_102 = tpu.memref_slice %arg12[%add3A_76] : memref<1605632xi32, #tpu.memory_space<hbm>> -> memref<1024xi32, #tpu.memory_space<hbm>>
        %dma_start3A_103 = tpu.memref_slice %arg12[%add3A_76] : memref<1605632xi32, #tpu.memory_space<hbm>> -> memref<1024xi32, #tpu.memory_space<hbm>>
        tpu.enqueue_dma source(%dma_start3A_103 : memref<1024xi32, #tpu.memory_space<hbm>>) target(%arg18 : memref<1024xi32, #tpu.memory_space<vmem>>) target_semaphore(%run_scoped3A : memref<!tpu.dma_semaphore, #tpu.memory_space<semaphore_mem>>)
        %dma_wait3A_104 = tpu.memref_slice %arg12[%add3A_76] : memref<1605632xi32, #tpu.memory_space<hbm>> -> memref<1024xi32, #tpu.memory_space<hbm>>
        %dma_wait3A_105 = tpu.memref_slice %arg12[%add3A_76] : memref<1605632xi32, #tpu.memory_space<hbm>> -> memref<1024xi32, #tpu.memory_space<hbm>>
        tpu.wait_dma2 semaphore(%run_scoped3A : memref<!tpu.dma_semaphore, #tpu.memory_space<semaphore_mem>>) src(%dma_wait3A_105 : memref<1024xi32, #tpu.memory_space<hbm>>) dst(%arg18 : memref<1024xi32, #tpu.memory_space<vmem>>)
        tpu.yield
      }) : () -> ()
      %dma_start3A_77 = arith.constant 0 : i32
      %dma_start3A_78 = arith.constant 0 : i32
      %dma_start3A_79 = tpu.memref_slice %arg14[%dma_start3A_77, %dma_start3A_78] : memref<102400x16xf32, #tpu.memory_space<hbm>> -> memref<102400x16xf32, #tpu.memory_space<hbm>>
      tpu.enqueue_indirect_dma source(%dma_start3A_79 : memref<102400x16xf32, #tpu.memory_space<hbm>>) target(%arg21 : memref<1024x16xf32, #tpu.memory_space<vmem>>) offsets(%arg18 : memref<1024xi32, #tpu.memory_space<vmem>>) semaphore(%arg28 : memref<!tpu.dma_semaphore, #tpu.memory_space<semaphore_mem>>)
      %add3A_80 = arith.addi %mul3A_6, %mul3A_70 : i32
      "tpu.region"() ({
        %run_scoped3A = tpu.sem_alloc : memref<!tpu.dma_semaphore, #tpu.memory_space<semaphore_mem>>
        %dma_start3A_102 = tpu.memref_slice %arg13[%add3A_80] : memref<802816xi32, #tpu.memory_space<hbm>> -> memref<1024xi32, #tpu.memory_space<hbm>>
        %dma_start3A_103 = tpu.memref_slice %arg13[%add3A_80] : memref<802816xi32, #tpu.memory_space<hbm>> -> memref<1024xi32, #tpu.memory_space<hbm>>
        tpu.enqueue_dma source(%dma_start3A_103 : memref<1024xi32, #tpu.memory_space<hbm>>) target(%arg17 : memref<1024xi32, #tpu.memory_space<vmem>>) target_semaphore(%run_scoped3A : memref<!tpu.dma_semaphore, #tpu.memory_space<semaphore_mem>>)
        %dma_wait3A_104 = tpu.memref_slice %arg13[%add3A_80] : memref<802816xi32, #tpu.memory_space<hbm>> -> memref<1024xi32, #tpu.memory_space<hbm>>
        %dma_wait3A_105 = tpu.memref_slice %arg13[%add3A_80] : memref<802816xi32, #tpu.memory_space<hbm>> -> memref<1024xi32, #tpu.memory_space<hbm>>
        tpu.wait_dma2 semaphore(%run_scoped3A : memref<!tpu.dma_semaphore, #tpu.memory_space<semaphore_mem>>) src(%dma_wait3A_105 : memref<1024xi32, #tpu.memory_space<hbm>>) dst(%arg17 : memref<1024xi32, #tpu.memory_space<vmem>>)
        tpu.yield
      }) : () -> ()
      %add3A_81 = arith.addi %mul3A_6, %mul3A_70 : i32
      %add3A_82 = arith.constant 1024 : i32
      %add3A_83 = arith.addi %add3A_81, %add3A_82 : i32
      "tpu.region"() ({
        %run_scoped3A = tpu.sem_alloc : memref<!tpu.dma_semaphore, #tpu.memory_space<semaphore_mem>>
        %dma_start3A_102 = tpu.memref_slice %arg13[%add3A_83] : memref<802816xi32, #tpu.memory_space<hbm>> -> memref<1024xi32, #tpu.memory_space<hbm>>
        %dma_start3A_103 = tpu.memref_slice %arg13[%add3A_83] : memref<802816xi32, #tpu.memory_space<hbm>> -> memref<1024xi32, #tpu.memory_space<hbm>>
        tpu.enqueue_dma source(%dma_start3A_103 : memref<1024xi32, #tpu.memory_space<hbm>>) target(%arg19 : memref<1024xi32, #tpu.memory_space<vmem>>) target_semaphore(%run_scoped3A : memref<!tpu.dma_semaphore, #tpu.memory_space<semaphore_mem>>)
        %dma_wait3A_104 = tpu.memref_slice %arg13[%add3A_83] : memref<802816xi32, #tpu.memory_space<hbm>> -> memref<1024xi32, #tpu.memory_space<hbm>>
        %dma_wait3A_105 = tpu.memref_slice %arg13[%add3A_83] : memref<802816xi32, #tpu.memory_space<hbm>> -> memref<1024xi32, #tpu.memory_space<hbm>>
        tpu.wait_dma2 semaphore(%run_scoped3A : memref<!tpu.dma_semaphore, #tpu.memory_space<semaphore_mem>>) src(%dma_wait3A_105 : memref<1024xi32, #tpu.memory_space<hbm>>) dst(%arg19 : memref<1024xi32, #tpu.memory_space<vmem>>)
        tpu.yield
      }) : () -> ()
      %dma_wait3A = arith.constant 0 : i32
      %dma_wait3A_84 = arith.constant 0 : i32
      %dma_wait3A_85 = tpu.memref_slice %arg14[%dma_wait3A, %dma_wait3A_84] : memref<102400x16xf32, #tpu.memory_space<hbm>> -> memref<102400x16xf32, #tpu.memory_space<hbm>>
      tpu.wait_indirect_dma semaphore(%arg27 : memref<!tpu.dma_semaphore, #tpu.memory_space<semaphore_mem>>) src(%dma_wait3A_85 : memref<102400x16xf32, #tpu.memory_space<hbm>>) dst(%arg20 : memref<1024x16xf32, #tpu.memory_space<vmem>>)
      %dma_start3A_86 = arith.constant 0 : i32
      %dma_start3A_87 = arith.constant 0 : i32
      %dma_start3A_88 = tpu.memref_slice %arg15[%dma_start3A_86, %dma_start3A_87] : memref<51200x16xf32, #tpu.memory_space<vmem_shared>> -> memref<51200x16xf32, #tpu.memory_space<vmem_shared>>
      tpu.enqueue_indirect_dma source(%arg20 : memref<1024x16xf32, #tpu.memory_space<vmem>>) target(%dma_start3A_88 : memref<51200x16xf32, #tpu.memory_space<vmem_shared>>) offsets(%arg17 : memref<1024xi32, #tpu.memory_space<vmem>>) semaphore(%arg29 : memref<!tpu.dma_semaphore, #tpu.memory_space<semaphore_mem>>) {add = true}
      %dma_wait3A_89 = arith.constant 0 : i32
      %dma_wait3A_90 = arith.constant 0 : i32
      %dma_wait3A_91 = tpu.memref_slice %arg14[%dma_wait3A_89, %dma_wait3A_90] : memref<102400x16xf32, #tpu.memory_space<hbm>> -> memref<102400x16xf32, #tpu.memory_space<hbm>>
      tpu.wait_indirect_dma semaphore(%arg28 : memref<!tpu.dma_semaphore, #tpu.memory_space<semaphore_mem>>) src(%dma_wait3A_91 : memref<102400x16xf32, #tpu.memory_space<hbm>>) dst(%arg21 : memref<1024x16xf32, #tpu.memory_space<vmem>>)
      %dma_start3A_92 = arith.constant 0 : i32
      %dma_start3A_93 = arith.constant 0 : i32
      %dma_start3A_94 = tpu.memref_slice %arg15[%dma_start3A_92, %dma_start3A_93] : memref<51200x16xf32, #tpu.memory_space<vmem_shared>> -> memref<51200x16xf32, #tpu.memory_space<vmem_shared>>
      tpu.enqueue_indirect_dma source(%arg21 : memref<1024x16xf32, #tpu.memory_space<vmem>>) target(%dma_start3A_94 : memref<51200x16xf32, #tpu.memory_space<vmem_shared>>) offsets(%arg19 : memref<1024xi32, #tpu.memory_space<vmem>>) semaphore(%arg30 : memref<!tpu.dma_semaphore, #tpu.memory_space<semaphore_mem>>) {add = true}
      %dma_wait3A_95 = arith.constant 0 : i32
      %dma_wait3A_96 = arith.constant 0 : i32
      %dma_wait3A_97 = tpu.memref_slice %arg15[%dma_wait3A_95, %dma_wait3A_96] : memref<51200x16xf32, #tpu.memory_space<vmem_shared>> -> memref<51200x16xf32, #tpu.memory_space<vmem_shared>>
      tpu.wait_indirect_dma semaphore(%arg29 : memref<!tpu.dma_semaphore, #tpu.memory_space<semaphore_mem>>) src(%arg20 : memref<1024x16xf32, #tpu.memory_space<vmem>>) dst(%dma_wait3A_97 : memref<51200x16xf32, #tpu.memory_space<vmem_shared>>)
      %dma_wait3A_98 = arith.constant 0 : i32
      %dma_wait3A_99 = arith.constant 0 : i32
      %dma_wait3A_100 = tpu.memref_slice %arg15[%dma_wait3A_98, %dma_wait3A_99] : memref<51200x16xf32, #tpu.memory_space<vmem_shared>> -> memref<51200x16xf32, #tpu.memory_space<vmem_shared>>
      tpu.wait_indirect_dma semaphore(%arg30 : memref<!tpu.dma_semaphore, #tpu.memory_space<semaphore_mem>>) src(%arg21 : memref<1024x16xf32, #tpu.memory_space<vmem>>) dst(%dma_wait3A_100 : memref<51200x16xf32, #tpu.memory_space<vmem_shared>>)
      %scan3A_101 = arith.constant 0 : i32
      scf.yield %scan3A_101 : i32
    }
    %scan3A_38 = arith.constant 24 : i32
    %barrier3A_39 = arith.constant 0 : index
    tpu.barrier barrier_id(%barrier3A_39)
    %scan3A_40 = arith.constant 0 : i32
    %scan3A_41 = arith.constant 0 : i32
    %scan3A_42 = arith.constant 25 : i32
    %scan3A_43 = arith.addi %scan3A_41, %scan3A_42 : i32
    %scan3A_44 = arith.constant 1 : i32
    %scan3A_45 = scf.for %scan3A_67 = %scan3A_41 to %scan3A_43 step %scan3A_44 iter_args(%scan3A_68 = %scan3A_40) -> (i32)  : i32 {
      %mul3A_69 = arith.constant 128 : i32
      %mul3A_70 = arith.muli %scan3A_67, %mul3A_69 : i32
      %add3A_71 = arith.addi %mul3A_0, %mul3A_70 : i32
      %dma_start3A = arith.constant 0 : i32
      %dma_start3A_72 = tpu.memref_slice %arg15[%add3A_71, %dma_start3A] : memref<51200x16xf32, #tpu.memory_space<vmem_shared>> -> memref<128x16xf32, #tpu.memory_space<vmem_shared>>
      %dma_start3A_73 = arith.constant 0 : i32
      %dma_start3A_74 = tpu.memref_slice %arg15[%add3A_71, %dma_start3A_73] : memref<51200x16xf32, #tpu.memory_space<vmem_shared>> -> memref<128x16xf32, #tpu.memory_space<vmem_shared>>
      tpu.enqueue_dma source(%dma_start3A_74 : memref<128x16xf32, #tpu.memory_space<vmem_shared>>) target(%arg22 : memref<128x16xf32, #tpu.memory_space<vmem>>) target_semaphore(%arg27 : memref<!tpu.dma_semaphore, #tpu.memory_space<semaphore_mem>>)
      %dma_wait3A = arith.constant 0 : i32
      %dma_wait3A_75 = tpu.memref_slice %arg15[%add3A_71, %dma_wait3A] : memref<51200x16xf32, #tpu.memory_space<vmem_shared>> -> memref<128x16xf32, #tpu.memory_space<vmem_shared>>
      %dma_wait3A_76 = arith.constant 0 : i32
      %dma_wait3A_77 = tpu.memref_slice %arg15[%add3A_71, %dma_wait3A_76] : memref<51200x16xf32, #tpu.memory_space<vmem_shared>> -> memref<128x16xf32, #tpu.memory_space<vmem_shared>>
      tpu.wait_dma2 semaphore(%arg27 : memref<!tpu.dma_semaphore, #tpu.memory_space<semaphore_mem>>) src(%dma_wait3A_77 : memref<128x16xf32, #tpu.memory_space<vmem_shared>>) dst(%arg22 : memref<128x16xf32, #tpu.memory_space<vmem>>)
      %dma_start3A_78 = arith.constant 0 : i32
      %dma_start3A_79 = tpu.memref_slice %arg6[%add3A_71, %dma_start3A_78] : memref<51200x16xf32, #tpu.memory_space<hbm>> -> memref<128x16xf32, #tpu.memory_space<hbm>>
      %dma_start3A_80 = arith.constant 0 : i32
      %dma_start3A_81 = tpu.memref_slice %arg6[%add3A_71, %dma_start3A_80] : memref<51200x16xf32, #tpu.memory_space<hbm>> -> memref<128x16xf32, #tpu.memory_space<hbm>>
      tpu.enqueue_dma source(%dma_start3A_81 : memref<128x16xf32, #tpu.memory_space<hbm>>) target(%arg23 : memref<128x16xf32, #tpu.memory_space<vmem>>) target_semaphore(%arg28 : memref<!tpu.dma_semaphore, #tpu.memory_space<semaphore_mem>>)
      %dma_wait3A_82 = arith.constant 0 : i32
      %dma_wait3A_83 = tpu.memref_slice %arg6[%add3A_71, %dma_wait3A_82] : memref<51200x16xf32, #tpu.memory_space<hbm>> -> memref<128x16xf32, #tpu.memory_space<hbm>>
      %dma_wait3A_84 = arith.constant 0 : i32
      %dma_wait3A_85 = tpu.memref_slice %arg6[%add3A_71, %dma_wait3A_84] : memref<51200x16xf32, #tpu.memory_space<hbm>> -> memref<128x16xf32, #tpu.memory_space<hbm>>
      tpu.wait_dma2 semaphore(%arg28 : memref<!tpu.dma_semaphore, #tpu.memory_space<semaphore_mem>>) src(%dma_wait3A_85 : memref<128x16xf32, #tpu.memory_space<hbm>>) dst(%arg23 : memref<128x16xf32, #tpu.memory_space<vmem>>)
      %scan3A_86 = arith.constant 0 : i32
      %scan3A_87 = arith.constant 0 : i32
      %scan3A_88 = arith.constant 128 : i32
      %scan3A_89 = arith.addi %scan3A_87, %scan3A_88 : i32
      %scan3A_90 = arith.constant 1 : i32
      %scan3A_91 = scf.for %scan3A_116 = %scan3A_87 to %scan3A_89 step %scan3A_90 iter_args(%scan3A_117 = %scan3A_86) -> (i32)  : i32 {
        %get3A_118 = arith.index_cast %scan3A_116 : i32 to index
        %get3A_119 = arith.constant 0 : index
        %get3A_120 = tpu.vector_load %arg22[%get3A_118, %get3A_119] {strides = array<i32>} : memref<128x16xf32, #tpu.memory_space<vmem>>, vector<1x16xf32>,
        %get3A_121 = vector.shape_cast %get3A_120 : vector<1x16xf32> to vector<16xf32>
        %get3A_122 = arith.index_cast %scan3A_116 : i32 to index
        %get3A_123 = arith.constant 0 : index
        %get3A_124 = tpu.vector_load %arg23[%get3A_122, %get3A_123] {strides = array<i32>} : memref<128x16xf32, #tpu.memory_space<vmem>>, vector<1x16xf32>,
        %get3A_125 = vector.shape_cast %get3A_124 : vector<1x16xf32> to vector<16xf32>
        %mul3A_126 = arith.mulf %get3A_121, %get3A_125 : vector<16xf32>
        %swap3A = arith.index_cast %scan3A_116 : i32 to index
        %swap3A_127 = arith.constant 0 : index
        %swap3A_128 = tpu.vector_load %arg22[%swap3A, %swap3A_127] {strides = array<i32>} : memref<128x16xf32, #tpu.memory_space<vmem>>, vector<1x16xf32>,
        %swap3A_129 = vector.shape_cast %swap3A_128 : vector<1x16xf32> to vector<16xf32>
        %swap3A_130 = vector.shape_cast %mul3A_126 : vector<16xf32> to vector<1x16xf32>
        tpu.vector_store %arg22[%swap3A, %swap3A_127], %swap3A_130 {strides = array<i32>} : memref<128x16xf32, #tpu.memory_space<vmem>>, vector<1x16xf32>,
        %scan3A_131 = arith.constant 0 : i32
        scf.yield %scan3A_131 : i32
      }
      %scan3A_92 = arith.constant 128 : i32
      %mul3A_93 = arith.constant 51200 : i32
      %mul3A_94 = arith.muli %arg0, %mul3A_93 : i32
      %add3A_95 = arith.addi %mul3A_94, %add3A_71 : i32
      %dma_start3A_96 = arith.constant 0 : i32
      %dma_start3A_97 = tpu.memref_slice %arg14[%add3A_95, %dma_start3A_96] : memref<102400x16xf32, #tpu.memory_space<hbm>> -> memref<128x16xf32, #tpu.memory_space<hbm>>
      %dma_start3A_98 = arith.constant 0 : i32
      %dma_start3A_99 = tpu.memref_slice %arg14[%add3A_95, %dma_start3A_98] : memref<102400x16xf32, #tpu.memory_space<hbm>> -> memref<128x16xf32, #tpu.memory_space<hbm>>
      tpu.enqueue_dma source(%arg22 : memref<128x16xf32, #tpu.memory_space<vmem>>) target(%dma_start3A_99 : memref<128x16xf32, #tpu.memory_space<hbm>>) target_semaphore(%arg29 : memref<!tpu.dma_semaphore, #tpu.memory_space<semaphore_mem>>)
      %dma_wait3A_100 = arith.constant 0 : i32
      %dma_wait3A_101 = tpu.memref_slice %arg14[%add3A_95, %dma_wait3A_100] : memref<102400x16xf32, #tpu.memory_space<hbm>> -> memref<128x16xf32, #tpu.memory_space<hbm>>
      %dma_wait3A_102 = arith.constant 0 : i32
      %dma_wait3A_103 = tpu.memref_slice %arg14[%add3A_95, %dma_wait3A_102] : memref<102400x16xf32, #tpu.memory_space<hbm>> -> memref<128x16xf32, #tpu.memory_space<hbm>>
      tpu.wait_dma2 semaphore(%arg29 : memref<!tpu.dma_semaphore, #tpu.memory_space<semaphore_mem>>) src(%arg22 : memref<128x16xf32, #tpu.memory_space<vmem>>) dst(%dma_wait3A_103 : memref<128x16xf32, #tpu.memory_space<hbm>>)
      %mul3A_104 = arith.constant 128 : i32
      %mul3A_105 = arith.muli %scan3A_67, %mul3A_104 : i32
      %add3A_106 = arith.addi %mul3A_0, %mul3A_105 : i32
      %dma_start3A_107 = arith.constant 0 : i32
      %dma_start3A_108 = tpu.memref_slice %arg5[%add3A_106, %dma_start3A_107] : memref<51200x16xf32, #tpu.memory_space<hbm>> -> memref<128x16xf32, #tpu.memory_space<hbm>>
      %dma_start3A_109 = arith.constant 0 : i32
      %dma_start3A_110 = tpu.memref_slice %arg5[%add3A_106, %dma_start3A_109] : memref<51200x16xf32, #tpu.memory_space<hbm>> -> memref<128x16xf32, #tpu.memory_space<hbm>>
      tpu.enqueue_dma source(%dma_start3A_110 : memref<128x16xf32, #tpu.memory_space<hbm>>) target(%arg24 : memref<128x16xf32, #tpu.memory_space<vmem>>) target_semaphore(%arg31 : memref<!tpu.dma_semaphore, #tpu.memory_space<semaphore_mem>>)
      %dma_wait3A_111 = arith.constant 0 : i32
      %dma_wait3A_112 = tpu.memref_slice %arg5[%add3A_106, %dma_wait3A_111] : memref<51200x16xf32, #tpu.memory_space<hbm>> -> memref<128x16xf32, #tpu.memory_space<hbm>>
      %dma_wait3A_113 = arith.constant 0 : i32
      %dma_wait3A_114 = tpu.memref_slice %arg5[%add3A_106, %dma_wait3A_113] : memref<51200x16xf32, #tpu.memory_space<hbm>> -> memref<128x16xf32, #tpu.memory_space<hbm>>
      tpu.wait_dma2 semaphore(%arg31 : memref<!tpu.dma_semaphore, #tpu.memory_space<semaphore_mem>>) src(%dma_wait3A_114 : memref<128x16xf32, #tpu.memory_space<hbm>>) dst(%arg24 : memref<128x16xf32, #tpu.memory_space<vmem>>)
      "tpu.region"() ({
        %run_scoped3A = tpu.sem_alloc : memref<!tpu.dma_semaphore, #tpu.memory_space<semaphore_mem>>
        %dma_start3A_116 = arith.constant 0 : i32
        %dma_start3A_117 = tpu.memref_slice %arg15[%add3A_71, %dma_start3A_116] : memref<51200x16xf32, #tpu.memory_space<vmem_shared>> -> memref<128x16xf32, #tpu.memory_space<vmem_shared>>
        %dma_start3A_118 = arith.constant 0 : i32
        %dma_start3A_119 = tpu.memref_slice %arg15[%add3A_71, %dma_start3A_118] : memref<51200x16xf32, #tpu.memory_space<vmem_shared>> -> memref<128x16xf32, #tpu.memory_space<vmem_shared>>
        tpu.enqueue_dma source(%arg24 : memref<128x16xf32, #tpu.memory_space<vmem>>) target(%dma_start3A_119 : memref<128x16xf32, #tpu.memory_space<vmem_shared>>) target_semaphore(%run_scoped3A : memref<!tpu.dma_semaphore, #tpu.memory_space<semaphore_mem>>)
        %dma_wait3A_120 = arith.constant 0 : i32
        %dma_wait3A_121 = tpu.memref_slice %arg15[%add3A_71, %dma_wait3A_120] : memref<51200x16xf32, #tpu.memory_space<vmem_shared>> -> memref<128x16xf32, #tpu.memory_space<vmem_shared>>
        %dma_wait3A_122 = arith.constant 0 : i32
        %dma_wait3A_123 = tpu.memref_slice %arg15[%add3A_71, %dma_wait3A_122] : memref<51200x16xf32, #tpu.memory_space<vmem_shared>> -> memref<128x16xf32, #tpu.memory_space<vmem_shared>>
        tpu.wait_dma2 semaphore(%run_scoped3A : memref<!tpu.dma_semaphore, #tpu.memory_space<semaphore_mem>>) src(%arg24 : memref<128x16xf32, #tpu.memory_space<vmem>>) dst(%dma_wait3A_123 : memref<128x16xf32, #tpu.memory_space<vmem_shared>>)
        tpu.yield
      }) : () -> ()
      %scan3A_115 = arith.constant 0 : i32
      scf.yield %scan3A_115 : i32
    }
    %scan3A_46 = arith.constant 25 : i32
    %barrier3A_47 = arith.constant 0 : index
    tpu.barrier barrier_id(%barrier3A_47)
    %scan3A_48 = arith.constant 0 : i32
    %scan3A_49 = arith.constant 0 : i32
    %scan3A_50 = arith.constant 24 : i32
    %scan3A_51 = arith.addi %scan3A_49, %scan3A_50 : i32
    %scan3A_52 = arith.constant 1 : i32
    %scan3A_53 = scf.for %scan3A_67 = %scan3A_49 to %scan3A_51 step %scan3A_52 iter_args(%scan3A_68 = %scan3A_48) -> (i32)  : i32 {
      %mul3A_69 = arith.constant 2048 : i32
      %mul3A_70 = arith.muli %scan3A_67, %mul3A_69 : i32
      %add3A_71 = arith.addi %add3A, %mul3A_70 : i32
      "tpu.region"() ({
        %run_scoped3A = tpu.sem_alloc : memref<!tpu.dma_semaphore, #tpu.memory_space<semaphore_mem>>
        %dma_start3A_102 = tpu.memref_slice %arg12[%add3A_71] : memref<1605632xi32, #tpu.memory_space<hbm>> -> memref<1024xi32, #tpu.memory_space<hbm>>
        %dma_start3A_103 = tpu.memref_slice %arg12[%add3A_71] : memref<1605632xi32, #tpu.memory_space<hbm>> -> memref<1024xi32, #tpu.memory_space<hbm>>
        tpu.enqueue_dma source(%dma_start3A_103 : memref<1024xi32, #tpu.memory_space<hbm>>) target(%arg16 : memref<1024xi32, #tpu.memory_space<vmem>>) target_semaphore(%run_scoped3A : memref<!tpu.dma_semaphore, #tpu.memory_space<semaphore_mem>>)
        %dma_wait3A_104 = tpu.memref_slice %arg12[%add3A_71] : memref<1605632xi32, #tpu.memory_space<hbm>> -> memref<1024xi32, #tpu.memory_space<hbm>>
        %dma_wait3A_105 = tpu.memref_slice %arg12[%add3A_71] : memref<1605632xi32, #tpu.memory_space<hbm>> -> memref<1024xi32, #tpu.memory_space<hbm>>
        tpu.wait_dma2 semaphore(%run_scoped3A : memref<!tpu.dma_semaphore, #tpu.memory_space<semaphore_mem>>) src(%dma_wait3A_105 : memref<1024xi32, #tpu.memory_space<hbm>>) dst(%arg16 : memref<1024xi32, #tpu.memory_space<vmem>>)
        tpu.yield
      }) : () -> ()
      %dma_start3A = arith.constant 0 : i32
      %dma_start3A_72 = arith.constant 0 : i32
      %dma_start3A_73 = tpu.memref_slice %arg14[%dma_start3A, %dma_start3A_72] : memref<102400x16xf32, #tpu.memory_space<hbm>> -> memref<102400x16xf32, #tpu.memory_space<hbm>>
      tpu.enqueue_indirect_dma source(%dma_start3A_73 : memref<102400x16xf32, #tpu.memory_space<hbm>>) target(%arg20 : memref<1024x16xf32, #tpu.memory_space<vmem>>) offsets(%arg16 : memref<1024xi32, #tpu.memory_space<vmem>>) semaphore(%arg27 : memref<!tpu.dma_semaphore, #tpu.memory_space<semaphore_mem>>)
      %add3A_74 = arith.addi %add3A, %mul3A_70 : i32
      %add3A_75 = arith.constant 1024 : i32
      %add3A_76 = arith.addi %add3A_74, %add3A_75 : i32
      "tpu.region"() ({
        %run_scoped3A = tpu.sem_alloc : memref<!tpu.dma_semaphore, #tpu.memory_space<semaphore_mem>>
        %dma_start3A_102 = tpu.memref_slice %arg12[%add3A_76] : memref<1605632xi32, #tpu.memory_space<hbm>> -> memref<1024xi32, #tpu.memory_space<hbm>>
        %dma_start3A_103 = tpu.memref_slice %arg12[%add3A_76] : memref<1605632xi32, #tpu.memory_space<hbm>> -> memref<1024xi32, #tpu.memory_space<hbm>>
        tpu.enqueue_dma source(%dma_start3A_103 : memref<1024xi32, #tpu.memory_space<hbm>>) target(%arg18 : memref<1024xi32, #tpu.memory_space<vmem>>) target_semaphore(%run_scoped3A : memref<!tpu.dma_semaphore, #tpu.memory_space<semaphore_mem>>)
        %dma_wait3A_104 = tpu.memref_slice %arg12[%add3A_76] : memref<1605632xi32, #tpu.memory_space<hbm>> -> memref<1024xi32, #tpu.memory_space<hbm>>
        %dma_wait3A_105 = tpu.memref_slice %arg12[%add3A_76] : memref<1605632xi32, #tpu.memory_space<hbm>> -> memref<1024xi32, #tpu.memory_space<hbm>>
        tpu.wait_dma2 semaphore(%run_scoped3A : memref<!tpu.dma_semaphore, #tpu.memory_space<semaphore_mem>>) src(%dma_wait3A_105 : memref<1024xi32, #tpu.memory_space<hbm>>) dst(%arg18 : memref<1024xi32, #tpu.memory_space<vmem>>)
        tpu.yield
      }) : () -> ()
      %dma_start3A_77 = arith.constant 0 : i32
      %dma_start3A_78 = arith.constant 0 : i32
      %dma_start3A_79 = tpu.memref_slice %arg14[%dma_start3A_77, %dma_start3A_78] : memref<102400x16xf32, #tpu.memory_space<hbm>> -> memref<102400x16xf32, #tpu.memory_space<hbm>>
      tpu.enqueue_indirect_dma source(%dma_start3A_79 : memref<102400x16xf32, #tpu.memory_space<hbm>>) target(%arg21 : memref<1024x16xf32, #tpu.memory_space<vmem>>) offsets(%arg18 : memref<1024xi32, #tpu.memory_space<vmem>>) semaphore(%arg28 : memref<!tpu.dma_semaphore, #tpu.memory_space<semaphore_mem>>)
      %add3A_80 = arith.addi %mul3A_6, %mul3A_70 : i32
      "tpu.region"() ({
        %run_scoped3A = tpu.sem_alloc : memref<!tpu.dma_semaphore, #tpu.memory_space<semaphore_mem>>
        %dma_start3A_102 = tpu.memref_slice %arg13[%add3A_80] : memref<802816xi32, #tpu.memory_space<hbm>> -> memref<1024xi32, #tpu.memory_space<hbm>>
        %dma_start3A_103 = tpu.memref_slice %arg13[%add3A_80] : memref<802816xi32, #tpu.memory_space<hbm>> -> memref<1024xi32, #tpu.memory_space<hbm>>
        tpu.enqueue_dma source(%dma_start3A_103 : memref<1024xi32, #tpu.memory_space<hbm>>) target(%arg17 : memref<1024xi32, #tpu.memory_space<vmem>>) target_semaphore(%run_scoped3A : memref<!tpu.dma_semaphore, #tpu.memory_space<semaphore_mem>>)
        %dma_wait3A_104 = tpu.memref_slice %arg13[%add3A_80] : memref<802816xi32, #tpu.memory_space<hbm>> -> memref<1024xi32, #tpu.memory_space<hbm>>
        %dma_wait3A_105 = tpu.memref_slice %arg13[%add3A_80] : memref<802816xi32, #tpu.memory_space<hbm>> -> memref<1024xi32, #tpu.memory_space<hbm>>
        tpu.wait_dma2 semaphore(%run_scoped3A : memref<!tpu.dma_semaphore, #tpu.memory_space<semaphore_mem>>) src(%dma_wait3A_105 : memref<1024xi32, #tpu.memory_space<hbm>>) dst(%arg17 : memref<1024xi32, #tpu.memory_space<vmem>>)
        tpu.yield
      }) : () -> ()
      %add3A_81 = arith.addi %mul3A_6, %mul3A_70 : i32
      %add3A_82 = arith.constant 1024 : i32
      %add3A_83 = arith.addi %add3A_81, %add3A_82 : i32
      "tpu.region"() ({
        %run_scoped3A = tpu.sem_alloc : memref<!tpu.dma_semaphore, #tpu.memory_space<semaphore_mem>>
        %dma_start3A_102 = tpu.memref_slice %arg13[%add3A_83] : memref<802816xi32, #tpu.memory_space<hbm>> -> memref<1024xi32, #tpu.memory_space<hbm>>
        %dma_start3A_103 = tpu.memref_slice %arg13[%add3A_83] : memref<802816xi32, #tpu.memory_space<hbm>> -> memref<1024xi32, #tpu.memory_space<hbm>>
        tpu.enqueue_dma source(%dma_start3A_103 : memref<1024xi32, #tpu.memory_space<hbm>>) target(%arg19 : memref<1024xi32, #tpu.memory_space<vmem>>) target_semaphore(%run_scoped3A : memref<!tpu.dma_semaphore, #tpu.memory_space<semaphore_mem>>)
        %dma_wait3A_104 = tpu.memref_slice %arg13[%add3A_83] : memref<802816xi32, #tpu.memory_space<hbm>> -> memref<1024xi32, #tpu.memory_space<hbm>>
        %dma_wait3A_105 = tpu.memref_slice %arg13[%add3A_83] : memref<802816xi32, #tpu.memory_space<hbm>> -> memref<1024xi32, #tpu.memory_space<hbm>>
        tpu.wait_dma2 semaphore(%run_scoped3A : memref<!tpu.dma_semaphore, #tpu.memory_space<semaphore_mem>>) src(%dma_wait3A_105 : memref<1024xi32, #tpu.memory_space<hbm>>) dst(%arg19 : memref<1024xi32, #tpu.memory_space<vmem>>)
        tpu.yield
      }) : () -> ()
      %dma_wait3A = arith.constant 0 : i32
      %dma_wait3A_84 = arith.constant 0 : i32
      %dma_wait3A_85 = tpu.memref_slice %arg14[%dma_wait3A, %dma_wait3A_84] : memref<102400x16xf32, #tpu.memory_space<hbm>> -> memref<102400x16xf32, #tpu.memory_space<hbm>>
      tpu.wait_indirect_dma semaphore(%arg27 : memref<!tpu.dma_semaphore, #tpu.memory_space<semaphore_mem>>) src(%dma_wait3A_85 : memref<102400x16xf32, #tpu.memory_space<hbm>>) dst(%arg20 : memref<1024x16xf32, #tpu.memory_space<vmem>>)
      %dma_start3A_86 = arith.constant 0 : i32
      %dma_start3A_87 = arith.constant 0 : i32
      %dma_start3A_88 = tpu.memref_slice %arg15[%dma_start3A_86, %dma_start3A_87] : memref<51200x16xf32, #tpu.memory_space<vmem_shared>> -> memref<51200x16xf32, #tpu.memory_space<vmem_shared>>
      tpu.enqueue_indirect_dma source(%arg20 : memref<1024x16xf32, #tpu.memory_space<vmem>>) target(%dma_start3A_88 : memref<51200x16xf32, #tpu.memory_space<vmem_shared>>) offsets(%arg17 : memref<1024xi32, #tpu.memory_space<vmem>>) semaphore(%arg29 : memref<!tpu.dma_semaphore, #tpu.memory_space<semaphore_mem>>) {add = true}
      %dma_wait3A_89 = arith.constant 0 : i32
      %dma_wait3A_90 = arith.constant 0 : i32
      %dma_wait3A_91 = tpu.memref_slice %arg14[%dma_wait3A_89, %dma_wait3A_90] : memref<102400x16xf32, #tpu.memory_space<hbm>> -> memref<102400x16xf32, #tpu.memory_space<hbm>>
      tpu.wait_indirect_dma semaphore(%arg28 : memref<!tpu.dma_semaphore, #tpu.memory_space<semaphore_mem>>) src(%dma_wait3A_91 : memref<102400x16xf32, #tpu.memory_space<hbm>>) dst(%arg21 : memref<1024x16xf32, #tpu.memory_space<vmem>>)
      %dma_start3A_92 = arith.constant 0 : i32
      %dma_start3A_93 = arith.constant 0 : i32
      %dma_start3A_94 = tpu.memref_slice %arg15[%dma_start3A_92, %dma_start3A_93] : memref<51200x16xf32, #tpu.memory_space<vmem_shared>> -> memref<51200x16xf32, #tpu.memory_space<vmem_shared>>
      tpu.enqueue_indirect_dma source(%arg21 : memref<1024x16xf32, #tpu.memory_space<vmem>>) target(%dma_start3A_94 : memref<51200x16xf32, #tpu.memory_space<vmem_shared>>) offsets(%arg19 : memref<1024xi32, #tpu.memory_space<vmem>>) semaphore(%arg30 : memref<!tpu.dma_semaphore, #tpu.memory_space<semaphore_mem>>) {add = true}
      %dma_wait3A_95 = arith.constant 0 : i32
      %dma_wait3A_96 = arith.constant 0 : i32
      %dma_wait3A_97 = tpu.memref_slice %arg15[%dma_wait3A_95, %dma_wait3A_96] : memref<51200x16xf32, #tpu.memory_space<vmem_shared>> -> memref<51200x16xf32, #tpu.memory_space<vmem_shared>>
      tpu.wait_indirect_dma semaphore(%arg29 : memref<!tpu.dma_semaphore, #tpu.memory_space<semaphore_mem>>) src(%arg20 : memref<1024x16xf32, #tpu.memory_space<vmem>>) dst(%dma_wait3A_97 : memref<51200x16xf32, #tpu.memory_space<vmem_shared>>)
      %dma_wait3A_98 = arith.constant 0 : i32
      %dma_wait3A_99 = arith.constant 0 : i32
      %dma_wait3A_100 = tpu.memref_slice %arg15[%dma_wait3A_98, %dma_wait3A_99] : memref<51200x16xf32, #tpu.memory_space<vmem_shared>> -> memref<51200x16xf32, #tpu.memory_space<vmem_shared>>
      tpu.wait_indirect_dma semaphore(%arg30 : memref<!tpu.dma_semaphore, #tpu.memory_space<semaphore_mem>>) src(%arg21 : memref<1024x16xf32, #tpu.memory_space<vmem>>) dst(%dma_wait3A_100 : memref<51200x16xf32, #tpu.memory_space<vmem_shared>>)
      %scan3A_101 = arith.constant 0 : i32
      scf.yield %scan3A_101 : i32
    }
    %scan3A_54 = arith.constant 24 : i32
    %barrier3A_55 = arith.constant 0 : index
    tpu.barrier barrier_id(%barrier3A_55)
    %get3A = arith.constant 0 : i32
    %get3A_56 = arith.index_cast %get3A : i32 to index
    %get3A_57 = arith.constant 0 : index
    %get3A_58 = tpu.vector_load %arg26[%get3A_56, %get3A_57] {strides = array<i32>} : memref<1x16xf32, #tpu.memory_space<vmem>>, vector<1x16xf32>,
    %get3A_59 = vector.shape_cast %get3A_58 : vector<1x16xf32> to vector<16xf32>
    %scan3A_60 = arith.constant 0 : i32
    %scan3A_61 = arith.constant 0 : i32
    %scan3A_62 = arith.constant 25 : i32
    %scan3A_63 = arith.addi %scan3A_61, %scan3A_62 : i32
    %scan3A_64 = arith.constant 1 : i32
    %scan3A_65 = scf.for %scan3A_67 = %scan3A_61 to %scan3A_63 step %scan3A_64 iter_args(%scan3A_68 = %scan3A_60) -> (i32)  : i32 {
      %mul3A_69 = arith.constant 128 : i32
      %mul3A_70 = arith.muli %scan3A_67, %mul3A_69 : i32
      %add3A_71 = arith.addi %mul3A_0, %mul3A_70 : i32
      %dma_start3A = arith.constant 0 : i32
      %dma_start3A_72 = tpu.memref_slice %arg15[%add3A_71, %dma_start3A] : memref<51200x16xf32, #tpu.memory_space<vmem_shared>> -> memref<128x16xf32, #tpu.memory_space<vmem_shared>>
      %dma_start3A_73 = arith.constant 0 : i32
      %dma_start3A_74 = tpu.memref_slice %arg15[%add3A_71, %dma_start3A_73] : memref<51200x16xf32, #tpu.memory_space<vmem_shared>> -> memref<128x16xf32, #tpu.memory_space<vmem_shared>>
      tpu.enqueue_dma source(%dma_start3A_74 : memref<128x16xf32, #tpu.memory_space<vmem_shared>>) target(%arg22 : memref<128x16xf32, #tpu.memory_space<vmem>>) target_semaphore(%arg27 : memref<!tpu.dma_semaphore, #tpu.memory_space<semaphore_mem>>)
      %dma_wait3A = arith.constant 0 : i32
      %dma_wait3A_75 = tpu.memref_slice %arg15[%add3A_71, %dma_wait3A] : memref<51200x16xf32, #tpu.memory_space<vmem_shared>> -> memref<128x16xf32, #tpu.memory_space<vmem_shared>>
      %dma_wait3A_76 = arith.constant 0 : i32
      %dma_wait3A_77 = tpu.memref_slice %arg15[%add3A_71, %dma_wait3A_76] : memref<51200x16xf32, #tpu.memory_space<vmem_shared>> -> memref<128x16xf32, #tpu.memory_space<vmem_shared>>
      tpu.wait_dma2 semaphore(%arg27 : memref<!tpu.dma_semaphore, #tpu.memory_space<semaphore_mem>>) src(%dma_wait3A_77 : memref<128x16xf32, #tpu.memory_space<vmem_shared>>) dst(%arg22 : memref<128x16xf32, #tpu.memory_space<vmem>>)
      %dma_start3A_78 = arith.constant 0 : i32
      %dma_start3A_79 = tpu.memref_slice %arg7[%add3A_71, %dma_start3A_78] : memref<51200x16xf32, #tpu.memory_space<hbm>> -> memref<128x16xf32, #tpu.memory_space<hbm>>
      %dma_start3A_80 = arith.constant 0 : i32
      %dma_start3A_81 = tpu.memref_slice %arg7[%add3A_71, %dma_start3A_80] : memref<51200x16xf32, #tpu.memory_space<hbm>> -> memref<128x16xf32, #tpu.memory_space<hbm>>
      tpu.enqueue_dma source(%dma_start3A_81 : memref<128x16xf32, #tpu.memory_space<hbm>>) target(%arg23 : memref<128x16xf32, #tpu.memory_space<vmem>>) target_semaphore(%arg28 : memref<!tpu.dma_semaphore, #tpu.memory_space<semaphore_mem>>)
      %dma_wait3A_82 = arith.constant 0 : i32
      %dma_wait3A_83 = tpu.memref_slice %arg7[%add3A_71, %dma_wait3A_82] : memref<51200x16xf32, #tpu.memory_space<hbm>> -> memref<128x16xf32, #tpu.memory_space<hbm>>
      %dma_wait3A_84 = arith.constant 0 : i32
      %dma_wait3A_85 = tpu.memref_slice %arg7[%add3A_71, %dma_wait3A_84] : memref<51200x16xf32, #tpu.memory_space<hbm>> -> memref<128x16xf32, #tpu.memory_space<hbm>>
      tpu.wait_dma2 semaphore(%arg28 : memref<!tpu.dma_semaphore, #tpu.memory_space<semaphore_mem>>) src(%dma_wait3A_85 : memref<128x16xf32, #tpu.memory_space<hbm>>) dst(%arg23 : memref<128x16xf32, #tpu.memory_space<vmem>>)
      %mul3A_86 = arith.constant 51200 : i32
      %mul3A_87 = arith.muli %arg0, %mul3A_86 : i32
      %add3A_88 = arith.addi %mul3A_87, %add3A_71 : i32
      %dma_start3A_89 = arith.constant 0 : i32
      %dma_start3A_90 = tpu.memref_slice %arg8[%add3A_88, %dma_start3A_89] : memref<102400x16xf32, #tpu.memory_space<hbm>> -> memref<128x16xf32, #tpu.memory_space<hbm>>
      %dma_start3A_91 = arith.constant 0 : i32
      %dma_start3A_92 = tpu.memref_slice %arg8[%add3A_88, %dma_start3A_91] : memref<102400x16xf32, #tpu.memory_space<hbm>> -> memref<128x16xf32, #tpu.memory_space<hbm>>
      tpu.enqueue_dma source(%dma_start3A_92 : memref<128x16xf32, #tpu.memory_space<hbm>>) target(%arg24 : memref<128x16xf32, #tpu.memory_space<vmem>>) target_semaphore(%arg31 : memref<!tpu.dma_semaphore, #tpu.memory_space<semaphore_mem>>)
      %dma_wait3A_93 = arith.constant 0 : i32
      %dma_wait3A_94 = tpu.memref_slice %arg8[%add3A_88, %dma_wait3A_93] : memref<102400x16xf32, #tpu.memory_space<hbm>> -> memref<128x16xf32, #tpu.memory_space<hbm>>
      %dma_wait3A_95 = arith.constant 0 : i32
      %dma_wait3A_96 = tpu.memref_slice %arg8[%add3A_88, %dma_wait3A_95] : memref<102400x16xf32, #tpu.memory_space<hbm>> -> memref<128x16xf32, #tpu.memory_space<hbm>>
      tpu.wait_dma2 semaphore(%arg31 : memref<!tpu.dma_semaphore, #tpu.memory_space<semaphore_mem>>) src(%dma_wait3A_96 : memref<128x16xf32, #tpu.memory_space<hbm>>) dst(%arg24 : memref<128x16xf32, #tpu.memory_space<vmem>>)
      %dma_start3A_97 = arith.constant 0 : i32
      %dma_start3A_98 = tpu.memref_slice %arg10[%add3A_71, %dma_start3A_97] : memref<51200x16xf32, #tpu.memory_space<hbm>> -> memref<128x16xf32, #tpu.memory_space<hbm>>
      %dma_start3A_99 = arith.constant 0 : i32
      %dma_start3A_100 = tpu.memref_slice %arg10[%add3A_71, %dma_start3A_99] : memref<51200x16xf32, #tpu.memory_space<hbm>> -> memref<128x16xf32, #tpu.memory_space<hbm>>
      tpu.enqueue_dma source(%dma_start3A_100 : memref<128x16xf32, #tpu.memory_space<hbm>>) target(%arg25 : memref<128x16xf32, #tpu.memory_space<vmem>>) target_semaphore(%arg30 : memref<!tpu.dma_semaphore, #tpu.memory_space<semaphore_mem>>)
      %dma_wait3A_101 = arith.constant 0 : i32
      %dma_wait3A_102 = tpu.memref_slice %arg10[%add3A_71, %dma_wait3A_101] : memref<51200x16xf32, #tpu.memory_space<hbm>> -> memref<128x16xf32, #tpu.memory_space<hbm>>
      %dma_wait3A_103 = arith.constant 0 : i32
      %dma_wait3A_104 = tpu.memref_slice %arg10[%add3A_71, %dma_wait3A_103] : memref<51200x16xf32, #tpu.memory_space<hbm>> -> memref<128x16xf32, #tpu.memory_space<hbm>>
      tpu.wait_dma2 semaphore(%arg30 : memref<!tpu.dma_semaphore, #tpu.memory_space<semaphore_mem>>) src(%dma_wait3A_104 : memref<128x16xf32, #tpu.memory_space<hbm>>) dst(%arg25 : memref<128x16xf32, #tpu.memory_space<vmem>>)
      %scan3A_105 = arith.constant 0 : i32
      %scan3A_106 = arith.constant 0 : i32
      %scan3A_107 = arith.constant 128 : i32
      %scan3A_108 = arith.addi %scan3A_106, %scan3A_107 : i32
      %scan3A_109 = arith.constant 1 : i32
      %scan3A_110 = scf.for %scan3A_139 = %scan3A_106 to %scan3A_108 step %scan3A_109 iter_args(%scan3A_140 = %scan3A_105) -> (i32)  : i32 {
        %get3A_141 = arith.index_cast %scan3A_139 : i32 to index
        %get3A_142 = arith.constant 0 : index
        %get3A_143 = tpu.vector_load %arg24[%get3A_141, %get3A_142] {strides = array<i32>} : memref<128x16xf32, #tpu.memory_space<vmem>>, vector<1x16xf32>,
        %get3A_144 = vector.shape_cast %get3A_143 : vector<1x16xf32> to vector<16xf32>
        %get3A_145 = arith.index_cast %scan3A_139 : i32 to index
        %get3A_146 = arith.constant 0 : index
        %get3A_147 = tpu.vector_load %arg22[%get3A_145, %get3A_146] {strides = array<i32>} : memref<128x16xf32, #tpu.memory_space<vmem>>, vector<1x16xf32>,
        %get3A_148 = vector.shape_cast %get3A_147 : vector<1x16xf32> to vector<16xf32>
        %get3A_149 = arith.index_cast %scan3A_139 : i32 to index
        %get3A_150 = arith.constant 0 : index
        %get3A_151 = tpu.vector_load %arg23[%get3A_149, %get3A_150] {strides = array<i32>} : memref<128x16xf32, #tpu.memory_space<vmem>>, vector<1x16xf32>,
        %get3A_152 = vector.shape_cast %get3A_151 : vector<1x16xf32> to vector<16xf32>
        %mul3A_153 = arith.mulf %get3A_148, %get3A_152 : vector<16xf32>
        %add3A_154 = arith.addf %get3A_144, %mul3A_153 : vector<16xf32>
        %add3A_155 = arith.addf %add3A_154, %get3A_59 : vector<16xf32>
        %mul3A_156 = arith.constant 1.000000e-01 : f32
        %mul3A_157 = vector.broadcast %mul3A_156 : f32 to vector<16xf32>
        %mul3A_158 = arith.mulf %add3A_155, %mul3A_157 : vector<16xf32>
        %neg3A = arith.constant 0.000000e+00 : f32
        %neg3A_159 = vector.broadcast %neg3A : f32 to vector<16xf32>
        %neg3A_160 = arith.subf %neg3A_159, %mul3A_158 : vector<16xf32>
        %exp3A = math.exp %neg3A_160 : vector<16xf32>
        %add3A_161 = arith.constant 1.000000e+00 : f32
        %add3A_162 = vector.broadcast %add3A_161 : f32 to vector<16xf32>
        %add3A_163 = arith.addf %add3A_162, %exp3A : vector<16xf32>
        %div3A = arith.constant 1.000000e+00 : f32
        %div3A_164 = vector.broadcast %div3A : f32 to vector<16xf32>
        %div3A_165 = arith.divf %div3A_164, %add3A_163 : vector<16xf32>
        %swap3A = arith.index_cast %scan3A_139 : i32 to index
        %swap3A_166 = arith.constant 0 : index
        %swap3A_167 = tpu.vector_load %arg22[%swap3A, %swap3A_166] {strides = array<i32>} : memref<128x16xf32, #tpu.memory_space<vmem>>, vector<1x16xf32>,
        %swap3A_168 = vector.shape_cast %swap3A_167 : vector<1x16xf32> to vector<16xf32>
        %swap3A_169 = vector.shape_cast %div3A_165 : vector<16xf32> to vector<1x16xf32>
        tpu.vector_store %arg22[%swap3A, %swap3A_166], %swap3A_169 {strides = array<i32>} : memref<128x16xf32, #tpu.memory_space<vmem>>, vector<1x16xf32>,
        %scan3A_170 = arith.constant 0 : i32
        scf.yield %scan3A_170 : i32
      }
      %scan3A_111 = arith.constant 128 : i32
      %dma_start3A_112 = arith.constant 0 : i32
      %dma_start3A_113 = tpu.memref_slice %arg11[%add3A_71, %dma_start3A_112] : memref<51200x16xf32, #tpu.memory_space<hbm>> -> memref<128x16xf32, #tpu.memory_space<hbm>>
      %dma_start3A_114 = arith.constant 0 : i32
      %dma_start3A_115 = tpu.memref_slice %arg11[%add3A_71, %dma_start3A_114] : memref<51200x16xf32, #tpu.memory_space<hbm>> -> memref<128x16xf32, #tpu.memory_space<hbm>>
      tpu.enqueue_dma source(%dma_start3A_115 : memref<128x16xf32, #tpu.memory_space<hbm>>) target(%arg23 : memref<128x16xf32, #tpu.memory_space<vmem>>) target_semaphore(%arg30 : memref<!tpu.dma_semaphore, #tpu.memory_space<semaphore_mem>>)
      %dma_wait3A_116 = arith.constant 0 : i32
      %dma_wait3A_117 = tpu.memref_slice %arg11[%add3A_71, %dma_wait3A_116] : memref<51200x16xf32, #tpu.memory_space<hbm>> -> memref<128x16xf32, #tpu.memory_space<hbm>>
      %dma_wait3A_118 = arith.constant 0 : i32
      %dma_wait3A_119 = tpu.memref_slice %arg11[%add3A_71, %dma_wait3A_118] : memref<51200x16xf32, #tpu.memory_space<hbm>> -> memref<128x16xf32, #tpu.memory_space<hbm>>
      tpu.wait_dma2 semaphore(%arg30 : memref<!tpu.dma_semaphore, #tpu.memory_space<semaphore_mem>>) src(%dma_wait3A_119 : memref<128x16xf32, #tpu.memory_space<hbm>>) dst(%arg23 : memref<128x16xf32, #tpu.memory_space<vmem>>)
      %scan3A_120 = arith.constant 0 : i32
      %scan3A_121 = arith.constant 0 : i32
      %scan3A_122 = arith.constant 128 : i32
      %scan3A_123 = arith.addi %scan3A_121, %scan3A_122 : i32
      %scan3A_124 = arith.constant 1 : i32
      %scan3A_125 = scf.for %scan3A_139 = %scan3A_121 to %scan3A_123 step %scan3A_124 iter_args(%scan3A_140 = %scan3A_120) -> (i32)  : i32 {
        %get3A_141 = arith.index_cast %scan3A_139 : i32 to index
        %get3A_142 = arith.constant 0 : index
        %get3A_143 = tpu.vector_load %arg25[%get3A_141, %get3A_142] {strides = array<i32>} : memref<128x16xf32, #tpu.memory_space<vmem>>, vector<1x16xf32>,
        %get3A_144 = vector.shape_cast %get3A_143 : vector<1x16xf32> to vector<16xf32>
        %get3A_145 = arith.index_cast %scan3A_139 : i32 to index
        %get3A_146 = arith.constant 0 : index
        %get3A_147 = tpu.vector_load %arg23[%get3A_145, %get3A_146] {strides = array<i32>} : memref<128x16xf32, #tpu.memory_space<vmem>>, vector<1x16xf32>,
        %get3A_148 = vector.shape_cast %get3A_147 : vector<1x16xf32> to vector<16xf32>
        %get3A_149 = arith.index_cast %scan3A_139 : i32 to index
        %get3A_150 = arith.constant 0 : index
        %get3A_151 = tpu.vector_load %arg25[%get3A_149, %get3A_150] {strides = array<i32>} : memref<128x16xf32, #tpu.memory_space<vmem>>, vector<1x16xf32>,
        %get3A_152 = vector.shape_cast %get3A_151 : vector<1x16xf32> to vector<16xf32>
        %sub3A = arith.subf %get3A_148, %get3A_152 : vector<16xf32>
        %get3A_153 = arith.index_cast %scan3A_139 : i32 to index
        %get3A_154 = arith.constant 0 : index
        %get3A_155 = tpu.vector_load %arg22[%get3A_153, %get3A_154] {strides = array<i32>} : memref<128x16xf32, #tpu.memory_space<vmem>>, vector<1x16xf32>,
        %get3A_156 = vector.shape_cast %get3A_155 : vector<1x16xf32> to vector<16xf32>
        %mul3A_157 = arith.mulf %sub3A, %get3A_156 : vector<16xf32>
        %add3A_158 = arith.addf %get3A_144, %mul3A_157 : vector<16xf32>
        %swap3A = arith.index_cast %scan3A_139 : i32 to index
        %swap3A_159 = arith.constant 0 : index
        %swap3A_160 = tpu.vector_load %arg22[%swap3A, %swap3A_159] {strides = array<i32>} : memref<128x16xf32, #tpu.memory_space<vmem>>, vector<1x16xf32>,
        %swap3A_161 = vector.shape_cast %swap3A_160 : vector<1x16xf32> to vector<16xf32>
        %swap3A_162 = vector.shape_cast %add3A_158 : vector<16xf32> to vector<1x16xf32>
        tpu.vector_store %arg22[%swap3A, %swap3A_159], %swap3A_162 {strides = array<i32>} : memref<128x16xf32, #tpu.memory_space<vmem>>, vector<1x16xf32>,
        %scan3A_163 = arith.constant 0 : i32
        scf.yield %scan3A_163 : i32
      }
      %scan3A_126 = arith.constant 128 : i32
      %mul3A_127 = arith.constant 51200 : i32
      %mul3A_128 = arith.muli %arg0, %mul3A_127 : i32
      %add3A_129 = arith.addi %mul3A_128, %add3A_71 : i32
      %dma_start3A_130 = arith.constant 0 : i32
      %dma_start3A_131 = tpu.memref_slice %arg14[%add3A_129, %dma_start3A_130] : memref<102400x16xf32, #tpu.memory_space<hbm>> -> memref<128x16xf32, #tpu.memory_space<hbm>>
      %dma_start3A_132 = arith.constant 0 : i32
      %dma_start3A_133 = tpu.memref_slice %arg14[%add3A_129, %dma_start3A_132] : memref<102400x16xf32, #tpu.memory_space<hbm>> -> memref<128x16xf32, #tpu.memory_space<hbm>>
      tpu.enqueue_dma source(%arg22 : memref<128x16xf32, #tpu.memory_space<vmem>>) target(%dma_start3A_133 : memref<128x16xf32, #tpu.memory_space<hbm>>) target_semaphore(%arg29 : memref<!tpu.dma_semaphore, #tpu.memory_space<semaphore_mem>>)
      %dma_wait3A_134 = arith.constant 0 : i32
      %dma_wait3A_135 = tpu.memref_slice %arg14[%add3A_129, %dma_wait3A_134] : memref<102400x16xf32, #tpu.memory_space<hbm>> -> memref<128x16xf32, #tpu.memory_space<hbm>>
      %dma_wait3A_136 = arith.constant 0 : i32
      %dma_wait3A_137 = tpu.memref_slice %arg14[%add3A_129, %dma_wait3A_136] : memref<102400x16xf32, #tpu.memory_space<hbm>> -> memref<128x16xf32, #tpu.memory_space<hbm>>
      tpu.wait_dma2 semaphore(%arg29 : memref<!tpu.dma_semaphore, #tpu.memory_space<semaphore_mem>>) src(%arg22 : memref<128x16xf32, #tpu.memory_space<vmem>>) dst(%dma_wait3A_137 : memref<128x16xf32, #tpu.memory_space<hbm>>)
      %scan3A_138 = arith.constant 0 : i32
      scf.yield %scan3A_138 : i32
    }
    %scan3A_66 = arith.constant 25 : i32
    return
  }
}

#map = affine_map<(d0, d1) -> (0, 0)>
#map1 = affine_map<(d0, d1) -> (0)>
module attributes {stable_mosaic.version = 14 : i64} {
  func.func @hops(%arg0: i32, %arg1: i32, %arg2: memref<102400x32xf32, #tpu.memory_space<hbm>>, %arg3: memref<102400x32xf32, #tpu.memory_space<hbm>>, %arg4: memref<102400x32xf32, #tpu.memory_space<hbm>>, %arg5: memref<51200x32xf32, #tpu.memory_space<hbm>>, %arg6: memref<51200x32xf32, #tpu.memory_space<hbm>>, %arg7: memref<51200x32xf32, #tpu.memory_space<hbm>>, %arg8: memref<1605632xi32, #tpu.memory_space<hbm>>, %arg9: memref<6272x128xi32, #tpu.memory_space<hbm>>, %arg10: memref<102400x32xf32, #tpu.memory_space<hbm>>, %arg11: memref<102400x32xf32, #tpu.memory_space<hbm>>, %arg12: memref<51200x32xf32, #tpu.memory_space<vmem_shared>>, %arg13: memref<512xi32, #tpu.memory_space<vmem>>, %arg14: memref<4x128xi32, #tpu.memory_space<vmem>>, %arg15: memref<128x32xf32, #tpu.memory_space<vmem>>, %arg16: memref<128x32xf32, #tpu.memory_space<vmem>>, %arg17: memref<128x32xf32, #tpu.memory_space<vmem>>, %arg18: memref<128x32xf32, #tpu.memory_space<vmem>>, %arg19: memref<!tpu.dma_semaphore, #tpu.memory_space<semaphore_mem>>, %arg20: memref<!tpu.dma_semaphore, #tpu.memory_space<semaphore_mem>>, %arg21: memref<!tpu.dma_semaphore, #tpu.memory_space<semaphore_mem>>, %arg22: memref<!tpu.dma_semaphore, #tpu.memory_space<semaphore_mem>>, %arg23: memref<!tpu.dma_semaphore, #tpu.memory_space<semaphore_mem>>, %arg24: memref<!tpu.dma_semaphore, #tpu.memory_space<semaphore_mem>>, %arg25: memref<!tpu.dma_semaphore, #tpu.memory_space<semaphore_mem>>, %arg26: memref<!tpu.dma_semaphore, #tpu.memory_space<semaphore_mem>>, %arg27: memref<!tpu.dma_semaphore, #tpu.memory_space<semaphore_mem>>) attributes {dimension_semantics = [#tpu.dimension_semantics<core_parallel>, #tpu.dimension_semantics<subcore_parallel>], iteration_bounds = array<i64: 2, 16>, scalar_prefetch = 0 : i64, scratch_operands = 16 : i64, tpu.core_type = #tpu.core_type<sc_vector_subcore>, window_params = [{transform_indices = #map}, {transform_indices = #map}, {transform_indices = #map}, {transform_indices = #map}, {transform_indices = #map}, {transform_indices = #map}, {transform_indices = #map1}, {transform_indices = #map}, {transform_indices = #map}, {transform_indices = #map}]} {
    %mul3A = arith.constant 3200 : i32
    %mul3A_0 = arith.muli %arg1, %mul3A : i32
    %mul3A_1 = arith.constant 802816 : i32
    %mul3A_2 = arith.muli %arg0, %mul3A_1 : i32
    %mul3A_3 = arith.constant 50176 : i32
    %mul3A_4 = arith.muli %arg1, %mul3A_3 : i32
    %add3A = arith.addi %mul3A_2, %mul3A_4 : i32
    %scan3A = arith.constant 0 : i32
    %scan3A_5 = arith.constant 0 : i32
    %scan3A_6 = arith.constant 25 : i32
    %scan3A_7 = arith.addi %scan3A_5, %scan3A_6 : i32
    %scan3A_8 = arith.constant 1 : i32
    %scan3A_9 = scf.for %scan3A_61 = %scan3A_5 to %scan3A_7 step %scan3A_8 iter_args(%scan3A_62 = %scan3A) -> (i32)  : i32 {
      %mul3A_63 = arith.constant 128 : i32
      %mul3A_64 = arith.muli %scan3A_61, %mul3A_63 : i32
      %add3A_65 = arith.addi %mul3A_0, %mul3A_64 : i32
      %mul3A_66 = arith.constant 51200 : i32
      %mul3A_67 = arith.muli %arg0, %mul3A_66 : i32
      %add3A_68 = arith.addi %mul3A_67, %add3A_65 : i32
      %dma_start3A = arith.constant 0 : i32
      %dma_start3A_69 = tpu.memref_slice %arg3[%add3A_68, %dma_start3A] : memref<102400x32xf32, #tpu.memory_space<hbm>> -> memref<128x32xf32, #tpu.memory_space<hbm>>
      %dma_start3A_70 = arith.constant 0 : i32
      %dma_start3A_71 = tpu.memref_slice %arg3[%add3A_68, %dma_start3A_70] : memref<102400x32xf32, #tpu.memory_space<hbm>> -> memref<128x32xf32, #tpu.memory_space<hbm>>
      tpu.enqueue_dma source(%dma_start3A_71 : memref<128x32xf32, #tpu.memory_space<hbm>>) target(%arg17 : memref<128x32xf32, #tpu.memory_space<vmem>>) target_semaphore(%arg27 : memref<!tpu.dma_semaphore, #tpu.memory_space<semaphore_mem>>)
      %dma_wait3A = arith.constant 0 : i32
      %dma_wait3A_72 = tpu.memref_slice %arg3[%add3A_68, %dma_wait3A] : memref<102400x32xf32, #tpu.memory_space<hbm>> -> memref<128x32xf32, #tpu.memory_space<hbm>>
      %dma_wait3A_73 = arith.constant 0 : i32
      %dma_wait3A_74 = tpu.memref_slice %arg3[%add3A_68, %dma_wait3A_73] : memref<102400x32xf32, #tpu.memory_space<hbm>> -> memref<128x32xf32, #tpu.memory_space<hbm>>
      tpu.wait_dma2 semaphore(%arg27 : memref<!tpu.dma_semaphore, #tpu.memory_space<semaphore_mem>>) src(%dma_wait3A_74 : memref<128x32xf32, #tpu.memory_space<hbm>>) dst(%arg17 : memref<128x32xf32, #tpu.memory_space<vmem>>)
      "tpu.region"() ({
        %run_scoped3A = tpu.sem_alloc : memref<!tpu.dma_semaphore, #tpu.memory_space<semaphore_mem>>
        %dma_start3A_76 = arith.constant 0 : i32
        %dma_start3A_77 = tpu.memref_slice %arg12[%add3A_65, %dma_start3A_76] : memref<51200x32xf32, #tpu.memory_space<vmem_shared>> -> memref<128x32xf32, #tpu.memory_space<vmem_shared>>
        %dma_start3A_78 = arith.constant 0 : i32
        %dma_start3A_79 = tpu.memref_slice %arg12[%add3A_65, %dma_start3A_78] : memref<51200x32xf32, #tpu.memory_space<vmem_shared>> -> memref<128x32xf32, #tpu.memory_space<vmem_shared>>
        tpu.enqueue_dma source(%arg17 : memref<128x32xf32, #tpu.memory_space<vmem>>) target(%dma_start3A_79 : memref<128x32xf32, #tpu.memory_space<vmem_shared>>) target_semaphore(%run_scoped3A : memref<!tpu.dma_semaphore, #tpu.memory_space<semaphore_mem>>)
        %dma_wait3A_80 = arith.constant 0 : i32
        %dma_wait3A_81 = tpu.memref_slice %arg12[%add3A_65, %dma_wait3A_80] : memref<51200x32xf32, #tpu.memory_space<vmem_shared>> -> memref<128x32xf32, #tpu.memory_space<vmem_shared>>
        %dma_wait3A_82 = arith.constant 0 : i32
        %dma_wait3A_83 = tpu.memref_slice %arg12[%add3A_65, %dma_wait3A_82] : memref<51200x32xf32, #tpu.memory_space<vmem_shared>> -> memref<128x32xf32, #tpu.memory_space<vmem_shared>>
        tpu.wait_dma2 semaphore(%run_scoped3A : memref<!tpu.dma_semaphore, #tpu.memory_space<semaphore_mem>>) src(%arg17 : memref<128x32xf32, #tpu.memory_space<vmem>>) dst(%dma_wait3A_83 : memref<128x32xf32, #tpu.memory_space<vmem_shared>>)
        tpu.yield
      }) : () -> ()
      %scan3A_75 = arith.constant 0 : i32
      scf.yield %scan3A_75 : i32
    }
    %scan3A_10 = arith.constant 25 : i32
    %barrier3A = arith.constant 0 : index
    tpu.barrier barrier_id(%barrier3A)
    %scan3A_11 = arith.constant 0 : i32
    %scan3A_12 = arith.constant 0 : i32
    %scan3A_13 = arith.constant 98 : i32
    %scan3A_14 = arith.addi %scan3A_12, %scan3A_13 : i32
    %scan3A_15 = arith.constant 1 : i32
    %scan3A_16 = scf.for %scan3A_61 = %scan3A_12 to %scan3A_14 step %scan3A_15 iter_args(%scan3A_62 = %scan3A_11) -> (i32)  : i32 {
      %mul3A_63 = arith.constant 512 : i32
      %mul3A_64 = arith.muli %scan3A_61, %mul3A_63 : i32
      %add3A_65 = arith.addi %add3A, %mul3A_64 : i32
      "tpu.region"() ({
        %run_scoped3A = tpu.sem_alloc : memref<!tpu.dma_semaphore, #tpu.memory_space<semaphore_mem>>
        %dma_start3A_166 = tpu.memref_slice %arg8[%add3A_65] : memref<1605632xi32, #tpu.memory_space<hbm>> -> memref<512xi32, #tpu.memory_space<hbm>>
        %dma_start3A_167 = tpu.memref_slice %arg8[%add3A_65] : memref<1605632xi32, #tpu.memory_space<hbm>> -> memref<512xi32, #tpu.memory_space<hbm>>
        tpu.enqueue_dma source(%dma_start3A_167 : memref<512xi32, #tpu.memory_space<hbm>>) target(%arg13 : memref<512xi32, #tpu.memory_space<vmem>>) target_semaphore(%run_scoped3A : memref<!tpu.dma_semaphore, #tpu.memory_space<semaphore_mem>>)
        %dma_wait3A_168 = tpu.memref_slice %arg8[%add3A_65] : memref<1605632xi32, #tpu.memory_space<hbm>> -> memref<512xi32, #tpu.memory_space<hbm>>
        %dma_wait3A_169 = tpu.memref_slice %arg8[%add3A_65] : memref<1605632xi32, #tpu.memory_space<hbm>> -> memref<512xi32, #tpu.memory_space<hbm>>
        tpu.wait_dma2 semaphore(%run_scoped3A : memref<!tpu.dma_semaphore, #tpu.memory_space<semaphore_mem>>) src(%dma_wait3A_169 : memref<512xi32, #tpu.memory_space<hbm>>) dst(%arg13 : memref<512xi32, #tpu.memory_space<vmem>>)
        tpu.yield
      }) : () -> ()
      %mul3A_66 = arith.constant 392 : i32
      %mul3A_67 = arith.muli %arg1, %mul3A_66 : i32
      %mul3A_68 = arith.constant 4 : i32
      %mul3A_69 = arith.muli %scan3A_61, %mul3A_68 : i32
      %add3A_70 = arith.addi %mul3A_67, %mul3A_69 : i32
      "tpu.region"() ({
        %run_scoped3A = tpu.sem_alloc : memref<!tpu.dma_semaphore, #tpu.memory_space<semaphore_mem>>
        %dma_start3A_166 = arith.constant 0 : i32
        %dma_start3A_167 = tpu.memref_slice %arg9[%add3A_70, %dma_start3A_166] : memref<6272x128xi32, #tpu.memory_space<hbm>> -> memref<4x128xi32, #tpu.memory_space<hbm>>
        %dma_start3A_168 = arith.constant 0 : i32
        %dma_start3A_169 = tpu.memref_slice %arg9[%add3A_70, %dma_start3A_168] : memref<6272x128xi32, #tpu.memory_space<hbm>> -> memref<4x128xi32, #tpu.memory_space<hbm>>
        tpu.enqueue_dma source(%dma_start3A_169 : memref<4x128xi32, #tpu.memory_space<hbm>>) target(%arg14 : memref<4x128xi32, #tpu.memory_space<vmem>>) target_semaphore(%run_scoped3A : memref<!tpu.dma_semaphore, #tpu.memory_space<semaphore_mem>>)
        %dma_wait3A_170 = arith.constant 0 : i32
        %dma_wait3A_171 = tpu.memref_slice %arg9[%add3A_70, %dma_wait3A_170] : memref<6272x128xi32, #tpu.memory_space<hbm>> -> memref<4x128xi32, #tpu.memory_space<hbm>>
        %dma_wait3A_172 = arith.constant 0 : i32
        %dma_wait3A_173 = tpu.memref_slice %arg9[%add3A_70, %dma_wait3A_172] : memref<6272x128xi32, #tpu.memory_space<hbm>> -> memref<4x128xi32, #tpu.memory_space<hbm>>
        tpu.wait_dma2 semaphore(%run_scoped3A : memref<!tpu.dma_semaphore, #tpu.memory_space<semaphore_mem>>) src(%dma_wait3A_173 : memref<4x128xi32, #tpu.memory_space<hbm>>) dst(%arg14 : memref<4x128xi32, #tpu.memory_space<vmem>>)
        tpu.yield
      }) : () -> ()
      %dma_start3A = arith.constant 0 : i32
      %dma_start3A_71 = tpu.memref_slice %arg13[%dma_start3A] : memref<512xi32, #tpu.memory_space<vmem>> -> memref<128xi32, #tpu.memory_space<vmem>>
      %dma_start3A_72 = arith.constant 0 : i32
      %dma_start3A_73 = arith.constant 0 : i32
      %dma_start3A_74 = tpu.memref_slice %arg2[%dma_start3A_72, %dma_start3A_73] : memref<102400x32xf32, #tpu.memory_space<hbm>> -> memref<102400x32xf32, #tpu.memory_space<hbm>>
      tpu.enqueue_indirect_dma source(%dma_start3A_74 : memref<102400x32xf32, #tpu.memory_space<hbm>>) target(%arg15 : memref<128x32xf32, #tpu.memory_space<vmem>>) offsets(%dma_start3A_71 : memref<128xi32, #tpu.memory_space<vmem>>) semaphore(%arg19 : memref<!tpu.dma_semaphore, #tpu.memory_space<semaphore_mem>>)
      %dma_start3A_75 = arith.constant 128 : i32
      %dma_start3A_76 = tpu.memref_slice %arg13[%dma_start3A_75] : memref<512xi32, #tpu.memory_space<vmem>> -> memref<128xi32, #tpu.memory_space<vmem>>
      %dma_start3A_77 = arith.constant 0 : i32
      %dma_start3A_78 = arith.constant 0 : i32
      %dma_start3A_79 = tpu.memref_slice %arg2[%dma_start3A_77, %dma_start3A_78] : memref<102400x32xf32, #tpu.memory_space<hbm>> -> memref<102400x32xf32, #tpu.memory_space<hbm>>
      tpu.enqueue_indirect_dma source(%dma_start3A_79 : memref<102400x32xf32, #tpu.memory_space<hbm>>) target(%arg16 : memref<128x32xf32, #tpu.memory_space<vmem>>) offsets(%dma_start3A_76 : memref<128xi32, #tpu.memory_space<vmem>>) semaphore(%arg20 : memref<!tpu.dma_semaphore, #tpu.memory_space<semaphore_mem>>)
      %dma_start3A_80 = arith.constant 256 : i32
      %dma_start3A_81 = tpu.memref_slice %arg13[%dma_start3A_80] : memref<512xi32, #tpu.memory_space<vmem>> -> memref<128xi32, #tpu.memory_space<vmem>>
      %dma_start3A_82 = arith.constant 0 : i32
      %dma_start3A_83 = arith.constant 0 : i32
      %dma_start3A_84 = tpu.memref_slice %arg2[%dma_start3A_82, %dma_start3A_83] : memref<102400x32xf32, #tpu.memory_space<hbm>> -> memref<102400x32xf32, #tpu.memory_space<hbm>>
      tpu.enqueue_indirect_dma source(%dma_start3A_84 : memref<102400x32xf32, #tpu.memory_space<hbm>>) target(%arg17 : memref<128x32xf32, #tpu.memory_space<vmem>>) offsets(%dma_start3A_81 : memref<128xi32, #tpu.memory_space<vmem>>) semaphore(%arg21 : memref<!tpu.dma_semaphore, #tpu.memory_space<semaphore_mem>>)
      %dma_start3A_85 = arith.constant 384 : i32
      %dma_start3A_86 = tpu.memref_slice %arg13[%dma_start3A_85] : memref<512xi32, #tpu.memory_space<vmem>> -> memref<128xi32, #tpu.memory_space<vmem>>
      %dma_start3A_87 = arith.constant 0 : i32
      %dma_start3A_88 = arith.constant 0 : i32
      %dma_start3A_89 = tpu.memref_slice %arg2[%dma_start3A_87, %dma_start3A_88] : memref<102400x32xf32, #tpu.memory_space<hbm>> -> memref<102400x32xf32, #tpu.memory_space<hbm>>
      tpu.enqueue_indirect_dma source(%dma_start3A_89 : memref<102400x32xf32, #tpu.memory_space<hbm>>) target(%arg18 : memref<128x32xf32, #tpu.memory_space<vmem>>) offsets(%dma_start3A_86 : memref<128xi32, #tpu.memory_space<vmem>>) semaphore(%arg22 : memref<!tpu.dma_semaphore, #tpu.memory_space<semaphore_mem>>)
      %dma_wait3A = arith.constant 0 : i32
      %dma_wait3A_90 = tpu.memref_slice %arg13[%dma_wait3A] : memref<512xi32, #tpu.memory_space<vmem>> -> memref<128xi32, #tpu.memory_space<vmem>>
      %dma_wait3A_91 = arith.constant 0 : i32
      %dma_wait3A_92 = arith.constant 0 : i32
      %dma_wait3A_93 = tpu.memref_slice %arg2[%dma_wait3A_91, %dma_wait3A_92] : memref<102400x32xf32, #tpu.memory_space<hbm>> -> memref<102400x32xf32, #tpu.memory_space<hbm>>
      tpu.wait_indirect_dma semaphore(%arg19 : memref<!tpu.dma_semaphore, #tpu.memory_space<semaphore_mem>>) src(%dma_wait3A_93 : memref<102400x32xf32, #tpu.memory_space<hbm>>) dst(%arg15 : memref<128x32xf32, #tpu.memory_space<vmem>>)
      %dma_start3A_94 = arith.constant 0 : i32
      %dma_start3A_95 = arith.constant 0 : i32
      %dma_start3A_96 = tpu.memref_slice %arg14[%dma_start3A_94, %dma_start3A_95] : memref<4x128xi32, #tpu.memory_space<vmem>> -> memref<1x128xi32, #tpu.memory_space<vmem>>
      %dma_start3A_97 = tpu.memref_squeeze %dma_start3A_96 : memref<1x128xi32, #tpu.memory_space<vmem>> -> memref<128xi32, #tpu.memory_space<vmem>>
      %dma_start3A_98 = arith.constant 0 : i32
      %dma_start3A_99 = arith.constant 0 : i32
      %dma_start3A_100 = tpu.memref_slice %arg12[%dma_start3A_98, %dma_start3A_99] : memref<51200x32xf32, #tpu.memory_space<vmem_shared>> -> memref<51200x32xf32, #tpu.memory_space<vmem_shared>>
      tpu.enqueue_indirect_dma source(%arg15 : memref<128x32xf32, #tpu.memory_space<vmem>>) target(%dma_start3A_100 : memref<51200x32xf32, #tpu.memory_space<vmem_shared>>) offsets(%dma_start3A_97 : memref<128xi32, #tpu.memory_space<vmem>>) semaphore(%arg23 : memref<!tpu.dma_semaphore, #tpu.memory_space<semaphore_mem>>) {add = true}
      %dma_wait3A_101 = arith.constant 128 : i32
      %dma_wait3A_102 = tpu.memref_slice %arg13[%dma_wait3A_101] : memref<512xi32, #tpu.memory_space<vmem>> -> memref<128xi32, #tpu.memory_space<vmem>>
      %dma_wait3A_103 = arith.constant 0 : i32
      %dma_wait3A_104 = arith.constant 0 : i32
      %dma_wait3A_105 = tpu.memref_slice %arg2[%dma_wait3A_103, %dma_wait3A_104] : memref<102400x32xf32, #tpu.memory_space<hbm>> -> memref<102400x32xf32, #tpu.memory_space<hbm>>
      tpu.wait_indirect_dma semaphore(%arg20 : memref<!tpu.dma_semaphore, #tpu.memory_space<semaphore_mem>>) src(%dma_wait3A_105 : memref<102400x32xf32, #tpu.memory_space<hbm>>) dst(%arg16 : memref<128x32xf32, #tpu.memory_space<vmem>>)
      %dma_start3A_106 = arith.constant 1 : i32
      %dma_start3A_107 = arith.constant 0 : i32
      %dma_start3A_108 = tpu.memref_slice %arg14[%dma_start3A_106, %dma_start3A_107] : memref<4x128xi32, #tpu.memory_space<vmem>> -> memref<1x128xi32, #tpu.memory_space<vmem>>
      %dma_start3A_109 = tpu.memref_squeeze %dma_start3A_108 : memref<1x128xi32, #tpu.memory_space<vmem>> -> memref<128xi32, #tpu.memory_space<vmem>>
      %dma_start3A_110 = arith.constant 0 : i32
      %dma_start3A_111 = arith.constant 0 : i32
      %dma_start3A_112 = tpu.memref_slice %arg12[%dma_start3A_110, %dma_start3A_111] : memref<51200x32xf32, #tpu.memory_space<vmem_shared>> -> memref<51200x32xf32, #tpu.memory_space<vmem_shared>>
      tpu.enqueue_indirect_dma source(%arg16 : memref<128x32xf32, #tpu.memory_space<vmem>>) target(%dma_start3A_112 : memref<51200x32xf32, #tpu.memory_space<vmem_shared>>) offsets(%dma_start3A_109 : memref<128xi32, #tpu.memory_space<vmem>>) semaphore(%arg24 : memref<!tpu.dma_semaphore, #tpu.memory_space<semaphore_mem>>) {add = true}
      %dma_wait3A_113 = arith.constant 256 : i32
      %dma_wait3A_114 = tpu.memref_slice %arg13[%dma_wait3A_113] : memref<512xi32, #tpu.memory_space<vmem>> -> memref<128xi32, #tpu.memory_space<vmem>>
      %dma_wait3A_115 = arith.constant 0 : i32
      %dma_wait3A_116 = arith.constant 0 : i32
      %dma_wait3A_117 = tpu.memref_slice %arg2[%dma_wait3A_115, %dma_wait3A_116] : memref<102400x32xf32, #tpu.memory_space<hbm>> -> memref<102400x32xf32, #tpu.memory_space<hbm>>
      tpu.wait_indirect_dma semaphore(%arg21 : memref<!tpu.dma_semaphore, #tpu.memory_space<semaphore_mem>>) src(%dma_wait3A_117 : memref<102400x32xf32, #tpu.memory_space<hbm>>) dst(%arg17 : memref<128x32xf32, #tpu.memory_space<vmem>>)
      %dma_start3A_118 = arith.constant 2 : i32
      %dma_start3A_119 = arith.constant 0 : i32
      %dma_start3A_120 = tpu.memref_slice %arg14[%dma_start3A_118, %dma_start3A_119] : memref<4x128xi32, #tpu.memory_space<vmem>> -> memref<1x128xi32, #tpu.memory_space<vmem>>
      %dma_start3A_121 = tpu.memref_squeeze %dma_start3A_120 : memref<1x128xi32, #tpu.memory_space<vmem>> -> memref<128xi32, #tpu.memory_space<vmem>>
      %dma_start3A_122 = arith.constant 0 : i32
      %dma_start3A_123 = arith.constant 0 : i32
      %dma_start3A_124 = tpu.memref_slice %arg12[%dma_start3A_122, %dma_start3A_123] : memref<51200x32xf32, #tpu.memory_space<vmem_shared>> -> memref<51200x32xf32, #tpu.memory_space<vmem_shared>>
      tpu.enqueue_indirect_dma source(%arg17 : memref<128x32xf32, #tpu.memory_space<vmem>>) target(%dma_start3A_124 : memref<51200x32xf32, #tpu.memory_space<vmem_shared>>) offsets(%dma_start3A_121 : memref<128xi32, #tpu.memory_space<vmem>>) semaphore(%arg25 : memref<!tpu.dma_semaphore, #tpu.memory_space<semaphore_mem>>) {add = true}
      %dma_wait3A_125 = arith.constant 384 : i32
      %dma_wait3A_126 = tpu.memref_slice %arg13[%dma_wait3A_125] : memref<512xi32, #tpu.memory_space<vmem>> -> memref<128xi32, #tpu.memory_space<vmem>>
      %dma_wait3A_127 = arith.constant 0 : i32
      %dma_wait3A_128 = arith.constant 0 : i32
      %dma_wait3A_129 = tpu.memref_slice %arg2[%dma_wait3A_127, %dma_wait3A_128] : memref<102400x32xf32, #tpu.memory_space<hbm>> -> memref<102400x32xf32, #tpu.memory_space<hbm>>
      tpu.wait_indirect_dma semaphore(%arg22 : memref<!tpu.dma_semaphore, #tpu.memory_space<semaphore_mem>>) src(%dma_wait3A_129 : memref<102400x32xf32, #tpu.memory_space<hbm>>) dst(%arg18 : memref<128x32xf32, #tpu.memory_space<vmem>>)
      %dma_start3A_130 = arith.constant 3 : i32
      %dma_start3A_131 = arith.constant 0 : i32
      %dma_start3A_132 = tpu.memref_slice %arg14[%dma_start3A_130, %dma_start3A_131] : memref<4x128xi32, #tpu.memory_space<vmem>> -> memref<1x128xi32, #tpu.memory_space<vmem>>
      %dma_start3A_133 = tpu.memref_squeeze %dma_start3A_132 : memref<1x128xi32, #tpu.memory_space<vmem>> -> memref<128xi32, #tpu.memory_space<vmem>>
      %dma_start3A_134 = arith.constant 0 : i32
      %dma_start3A_135 = arith.constant 0 : i32
      %dma_start3A_136 = tpu.memref_slice %arg12[%dma_start3A_134, %dma_start3A_135] : memref<51200x32xf32, #tpu.memory_space<vmem_shared>> -> memref<51200x32xf32, #tpu.memory_space<vmem_shared>>
      tpu.enqueue_indirect_dma source(%arg18 : memref<128x32xf32, #tpu.memory_space<vmem>>) target(%dma_start3A_136 : memref<51200x32xf32, #tpu.memory_space<vmem_shared>>) offsets(%dma_start3A_133 : memref<128xi32, #tpu.memory_space<vmem>>) semaphore(%arg26 : memref<!tpu.dma_semaphore, #tpu.memory_space<semaphore_mem>>) {add = true}
      %dma_wait3A_137 = arith.constant 0 : i32
      %dma_wait3A_138 = arith.constant 0 : i32
      %dma_wait3A_139 = tpu.memref_slice %arg14[%dma_wait3A_137, %dma_wait3A_138] : memref<4x128xi32, #tpu.memory_space<vmem>> -> memref<1x128xi32, #tpu.memory_space<vmem>>
      %dma_wait3A_140 = tpu.memref_squeeze %dma_wait3A_139 : memref<1x128xi32, #tpu.memory_space<vmem>> -> memref<128xi32, #tpu.memory_space<vmem>>
      %dma_wait3A_141 = arith.constant 0 : i32
      %dma_wait3A_142 = arith.constant 0 : i32
      %dma_wait3A_143 = tpu.memref_slice %arg12[%dma_wait3A_141, %dma_wait3A_142] : memref<51200x32xf32, #tpu.memory_space<vmem_shared>> -> memref<51200x32xf32, #tpu.memory_space<vmem_shared>>
      tpu.wait_indirect_dma semaphore(%arg23 : memref<!tpu.dma_semaphore, #tpu.memory_space<semaphore_mem>>) src(%arg15 : memref<128x32xf32, #tpu.memory_space<vmem>>) dst(%dma_wait3A_143 : memref<51200x32xf32, #tpu.memory_space<vmem_shared>>)
      %dma_wait3A_144 = arith.constant 1 : i32
      %dma_wait3A_145 = arith.constant 0 : i32
      %dma_wait3A_146 = tpu.memref_slice %arg14[%dma_wait3A_144, %dma_wait3A_145] : memref<4x128xi32, #tpu.memory_space<vmem>> -> memref<1x128xi32, #tpu.memory_space<vmem>>
      %dma_wait3A_147 = tpu.memref_squeeze %dma_wait3A_146 : memref<1x128xi32, #tpu.memory_space<vmem>> -> memref<128xi32, #tpu.memory_space<vmem>>
      %dma_wait3A_148 = arith.constant 0 : i32
      %dma_wait3A_149 = arith.constant 0 : i32
      %dma_wait3A_150 = tpu.memref_slice %arg12[%dma_wait3A_148, %dma_wait3A_149] : memref<51200x32xf32, #tpu.memory_space<vmem_shared>> -> memref<51200x32xf32, #tpu.memory_space<vmem_shared>>
      tpu.wait_indirect_dma semaphore(%arg24 : memref<!tpu.dma_semaphore, #tpu.memory_space<semaphore_mem>>) src(%arg16 : memref<128x32xf32, #tpu.memory_space<vmem>>) dst(%dma_wait3A_150 : memref<51200x32xf32, #tpu.memory_space<vmem_shared>>)
      %dma_wait3A_151 = arith.constant 2 : i32
      %dma_wait3A_152 = arith.constant 0 : i32
      %dma_wait3A_153 = tpu.memref_slice %arg14[%dma_wait3A_151, %dma_wait3A_152] : memref<4x128xi32, #tpu.memory_space<vmem>> -> memref<1x128xi32, #tpu.memory_space<vmem>>
      %dma_wait3A_154 = tpu.memref_squeeze %dma_wait3A_153 : memref<1x128xi32, #tpu.memory_space<vmem>> -> memref<128xi32, #tpu.memory_space<vmem>>
      %dma_wait3A_155 = arith.constant 0 : i32
      %dma_wait3A_156 = arith.constant 0 : i32
      %dma_wait3A_157 = tpu.memref_slice %arg12[%dma_wait3A_155, %dma_wait3A_156] : memref<51200x32xf32, #tpu.memory_space<vmem_shared>> -> memref<51200x32xf32, #tpu.memory_space<vmem_shared>>
      tpu.wait_indirect_dma semaphore(%arg25 : memref<!tpu.dma_semaphore, #tpu.memory_space<semaphore_mem>>) src(%arg17 : memref<128x32xf32, #tpu.memory_space<vmem>>) dst(%dma_wait3A_157 : memref<51200x32xf32, #tpu.memory_space<vmem_shared>>)
      %dma_wait3A_158 = arith.constant 3 : i32
      %dma_wait3A_159 = arith.constant 0 : i32
      %dma_wait3A_160 = tpu.memref_slice %arg14[%dma_wait3A_158, %dma_wait3A_159] : memref<4x128xi32, #tpu.memory_space<vmem>> -> memref<1x128xi32, #tpu.memory_space<vmem>>
      %dma_wait3A_161 = tpu.memref_squeeze %dma_wait3A_160 : memref<1x128xi32, #tpu.memory_space<vmem>> -> memref<128xi32, #tpu.memory_space<vmem>>
      %dma_wait3A_162 = arith.constant 0 : i32
      %dma_wait3A_163 = arith.constant 0 : i32
      %dma_wait3A_164 = tpu.memref_slice %arg12[%dma_wait3A_162, %dma_wait3A_163] : memref<51200x32xf32, #tpu.memory_space<vmem_shared>> -> memref<51200x32xf32, #tpu.memory_space<vmem_shared>>
      tpu.wait_indirect_dma semaphore(%arg26 : memref<!tpu.dma_semaphore, #tpu.memory_space<semaphore_mem>>) src(%arg18 : memref<128x32xf32, #tpu.memory_space<vmem>>) dst(%dma_wait3A_164 : memref<51200x32xf32, #tpu.memory_space<vmem_shared>>)
      %scan3A_165 = arith.constant 0 : i32
      scf.yield %scan3A_165 : i32
    }
    %scan3A_17 = arith.constant 98 : i32
    %barrier3A_18 = arith.constant 0 : index
    tpu.barrier barrier_id(%barrier3A_18)
    %mul3A_19 = arith.constant 51200 : i32
    %mul3A_20 = arith.muli %arg0, %mul3A_19 : i32
    %add3A_21 = arith.addi %mul3A_20, %mul3A_0 : i32
    %scan3A_22 = arith.constant 0 : i32
    %scan3A_23 = arith.constant 0 : i32
    %scan3A_24 = arith.constant 25 : i32
    %scan3A_25 = arith.addi %scan3A_23, %scan3A_24 : i32
    %scan3A_26 = arith.constant 1 : i32
    %scan3A_27 = scf.for %scan3A_61 = %scan3A_23 to %scan3A_25 step %scan3A_26 iter_args(%scan3A_62 = %scan3A_22) -> (i32)  : i32 {
      %mul3A_63 = arith.constant 128 : i32
      %mul3A_64 = arith.muli %scan3A_61, %mul3A_63 : i32
      %add3A_65 = arith.addi %mul3A_0, %mul3A_64 : i32
      %dma_start3A = arith.constant 0 : i32
      %dma_start3A_66 = tpu.memref_slice %arg12[%add3A_65, %dma_start3A] : memref<51200x32xf32, #tpu.memory_space<vmem_shared>> -> memref<128x32xf32, #tpu.memory_space<vmem_shared>>
      %dma_start3A_67 = arith.constant 0 : i32
      %dma_start3A_68 = tpu.memref_slice %arg12[%add3A_65, %dma_start3A_67] : memref<51200x32xf32, #tpu.memory_space<vmem_shared>> -> memref<128x32xf32, #tpu.memory_space<vmem_shared>>
      tpu.enqueue_dma source(%dma_start3A_68 : memref<128x32xf32, #tpu.memory_space<vmem_shared>>) target(%arg15 : memref<128x32xf32, #tpu.memory_space<vmem>>) target_semaphore(%arg19 : memref<!tpu.dma_semaphore, #tpu.memory_space<semaphore_mem>>)
      %dma_wait3A = arith.constant 0 : i32
      %dma_wait3A_69 = tpu.memref_slice %arg12[%add3A_65, %dma_wait3A] : memref<51200x32xf32, #tpu.memory_space<vmem_shared>> -> memref<128x32xf32, #tpu.memory_space<vmem_shared>>
      %dma_wait3A_70 = arith.constant 0 : i32
      %dma_wait3A_71 = tpu.memref_slice %arg12[%add3A_65, %dma_wait3A_70] : memref<51200x32xf32, #tpu.memory_space<vmem_shared>> -> memref<128x32xf32, #tpu.memory_space<vmem_shared>>
      tpu.wait_dma2 semaphore(%arg19 : memref<!tpu.dma_semaphore, #tpu.memory_space<semaphore_mem>>) src(%dma_wait3A_71 : memref<128x32xf32, #tpu.memory_space<vmem_shared>>) dst(%arg15 : memref<128x32xf32, #tpu.memory_space<vmem>>)
      %dma_start3A_72 = arith.constant 0 : i32
      %dma_start3A_73 = tpu.memref_slice %arg6[%add3A_65, %dma_start3A_72] : memref<51200x32xf32, #tpu.memory_space<hbm>> -> memref<128x32xf32, #tpu.memory_space<hbm>>
      %dma_start3A_74 = arith.constant 0 : i32
      %dma_start3A_75 = tpu.memref_slice %arg6[%add3A_65, %dma_start3A_74] : memref<51200x32xf32, #tpu.memory_space<hbm>> -> memref<128x32xf32, #tpu.memory_space<hbm>>
      tpu.enqueue_dma source(%dma_start3A_75 : memref<128x32xf32, #tpu.memory_space<hbm>>) target(%arg16 : memref<128x32xf32, #tpu.memory_space<vmem>>) target_semaphore(%arg20 : memref<!tpu.dma_semaphore, #tpu.memory_space<semaphore_mem>>)
      %dma_wait3A_76 = arith.constant 0 : i32
      %dma_wait3A_77 = tpu.memref_slice %arg6[%add3A_65, %dma_wait3A_76] : memref<51200x32xf32, #tpu.memory_space<hbm>> -> memref<128x32xf32, #tpu.memory_space<hbm>>
      %dma_wait3A_78 = arith.constant 0 : i32
      %dma_wait3A_79 = tpu.memref_slice %arg6[%add3A_65, %dma_wait3A_78] : memref<51200x32xf32, #tpu.memory_space<hbm>> -> memref<128x32xf32, #tpu.memory_space<hbm>>
      tpu.wait_dma2 semaphore(%arg20 : memref<!tpu.dma_semaphore, #tpu.memory_space<semaphore_mem>>) src(%dma_wait3A_79 : memref<128x32xf32, #tpu.memory_space<hbm>>) dst(%arg16 : memref<128x32xf32, #tpu.memory_space<vmem>>)
      %scan3A_80 = arith.constant 0 : i32
      %scan3A_81 = arith.constant 0 : i32
      %scan3A_82 = arith.constant 128 : i32
      %scan3A_83 = arith.addi %scan3A_81, %scan3A_82 : i32
      %scan3A_84 = arith.constant 1 : i32
      %scan3A_85 = scf.for %scan3A_110 = %scan3A_81 to %scan3A_83 step %scan3A_84 iter_args(%scan3A_111 = %scan3A_80) -> (i32)  : i32 {
        %get3A = arith.index_cast %scan3A_110 : i32 to index
        %get3A_112 = arith.constant 0 : index
        %get3A_113 = tpu.vector_load %arg15[%get3A, %get3A_112] {strides = array<i32>} : memref<128x32xf32, #tpu.memory_space<vmem>>, vector<1x16xf32>,
        %get3A_114 = vector.shape_cast %get3A_113 : vector<1x16xf32> to vector<16xf32>
        %get3A_115 = arith.index_cast %scan3A_110 : i32 to index
        %get3A_116 = arith.constant 0 : index
        %get3A_117 = tpu.vector_load %arg16[%get3A_115, %get3A_116] {strides = array<i32>} : memref<128x32xf32, #tpu.memory_space<vmem>>, vector<1x16xf32>,
        %get3A_118 = vector.shape_cast %get3A_117 : vector<1x16xf32> to vector<16xf32>
        %mul3A_119 = arith.mulf %get3A_114, %get3A_118 : vector<16xf32>
        %swap3A = arith.index_cast %scan3A_110 : i32 to index
        %swap3A_120 = arith.constant 0 : index
        %swap3A_121 = tpu.vector_load %arg15[%swap3A, %swap3A_120] {strides = array<i32>} : memref<128x32xf32, #tpu.memory_space<vmem>>, vector<1x16xf32>,
        %swap3A_122 = vector.shape_cast %swap3A_121 : vector<1x16xf32> to vector<16xf32>
        %swap3A_123 = vector.shape_cast %mul3A_119 : vector<16xf32> to vector<1x16xf32>
        tpu.vector_store %arg15[%swap3A, %swap3A_120], %swap3A_123 {strides = array<i32>} : memref<128x32xf32, #tpu.memory_space<vmem>>, vector<1x16xf32>,
        %get3A_124 = arith.index_cast %scan3A_110 : i32 to index
        %get3A_125 = arith.constant 16 : index
        %get3A_126 = tpu.vector_load %arg15[%get3A_124, %get3A_125] {strides = array<i32>} : memref<128x32xf32, #tpu.memory_space<vmem>>, vector<1x16xf32>,
        %get3A_127 = vector.shape_cast %get3A_126 : vector<1x16xf32> to vector<16xf32>
        %get3A_128 = arith.index_cast %scan3A_110 : i32 to index
        %get3A_129 = arith.constant 16 : index
        %get3A_130 = tpu.vector_load %arg16[%get3A_128, %get3A_129] {strides = array<i32>} : memref<128x32xf32, #tpu.memory_space<vmem>>, vector<1x16xf32>,
        %get3A_131 = vector.shape_cast %get3A_130 : vector<1x16xf32> to vector<16xf32>
        %mul3A_132 = arith.mulf %get3A_127, %get3A_131 : vector<16xf32>
        %swap3A_133 = arith.index_cast %scan3A_110 : i32 to index
        %swap3A_134 = arith.constant 16 : index
        %swap3A_135 = tpu.vector_load %arg15[%swap3A_133, %swap3A_134] {strides = array<i32>} : memref<128x32xf32, #tpu.memory_space<vmem>>, vector<1x16xf32>,
        %swap3A_136 = vector.shape_cast %swap3A_135 : vector<1x16xf32> to vector<16xf32>
        %swap3A_137 = vector.shape_cast %mul3A_132 : vector<16xf32> to vector<1x16xf32>
        tpu.vector_store %arg15[%swap3A_133, %swap3A_134], %swap3A_137 {strides = array<i32>} : memref<128x32xf32, #tpu.memory_space<vmem>>, vector<1x16xf32>,
        %scan3A_138 = arith.constant 0 : i32
        scf.yield %scan3A_138 : i32
      }
      %scan3A_86 = arith.constant 128 : i32
      %mul3A_87 = arith.constant 51200 : i32
      %mul3A_88 = arith.muli %arg0, %mul3A_87 : i32
      %add3A_89 = arith.addi %mul3A_88, %add3A_65 : i32
      %dma_start3A_90 = arith.constant 0 : i32
      %dma_start3A_91 = tpu.memref_slice %arg11[%add3A_89, %dma_start3A_90] : memref<102400x32xf32, #tpu.memory_space<hbm>> -> memref<128x32xf32, #tpu.memory_space<hbm>>
      %dma_start3A_92 = arith.constant 0 : i32
      %dma_start3A_93 = tpu.memref_slice %arg11[%add3A_89, %dma_start3A_92] : memref<102400x32xf32, #tpu.memory_space<hbm>> -> memref<128x32xf32, #tpu.memory_space<hbm>>
      tpu.enqueue_dma source(%arg15 : memref<128x32xf32, #tpu.memory_space<vmem>>) target(%dma_start3A_93 : memref<128x32xf32, #tpu.memory_space<hbm>>) target_semaphore(%arg23 : memref<!tpu.dma_semaphore, #tpu.memory_space<semaphore_mem>>)
      %dma_wait3A_94 = arith.constant 0 : i32
      %dma_wait3A_95 = tpu.memref_slice %arg11[%add3A_89, %dma_wait3A_94] : memref<102400x32xf32, #tpu.memory_space<hbm>> -> memref<128x32xf32, #tpu.memory_space<hbm>>
      %dma_wait3A_96 = arith.constant 0 : i32
      %dma_wait3A_97 = tpu.memref_slice %arg11[%add3A_89, %dma_wait3A_96] : memref<102400x32xf32, #tpu.memory_space<hbm>> -> memref<128x32xf32, #tpu.memory_space<hbm>>
      tpu.wait_dma2 semaphore(%arg23 : memref<!tpu.dma_semaphore, #tpu.memory_space<semaphore_mem>>) src(%arg15 : memref<128x32xf32, #tpu.memory_space<vmem>>) dst(%dma_wait3A_97 : memref<128x32xf32, #tpu.memory_space<hbm>>)
      %mul3A_98 = arith.constant 128 : i32
      %mul3A_99 = arith.muli %scan3A_61, %mul3A_98 : i32
      %add3A_100 = arith.addi %add3A_21, %mul3A_99 : i32
      %dma_start3A_101 = arith.constant 0 : i32
      %dma_start3A_102 = tpu.memref_slice %arg4[%add3A_100, %dma_start3A_101] : memref<102400x32xf32, #tpu.memory_space<hbm>> -> memref<128x32xf32, #tpu.memory_space<hbm>>
      %dma_start3A_103 = arith.constant 0 : i32
      %dma_start3A_104 = tpu.memref_slice %arg4[%add3A_100, %dma_start3A_103] : memref<102400x32xf32, #tpu.memory_space<hbm>> -> memref<128x32xf32, #tpu.memory_space<hbm>>
      tpu.enqueue_dma source(%dma_start3A_104 : memref<128x32xf32, #tpu.memory_space<hbm>>) target(%arg17 : memref<128x32xf32, #tpu.memory_space<vmem>>) target_semaphore(%arg27 : memref<!tpu.dma_semaphore, #tpu.memory_space<semaphore_mem>>)
      %dma_wait3A_105 = arith.constant 0 : i32
      %dma_wait3A_106 = tpu.memref_slice %arg4[%add3A_100, %dma_wait3A_105] : memref<102400x32xf32, #tpu.memory_space<hbm>> -> memref<128x32xf32, #tpu.memory_space<hbm>>
      %dma_wait3A_107 = arith.constant 0 : i32
      %dma_wait3A_108 = tpu.memref_slice %arg4[%add3A_100, %dma_wait3A_107] : memref<102400x32xf32, #tpu.memory_space<hbm>> -> memref<128x32xf32, #tpu.memory_space<hbm>>
      tpu.wait_dma2 semaphore(%arg27 : memref<!tpu.dma_semaphore, #tpu.memory_space<semaphore_mem>>) src(%dma_wait3A_108 : memref<128x32xf32, #tpu.memory_space<hbm>>) dst(%arg17 : memref<128x32xf32, #tpu.memory_space<vmem>>)
      "tpu.region"() ({
        %run_scoped3A = tpu.sem_alloc : memref<!tpu.dma_semaphore, #tpu.memory_space<semaphore_mem>>
        %dma_start3A_110 = arith.constant 0 : i32
        %dma_start3A_111 = tpu.memref_slice %arg12[%add3A_65, %dma_start3A_110] : memref<51200x32xf32, #tpu.memory_space<vmem_shared>> -> memref<128x32xf32, #tpu.memory_space<vmem_shared>>
        %dma_start3A_112 = arith.constant 0 : i32
        %dma_start3A_113 = tpu.memref_slice %arg12[%add3A_65, %dma_start3A_112] : memref<51200x32xf32, #tpu.memory_space<vmem_shared>> -> memref<128x32xf32, #tpu.memory_space<vmem_shared>>
        tpu.enqueue_dma source(%arg17 : memref<128x32xf32, #tpu.memory_space<vmem>>) target(%dma_start3A_113 : memref<128x32xf32, #tpu.memory_space<vmem_shared>>) target_semaphore(%run_scoped3A : memref<!tpu.dma_semaphore, #tpu.memory_space<semaphore_mem>>)
        %dma_wait3A_114 = arith.constant 0 : i32
        %dma_wait3A_115 = tpu.memref_slice %arg12[%add3A_65, %dma_wait3A_114] : memref<51200x32xf32, #tpu.memory_space<vmem_shared>> -> memref<128x32xf32, #tpu.memory_space<vmem_shared>>
        %dma_wait3A_116 = arith.constant 0 : i32
        %dma_wait3A_117 = tpu.memref_slice %arg12[%add3A_65, %dma_wait3A_116] : memref<51200x32xf32, #tpu.memory_space<vmem_shared>> -> memref<128x32xf32, #tpu.memory_space<vmem_shared>>
        tpu.wait_dma2 semaphore(%run_scoped3A : memref<!tpu.dma_semaphore, #tpu.memory_space<semaphore_mem>>) src(%arg17 : memref<128x32xf32, #tpu.memory_space<vmem>>) dst(%dma_wait3A_117 : memref<128x32xf32, #tpu.memory_space<vmem_shared>>)
        tpu.yield
      }) : () -> ()
      %scan3A_109 = arith.constant 0 : i32
      scf.yield %scan3A_109 : i32
    }
    %scan3A_28 = arith.constant 25 : i32
    %barrier3A_29 = arith.constant 0 : index
    tpu.barrier barrier_id(%barrier3A_29)
    %scan3A_30 = arith.constant 0 : i32
    %scan3A_31 = arith.constant 0 : i32
    %scan3A_32 = arith.constant 98 : i32
    %scan3A_33 = arith.addi %scan3A_31, %scan3A_32 : i32
    %scan3A_34 = arith.constant 1 : i32
    %scan3A_35 = scf.for %scan3A_61 = %scan3A_31 to %scan3A_33 step %scan3A_34 iter_args(%scan3A_62 = %scan3A_30) -> (i32)  : i32 {
      %mul3A_63 = arith.constant 512 : i32
      %mul3A_64 = arith.muli %scan3A_61, %mul3A_63 : i32
      %add3A_65 = arith.addi %add3A, %mul3A_64 : i32
      "tpu.region"() ({
        %run_scoped3A = tpu.sem_alloc : memref<!tpu.dma_semaphore, #tpu.memory_space<semaphore_mem>>
        %dma_start3A_166 = tpu.memref_slice %arg8[%add3A_65] : memref<1605632xi32, #tpu.memory_space<hbm>> -> memref<512xi32, #tpu.memory_space<hbm>>
        %dma_start3A_167 = tpu.memref_slice %arg8[%add3A_65] : memref<1605632xi32, #tpu.memory_space<hbm>> -> memref<512xi32, #tpu.memory_space<hbm>>
        tpu.enqueue_dma source(%dma_start3A_167 : memref<512xi32, #tpu.memory_space<hbm>>) target(%arg13 : memref<512xi32, #tpu.memory_space<vmem>>) target_semaphore(%run_scoped3A : memref<!tpu.dma_semaphore, #tpu.memory_space<semaphore_mem>>)
        %dma_wait3A_168 = tpu.memref_slice %arg8[%add3A_65] : memref<1605632xi32, #tpu.memory_space<hbm>> -> memref<512xi32, #tpu.memory_space<hbm>>
        %dma_wait3A_169 = tpu.memref_slice %arg8[%add3A_65] : memref<1605632xi32, #tpu.memory_space<hbm>> -> memref<512xi32, #tpu.memory_space<hbm>>
        tpu.wait_dma2 semaphore(%run_scoped3A : memref<!tpu.dma_semaphore, #tpu.memory_space<semaphore_mem>>) src(%dma_wait3A_169 : memref<512xi32, #tpu.memory_space<hbm>>) dst(%arg13 : memref<512xi32, #tpu.memory_space<vmem>>)
        tpu.yield
      }) : () -> ()
      %mul3A_66 = arith.constant 392 : i32
      %mul3A_67 = arith.muli %arg1, %mul3A_66 : i32
      %mul3A_68 = arith.constant 4 : i32
      %mul3A_69 = arith.muli %scan3A_61, %mul3A_68 : i32
      %add3A_70 = arith.addi %mul3A_67, %mul3A_69 : i32
      "tpu.region"() ({
        %run_scoped3A = tpu.sem_alloc : memref<!tpu.dma_semaphore, #tpu.memory_space<semaphore_mem>>
        %dma_start3A_166 = arith.constant 0 : i32
        %dma_start3A_167 = tpu.memref_slice %arg9[%add3A_70, %dma_start3A_166] : memref<6272x128xi32, #tpu.memory_space<hbm>> -> memref<4x128xi32, #tpu.memory_space<hbm>>
        %dma_start3A_168 = arith.constant 0 : i32
        %dma_start3A_169 = tpu.memref_slice %arg9[%add3A_70, %dma_start3A_168] : memref<6272x128xi32, #tpu.memory_space<hbm>> -> memref<4x128xi32, #tpu.memory_space<hbm>>
        tpu.enqueue_dma source(%dma_start3A_169 : memref<4x128xi32, #tpu.memory_space<hbm>>) target(%arg14 : memref<4x128xi32, #tpu.memory_space<vmem>>) target_semaphore(%run_scoped3A : memref<!tpu.dma_semaphore, #tpu.memory_space<semaphore_mem>>)
        %dma_wait3A_170 = arith.constant 0 : i32
        %dma_wait3A_171 = tpu.memref_slice %arg9[%add3A_70, %dma_wait3A_170] : memref<6272x128xi32, #tpu.memory_space<hbm>> -> memref<4x128xi32, #tpu.memory_space<hbm>>
        %dma_wait3A_172 = arith.constant 0 : i32
        %dma_wait3A_173 = tpu.memref_slice %arg9[%add3A_70, %dma_wait3A_172] : memref<6272x128xi32, #tpu.memory_space<hbm>> -> memref<4x128xi32, #tpu.memory_space<hbm>>
        tpu.wait_dma2 semaphore(%run_scoped3A : memref<!tpu.dma_semaphore, #tpu.memory_space<semaphore_mem>>) src(%dma_wait3A_173 : memref<4x128xi32, #tpu.memory_space<hbm>>) dst(%arg14 : memref<4x128xi32, #tpu.memory_space<vmem>>)
        tpu.yield
      }) : () -> ()
      %dma_start3A = arith.constant 0 : i32
      %dma_start3A_71 = tpu.memref_slice %arg13[%dma_start3A] : memref<512xi32, #tpu.memory_space<vmem>> -> memref<128xi32, #tpu.memory_space<vmem>>
      %dma_start3A_72 = arith.constant 0 : i32
      %dma_start3A_73 = arith.constant 0 : i32
      %dma_start3A_74 = tpu.memref_slice %arg11[%dma_start3A_72, %dma_start3A_73] : memref<102400x32xf32, #tpu.memory_space<hbm>> -> memref<102400x32xf32, #tpu.memory_space<hbm>>
      tpu.enqueue_indirect_dma source(%dma_start3A_74 : memref<102400x32xf32, #tpu.memory_space<hbm>>) target(%arg15 : memref<128x32xf32, #tpu.memory_space<vmem>>) offsets(%dma_start3A_71 : memref<128xi32, #tpu.memory_space<vmem>>) semaphore(%arg19 : memref<!tpu.dma_semaphore, #tpu.memory_space<semaphore_mem>>)
      %dma_start3A_75 = arith.constant 128 : i32
      %dma_start3A_76 = tpu.memref_slice %arg13[%dma_start3A_75] : memref<512xi32, #tpu.memory_space<vmem>> -> memref<128xi32, #tpu.memory_space<vmem>>
      %dma_start3A_77 = arith.constant 0 : i32
      %dma_start3A_78 = arith.constant 0 : i32
      %dma_start3A_79 = tpu.memref_slice %arg11[%dma_start3A_77, %dma_start3A_78] : memref<102400x32xf32, #tpu.memory_space<hbm>> -> memref<102400x32xf32, #tpu.memory_space<hbm>>
      tpu.enqueue_indirect_dma source(%dma_start3A_79 : memref<102400x32xf32, #tpu.memory_space<hbm>>) target(%arg16 : memref<128x32xf32, #tpu.memory_space<vmem>>) offsets(%dma_start3A_76 : memref<128xi32, #tpu.memory_space<vmem>>) semaphore(%arg20 : memref<!tpu.dma_semaphore, #tpu.memory_space<semaphore_mem>>)
      %dma_start3A_80 = arith.constant 256 : i32
      %dma_start3A_81 = tpu.memref_slice %arg13[%dma_start3A_80] : memref<512xi32, #tpu.memory_space<vmem>> -> memref<128xi32, #tpu.memory_space<vmem>>
      %dma_start3A_82 = arith.constant 0 : i32
      %dma_start3A_83 = arith.constant 0 : i32
      %dma_start3A_84 = tpu.memref_slice %arg11[%dma_start3A_82, %dma_start3A_83] : memref<102400x32xf32, #tpu.memory_space<hbm>> -> memref<102400x32xf32, #tpu.memory_space<hbm>>
      tpu.enqueue_indirect_dma source(%dma_start3A_84 : memref<102400x32xf32, #tpu.memory_space<hbm>>) target(%arg17 : memref<128x32xf32, #tpu.memory_space<vmem>>) offsets(%dma_start3A_81 : memref<128xi32, #tpu.memory_space<vmem>>) semaphore(%arg21 : memref<!tpu.dma_semaphore, #tpu.memory_space<semaphore_mem>>)
      %dma_start3A_85 = arith.constant 384 : i32
      %dma_start3A_86 = tpu.memref_slice %arg13[%dma_start3A_85] : memref<512xi32, #tpu.memory_space<vmem>> -> memref<128xi32, #tpu.memory_space<vmem>>
      %dma_start3A_87 = arith.constant 0 : i32
      %dma_start3A_88 = arith.constant 0 : i32
      %dma_start3A_89 = tpu.memref_slice %arg11[%dma_start3A_87, %dma_start3A_88] : memref<102400x32xf32, #tpu.memory_space<hbm>> -> memref<102400x32xf32, #tpu.memory_space<hbm>>
      tpu.enqueue_indirect_dma source(%dma_start3A_89 : memref<102400x32xf32, #tpu.memory_space<hbm>>) target(%arg18 : memref<128x32xf32, #tpu.memory_space<vmem>>) offsets(%dma_start3A_86 : memref<128xi32, #tpu.memory_space<vmem>>) semaphore(%arg22 : memref<!tpu.dma_semaphore, #tpu.memory_space<semaphore_mem>>)
      %dma_wait3A = arith.constant 0 : i32
      %dma_wait3A_90 = tpu.memref_slice %arg13[%dma_wait3A] : memref<512xi32, #tpu.memory_space<vmem>> -> memref<128xi32, #tpu.memory_space<vmem>>
      %dma_wait3A_91 = arith.constant 0 : i32
      %dma_wait3A_92 = arith.constant 0 : i32
      %dma_wait3A_93 = tpu.memref_slice %arg11[%dma_wait3A_91, %dma_wait3A_92] : memref<102400x32xf32, #tpu.memory_space<hbm>> -> memref<102400x32xf32, #tpu.memory_space<hbm>>
      tpu.wait_indirect_dma semaphore(%arg19 : memref<!tpu.dma_semaphore, #tpu.memory_space<semaphore_mem>>) src(%dma_wait3A_93 : memref<102400x32xf32, #tpu.memory_space<hbm>>) dst(%arg15 : memref<128x32xf32, #tpu.memory_space<vmem>>)
      %dma_start3A_94 = arith.constant 0 : i32
      %dma_start3A_95 = arith.constant 0 : i32
      %dma_start3A_96 = tpu.memref_slice %arg14[%dma_start3A_94, %dma_start3A_95] : memref<4x128xi32, #tpu.memory_space<vmem>> -> memref<1x128xi32, #tpu.memory_space<vmem>>
      %dma_start3A_97 = tpu.memref_squeeze %dma_start3A_96 : memref<1x128xi32, #tpu.memory_space<vmem>> -> memref<128xi32, #tpu.memory_space<vmem>>
      %dma_start3A_98 = arith.constant 0 : i32
      %dma_start3A_99 = arith.constant 0 : i32
      %dma_start3A_100 = tpu.memref_slice %arg12[%dma_start3A_98, %dma_start3A_99] : memref<51200x32xf32, #tpu.memory_space<vmem_shared>> -> memref<51200x32xf32, #tpu.memory_space<vmem_shared>>
      tpu.enqueue_indirect_dma source(%arg15 : memref<128x32xf32, #tpu.memory_space<vmem>>) target(%dma_start3A_100 : memref<51200x32xf32, #tpu.memory_space<vmem_shared>>) offsets(%dma_start3A_97 : memref<128xi32, #tpu.memory_space<vmem>>) semaphore(%arg23 : memref<!tpu.dma_semaphore, #tpu.memory_space<semaphore_mem>>) {add = true}
      %dma_wait3A_101 = arith.constant 128 : i32
      %dma_wait3A_102 = tpu.memref_slice %arg13[%dma_wait3A_101] : memref<512xi32, #tpu.memory_space<vmem>> -> memref<128xi32, #tpu.memory_space<vmem>>
      %dma_wait3A_103 = arith.constant 0 : i32
      %dma_wait3A_104 = arith.constant 0 : i32
      %dma_wait3A_105 = tpu.memref_slice %arg11[%dma_wait3A_103, %dma_wait3A_104] : memref<102400x32xf32, #tpu.memory_space<hbm>> -> memref<102400x32xf32, #tpu.memory_space<hbm>>
      tpu.wait_indirect_dma semaphore(%arg20 : memref<!tpu.dma_semaphore, #tpu.memory_space<semaphore_mem>>) src(%dma_wait3A_105 : memref<102400x32xf32, #tpu.memory_space<hbm>>) dst(%arg16 : memref<128x32xf32, #tpu.memory_space<vmem>>)
      %dma_start3A_106 = arith.constant 1 : i32
      %dma_start3A_107 = arith.constant 0 : i32
      %dma_start3A_108 = tpu.memref_slice %arg14[%dma_start3A_106, %dma_start3A_107] : memref<4x128xi32, #tpu.memory_space<vmem>> -> memref<1x128xi32, #tpu.memory_space<vmem>>
      %dma_start3A_109 = tpu.memref_squeeze %dma_start3A_108 : memref<1x128xi32, #tpu.memory_space<vmem>> -> memref<128xi32, #tpu.memory_space<vmem>>
      %dma_start3A_110 = arith.constant 0 : i32
      %dma_start3A_111 = arith.constant 0 : i32
      %dma_start3A_112 = tpu.memref_slice %arg12[%dma_start3A_110, %dma_start3A_111] : memref<51200x32xf32, #tpu.memory_space<vmem_shared>> -> memref<51200x32xf32, #tpu.memory_space<vmem_shared>>
      tpu.enqueue_indirect_dma source(%arg16 : memref<128x32xf32, #tpu.memory_space<vmem>>) target(%dma_start3A_112 : memref<51200x32xf32, #tpu.memory_space<vmem_shared>>) offsets(%dma_start3A_109 : memref<128xi32, #tpu.memory_space<vmem>>) semaphore(%arg24 : memref<!tpu.dma_semaphore, #tpu.memory_space<semaphore_mem>>) {add = true}
      %dma_wait3A_113 = arith.constant 256 : i32
      %dma_wait3A_114 = tpu.memref_slice %arg13[%dma_wait3A_113] : memref<512xi32, #tpu.memory_space<vmem>> -> memref<128xi32, #tpu.memory_space<vmem>>
      %dma_wait3A_115 = arith.constant 0 : i32
      %dma_wait3A_116 = arith.constant 0 : i32
      %dma_wait3A_117 = tpu.memref_slice %arg11[%dma_wait3A_115, %dma_wait3A_116] : memref<102400x32xf32, #tpu.memory_space<hbm>> -> memref<102400x32xf32, #tpu.memory_space<hbm>>
      tpu.wait_indirect_dma semaphore(%arg21 : memref<!tpu.dma_semaphore, #tpu.memory_space<semaphore_mem>>) src(%dma_wait3A_117 : memref<102400x32xf32, #tpu.memory_space<hbm>>) dst(%arg17 : memref<128x32xf32, #tpu.memory_space<vmem>>)
      %dma_start3A_118 = arith.constant 2 : i32
      %dma_start3A_119 = arith.constant 0 : i32
      %dma_start3A_120 = tpu.memref_slice %arg14[%dma_start3A_118, %dma_start3A_119] : memref<4x128xi32, #tpu.memory_space<vmem>> -> memref<1x128xi32, #tpu.memory_space<vmem>>
      %dma_start3A_121 = tpu.memref_squeeze %dma_start3A_120 : memref<1x128xi32, #tpu.memory_space<vmem>> -> memref<128xi32, #tpu.memory_space<vmem>>
      %dma_start3A_122 = arith.constant 0 : i32
      %dma_start3A_123 = arith.constant 0 : i32
      %dma_start3A_124 = tpu.memref_slice %arg12[%dma_start3A_122, %dma_start3A_123] : memref<51200x32xf32, #tpu.memory_space<vmem_shared>> -> memref<51200x32xf32, #tpu.memory_space<vmem_shared>>
      tpu.enqueue_indirect_dma source(%arg17 : memref<128x32xf32, #tpu.memory_space<vmem>>) target(%dma_start3A_124 : memref<51200x32xf32, #tpu.memory_space<vmem_shared>>) offsets(%dma_start3A_121 : memref<128xi32, #tpu.memory_space<vmem>>) semaphore(%arg25 : memref<!tpu.dma_semaphore, #tpu.memory_space<semaphore_mem>>) {add = true}
      %dma_wait3A_125 = arith.constant 384 : i32
      %dma_wait3A_126 = tpu.memref_slice %arg13[%dma_wait3A_125] : memref<512xi32, #tpu.memory_space<vmem>> -> memref<128xi32, #tpu.memory_space<vmem>>
      %dma_wait3A_127 = arith.constant 0 : i32
      %dma_wait3A_128 = arith.constant 0 : i32
      %dma_wait3A_129 = tpu.memref_slice %arg11[%dma_wait3A_127, %dma_wait3A_128] : memref<102400x32xf32, #tpu.memory_space<hbm>> -> memref<102400x32xf32, #tpu.memory_space<hbm>>
      tpu.wait_indirect_dma semaphore(%arg22 : memref<!tpu.dma_semaphore, #tpu.memory_space<semaphore_mem>>) src(%dma_wait3A_129 : memref<102400x32xf32, #tpu.memory_space<hbm>>) dst(%arg18 : memref<128x32xf32, #tpu.memory_space<vmem>>)
      %dma_start3A_130 = arith.constant 3 : i32
      %dma_start3A_131 = arith.constant 0 : i32
      %dma_start3A_132 = tpu.memref_slice %arg14[%dma_start3A_130, %dma_start3A_131] : memref<4x128xi32, #tpu.memory_space<vmem>> -> memref<1x128xi32, #tpu.memory_space<vmem>>
      %dma_start3A_133 = tpu.memref_squeeze %dma_start3A_132 : memref<1x128xi32, #tpu.memory_space<vmem>> -> memref<128xi32, #tpu.memory_space<vmem>>
      %dma_start3A_134 = arith.constant 0 : i32
      %dma_start3A_135 = arith.constant 0 : i32
      %dma_start3A_136 = tpu.memref_slice %arg12[%dma_start3A_134, %dma_start3A_135] : memref<51200x32xf32, #tpu.memory_space<vmem_shared>> -> memref<51200x32xf32, #tpu.memory_space<vmem_shared>>
      tpu.enqueue_indirect_dma source(%arg18 : memref<128x32xf32, #tpu.memory_space<vmem>>) target(%dma_start3A_136 : memref<51200x32xf32, #tpu.memory_space<vmem_shared>>) offsets(%dma_start3A_133 : memref<128xi32, #tpu.memory_space<vmem>>) semaphore(%arg26 : memref<!tpu.dma_semaphore, #tpu.memory_space<semaphore_mem>>) {add = true}
      %dma_wait3A_137 = arith.constant 0 : i32
      %dma_wait3A_138 = arith.constant 0 : i32
      %dma_wait3A_139 = tpu.memref_slice %arg14[%dma_wait3A_137, %dma_wait3A_138] : memref<4x128xi32, #tpu.memory_space<vmem>> -> memref<1x128xi32, #tpu.memory_space<vmem>>
      %dma_wait3A_140 = tpu.memref_squeeze %dma_wait3A_139 : memref<1x128xi32, #tpu.memory_space<vmem>> -> memref<128xi32, #tpu.memory_space<vmem>>
      %dma_wait3A_141 = arith.constant 0 : i32
      %dma_wait3A_142 = arith.constant 0 : i32
      %dma_wait3A_143 = tpu.memref_slice %arg12[%dma_wait3A_141, %dma_wait3A_142] : memref<51200x32xf32, #tpu.memory_space<vmem_shared>> -> memref<51200x32xf32, #tpu.memory_space<vmem_shared>>
      tpu.wait_indirect_dma semaphore(%arg23 : memref<!tpu.dma_semaphore, #tpu.memory_space<semaphore_mem>>) src(%arg15 : memref<128x32xf32, #tpu.memory_space<vmem>>) dst(%dma_wait3A_143 : memref<51200x32xf32, #tpu.memory_space<vmem_shared>>)
      %dma_wait3A_144 = arith.constant 1 : i32
      %dma_wait3A_145 = arith.constant 0 : i32
      %dma_wait3A_146 = tpu.memref_slice %arg14[%dma_wait3A_144, %dma_wait3A_145] : memref<4x128xi32, #tpu.memory_space<vmem>> -> memref<1x128xi32, #tpu.memory_space<vmem>>
      %dma_wait3A_147 = tpu.memref_squeeze %dma_wait3A_146 : memref<1x128xi32, #tpu.memory_space<vmem>> -> memref<128xi32, #tpu.memory_space<vmem>>
      %dma_wait3A_148 = arith.constant 0 : i32
      %dma_wait3A_149 = arith.constant 0 : i32
      %dma_wait3A_150 = tpu.memref_slice %arg12[%dma_wait3A_148, %dma_wait3A_149] : memref<51200x32xf32, #tpu.memory_space<vmem_shared>> -> memref<51200x32xf32, #tpu.memory_space<vmem_shared>>
      tpu.wait_indirect_dma semaphore(%arg24 : memref<!tpu.dma_semaphore, #tpu.memory_space<semaphore_mem>>) src(%arg16 : memref<128x32xf32, #tpu.memory_space<vmem>>) dst(%dma_wait3A_150 : memref<51200x32xf32, #tpu.memory_space<vmem_shared>>)
      %dma_wait3A_151 = arith.constant 2 : i32
      %dma_wait3A_152 = arith.constant 0 : i32
      %dma_wait3A_153 = tpu.memref_slice %arg14[%dma_wait3A_151, %dma_wait3A_152] : memref<4x128xi32, #tpu.memory_space<vmem>> -> memref<1x128xi32, #tpu.memory_space<vmem>>
      %dma_wait3A_154 = tpu.memref_squeeze %dma_wait3A_153 : memref<1x128xi32, #tpu.memory_space<vmem>> -> memref<128xi32, #tpu.memory_space<vmem>>
      %dma_wait3A_155 = arith.constant 0 : i32
      %dma_wait3A_156 = arith.constant 0 : i32
      %dma_wait3A_157 = tpu.memref_slice %arg12[%dma_wait3A_155, %dma_wait3A_156] : memref<51200x32xf32, #tpu.memory_space<vmem_shared>> -> memref<51200x32xf32, #tpu.memory_space<vmem_shared>>
      tpu.wait_indirect_dma semaphore(%arg25 : memref<!tpu.dma_semaphore, #tpu.memory_space<semaphore_mem>>) src(%arg17 : memref<128x32xf32, #tpu.memory_space<vmem>>) dst(%dma_wait3A_157 : memref<51200x32xf32, #tpu.memory_space<vmem_shared>>)
      %dma_wait3A_158 = arith.constant 3 : i32
      %dma_wait3A_159 = arith.constant 0 : i32
      %dma_wait3A_160 = tpu.memref_slice %arg14[%dma_wait3A_158, %dma_wait3A_159] : memref<4x128xi32, #tpu.memory_space<vmem>> -> memref<1x128xi32, #tpu.memory_space<vmem>>
      %dma_wait3A_161 = tpu.memref_squeeze %dma_wait3A_160 : memref<1x128xi32, #tpu.memory_space<vmem>> -> memref<128xi32, #tpu.memory_space<vmem>>
      %dma_wait3A_162 = arith.constant 0 : i32
      %dma_wait3A_163 = arith.constant 0 : i32
      %dma_wait3A_164 = tpu.memref_slice %arg12[%dma_wait3A_162, %dma_wait3A_163] : memref<51200x32xf32, #tpu.memory_space<vmem_shared>> -> memref<51200x32xf32, #tpu.memory_space<vmem_shared>>
      tpu.wait_indirect_dma semaphore(%arg26 : memref<!tpu.dma_semaphore, #tpu.memory_space<semaphore_mem>>) src(%arg18 : memref<128x32xf32, #tpu.memory_space<vmem>>) dst(%dma_wait3A_164 : memref<51200x32xf32, #tpu.memory_space<vmem_shared>>)
      %scan3A_165 = arith.constant 0 : i32
      scf.yield %scan3A_165 : i32
    }
    %scan3A_36 = arith.constant 98 : i32
    %barrier3A_37 = arith.constant 0 : index
    tpu.barrier barrier_id(%barrier3A_37)
    %scan3A_38 = arith.constant 0 : i32
    %scan3A_39 = arith.constant 0 : i32
    %scan3A_40 = arith.constant 25 : i32
    %scan3A_41 = arith.addi %scan3A_39, %scan3A_40 : i32
    %scan3A_42 = arith.constant 1 : i32
    %scan3A_43 = scf.for %scan3A_61 = %scan3A_39 to %scan3A_41 step %scan3A_42 iter_args(%scan3A_62 = %scan3A_38) -> (i32)  : i32 {
      %mul3A_63 = arith.constant 128 : i32
      %mul3A_64 = arith.muli %scan3A_61, %mul3A_63 : i32
      %add3A_65 = arith.addi %mul3A_0, %mul3A_64 : i32
      %dma_start3A = arith.constant 0 : i32
      %dma_start3A_66 = tpu.memref_slice %arg12[%add3A_65, %dma_start3A] : memref<51200x32xf32, #tpu.memory_space<vmem_shared>> -> memref<128x32xf32, #tpu.memory_space<vmem_shared>>
      %dma_start3A_67 = arith.constant 0 : i32
      %dma_start3A_68 = tpu.memref_slice %arg12[%add3A_65, %dma_start3A_67] : memref<51200x32xf32, #tpu.memory_space<vmem_shared>> -> memref<128x32xf32, #tpu.memory_space<vmem_shared>>
      tpu.enqueue_dma source(%dma_start3A_68 : memref<128x32xf32, #tpu.memory_space<vmem_shared>>) target(%arg15 : memref<128x32xf32, #tpu.memory_space<vmem>>) target_semaphore(%arg19 : memref<!tpu.dma_semaphore, #tpu.memory_space<semaphore_mem>>)
      %dma_wait3A = arith.constant 0 : i32
      %dma_wait3A_69 = tpu.memref_slice %arg12[%add3A_65, %dma_wait3A] : memref<51200x32xf32, #tpu.memory_space<vmem_shared>> -> memref<128x32xf32, #tpu.memory_space<vmem_shared>>
      %dma_wait3A_70 = arith.constant 0 : i32
      %dma_wait3A_71 = tpu.memref_slice %arg12[%add3A_65, %dma_wait3A_70] : memref<51200x32xf32, #tpu.memory_space<vmem_shared>> -> memref<128x32xf32, #tpu.memory_space<vmem_shared>>
      tpu.wait_dma2 semaphore(%arg19 : memref<!tpu.dma_semaphore, #tpu.memory_space<semaphore_mem>>) src(%dma_wait3A_71 : memref<128x32xf32, #tpu.memory_space<vmem_shared>>) dst(%arg15 : memref<128x32xf32, #tpu.memory_space<vmem>>)
      %dma_start3A_72 = arith.constant 0 : i32
      %dma_start3A_73 = tpu.memref_slice %arg6[%add3A_65, %dma_start3A_72] : memref<51200x32xf32, #tpu.memory_space<hbm>> -> memref<128x32xf32, #tpu.memory_space<hbm>>
      %dma_start3A_74 = arith.constant 0 : i32
      %dma_start3A_75 = tpu.memref_slice %arg6[%add3A_65, %dma_start3A_74] : memref<51200x32xf32, #tpu.memory_space<hbm>> -> memref<128x32xf32, #tpu.memory_space<hbm>>
      tpu.enqueue_dma source(%dma_start3A_75 : memref<128x32xf32, #tpu.memory_space<hbm>>) target(%arg16 : memref<128x32xf32, #tpu.memory_space<vmem>>) target_semaphore(%arg20 : memref<!tpu.dma_semaphore, #tpu.memory_space<semaphore_mem>>)
      %dma_wait3A_76 = arith.constant 0 : i32
      %dma_wait3A_77 = tpu.memref_slice %arg6[%add3A_65, %dma_wait3A_76] : memref<51200x32xf32, #tpu.memory_space<hbm>> -> memref<128x32xf32, #tpu.memory_space<hbm>>
      %dma_wait3A_78 = arith.constant 0 : i32
      %dma_wait3A_79 = tpu.memref_slice %arg6[%add3A_65, %dma_wait3A_78] : memref<51200x32xf32, #tpu.memory_space<hbm>> -> memref<128x32xf32, #tpu.memory_space<hbm>>
      tpu.wait_dma2 semaphore(%arg20 : memref<!tpu.dma_semaphore, #tpu.memory_space<semaphore_mem>>) src(%dma_wait3A_79 : memref<128x32xf32, #tpu.memory_space<hbm>>) dst(%arg16 : memref<128x32xf32, #tpu.memory_space<vmem>>)
      %scan3A_80 = arith.constant 0 : i32
      %scan3A_81 = arith.constant 0 : i32
      %scan3A_82 = arith.constant 128 : i32
      %scan3A_83 = arith.addi %scan3A_81, %scan3A_82 : i32
      %scan3A_84 = arith.constant 1 : i32
      %scan3A_85 = scf.for %scan3A_110 = %scan3A_81 to %scan3A_83 step %scan3A_84 iter_args(%scan3A_111 = %scan3A_80) -> (i32)  : i32 {
        %get3A = arith.index_cast %scan3A_110 : i32 to index
        %get3A_112 = arith.constant 0 : index
        %get3A_113 = tpu.vector_load %arg15[%get3A, %get3A_112] {strides = array<i32>} : memref<128x32xf32, #tpu.memory_space<vmem>>, vector<1x16xf32>,
        %get3A_114 = vector.shape_cast %get3A_113 : vector<1x16xf32> to vector<16xf32>
        %get3A_115 = arith.index_cast %scan3A_110 : i32 to index
        %get3A_116 = arith.constant 0 : index
        %get3A_117 = tpu.vector_load %arg16[%get3A_115, %get3A_116] {strides = array<i32>} : memref<128x32xf32, #tpu.memory_space<vmem>>, vector<1x16xf32>,
        %get3A_118 = vector.shape_cast %get3A_117 : vector<1x16xf32> to vector<16xf32>
        %mul3A_119 = arith.mulf %get3A_114, %get3A_118 : vector<16xf32>
        %swap3A = arith.index_cast %scan3A_110 : i32 to index
        %swap3A_120 = arith.constant 0 : index
        %swap3A_121 = tpu.vector_load %arg15[%swap3A, %swap3A_120] {strides = array<i32>} : memref<128x32xf32, #tpu.memory_space<vmem>>, vector<1x16xf32>,
        %swap3A_122 = vector.shape_cast %swap3A_121 : vector<1x16xf32> to vector<16xf32>
        %swap3A_123 = vector.shape_cast %mul3A_119 : vector<16xf32> to vector<1x16xf32>
        tpu.vector_store %arg15[%swap3A, %swap3A_120], %swap3A_123 {strides = array<i32>} : memref<128x32xf32, #tpu.memory_space<vmem>>, vector<1x16xf32>,
        %get3A_124 = arith.index_cast %scan3A_110 : i32 to index
        %get3A_125 = arith.constant 16 : index
        %get3A_126 = tpu.vector_load %arg15[%get3A_124, %get3A_125] {strides = array<i32>} : memref<128x32xf32, #tpu.memory_space<vmem>>, vector<1x16xf32>,
        %get3A_127 = vector.shape_cast %get3A_126 : vector<1x16xf32> to vector<16xf32>
        %get3A_128 = arith.index_cast %scan3A_110 : i32 to index
        %get3A_129 = arith.constant 16 : index
        %get3A_130 = tpu.vector_load %arg16[%get3A_128, %get3A_129] {strides = array<i32>} : memref<128x32xf32, #tpu.memory_space<vmem>>, vector<1x16xf32>,
        %get3A_131 = vector.shape_cast %get3A_130 : vector<1x16xf32> to vector<16xf32>
        %mul3A_132 = arith.mulf %get3A_127, %get3A_131 : vector<16xf32>
        %swap3A_133 = arith.index_cast %scan3A_110 : i32 to index
        %swap3A_134 = arith.constant 16 : index
        %swap3A_135 = tpu.vector_load %arg15[%swap3A_133, %swap3A_134] {strides = array<i32>} : memref<128x32xf32, #tpu.memory_space<vmem>>, vector<1x16xf32>,
        %swap3A_136 = vector.shape_cast %swap3A_135 : vector<1x16xf32> to vector<16xf32>
        %swap3A_137 = vector.shape_cast %mul3A_132 : vector<16xf32> to vector<1x16xf32>
        tpu.vector_store %arg15[%swap3A_133, %swap3A_134], %swap3A_137 {strides = array<i32>} : memref<128x32xf32, #tpu.memory_space<vmem>>, vector<1x16xf32>,
        %scan3A_138 = arith.constant 0 : i32
        scf.yield %scan3A_138 : i32
      }
      %scan3A_86 = arith.constant 128 : i32
      %mul3A_87 = arith.constant 51200 : i32
      %mul3A_88 = arith.muli %arg0, %mul3A_87 : i32
      %add3A_89 = arith.addi %mul3A_88, %add3A_65 : i32
      %dma_start3A_90 = arith.constant 0 : i32
      %dma_start3A_91 = tpu.memref_slice %arg11[%add3A_89, %dma_start3A_90] : memref<102400x32xf32, #tpu.memory_space<hbm>> -> memref<128x32xf32, #tpu.memory_space<hbm>>
      %dma_start3A_92 = arith.constant 0 : i32
      %dma_start3A_93 = tpu.memref_slice %arg11[%add3A_89, %dma_start3A_92] : memref<102400x32xf32, #tpu.memory_space<hbm>> -> memref<128x32xf32, #tpu.memory_space<hbm>>
      tpu.enqueue_dma source(%arg15 : memref<128x32xf32, #tpu.memory_space<vmem>>) target(%dma_start3A_93 : memref<128x32xf32, #tpu.memory_space<hbm>>) target_semaphore(%arg23 : memref<!tpu.dma_semaphore, #tpu.memory_space<semaphore_mem>>)
      %dma_wait3A_94 = arith.constant 0 : i32
      %dma_wait3A_95 = tpu.memref_slice %arg11[%add3A_89, %dma_wait3A_94] : memref<102400x32xf32, #tpu.memory_space<hbm>> -> memref<128x32xf32, #tpu.memory_space<hbm>>
      %dma_wait3A_96 = arith.constant 0 : i32
      %dma_wait3A_97 = tpu.memref_slice %arg11[%add3A_89, %dma_wait3A_96] : memref<102400x32xf32, #tpu.memory_space<hbm>> -> memref<128x32xf32, #tpu.memory_space<hbm>>
      tpu.wait_dma2 semaphore(%arg23 : memref<!tpu.dma_semaphore, #tpu.memory_space<semaphore_mem>>) src(%arg15 : memref<128x32xf32, #tpu.memory_space<vmem>>) dst(%dma_wait3A_97 : memref<128x32xf32, #tpu.memory_space<hbm>>)
      %mul3A_98 = arith.constant 128 : i32
      %mul3A_99 = arith.muli %scan3A_61, %mul3A_98 : i32
      %add3A_100 = arith.addi %mul3A_0, %mul3A_99 : i32
      %dma_start3A_101 = arith.constant 0 : i32
      %dma_start3A_102 = tpu.memref_slice %arg5[%add3A_100, %dma_start3A_101] : memref<51200x32xf32, #tpu.memory_space<hbm>> -> memref<128x32xf32, #tpu.memory_space<hbm>>
      %dma_start3A_103 = arith.constant 0 : i32
      %dma_start3A_104 = tpu.memref_slice %arg5[%add3A_100, %dma_start3A_103] : memref<51200x32xf32, #tpu.memory_space<hbm>> -> memref<128x32xf32, #tpu.memory_space<hbm>>
      tpu.enqueue_dma source(%dma_start3A_104 : memref<128x32xf32, #tpu.memory_space<hbm>>) target(%arg17 : memref<128x32xf32, #tpu.memory_space<vmem>>) target_semaphore(%arg27 : memref<!tpu.dma_semaphore, #tpu.memory_space<semaphore_mem>>)
      %dma_wait3A_105 = arith.constant 0 : i32
      %dma_wait3A_106 = tpu.memref_slice %arg5[%add3A_100, %dma_wait3A_105] : memref<51200x32xf32, #tpu.memory_space<hbm>> -> memref<128x32xf32, #tpu.memory_space<hbm>>
      %dma_wait3A_107 = arith.constant 0 : i32
      %dma_wait3A_108 = tpu.memref_slice %arg5[%add3A_100, %dma_wait3A_107] : memref<51200x32xf32, #tpu.memory_space<hbm>> -> memref<128x32xf32, #tpu.memory_space<hbm>>
      tpu.wait_dma2 semaphore(%arg27 : memref<!tpu.dma_semaphore, #tpu.memory_space<semaphore_mem>>) src(%dma_wait3A_108 : memref<128x32xf32, #tpu.memory_space<hbm>>) dst(%arg17 : memref<128x32xf32, #tpu.memory_space<vmem>>)
      "tpu.region"() ({
        %run_scoped3A = tpu.sem_alloc : memref<!tpu.dma_semaphore, #tpu.memory_space<semaphore_mem>>
        %dma_start3A_110 = arith.constant 0 : i32
        %dma_start3A_111 = tpu.memref_slice %arg12[%add3A_65, %dma_start3A_110] : memref<51200x32xf32, #tpu.memory_space<vmem_shared>> -> memref<128x32xf32, #tpu.memory_space<vmem_shared>>
        %dma_start3A_112 = arith.constant 0 : i32
        %dma_start3A_113 = tpu.memref_slice %arg12[%add3A_65, %dma_start3A_112] : memref<51200x32xf32, #tpu.memory_space<vmem_shared>> -> memref<128x32xf32, #tpu.memory_space<vmem_shared>>
        tpu.enqueue_dma source(%arg17 : memref<128x32xf32, #tpu.memory_space<vmem>>) target(%dma_start3A_113 : memref<128x32xf32, #tpu.memory_space<vmem_shared>>) target_semaphore(%run_scoped3A : memref<!tpu.dma_semaphore, #tpu.memory_space<semaphore_mem>>)
        %dma_wait3A_114 = arith.constant 0 : i32
        %dma_wait3A_115 = tpu.memref_slice %arg12[%add3A_65, %dma_wait3A_114] : memref<51200x32xf32, #tpu.memory_space<vmem_shared>> -> memref<128x32xf32, #tpu.memory_space<vmem_shared>>
        %dma_wait3A_116 = arith.constant 0 : i32
        %dma_wait3A_117 = tpu.memref_slice %arg12[%add3A_65, %dma_wait3A_116] : memref<51200x32xf32, #tpu.memory_space<vmem_shared>> -> memref<128x32xf32, #tpu.memory_space<vmem_shared>>
        tpu.wait_dma2 semaphore(%run_scoped3A : memref<!tpu.dma_semaphore, #tpu.memory_space<semaphore_mem>>) src(%arg17 : memref<128x32xf32, #tpu.memory_space<vmem>>) dst(%dma_wait3A_117 : memref<128x32xf32, #tpu.memory_space<vmem_shared>>)
        tpu.yield
      }) : () -> ()
      %scan3A_109 = arith.constant 0 : i32
      scf.yield %scan3A_109 : i32
    }
    %scan3A_44 = arith.constant 25 : i32
    %barrier3A_45 = arith.constant 0 : index
    tpu.barrier barrier_id(%barrier3A_45)
    %scan3A_46 = arith.constant 0 : i32
    %scan3A_47 = arith.constant 0 : i32
    %scan3A_48 = arith.constant 98 : i32
    %scan3A_49 = arith.addi %scan3A_47, %scan3A_48 : i32
    %scan3A_50 = arith.constant 1 : i32
    %scan3A_51 = scf.for %scan3A_61 = %scan3A_47 to %scan3A_49 step %scan3A_50 iter_args(%scan3A_62 = %scan3A_46) -> (i32)  : i32 {
      %mul3A_63 = arith.constant 512 : i32
      %mul3A_64 = arith.muli %scan3A_61, %mul3A_63 : i32
      %add3A_65 = arith.addi %add3A, %mul3A_64 : i32
      "tpu.region"() ({
        %run_scoped3A = tpu.sem_alloc : memref<!tpu.dma_semaphore, #tpu.memory_space<semaphore_mem>>
        %dma_start3A_166 = tpu.memref_slice %arg8[%add3A_65] : memref<1605632xi32, #tpu.memory_space<hbm>> -> memref<512xi32, #tpu.memory_space<hbm>>
        %dma_start3A_167 = tpu.memref_slice %arg8[%add3A_65] : memref<1605632xi32, #tpu.memory_space<hbm>> -> memref<512xi32, #tpu.memory_space<hbm>>
        tpu.enqueue_dma source(%dma_start3A_167 : memref<512xi32, #tpu.memory_space<hbm>>) target(%arg13 : memref<512xi32, #tpu.memory_space<vmem>>) target_semaphore(%run_scoped3A : memref<!tpu.dma_semaphore, #tpu.memory_space<semaphore_mem>>)
        %dma_wait3A_168 = tpu.memref_slice %arg8[%add3A_65] : memref<1605632xi32, #tpu.memory_space<hbm>> -> memref<512xi32, #tpu.memory_space<hbm>>
        %dma_wait3A_169 = tpu.memref_slice %arg8[%add3A_65] : memref<1605632xi32, #tpu.memory_space<hbm>> -> memref<512xi32, #tpu.memory_space<hbm>>
        tpu.wait_dma2 semaphore(%run_scoped3A : memref<!tpu.dma_semaphore, #tpu.memory_space<semaphore_mem>>) src(%dma_wait3A_169 : memref<512xi32, #tpu.memory_space<hbm>>) dst(%arg13 : memref<512xi32, #tpu.memory_space<vmem>>)
        tpu.yield
      }) : () -> ()
      %mul3A_66 = arith.constant 392 : i32
      %mul3A_67 = arith.muli %arg1, %mul3A_66 : i32
      %mul3A_68 = arith.constant 4 : i32
      %mul3A_69 = arith.muli %scan3A_61, %mul3A_68 : i32
      %add3A_70 = arith.addi %mul3A_67, %mul3A_69 : i32
      "tpu.region"() ({
        %run_scoped3A = tpu.sem_alloc : memref<!tpu.dma_semaphore, #tpu.memory_space<semaphore_mem>>
        %dma_start3A_166 = arith.constant 0 : i32
        %dma_start3A_167 = tpu.memref_slice %arg9[%add3A_70, %dma_start3A_166] : memref<6272x128xi32, #tpu.memory_space<hbm>> -> memref<4x128xi32, #tpu.memory_space<hbm>>
        %dma_start3A_168 = arith.constant 0 : i32
        %dma_start3A_169 = tpu.memref_slice %arg9[%add3A_70, %dma_start3A_168] : memref<6272x128xi32, #tpu.memory_space<hbm>> -> memref<4x128xi32, #tpu.memory_space<hbm>>
        tpu.enqueue_dma source(%dma_start3A_169 : memref<4x128xi32, #tpu.memory_space<hbm>>) target(%arg14 : memref<4x128xi32, #tpu.memory_space<vmem>>) target_semaphore(%run_scoped3A : memref<!tpu.dma_semaphore, #tpu.memory_space<semaphore_mem>>)
        %dma_wait3A_170 = arith.constant 0 : i32
        %dma_wait3A_171 = tpu.memref_slice %arg9[%add3A_70, %dma_wait3A_170] : memref<6272x128xi32, #tpu.memory_space<hbm>> -> memref<4x128xi32, #tpu.memory_space<hbm>>
        %dma_wait3A_172 = arith.constant 0 : i32
        %dma_wait3A_173 = tpu.memref_slice %arg9[%add3A_70, %dma_wait3A_172] : memref<6272x128xi32, #tpu.memory_space<hbm>> -> memref<4x128xi32, #tpu.memory_space<hbm>>
        tpu.wait_dma2 semaphore(%run_scoped3A : memref<!tpu.dma_semaphore, #tpu.memory_space<semaphore_mem>>) src(%dma_wait3A_173 : memref<4x128xi32, #tpu.memory_space<hbm>>) dst(%arg14 : memref<4x128xi32, #tpu.memory_space<vmem>>)
        tpu.yield
      }) : () -> ()
      %dma_start3A = arith.constant 0 : i32
      %dma_start3A_71 = tpu.memref_slice %arg13[%dma_start3A] : memref<512xi32, #tpu.memory_space<vmem>> -> memref<128xi32, #tpu.memory_space<vmem>>
      %dma_start3A_72 = arith.constant 0 : i32
      %dma_start3A_73 = arith.constant 0 : i32
      %dma_start3A_74 = tpu.memref_slice %arg11[%dma_start3A_72, %dma_start3A_73] : memref<102400x32xf32, #tpu.memory_space<hbm>> -> memref<102400x32xf32, #tpu.memory_space<hbm>>
      tpu.enqueue_indirect_dma source(%dma_start3A_74 : memref<102400x32xf32, #tpu.memory_space<hbm>>) target(%arg15 : memref<128x32xf32, #tpu.memory_space<vmem>>) offsets(%dma_start3A_71 : memref<128xi32, #tpu.memory_space<vmem>>) semaphore(%arg19 : memref<!tpu.dma_semaphore, #tpu.memory_space<semaphore_mem>>)
      %dma_start3A_75 = arith.constant 128 : i32
      %dma_start3A_76 = tpu.memref_slice %arg13[%dma_start3A_75] : memref<512xi32, #tpu.memory_space<vmem>> -> memref<128xi32, #tpu.memory_space<vmem>>
      %dma_start3A_77 = arith.constant 0 : i32
      %dma_start3A_78 = arith.constant 0 : i32
      %dma_start3A_79 = tpu.memref_slice %arg11[%dma_start3A_77, %dma_start3A_78] : memref<102400x32xf32, #tpu.memory_space<hbm>> -> memref<102400x32xf32, #tpu.memory_space<hbm>>
      tpu.enqueue_indirect_dma source(%dma_start3A_79 : memref<102400x32xf32, #tpu.memory_space<hbm>>) target(%arg16 : memref<128x32xf32, #tpu.memory_space<vmem>>) offsets(%dma_start3A_76 : memref<128xi32, #tpu.memory_space<vmem>>) semaphore(%arg20 : memref<!tpu.dma_semaphore, #tpu.memory_space<semaphore_mem>>)
      %dma_start3A_80 = arith.constant 256 : i32
      %dma_start3A_81 = tpu.memref_slice %arg13[%dma_start3A_80] : memref<512xi32, #tpu.memory_space<vmem>> -> memref<128xi32, #tpu.memory_space<vmem>>
      %dma_start3A_82 = arith.constant 0 : i32
      %dma_start3A_83 = arith.constant 0 : i32
      %dma_start3A_84 = tpu.memref_slice %arg11[%dma_start3A_82, %dma_start3A_83] : memref<102400x32xf32, #tpu.memory_space<hbm>> -> memref<102400x32xf32, #tpu.memory_space<hbm>>
      tpu.enqueue_indirect_dma source(%dma_start3A_84 : memref<102400x32xf32, #tpu.memory_space<hbm>>) target(%arg17 : memref<128x32xf32, #tpu.memory_space<vmem>>) offsets(%dma_start3A_81 : memref<128xi32, #tpu.memory_space<vmem>>) semaphore(%arg21 : memref<!tpu.dma_semaphore, #tpu.memory_space<semaphore_mem>>)
      %dma_start3A_85 = arith.constant 384 : i32
      %dma_start3A_86 = tpu.memref_slice %arg13[%dma_start3A_85] : memref<512xi32, #tpu.memory_space<vmem>> -> memref<128xi32, #tpu.memory_space<vmem>>
      %dma_start3A_87 = arith.constant 0 : i32
      %dma_start3A_88 = arith.constant 0 : i32
      %dma_start3A_89 = tpu.memref_slice %arg11[%dma_start3A_87, %dma_start3A_88] : memref<102400x32xf32, #tpu.memory_space<hbm>> -> memref<102400x32xf32, #tpu.memory_space<hbm>>
      tpu.enqueue_indirect_dma source(%dma_start3A_89 : memref<102400x32xf32, #tpu.memory_space<hbm>>) target(%arg18 : memref<128x32xf32, #tpu.memory_space<vmem>>) offsets(%dma_start3A_86 : memref<128xi32, #tpu.memory_space<vmem>>) semaphore(%arg22 : memref<!tpu.dma_semaphore, #tpu.memory_space<semaphore_mem>>)
      %dma_wait3A = arith.constant 0 : i32
      %dma_wait3A_90 = tpu.memref_slice %arg13[%dma_wait3A] : memref<512xi32, #tpu.memory_space<vmem>> -> memref<128xi32, #tpu.memory_space<vmem>>
      %dma_wait3A_91 = arith.constant 0 : i32
      %dma_wait3A_92 = arith.constant 0 : i32
      %dma_wait3A_93 = tpu.memref_slice %arg11[%dma_wait3A_91, %dma_wait3A_92] : memref<102400x32xf32, #tpu.memory_space<hbm>> -> memref<102400x32xf32, #tpu.memory_space<hbm>>
      tpu.wait_indirect_dma semaphore(%arg19 : memref<!tpu.dma_semaphore, #tpu.memory_space<semaphore_mem>>) src(%dma_wait3A_93 : memref<102400x32xf32, #tpu.memory_space<hbm>>) dst(%arg15 : memref<128x32xf32, #tpu.memory_space<vmem>>)
      %dma_start3A_94 = arith.constant 0 : i32
      %dma_start3A_95 = arith.constant 0 : i32
      %dma_start3A_96 = tpu.memref_slice %arg14[%dma_start3A_94, %dma_start3A_95] : memref<4x128xi32, #tpu.memory_space<vmem>> -> memref<1x128xi32, #tpu.memory_space<vmem>>
      %dma_start3A_97 = tpu.memref_squeeze %dma_start3A_96 : memref<1x128xi32, #tpu.memory_space<vmem>> -> memref<128xi32, #tpu.memory_space<vmem>>
      %dma_start3A_98 = arith.constant 0 : i32
      %dma_start3A_99 = arith.constant 0 : i32
      %dma_start3A_100 = tpu.memref_slice %arg12[%dma_start3A_98, %dma_start3A_99] : memref<51200x32xf32, #tpu.memory_space<vmem_shared>> -> memref<51200x32xf32, #tpu.memory_space<vmem_shared>>
      tpu.enqueue_indirect_dma source(%arg15 : memref<128x32xf32, #tpu.memory_space<vmem>>) target(%dma_start3A_100 : memref<51200x32xf32, #tpu.memory_space<vmem_shared>>) offsets(%dma_start3A_97 : memref<128xi32, #tpu.memory_space<vmem>>) semaphore(%arg23 : memref<!tpu.dma_semaphore, #tpu.memory_space<semaphore_mem>>) {add = true}
      %dma_wait3A_101 = arith.constant 128 : i32
      %dma_wait3A_102 = tpu.memref_slice %arg13[%dma_wait3A_101] : memref<512xi32, #tpu.memory_space<vmem>> -> memref<128xi32, #tpu.memory_space<vmem>>
      %dma_wait3A_103 = arith.constant 0 : i32
      %dma_wait3A_104 = arith.constant 0 : i32
      %dma_wait3A_105 = tpu.memref_slice %arg11[%dma_wait3A_103, %dma_wait3A_104] : memref<102400x32xf32, #tpu.memory_space<hbm>> -> memref<102400x32xf32, #tpu.memory_space<hbm>>
      tpu.wait_indirect_dma semaphore(%arg20 : memref<!tpu.dma_semaphore, #tpu.memory_space<semaphore_mem>>) src(%dma_wait3A_105 : memref<102400x32xf32, #tpu.memory_space<hbm>>) dst(%arg16 : memref<128x32xf32, #tpu.memory_space<vmem>>)
      %dma_start3A_106 = arith.constant 1 : i32
      %dma_start3A_107 = arith.constant 0 : i32
      %dma_start3A_108 = tpu.memref_slice %arg14[%dma_start3A_106, %dma_start3A_107] : memref<4x128xi32, #tpu.memory_space<vmem>> -> memref<1x128xi32, #tpu.memory_space<vmem>>
      %dma_start3A_109 = tpu.memref_squeeze %dma_start3A_108 : memref<1x128xi32, #tpu.memory_space<vmem>> -> memref<128xi32, #tpu.memory_space<vmem>>
      %dma_start3A_110 = arith.constant 0 : i32
      %dma_start3A_111 = arith.constant 0 : i32
      %dma_start3A_112 = tpu.memref_slice %arg12[%dma_start3A_110, %dma_start3A_111] : memref<51200x32xf32, #tpu.memory_space<vmem_shared>> -> memref<51200x32xf32, #tpu.memory_space<vmem_shared>>
      tpu.enqueue_indirect_dma source(%arg16 : memref<128x32xf32, #tpu.memory_space<vmem>>) target(%dma_start3A_112 : memref<51200x32xf32, #tpu.memory_space<vmem_shared>>) offsets(%dma_start3A_109 : memref<128xi32, #tpu.memory_space<vmem>>) semaphore(%arg24 : memref<!tpu.dma_semaphore, #tpu.memory_space<semaphore_mem>>) {add = true}
      %dma_wait3A_113 = arith.constant 256 : i32
      %dma_wait3A_114 = tpu.memref_slice %arg13[%dma_wait3A_113] : memref<512xi32, #tpu.memory_space<vmem>> -> memref<128xi32, #tpu.memory_space<vmem>>
      %dma_wait3A_115 = arith.constant 0 : i32
      %dma_wait3A_116 = arith.constant 0 : i32
      %dma_wait3A_117 = tpu.memref_slice %arg11[%dma_wait3A_115, %dma_wait3A_116] : memref<102400x32xf32, #tpu.memory_space<hbm>> -> memref<102400x32xf32, #tpu.memory_space<hbm>>
      tpu.wait_indirect_dma semaphore(%arg21 : memref<!tpu.dma_semaphore, #tpu.memory_space<semaphore_mem>>) src(%dma_wait3A_117 : memref<102400x32xf32, #tpu.memory_space<hbm>>) dst(%arg17 : memref<128x32xf32, #tpu.memory_space<vmem>>)
      %dma_start3A_118 = arith.constant 2 : i32
      %dma_start3A_119 = arith.constant 0 : i32
      %dma_start3A_120 = tpu.memref_slice %arg14[%dma_start3A_118, %dma_start3A_119] : memref<4x128xi32, #tpu.memory_space<vmem>> -> memref<1x128xi32, #tpu.memory_space<vmem>>
      %dma_start3A_121 = tpu.memref_squeeze %dma_start3A_120 : memref<1x128xi32, #tpu.memory_space<vmem>> -> memref<128xi32, #tpu.memory_space<vmem>>
      %dma_start3A_122 = arith.constant 0 : i32
      %dma_start3A_123 = arith.constant 0 : i32
      %dma_start3A_124 = tpu.memref_slice %arg12[%dma_start3A_122, %dma_start3A_123] : memref<51200x32xf32, #tpu.memory_space<vmem_shared>> -> memref<51200x32xf32, #tpu.memory_space<vmem_shared>>
      tpu.enqueue_indirect_dma source(%arg17 : memref<128x32xf32, #tpu.memory_space<vmem>>) target(%dma_start3A_124 : memref<51200x32xf32, #tpu.memory_space<vmem_shared>>) offsets(%dma_start3A_121 : memref<128xi32, #tpu.memory_space<vmem>>) semaphore(%arg25 : memref<!tpu.dma_semaphore, #tpu.memory_space<semaphore_mem>>) {add = true}
      %dma_wait3A_125 = arith.constant 384 : i32
      %dma_wait3A_126 = tpu.memref_slice %arg13[%dma_wait3A_125] : memref<512xi32, #tpu.memory_space<vmem>> -> memref<128xi32, #tpu.memory_space<vmem>>
      %dma_wait3A_127 = arith.constant 0 : i32
      %dma_wait3A_128 = arith.constant 0 : i32
      %dma_wait3A_129 = tpu.memref_slice %arg11[%dma_wait3A_127, %dma_wait3A_128] : memref<102400x32xf32, #tpu.memory_space<hbm>> -> memref<102400x32xf32, #tpu.memory_space<hbm>>
      tpu.wait_indirect_dma semaphore(%arg22 : memref<!tpu.dma_semaphore, #tpu.memory_space<semaphore_mem>>) src(%dma_wait3A_129 : memref<102400x32xf32, #tpu.memory_space<hbm>>) dst(%arg18 : memref<128x32xf32, #tpu.memory_space<vmem>>)
      %dma_start3A_130 = arith.constant 3 : i32
      %dma_start3A_131 = arith.constant 0 : i32
      %dma_start3A_132 = tpu.memref_slice %arg14[%dma_start3A_130, %dma_start3A_131] : memref<4x128xi32, #tpu.memory_space<vmem>> -> memref<1x128xi32, #tpu.memory_space<vmem>>
      %dma_start3A_133 = tpu.memref_squeeze %dma_start3A_132 : memref<1x128xi32, #tpu.memory_space<vmem>> -> memref<128xi32, #tpu.memory_space<vmem>>
      %dma_start3A_134 = arith.constant 0 : i32
      %dma_start3A_135 = arith.constant 0 : i32
      %dma_start3A_136 = tpu.memref_slice %arg12[%dma_start3A_134, %dma_start3A_135] : memref<51200x32xf32, #tpu.memory_space<vmem_shared>> -> memref<51200x32xf32, #tpu.memory_space<vmem_shared>>
      tpu.enqueue_indirect_dma source(%arg18 : memref<128x32xf32, #tpu.memory_space<vmem>>) target(%dma_start3A_136 : memref<51200x32xf32, #tpu.memory_space<vmem_shared>>) offsets(%dma_start3A_133 : memref<128xi32, #tpu.memory_space<vmem>>) semaphore(%arg26 : memref<!tpu.dma_semaphore, #tpu.memory_space<semaphore_mem>>) {add = true}
      %dma_wait3A_137 = arith.constant 0 : i32
      %dma_wait3A_138 = arith.constant 0 : i32
      %dma_wait3A_139 = tpu.memref_slice %arg14[%dma_wait3A_137, %dma_wait3A_138] : memref<4x128xi32, #tpu.memory_space<vmem>> -> memref<1x128xi32, #tpu.memory_space<vmem>>
      %dma_wait3A_140 = tpu.memref_squeeze %dma_wait3A_139 : memref<1x128xi32, #tpu.memory_space<vmem>> -> memref<128xi32, #tpu.memory_space<vmem>>
      %dma_wait3A_141 = arith.constant 0 : i32
      %dma_wait3A_142 = arith.constant 0 : i32
      %dma_wait3A_143 = tpu.memref_slice %arg12[%dma_wait3A_141, %dma_wait3A_142] : memref<51200x32xf32, #tpu.memory_space<vmem_shared>> -> memref<51200x32xf32, #tpu.memory_space<vmem_shared>>
      tpu.wait_indirect_dma semaphore(%arg23 : memref<!tpu.dma_semaphore, #tpu.memory_space<semaphore_mem>>) src(%arg15 : memref<128x32xf32, #tpu.memory_space<vmem>>) dst(%dma_wait3A_143 : memref<51200x32xf32, #tpu.memory_space<vmem_shared>>)
      %dma_wait3A_144 = arith.constant 1 : i32
      %dma_wait3A_145 = arith.constant 0 : i32
      %dma_wait3A_146 = tpu.memref_slice %arg14[%dma_wait3A_144, %dma_wait3A_145] : memref<4x128xi32, #tpu.memory_space<vmem>> -> memref<1x128xi32, #tpu.memory_space<vmem>>
      %dma_wait3A_147 = tpu.memref_squeeze %dma_wait3A_146 : memref<1x128xi32, #tpu.memory_space<vmem>> -> memref<128xi32, #tpu.memory_space<vmem>>
      %dma_wait3A_148 = arith.constant 0 : i32
      %dma_wait3A_149 = arith.constant 0 : i32
      %dma_wait3A_150 = tpu.memref_slice %arg12[%dma_wait3A_148, %dma_wait3A_149] : memref<51200x32xf32, #tpu.memory_space<vmem_shared>> -> memref<51200x32xf32, #tpu.memory_space<vmem_shared>>
      tpu.wait_indirect_dma semaphore(%arg24 : memref<!tpu.dma_semaphore, #tpu.memory_space<semaphore_mem>>) src(%arg16 : memref<128x32xf32, #tpu.memory_space<vmem>>) dst(%dma_wait3A_150 : memref<51200x32xf32, #tpu.memory_space<vmem_shared>>)
      %dma_wait3A_151 = arith.constant 2 : i32
      %dma_wait3A_152 = arith.constant 0 : i32
      %dma_wait3A_153 = tpu.memref_slice %arg14[%dma_wait3A_151, %dma_wait3A_152] : memref<4x128xi32, #tpu.memory_space<vmem>> -> memref<1x128xi32, #tpu.memory_space<vmem>>
      %dma_wait3A_154 = tpu.memref_squeeze %dma_wait3A_153 : memref<1x128xi32, #tpu.memory_space<vmem>> -> memref<128xi32, #tpu.memory_space<vmem>>
      %dma_wait3A_155 = arith.constant 0 : i32
      %dma_wait3A_156 = arith.constant 0 : i32
      %dma_wait3A_157 = tpu.memref_slice %arg12[%dma_wait3A_155, %dma_wait3A_156] : memref<51200x32xf32, #tpu.memory_space<vmem_shared>> -> memref<51200x32xf32, #tpu.memory_space<vmem_shared>>
      tpu.wait_indirect_dma semaphore(%arg25 : memref<!tpu.dma_semaphore, #tpu.memory_space<semaphore_mem>>) src(%arg17 : memref<128x32xf32, #tpu.memory_space<vmem>>) dst(%dma_wait3A_157 : memref<51200x32xf32, #tpu.memory_space<vmem_shared>>)
      %dma_wait3A_158 = arith.constant 3 : i32
      %dma_wait3A_159 = arith.constant 0 : i32
      %dma_wait3A_160 = tpu.memref_slice %arg14[%dma_wait3A_158, %dma_wait3A_159] : memref<4x128xi32, #tpu.memory_space<vmem>> -> memref<1x128xi32, #tpu.memory_space<vmem>>
      %dma_wait3A_161 = tpu.memref_squeeze %dma_wait3A_160 : memref<1x128xi32, #tpu.memory_space<vmem>> -> memref<128xi32, #tpu.memory_space<vmem>>
      %dma_wait3A_162 = arith.constant 0 : i32
      %dma_wait3A_163 = arith.constant 0 : i32
      %dma_wait3A_164 = tpu.memref_slice %arg12[%dma_wait3A_162, %dma_wait3A_163] : memref<51200x32xf32, #tpu.memory_space<vmem_shared>> -> memref<51200x32xf32, #tpu.memory_space<vmem_shared>>
      tpu.wait_indirect_dma semaphore(%arg26 : memref<!tpu.dma_semaphore, #tpu.memory_space<semaphore_mem>>) src(%arg18 : memref<128x32xf32, #tpu.memory_space<vmem>>) dst(%dma_wait3A_164 : memref<51200x32xf32, #tpu.memory_space<vmem_shared>>)
      %scan3A_165 = arith.constant 0 : i32
      scf.yield %scan3A_165 : i32
    }
    %scan3A_52 = arith.constant 98 : i32
    %barrier3A_53 = arith.constant 0 : index
    tpu.barrier barrier_id(%barrier3A_53)
    %scan3A_54 = arith.constant 0 : i32
    %scan3A_55 = arith.constant 0 : i32
    %scan3A_56 = arith.constant 25 : i32
    %scan3A_57 = arith.addi %scan3A_55, %scan3A_56 : i32
    %scan3A_58 = arith.constant 1 : i32
    %scan3A_59 = scf.for %scan3A_61 = %scan3A_55 to %scan3A_57 step %scan3A_58 iter_args(%scan3A_62 = %scan3A_54) -> (i32)  : i32 {
      %mul3A_63 = arith.constant 128 : i32
      %mul3A_64 = arith.muli %scan3A_61, %mul3A_63 : i32
      %add3A_65 = arith.addi %mul3A_0, %mul3A_64 : i32
      %dma_start3A = arith.constant 0 : i32
      %dma_start3A_66 = tpu.memref_slice %arg12[%add3A_65, %dma_start3A] : memref<51200x32xf32, #tpu.memory_space<vmem_shared>> -> memref<128x32xf32, #tpu.memory_space<vmem_shared>>
      %dma_start3A_67 = arith.constant 0 : i32
      %dma_start3A_68 = tpu.memref_slice %arg12[%add3A_65, %dma_start3A_67] : memref<51200x32xf32, #tpu.memory_space<vmem_shared>> -> memref<128x32xf32, #tpu.memory_space<vmem_shared>>
      tpu.enqueue_dma source(%dma_start3A_68 : memref<128x32xf32, #tpu.memory_space<vmem_shared>>) target(%arg15 : memref<128x32xf32, #tpu.memory_space<vmem>>) target_semaphore(%arg19 : memref<!tpu.dma_semaphore, #tpu.memory_space<semaphore_mem>>)
      %dma_wait3A = arith.constant 0 : i32
      %dma_wait3A_69 = tpu.memref_slice %arg12[%add3A_65, %dma_wait3A] : memref<51200x32xf32, #tpu.memory_space<vmem_shared>> -> memref<128x32xf32, #tpu.memory_space<vmem_shared>>
      %dma_wait3A_70 = arith.constant 0 : i32
      %dma_wait3A_71 = tpu.memref_slice %arg12[%add3A_65, %dma_wait3A_70] : memref<51200x32xf32, #tpu.memory_space<vmem_shared>> -> memref<128x32xf32, #tpu.memory_space<vmem_shared>>
      tpu.wait_dma2 semaphore(%arg19 : memref<!tpu.dma_semaphore, #tpu.memory_space<semaphore_mem>>) src(%dma_wait3A_71 : memref<128x32xf32, #tpu.memory_space<vmem_shared>>) dst(%arg15 : memref<128x32xf32, #tpu.memory_space<vmem>>)
      %dma_start3A_72 = arith.constant 0 : i32
      %dma_start3A_73 = tpu.memref_slice %arg7[%add3A_65, %dma_start3A_72] : memref<51200x32xf32, #tpu.memory_space<hbm>> -> memref<128x32xf32, #tpu.memory_space<hbm>>
      %dma_start3A_74 = arith.constant 0 : i32
      %dma_start3A_75 = tpu.memref_slice %arg7[%add3A_65, %dma_start3A_74] : memref<51200x32xf32, #tpu.memory_space<hbm>> -> memref<128x32xf32, #tpu.memory_space<hbm>>
      tpu.enqueue_dma source(%dma_start3A_75 : memref<128x32xf32, #tpu.memory_space<hbm>>) target(%arg16 : memref<128x32xf32, #tpu.memory_space<vmem>>) target_semaphore(%arg20 : memref<!tpu.dma_semaphore, #tpu.memory_space<semaphore_mem>>)
      %dma_wait3A_76 = arith.constant 0 : i32
      %dma_wait3A_77 = tpu.memref_slice %arg7[%add3A_65, %dma_wait3A_76] : memref<51200x32xf32, #tpu.memory_space<hbm>> -> memref<128x32xf32, #tpu.memory_space<hbm>>
      %dma_wait3A_78 = arith.constant 0 : i32
      %dma_wait3A_79 = tpu.memref_slice %arg7[%add3A_65, %dma_wait3A_78] : memref<51200x32xf32, #tpu.memory_space<hbm>> -> memref<128x32xf32, #tpu.memory_space<hbm>>
      tpu.wait_dma2 semaphore(%arg20 : memref<!tpu.dma_semaphore, #tpu.memory_space<semaphore_mem>>) src(%dma_wait3A_79 : memref<128x32xf32, #tpu.memory_space<hbm>>) dst(%arg16 : memref<128x32xf32, #tpu.memory_space<vmem>>)
      %scan3A_80 = arith.constant 0 : i32
      %scan3A_81 = arith.constant 0 : i32
      %scan3A_82 = arith.constant 128 : i32
      %scan3A_83 = arith.addi %scan3A_81, %scan3A_82 : i32
      %scan3A_84 = arith.constant 1 : i32
      %scan3A_85 = scf.for %scan3A_99 = %scan3A_81 to %scan3A_83 step %scan3A_84 iter_args(%scan3A_100 = %scan3A_80) -> (i32)  : i32 {
        %get3A = arith.index_cast %scan3A_99 : i32 to index
        %get3A_101 = arith.constant 0 : index
        %get3A_102 = tpu.vector_load %arg15[%get3A, %get3A_101] {strides = array<i32>} : memref<128x32xf32, #tpu.memory_space<vmem>>, vector<1x16xf32>,
        %get3A_103 = vector.shape_cast %get3A_102 : vector<1x16xf32> to vector<16xf32>
        %get3A_104 = arith.index_cast %scan3A_99 : i32 to index
        %get3A_105 = arith.constant 0 : index
        %get3A_106 = tpu.vector_load %arg16[%get3A_104, %get3A_105] {strides = array<i32>} : memref<128x32xf32, #tpu.memory_space<vmem>>, vector<1x16xf32>,
        %get3A_107 = vector.shape_cast %get3A_106 : vector<1x16xf32> to vector<16xf32>
        %mul3A_108 = arith.mulf %get3A_103, %get3A_107 : vector<16xf32>
        %swap3A = arith.index_cast %scan3A_99 : i32 to index
        %swap3A_109 = arith.constant 0 : index
        %swap3A_110 = tpu.vector_load %arg15[%swap3A, %swap3A_109] {strides = array<i32>} : memref<128x32xf32, #tpu.memory_space<vmem>>, vector<1x16xf32>,
        %swap3A_111 = vector.shape_cast %swap3A_110 : vector<1x16xf32> to vector<16xf32>
        %swap3A_112 = vector.shape_cast %mul3A_108 : vector<16xf32> to vector<1x16xf32>
        tpu.vector_store %arg15[%swap3A, %swap3A_109], %swap3A_112 {strides = array<i32>} : memref<128x32xf32, #tpu.memory_space<vmem>>, vector<1x16xf32>,
        %get3A_113 = arith.index_cast %scan3A_99 : i32 to index
        %get3A_114 = arith.constant 16 : index
        %get3A_115 = tpu.vector_load %arg15[%get3A_113, %get3A_114] {strides = array<i32>} : memref<128x32xf32, #tpu.memory_space<vmem>>, vector<1x16xf32>,
        %get3A_116 = vector.shape_cast %get3A_115 : vector<1x16xf32> to vector<16xf32>
        %get3A_117 = arith.index_cast %scan3A_99 : i32 to index
        %get3A_118 = arith.constant 16 : index
        %get3A_119 = tpu.vector_load %arg16[%get3A_117, %get3A_118] {strides = array<i32>} : memref<128x32xf32, #tpu.memory_space<vmem>>, vector<1x16xf32>,
        %get3A_120 = vector.shape_cast %get3A_119 : vector<1x16xf32> to vector<16xf32>
        %mul3A_121 = arith.mulf %get3A_116, %get3A_120 : vector<16xf32>
        %swap3A_122 = arith.index_cast %scan3A_99 : i32 to index
        %swap3A_123 = arith.constant 16 : index
        %swap3A_124 = tpu.vector_load %arg15[%swap3A_122, %swap3A_123] {strides = array<i32>} : memref<128x32xf32, #tpu.memory_space<vmem>>, vector<1x16xf32>,
        %swap3A_125 = vector.shape_cast %swap3A_124 : vector<1x16xf32> to vector<16xf32>
        %swap3A_126 = vector.shape_cast %mul3A_121 : vector<16xf32> to vector<1x16xf32>
        tpu.vector_store %arg15[%swap3A_122, %swap3A_123], %swap3A_126 {strides = array<i32>} : memref<128x32xf32, #tpu.memory_space<vmem>>, vector<1x16xf32>,
        %scan3A_127 = arith.constant 0 : i32
        scf.yield %scan3A_127 : i32
      }
      %scan3A_86 = arith.constant 128 : i32
      %mul3A_87 = arith.constant 51200 : i32
      %mul3A_88 = arith.muli %arg0, %mul3A_87 : i32
      %add3A_89 = arith.addi %mul3A_88, %add3A_65 : i32
      %dma_start3A_90 = arith.constant 0 : i32
      %dma_start3A_91 = tpu.memref_slice %arg10[%add3A_89, %dma_start3A_90] : memref<102400x32xf32, #tpu.memory_space<hbm>> -> memref<128x32xf32, #tpu.memory_space<hbm>>
      %dma_start3A_92 = arith.constant 0 : i32
      %dma_start3A_93 = tpu.memref_slice %arg10[%add3A_89, %dma_start3A_92] : memref<102400x32xf32, #tpu.memory_space<hbm>> -> memref<128x32xf32, #tpu.memory_space<hbm>>
      tpu.enqueue_dma source(%arg15 : memref<128x32xf32, #tpu.memory_space<vmem>>) target(%dma_start3A_93 : memref<128x32xf32, #tpu.memory_space<hbm>>) target_semaphore(%arg23 : memref<!tpu.dma_semaphore, #tpu.memory_space<semaphore_mem>>)
      %dma_wait3A_94 = arith.constant 0 : i32
      %dma_wait3A_95 = tpu.memref_slice %arg10[%add3A_89, %dma_wait3A_94] : memref<102400x32xf32, #tpu.memory_space<hbm>> -> memref<128x32xf32, #tpu.memory_space<hbm>>
      %dma_wait3A_96 = arith.constant 0 : i32
      %dma_wait3A_97 = tpu.memref_slice %arg10[%add3A_89, %dma_wait3A_96] : memref<102400x32xf32, #tpu.memory_space<hbm>> -> memref<128x32xf32, #tpu.memory_space<hbm>>
      tpu.wait_dma2 semaphore(%arg23 : memref<!tpu.dma_semaphore, #tpu.memory_space<semaphore_mem>>) src(%arg15 : memref<128x32xf32, #tpu.memory_space<vmem>>) dst(%dma_wait3A_97 : memref<128x32xf32, #tpu.memory_space<hbm>>)
      %scan3A_98 = arith.constant 0 : i32
      scf.yield %scan3A_98 : i32
    }
    %scan3A_60 = arith.constant 25 : i32
    return
  }
}

#map = affine_map<(d0, d1) -> (0, 0)>
#map1 = affine_map<(d0, d1) -> (0)>
module attributes {stable_mosaic.version = 14 : i64} {
  func.func @hops(%arg0: i32, %arg1: i32, %arg2: memref<102400x32xf32, #tpu.memory_space<hbm>>, %arg3: memref<102400x32xf32, #tpu.memory_space<hbm>>, %arg4: memref<102400x32xf32, #tpu.memory_space<hbm>>, %arg5: memref<51200x32xf32, #tpu.memory_space<hbm>>, %arg6: memref<51200x32xf32, #tpu.memory_space<hbm>>, %arg7: memref<51200x32xf32, #tpu.memory_space<hbm>>, %arg8: memref<1605632xi32, #tpu.memory_space<hbm>>, %arg9: memref<6272x128xi32, #tpu.memory_space<hbm>>, %arg10: memref<102400x32xf32, #tpu.memory_space<hbm>>, %arg11: memref<102400x32xf32, #tpu.memory_space<hbm>>, %arg12: memref<51200x32xf32, #tpu.memory_space<vmem_shared>>, %arg13: memref<512xi32, #tpu.memory_space<vmem>>, %arg14: memref<4x128xi32, #tpu.memory_space<vmem>>, %arg15: memref<128x32xf32, #tpu.memory_space<vmem>>, %arg16: memref<128x32xf32, #tpu.memory_space<vmem>>, %arg17: memref<128x32xf32, #tpu.memory_space<vmem>>, %arg18: memref<128x32xf32, #tpu.memory_space<vmem>>, %arg19: memref<!tpu.dma_semaphore, #tpu.memory_space<semaphore_mem>>, %arg20: memref<!tpu.dma_semaphore, #tpu.memory_space<semaphore_mem>>, %arg21: memref<!tpu.dma_semaphore, #tpu.memory_space<semaphore_mem>>, %arg22: memref<!tpu.dma_semaphore, #tpu.memory_space<semaphore_mem>>, %arg23: memref<!tpu.dma_semaphore, #tpu.memory_space<semaphore_mem>>, %arg24: memref<!tpu.dma_semaphore, #tpu.memory_space<semaphore_mem>>, %arg25: memref<!tpu.dma_semaphore, #tpu.memory_space<semaphore_mem>>, %arg26: memref<!tpu.dma_semaphore, #tpu.memory_space<semaphore_mem>>, %arg27: memref<!tpu.dma_semaphore, #tpu.memory_space<semaphore_mem>>) attributes {dimension_semantics = [#tpu.dimension_semantics<core_parallel>, #tpu.dimension_semantics<subcore_parallel>], iteration_bounds = array<i64: 2, 16>, scalar_prefetch = 0 : i64, scratch_operands = 16 : i64, tpu.core_type = #tpu.core_type<sc_vector_subcore>, window_params = [{transform_indices = #map}, {transform_indices = #map}, {transform_indices = #map}, {transform_indices = #map}, {transform_indices = #map}, {transform_indices = #map}, {transform_indices = #map1}, {transform_indices = #map}, {transform_indices = #map}, {transform_indices = #map}]} {
    %mul3A = arith.constant 3200 : i32
    %mul3A_0 = arith.muli %arg1, %mul3A : i32
    %mul3A_1 = arith.constant 802816 : i32
    %mul3A_2 = arith.muli %arg0, %mul3A_1 : i32
    %mul3A_3 = arith.constant 50176 : i32
    %mul3A_4 = arith.muli %arg1, %mul3A_3 : i32
    %add3A = arith.addi %mul3A_2, %mul3A_4 : i32
    %scan3A = arith.constant 0 : i32
    %scan3A_5 = arith.constant 0 : i32
    %scan3A_6 = arith.constant 25 : i32
    %scan3A_7 = arith.addi %scan3A_5, %scan3A_6 : i32
    %scan3A_8 = arith.constant 1 : i32
    %scan3A_9 = scf.for %scan3A_61 = %scan3A_5 to %scan3A_7 step %scan3A_8 iter_args(%scan3A_62 = %scan3A) -> (i32)  : i32 {
      %mul3A_63 = arith.constant 128 : i32
      %mul3A_64 = arith.muli %scan3A_61, %mul3A_63 : i32
      %add3A_65 = arith.addi %mul3A_0, %mul3A_64 : i32
      %mul3A_66 = arith.constant 51200 : i32
      %mul3A_67 = arith.muli %arg0, %mul3A_66 : i32
      %add3A_68 = arith.addi %mul3A_67, %add3A_65 : i32
      %dma_start3A = arith.constant 0 : i32
      %dma_start3A_69 = tpu.memref_slice %arg3[%add3A_68, %dma_start3A] : memref<102400x32xf32, #tpu.memory_space<hbm>> -> memref<128x32xf32, #tpu.memory_space<hbm>>
      %dma_start3A_70 = arith.constant 0 : i32
      %dma_start3A_71 = tpu.memref_slice %arg3[%add3A_68, %dma_start3A_70] : memref<102400x32xf32, #tpu.memory_space<hbm>> -> memref<128x32xf32, #tpu.memory_space<hbm>>
      tpu.enqueue_dma source(%dma_start3A_71 : memref<128x32xf32, #tpu.memory_space<hbm>>) target(%arg17 : memref<128x32xf32, #tpu.memory_space<vmem>>) target_semaphore(%arg27 : memref<!tpu.dma_semaphore, #tpu.memory_space<semaphore_mem>>)
      %dma_wait3A = arith.constant 0 : i32
      %dma_wait3A_72 = tpu.memref_slice %arg3[%add3A_68, %dma_wait3A] : memref<102400x32xf32, #tpu.memory_space<hbm>> -> memref<128x32xf32, #tpu.memory_space<hbm>>
      %dma_wait3A_73 = arith.constant 0 : i32
      %dma_wait3A_74 = tpu.memref_slice %arg3[%add3A_68, %dma_wait3A_73] : memref<102400x32xf32, #tpu.memory_space<hbm>> -> memref<128x32xf32, #tpu.memory_space<hbm>>
      tpu.wait_dma2 semaphore(%arg27 : memref<!tpu.dma_semaphore, #tpu.memory_space<semaphore_mem>>) src(%dma_wait3A_74 : memref<128x32xf32, #tpu.memory_space<hbm>>) dst(%arg17 : memref<128x32xf32, #tpu.memory_space<vmem>>)
      "tpu.region"() ({
        %run_scoped3A = tpu.sem_alloc : memref<!tpu.dma_semaphore, #tpu.memory_space<semaphore_mem>>
        %dma_start3A_76 = arith.constant 0 : i32
        %dma_start3A_77 = tpu.memref_slice %arg12[%add3A_65, %dma_start3A_76] : memref<51200x32xf32, #tpu.memory_space<vmem_shared>> -> memref<128x32xf32, #tpu.memory_space<vmem_shared>>
        %dma_start3A_78 = arith.constant 0 : i32
        %dma_start3A_79 = tpu.memref_slice %arg12[%add3A_65, %dma_start3A_78] : memref<51200x32xf32, #tpu.memory_space<vmem_shared>> -> memref<128x32xf32, #tpu.memory_space<vmem_shared>>
        tpu.enqueue_dma source(%arg17 : memref<128x32xf32, #tpu.memory_space<vmem>>) target(%dma_start3A_79 : memref<128x32xf32, #tpu.memory_space<vmem_shared>>) target_semaphore(%run_scoped3A : memref<!tpu.dma_semaphore, #tpu.memory_space<semaphore_mem>>)
        %dma_wait3A_80 = arith.constant 0 : i32
        %dma_wait3A_81 = tpu.memref_slice %arg12[%add3A_65, %dma_wait3A_80] : memref<51200x32xf32, #tpu.memory_space<vmem_shared>> -> memref<128x32xf32, #tpu.memory_space<vmem_shared>>
        %dma_wait3A_82 = arith.constant 0 : i32
        %dma_wait3A_83 = tpu.memref_slice %arg12[%add3A_65, %dma_wait3A_82] : memref<51200x32xf32, #tpu.memory_space<vmem_shared>> -> memref<128x32xf32, #tpu.memory_space<vmem_shared>>
        tpu.wait_dma2 semaphore(%run_scoped3A : memref<!tpu.dma_semaphore, #tpu.memory_space<semaphore_mem>>) src(%arg17 : memref<128x32xf32, #tpu.memory_space<vmem>>) dst(%dma_wait3A_83 : memref<128x32xf32, #tpu.memory_space<vmem_shared>>)
        tpu.yield
      }) : () -> ()
      %scan3A_75 = arith.constant 0 : i32
      scf.yield %scan3A_75 : i32
    }
    %scan3A_10 = arith.constant 25 : i32
    %barrier3A = arith.constant 0 : index
    tpu.barrier barrier_id(%barrier3A)
    %scan3A_11 = arith.constant 0 : i32
    %scan3A_12 = arith.constant 0 : i32
    %scan3A_13 = arith.constant 98 : i32
    %scan3A_14 = arith.addi %scan3A_12, %scan3A_13 : i32
    %scan3A_15 = arith.constant 1 : i32
    %scan3A_16 = scf.for %scan3A_61 = %scan3A_12 to %scan3A_14 step %scan3A_15 iter_args(%scan3A_62 = %scan3A_11) -> (i32)  : i32 {
      %mul3A_63 = arith.constant 512 : i32
      %mul3A_64 = arith.muli %scan3A_61, %mul3A_63 : i32
      %add3A_65 = arith.addi %add3A, %mul3A_64 : i32
      "tpu.region"() ({
        %run_scoped3A = tpu.sem_alloc : memref<!tpu.dma_semaphore, #tpu.memory_space<semaphore_mem>>
        %dma_start3A_166 = tpu.memref_slice %arg8[%add3A_65] : memref<1605632xi32, #tpu.memory_space<hbm>> -> memref<512xi32, #tpu.memory_space<hbm>>
        %dma_start3A_167 = tpu.memref_slice %arg8[%add3A_65] : memref<1605632xi32, #tpu.memory_space<hbm>> -> memref<512xi32, #tpu.memory_space<hbm>>
        tpu.enqueue_dma source(%dma_start3A_167 : memref<512xi32, #tpu.memory_space<hbm>>) target(%arg13 : memref<512xi32, #tpu.memory_space<vmem>>) target_semaphore(%run_scoped3A : memref<!tpu.dma_semaphore, #tpu.memory_space<semaphore_mem>>)
        %dma_wait3A_168 = tpu.memref_slice %arg8[%add3A_65] : memref<1605632xi32, #tpu.memory_space<hbm>> -> memref<512xi32, #tpu.memory_space<hbm>>
        %dma_wait3A_169 = tpu.memref_slice %arg8[%add3A_65] : memref<1605632xi32, #tpu.memory_space<hbm>> -> memref<512xi32, #tpu.memory_space<hbm>>
        tpu.wait_dma2 semaphore(%run_scoped3A : memref<!tpu.dma_semaphore, #tpu.memory_space<semaphore_mem>>) src(%dma_wait3A_169 : memref<512xi32, #tpu.memory_space<hbm>>) dst(%arg13 : memref<512xi32, #tpu.memory_space<vmem>>)
        tpu.yield
      }) : () -> ()
      %mul3A_66 = arith.constant 392 : i32
      %mul3A_67 = arith.muli %arg1, %mul3A_66 : i32
      %mul3A_68 = arith.constant 4 : i32
      %mul3A_69 = arith.muli %scan3A_61, %mul3A_68 : i32
      %add3A_70 = arith.addi %mul3A_67, %mul3A_69 : i32
      "tpu.region"() ({
        %run_scoped3A = tpu.sem_alloc : memref<!tpu.dma_semaphore, #tpu.memory_space<semaphore_mem>>
        %dma_start3A_166 = arith.constant 0 : i32
        %dma_start3A_167 = tpu.memref_slice %arg9[%add3A_70, %dma_start3A_166] : memref<6272x128xi32, #tpu.memory_space<hbm>> -> memref<4x128xi32, #tpu.memory_space<hbm>>
        %dma_start3A_168 = arith.constant 0 : i32
        %dma_start3A_169 = tpu.memref_slice %arg9[%add3A_70, %dma_start3A_168] : memref<6272x128xi32, #tpu.memory_space<hbm>> -> memref<4x128xi32, #tpu.memory_space<hbm>>
        tpu.enqueue_dma source(%dma_start3A_169 : memref<4x128xi32, #tpu.memory_space<hbm>>) target(%arg14 : memref<4x128xi32, #tpu.memory_space<vmem>>) target_semaphore(%run_scoped3A : memref<!tpu.dma_semaphore, #tpu.memory_space<semaphore_mem>>)
        %dma_wait3A_170 = arith.constant 0 : i32
        %dma_wait3A_171 = tpu.memref_slice %arg9[%add3A_70, %dma_wait3A_170] : memref<6272x128xi32, #tpu.memory_space<hbm>> -> memref<4x128xi32, #tpu.memory_space<hbm>>
        %dma_wait3A_172 = arith.constant 0 : i32
        %dma_wait3A_173 = tpu.memref_slice %arg9[%add3A_70, %dma_wait3A_172] : memref<6272x128xi32, #tpu.memory_space<hbm>> -> memref<4x128xi32, #tpu.memory_space<hbm>>
        tpu.wait_dma2 semaphore(%run_scoped3A : memref<!tpu.dma_semaphore, #tpu.memory_space<semaphore_mem>>) src(%dma_wait3A_173 : memref<4x128xi32, #tpu.memory_space<hbm>>) dst(%arg14 : memref<4x128xi32, #tpu.memory_space<vmem>>)
        tpu.yield
      }) : () -> ()
      %dma_start3A = arith.constant 0 : i32
      %dma_start3A_71 = tpu.memref_slice %arg13[%dma_start3A] : memref<512xi32, #tpu.memory_space<vmem>> -> memref<128xi32, #tpu.memory_space<vmem>>
      %dma_start3A_72 = arith.constant 0 : i32
      %dma_start3A_73 = arith.constant 0 : i32
      %dma_start3A_74 = tpu.memref_slice %arg2[%dma_start3A_72, %dma_start3A_73] : memref<102400x32xf32, #tpu.memory_space<hbm>> -> memref<102400x32xf32, #tpu.memory_space<hbm>>
      tpu.enqueue_indirect_dma source(%dma_start3A_74 : memref<102400x32xf32, #tpu.memory_space<hbm>>) target(%arg15 : memref<128x32xf32, #tpu.memory_space<vmem>>) offsets(%dma_start3A_71 : memref<128xi32, #tpu.memory_space<vmem>>) semaphore(%arg19 : memref<!tpu.dma_semaphore, #tpu.memory_space<semaphore_mem>>)
      %dma_start3A_75 = arith.constant 128 : i32
      %dma_start3A_76 = tpu.memref_slice %arg13[%dma_start3A_75] : memref<512xi32, #tpu.memory_space<vmem>> -> memref<128xi32, #tpu.memory_space<vmem>>
      %dma_start3A_77 = arith.constant 0 : i32
      %dma_start3A_78 = arith.constant 0 : i32
      %dma_start3A_79 = tpu.memref_slice %arg2[%dma_start3A_77, %dma_start3A_78] : memref<102400x32xf32, #tpu.memory_space<hbm>> -> memref<102400x32xf32, #tpu.memory_space<hbm>>
      tpu.enqueue_indirect_dma source(%dma_start3A_79 : memref<102400x32xf32, #tpu.memory_space<hbm>>) target(%arg16 : memref<128x32xf32, #tpu.memory_space<vmem>>) offsets(%dma_start3A_76 : memref<128xi32, #tpu.memory_space<vmem>>) semaphore(%arg20 : memref<!tpu.dma_semaphore, #tpu.memory_space<semaphore_mem>>)
      %dma_start3A_80 = arith.constant 256 : i32
      %dma_start3A_81 = tpu.memref_slice %arg13[%dma_start3A_80] : memref<512xi32, #tpu.memory_space<vmem>> -> memref<128xi32, #tpu.memory_space<vmem>>
      %dma_start3A_82 = arith.constant 0 : i32
      %dma_start3A_83 = arith.constant 0 : i32
      %dma_start3A_84 = tpu.memref_slice %arg2[%dma_start3A_82, %dma_start3A_83] : memref<102400x32xf32, #tpu.memory_space<hbm>> -> memref<102400x32xf32, #tpu.memory_space<hbm>>
      tpu.enqueue_indirect_dma source(%dma_start3A_84 : memref<102400x32xf32, #tpu.memory_space<hbm>>) target(%arg17 : memref<128x32xf32, #tpu.memory_space<vmem>>) offsets(%dma_start3A_81 : memref<128xi32, #tpu.memory_space<vmem>>) semaphore(%arg21 : memref<!tpu.dma_semaphore, #tpu.memory_space<semaphore_mem>>)
      %dma_start3A_85 = arith.constant 384 : i32
      %dma_start3A_86 = tpu.memref_slice %arg13[%dma_start3A_85] : memref<512xi32, #tpu.memory_space<vmem>> -> memref<128xi32, #tpu.memory_space<vmem>>
      %dma_start3A_87 = arith.constant 0 : i32
      %dma_start3A_88 = arith.constant 0 : i32
      %dma_start3A_89 = tpu.memref_slice %arg2[%dma_start3A_87, %dma_start3A_88] : memref<102400x32xf32, #tpu.memory_space<hbm>> -> memref<102400x32xf32, #tpu.memory_space<hbm>>
      tpu.enqueue_indirect_dma source(%dma_start3A_89 : memref<102400x32xf32, #tpu.memory_space<hbm>>) target(%arg18 : memref<128x32xf32, #tpu.memory_space<vmem>>) offsets(%dma_start3A_86 : memref<128xi32, #tpu.memory_space<vmem>>) semaphore(%arg22 : memref<!tpu.dma_semaphore, #tpu.memory_space<semaphore_mem>>)
      %dma_wait3A = arith.constant 0 : i32
      %dma_wait3A_90 = tpu.memref_slice %arg13[%dma_wait3A] : memref<512xi32, #tpu.memory_space<vmem>> -> memref<128xi32, #tpu.memory_space<vmem>>
      %dma_wait3A_91 = arith.constant 0 : i32
      %dma_wait3A_92 = arith.constant 0 : i32
      %dma_wait3A_93 = tpu.memref_slice %arg2[%dma_wait3A_91, %dma_wait3A_92] : memref<102400x32xf32, #tpu.memory_space<hbm>> -> memref<102400x32xf32, #tpu.memory_space<hbm>>
      tpu.wait_indirect_dma semaphore(%arg19 : memref<!tpu.dma_semaphore, #tpu.memory_space<semaphore_mem>>) src(%dma_wait3A_93 : memref<102400x32xf32, #tpu.memory_space<hbm>>) dst(%arg15 : memref<128x32xf32, #tpu.memory_space<vmem>>)
      %dma_start3A_94 = arith.constant 0 : i32
      %dma_start3A_95 = arith.constant 0 : i32
      %dma_start3A_96 = tpu.memref_slice %arg14[%dma_start3A_94, %dma_start3A_95] : memref<4x128xi32, #tpu.memory_space<vmem>> -> memref<1x128xi32, #tpu.memory_space<vmem>>
      %dma_start3A_97 = tpu.memref_squeeze %dma_start3A_96 : memref<1x128xi32, #tpu.memory_space<vmem>> -> memref<128xi32, #tpu.memory_space<vmem>>
      %dma_start3A_98 = arith.constant 0 : i32
      %dma_start3A_99 = arith.constant 0 : i32
      %dma_start3A_100 = tpu.memref_slice %arg12[%dma_start3A_98, %dma_start3A_99] : memref<51200x32xf32, #tpu.memory_space<vmem_shared>> -> memref<51200x32xf32, #tpu.memory_space<vmem_shared>>
      tpu.enqueue_indirect_dma source(%arg15 : memref<128x32xf32, #tpu.memory_space<vmem>>) target(%dma_start3A_100 : memref<51200x32xf32, #tpu.memory_space<vmem_shared>>) offsets(%dma_start3A_97 : memref<128xi32, #tpu.memory_space<vmem>>) semaphore(%arg23 : memref<!tpu.dma_semaphore, #tpu.memory_space<semaphore_mem>>) {add = true}
      %dma_wait3A_101 = arith.constant 128 : i32
      %dma_wait3A_102 = tpu.memref_slice %arg13[%dma_wait3A_101] : memref<512xi32, #tpu.memory_space<vmem>> -> memref<128xi32, #tpu.memory_space<vmem>>
      %dma_wait3A_103 = arith.constant 0 : i32
      %dma_wait3A_104 = arith.constant 0 : i32
      %dma_wait3A_105 = tpu.memref_slice %arg2[%dma_wait3A_103, %dma_wait3A_104] : memref<102400x32xf32, #tpu.memory_space<hbm>> -> memref<102400x32xf32, #tpu.memory_space<hbm>>
      tpu.wait_indirect_dma semaphore(%arg20 : memref<!tpu.dma_semaphore, #tpu.memory_space<semaphore_mem>>) src(%dma_wait3A_105 : memref<102400x32xf32, #tpu.memory_space<hbm>>) dst(%arg16 : memref<128x32xf32, #tpu.memory_space<vmem>>)
      %dma_start3A_106 = arith.constant 1 : i32
      %dma_start3A_107 = arith.constant 0 : i32
      %dma_start3A_108 = tpu.memref_slice %arg14[%dma_start3A_106, %dma_start3A_107] : memref<4x128xi32, #tpu.memory_space<vmem>> -> memref<1x128xi32, #tpu.memory_space<vmem>>
      %dma_start3A_109 = tpu.memref_squeeze %dma_start3A_108 : memref<1x128xi32, #tpu.memory_space<vmem>> -> memref<128xi32, #tpu.memory_space<vmem>>
      %dma_start3A_110 = arith.constant 0 : i32
      %dma_start3A_111 = arith.constant 0 : i32
      %dma_start3A_112 = tpu.memref_slice %arg12[%dma_start3A_110, %dma_start3A_111] : memref<51200x32xf32, #tpu.memory_space<vmem_shared>> -> memref<51200x32xf32, #tpu.memory_space<vmem_shared>>
      tpu.enqueue_indirect_dma source(%arg16 : memref<128x32xf32, #tpu.memory_space<vmem>>) target(%dma_start3A_112 : memref<51200x32xf32, #tpu.memory_space<vmem_shared>>) offsets(%dma_start3A_109 : memref<128xi32, #tpu.memory_space<vmem>>) semaphore(%arg24 : memref<!tpu.dma_semaphore, #tpu.memory_space<semaphore_mem>>) {add = true}
      %dma_wait3A_113 = arith.constant 256 : i32
      %dma_wait3A_114 = tpu.memref_slice %arg13[%dma_wait3A_113] : memref<512xi32, #tpu.memory_space<vmem>> -> memref<128xi32, #tpu.memory_space<vmem>>
      %dma_wait3A_115 = arith.constant 0 : i32
      %dma_wait3A_116 = arith.constant 0 : i32
      %dma_wait3A_117 = tpu.memref_slice %arg2[%dma_wait3A_115, %dma_wait3A_116] : memref<102400x32xf32, #tpu.memory_space<hbm>> -> memref<102400x32xf32, #tpu.memory_space<hbm>>
      tpu.wait_indirect_dma semaphore(%arg21 : memref<!tpu.dma_semaphore, #tpu.memory_space<semaphore_mem>>) src(%dma_wait3A_117 : memref<102400x32xf32, #tpu.memory_space<hbm>>) dst(%arg17 : memref<128x32xf32, #tpu.memory_space<vmem>>)
      %dma_start3A_118 = arith.constant 2 : i32
      %dma_start3A_119 = arith.constant 0 : i32
      %dma_start3A_120 = tpu.memref_slice %arg14[%dma_start3A_118, %dma_start3A_119] : memref<4x128xi32, #tpu.memory_space<vmem>> -> memref<1x128xi32, #tpu.memory_space<vmem>>
      %dma_start3A_121 = tpu.memref_squeeze %dma_start3A_120 : memref<1x128xi32, #tpu.memory_space<vmem>> -> memref<128xi32, #tpu.memory_space<vmem>>
      %dma_start3A_122 = arith.constant 0 : i32
      %dma_start3A_123 = arith.constant 0 : i32
      %dma_start3A_124 = tpu.memref_slice %arg12[%dma_start3A_122, %dma_start3A_123] : memref<51200x32xf32, #tpu.memory_space<vmem_shared>> -> memref<51200x32xf32, #tpu.memory_space<vmem_shared>>
      tpu.enqueue_indirect_dma source(%arg17 : memref<128x32xf32, #tpu.memory_space<vmem>>) target(%dma_start3A_124 : memref<51200x32xf32, #tpu.memory_space<vmem_shared>>) offsets(%dma_start3A_121 : memref<128xi32, #tpu.memory_space<vmem>>) semaphore(%arg25 : memref<!tpu.dma_semaphore, #tpu.memory_space<semaphore_mem>>) {add = true}
      %dma_wait3A_125 = arith.constant 384 : i32
      %dma_wait3A_126 = tpu.memref_slice %arg13[%dma_wait3A_125] : memref<512xi32, #tpu.memory_space<vmem>> -> memref<128xi32, #tpu.memory_space<vmem>>
      %dma_wait3A_127 = arith.constant 0 : i32
      %dma_wait3A_128 = arith.constant 0 : i32
      %dma_wait3A_129 = tpu.memref_slice %arg2[%dma_wait3A_127, %dma_wait3A_128] : memref<102400x32xf32, #tpu.memory_space<hbm>> -> memref<102400x32xf32, #tpu.memory_space<hbm>>
      tpu.wait_indirect_dma semaphore(%arg22 : memref<!tpu.dma_semaphore, #tpu.memory_space<semaphore_mem>>) src(%dma_wait3A_129 : memref<102400x32xf32, #tpu.memory_space<hbm>>) dst(%arg18 : memref<128x32xf32, #tpu.memory_space<vmem>>)
      %dma_start3A_130 = arith.constant 3 : i32
      %dma_start3A_131 = arith.constant 0 : i32
      %dma_start3A_132 = tpu.memref_slice %arg14[%dma_start3A_130, %dma_start3A_131] : memref<4x128xi32, #tpu.memory_space<vmem>> -> memref<1x128xi32, #tpu.memory_space<vmem>>
      %dma_start3A_133 = tpu.memref_squeeze %dma_start3A_132 : memref<1x128xi32, #tpu.memory_space<vmem>> -> memref<128xi32, #tpu.memory_space<vmem>>
      %dma_start3A_134 = arith.constant 0 : i32
      %dma_start3A_135 = arith.constant 0 : i32
      %dma_start3A_136 = tpu.memref_slice %arg12[%dma_start3A_134, %dma_start3A_135] : memref<51200x32xf32, #tpu.memory_space<vmem_shared>> -> memref<51200x32xf32, #tpu.memory_space<vmem_shared>>
      tpu.enqueue_indirect_dma source(%arg18 : memref<128x32xf32, #tpu.memory_space<vmem>>) target(%dma_start3A_136 : memref<51200x32xf32, #tpu.memory_space<vmem_shared>>) offsets(%dma_start3A_133 : memref<128xi32, #tpu.memory_space<vmem>>) semaphore(%arg26 : memref<!tpu.dma_semaphore, #tpu.memory_space<semaphore_mem>>) {add = true}
      %dma_wait3A_137 = arith.constant 0 : i32
      %dma_wait3A_138 = arith.constant 0 : i32
      %dma_wait3A_139 = tpu.memref_slice %arg14[%dma_wait3A_137, %dma_wait3A_138] : memref<4x128xi32, #tpu.memory_space<vmem>> -> memref<1x128xi32, #tpu.memory_space<vmem>>
      %dma_wait3A_140 = tpu.memref_squeeze %dma_wait3A_139 : memref<1x128xi32, #tpu.memory_space<vmem>> -> memref<128xi32, #tpu.memory_space<vmem>>
      %dma_wait3A_141 = arith.constant 0 : i32
      %dma_wait3A_142 = arith.constant 0 : i32
      %dma_wait3A_143 = tpu.memref_slice %arg12[%dma_wait3A_141, %dma_wait3A_142] : memref<51200x32xf32, #tpu.memory_space<vmem_shared>> -> memref<51200x32xf32, #tpu.memory_space<vmem_shared>>
      tpu.wait_indirect_dma semaphore(%arg23 : memref<!tpu.dma_semaphore, #tpu.memory_space<semaphore_mem>>) src(%arg15 : memref<128x32xf32, #tpu.memory_space<vmem>>) dst(%dma_wait3A_143 : memref<51200x32xf32, #tpu.memory_space<vmem_shared>>)
      %dma_wait3A_144 = arith.constant 1 : i32
      %dma_wait3A_145 = arith.constant 0 : i32
      %dma_wait3A_146 = tpu.memref_slice %arg14[%dma_wait3A_144, %dma_wait3A_145] : memref<4x128xi32, #tpu.memory_space<vmem>> -> memref<1x128xi32, #tpu.memory_space<vmem>>
      %dma_wait3A_147 = tpu.memref_squeeze %dma_wait3A_146 : memref<1x128xi32, #tpu.memory_space<vmem>> -> memref<128xi32, #tpu.memory_space<vmem>>
      %dma_wait3A_148 = arith.constant 0 : i32
      %dma_wait3A_149 = arith.constant 0 : i32
      %dma_wait3A_150 = tpu.memref_slice %arg12[%dma_wait3A_148, %dma_wait3A_149] : memref<51200x32xf32, #tpu.memory_space<vmem_shared>> -> memref<51200x32xf32, #tpu.memory_space<vmem_shared>>
      tpu.wait_indirect_dma semaphore(%arg24 : memref<!tpu.dma_semaphore, #tpu.memory_space<semaphore_mem>>) src(%arg16 : memref<128x32xf32, #tpu.memory_space<vmem>>) dst(%dma_wait3A_150 : memref<51200x32xf32, #tpu.memory_space<vmem_shared>>)
      %dma_wait3A_151 = arith.constant 2 : i32
      %dma_wait3A_152 = arith.constant 0 : i32
      %dma_wait3A_153 = tpu.memref_slice %arg14[%dma_wait3A_151, %dma_wait3A_152] : memref<4x128xi32, #tpu.memory_space<vmem>> -> memref<1x128xi32, #tpu.memory_space<vmem>>
      %dma_wait3A_154 = tpu.memref_squeeze %dma_wait3A_153 : memref<1x128xi32, #tpu.memory_space<vmem>> -> memref<128xi32, #tpu.memory_space<vmem>>
      %dma_wait3A_155 = arith.constant 0 : i32
      %dma_wait3A_156 = arith.constant 0 : i32
      %dma_wait3A_157 = tpu.memref_slice %arg12[%dma_wait3A_155, %dma_wait3A_156] : memref<51200x32xf32, #tpu.memory_space<vmem_shared>> -> memref<51200x32xf32, #tpu.memory_space<vmem_shared>>
      tpu.wait_indirect_dma semaphore(%arg25 : memref<!tpu.dma_semaphore, #tpu.memory_space<semaphore_mem>>) src(%arg17 : memref<128x32xf32, #tpu.memory_space<vmem>>) dst(%dma_wait3A_157 : memref<51200x32xf32, #tpu.memory_space<vmem_shared>>)
      %dma_wait3A_158 = arith.constant 3 : i32
      %dma_wait3A_159 = arith.constant 0 : i32
      %dma_wait3A_160 = tpu.memref_slice %arg14[%dma_wait3A_158, %dma_wait3A_159] : memref<4x128xi32, #tpu.memory_space<vmem>> -> memref<1x128xi32, #tpu.memory_space<vmem>>
      %dma_wait3A_161 = tpu.memref_squeeze %dma_wait3A_160 : memref<1x128xi32, #tpu.memory_space<vmem>> -> memref<128xi32, #tpu.memory_space<vmem>>
      %dma_wait3A_162 = arith.constant 0 : i32
      %dma_wait3A_163 = arith.constant 0 : i32
      %dma_wait3A_164 = tpu.memref_slice %arg12[%dma_wait3A_162, %dma_wait3A_163] : memref<51200x32xf32, #tpu.memory_space<vmem_shared>> -> memref<51200x32xf32, #tpu.memory_space<vmem_shared>>
      tpu.wait_indirect_dma semaphore(%arg26 : memref<!tpu.dma_semaphore, #tpu.memory_space<semaphore_mem>>) src(%arg18 : memref<128x32xf32, #tpu.memory_space<vmem>>) dst(%dma_wait3A_164 : memref<51200x32xf32, #tpu.memory_space<vmem_shared>>)
      %scan3A_165 = arith.constant 0 : i32
      scf.yield %scan3A_165 : i32
    }
    %scan3A_17 = arith.constant 98 : i32
    %barrier3A_18 = arith.constant 0 : index
    tpu.barrier barrier_id(%barrier3A_18)
    %mul3A_19 = arith.constant 51200 : i32
    %mul3A_20 = arith.muli %arg0, %mul3A_19 : i32
    %add3A_21 = arith.addi %mul3A_20, %mul3A_0 : i32
    %scan3A_22 = arith.constant 0 : i32
    %scan3A_23 = arith.constant 0 : i32
    %scan3A_24 = arith.constant 25 : i32
    %scan3A_25 = arith.addi %scan3A_23, %scan3A_24 : i32
    %scan3A_26 = arith.constant 1 : i32
    %scan3A_27 = scf.for %scan3A_61 = %scan3A_23 to %scan3A_25 step %scan3A_26 iter_args(%scan3A_62 = %scan3A_22) -> (i32)  : i32 {
      %mul3A_63 = arith.constant 128 : i32
      %mul3A_64 = arith.muli %scan3A_61, %mul3A_63 : i32
      %add3A_65 = arith.addi %mul3A_0, %mul3A_64 : i32
      %dma_start3A = arith.constant 0 : i32
      %dma_start3A_66 = tpu.memref_slice %arg12[%add3A_65, %dma_start3A] : memref<51200x32xf32, #tpu.memory_space<vmem_shared>> -> memref<128x32xf32, #tpu.memory_space<vmem_shared>>
      %dma_start3A_67 = arith.constant 0 : i32
      %dma_start3A_68 = tpu.memref_slice %arg12[%add3A_65, %dma_start3A_67] : memref<51200x32xf32, #tpu.memory_space<vmem_shared>> -> memref<128x32xf32, #tpu.memory_space<vmem_shared>>
      tpu.enqueue_dma source(%dma_start3A_68 : memref<128x32xf32, #tpu.memory_space<vmem_shared>>) target(%arg15 : memref<128x32xf32, #tpu.memory_space<vmem>>) target_semaphore(%arg19 : memref<!tpu.dma_semaphore, #tpu.memory_space<semaphore_mem>>)
      %dma_wait3A = arith.constant 0 : i32
      %dma_wait3A_69 = tpu.memref_slice %arg12[%add3A_65, %dma_wait3A] : memref<51200x32xf32, #tpu.memory_space<vmem_shared>> -> memref<128x32xf32, #tpu.memory_space<vmem_shared>>
      %dma_wait3A_70 = arith.constant 0 : i32
      %dma_wait3A_71 = tpu.memref_slice %arg12[%add3A_65, %dma_wait3A_70] : memref<51200x32xf32, #tpu.memory_space<vmem_shared>> -> memref<128x32xf32, #tpu.memory_space<vmem_shared>>
      tpu.wait_dma2 semaphore(%arg19 : memref<!tpu.dma_semaphore, #tpu.memory_space<semaphore_mem>>) src(%dma_wait3A_71 : memref<128x32xf32, #tpu.memory_space<vmem_shared>>) dst(%arg15 : memref<128x32xf32, #tpu.memory_space<vmem>>)
      %dma_start3A_72 = arith.constant 0 : i32
      %dma_start3A_73 = tpu.memref_slice %arg6[%add3A_65, %dma_start3A_72] : memref<51200x32xf32, #tpu.memory_space<hbm>> -> memref<128x32xf32, #tpu.memory_space<hbm>>
      %dma_start3A_74 = arith.constant 0 : i32
      %dma_start3A_75 = tpu.memref_slice %arg6[%add3A_65, %dma_start3A_74] : memref<51200x32xf32, #tpu.memory_space<hbm>> -> memref<128x32xf32, #tpu.memory_space<hbm>>
      tpu.enqueue_dma source(%dma_start3A_75 : memref<128x32xf32, #tpu.memory_space<hbm>>) target(%arg16 : memref<128x32xf32, #tpu.memory_space<vmem>>) target_semaphore(%arg20 : memref<!tpu.dma_semaphore, #tpu.memory_space<semaphore_mem>>)
      %dma_wait3A_76 = arith.constant 0 : i32
      %dma_wait3A_77 = tpu.memref_slice %arg6[%add3A_65, %dma_wait3A_76] : memref<51200x32xf32, #tpu.memory_space<hbm>> -> memref<128x32xf32, #tpu.memory_space<hbm>>
      %dma_wait3A_78 = arith.constant 0 : i32
      %dma_wait3A_79 = tpu.memref_slice %arg6[%add3A_65, %dma_wait3A_78] : memref<51200x32xf32, #tpu.memory_space<hbm>> -> memref<128x32xf32, #tpu.memory_space<hbm>>
      tpu.wait_dma2 semaphore(%arg20 : memref<!tpu.dma_semaphore, #tpu.memory_space<semaphore_mem>>) src(%dma_wait3A_79 : memref<128x32xf32, #tpu.memory_space<hbm>>) dst(%arg16 : memref<128x32xf32, #tpu.memory_space<vmem>>)
      %scan3A_80 = arith.constant 0 : i32
      %scan3A_81 = arith.constant 0 : i32
      %scan3A_82 = arith.constant 128 : i32
      %scan3A_83 = arith.addi %scan3A_81, %scan3A_82 : i32
      %scan3A_84 = arith.constant 1 : i32
      %scan3A_85 = scf.for %scan3A_110 = %scan3A_81 to %scan3A_83 step %scan3A_84 iter_args(%scan3A_111 = %scan3A_80) -> (i32)  : i32 {
        %get3A = arith.index_cast %scan3A_110 : i32 to index
        %get3A_112 = arith.constant 0 : index
        %get3A_113 = tpu.vector_load %arg15[%get3A, %get3A_112] {strides = array<i32>} : memref<128x32xf32, #tpu.memory_space<vmem>>, vector<1x16xf32>,
        %get3A_114 = vector.shape_cast %get3A_113 : vector<1x16xf32> to vector<16xf32>
        %get3A_115 = arith.index_cast %scan3A_110 : i32 to index
        %get3A_116 = arith.constant 0 : index
        %get3A_117 = tpu.vector_load %arg16[%get3A_115, %get3A_116] {strides = array<i32>} : memref<128x32xf32, #tpu.memory_space<vmem>>, vector<1x16xf32>,
        %get3A_118 = vector.shape_cast %get3A_117 : vector<1x16xf32> to vector<16xf32>
        %mul3A_119 = arith.mulf %get3A_114, %get3A_118 : vector<16xf32>
        %swap3A = arith.index_cast %scan3A_110 : i32 to index
        %swap3A_120 = arith.constant 0 : index
        %swap3A_121 = tpu.vector_load %arg15[%swap3A, %swap3A_120] {strides = array<i32>} : memref<128x32xf32, #tpu.memory_space<vmem>>, vector<1x16xf32>,
        %swap3A_122 = vector.shape_cast %swap3A_121 : vector<1x16xf32> to vector<16xf32>
        %swap3A_123 = vector.shape_cast %mul3A_119 : vector<16xf32> to vector<1x16xf32>
        tpu.vector_store %arg15[%swap3A, %swap3A_120], %swap3A_123 {strides = array<i32>} : memref<128x32xf32, #tpu.memory_space<vmem>>, vector<1x16xf32>,
        %get3A_124 = arith.index_cast %scan3A_110 : i32 to index
        %get3A_125 = arith.constant 16 : index
        %get3A_126 = tpu.vector_load %arg15[%get3A_124, %get3A_125] {strides = array<i32>} : memref<128x32xf32, #tpu.memory_space<vmem>>, vector<1x16xf32>,
        %get3A_127 = vector.shape_cast %get3A_126 : vector<1x16xf32> to vector<16xf32>
        %get3A_128 = arith.index_cast %scan3A_110 : i32 to index
        %get3A_129 = arith.constant 16 : index
        %get3A_130 = tpu.vector_load %arg16[%get3A_128, %get3A_129] {strides = array<i32>} : memref<128x32xf32, #tpu.memory_space<vmem>>, vector<1x16xf32>,
        %get3A_131 = vector.shape_cast %get3A_130 : vector<1x16xf32> to vector<16xf32>
        %mul3A_132 = arith.mulf %get3A_127, %get3A_131 : vector<16xf32>
        %swap3A_133 = arith.index_cast %scan3A_110 : i32 to index
        %swap3A_134 = arith.constant 16 : index
        %swap3A_135 = tpu.vector_load %arg15[%swap3A_133, %swap3A_134] {strides = array<i32>} : memref<128x32xf32, #tpu.memory_space<vmem>>, vector<1x16xf32>,
        %swap3A_136 = vector.shape_cast %swap3A_135 : vector<1x16xf32> to vector<16xf32>
        %swap3A_137 = vector.shape_cast %mul3A_132 : vector<16xf32> to vector<1x16xf32>
        tpu.vector_store %arg15[%swap3A_133, %swap3A_134], %swap3A_137 {strides = array<i32>} : memref<128x32xf32, #tpu.memory_space<vmem>>, vector<1x16xf32>,
        %scan3A_138 = arith.constant 0 : i32
        scf.yield %scan3A_138 : i32
      }
      %scan3A_86 = arith.constant 128 : i32
      %mul3A_87 = arith.constant 51200 : i32
      %mul3A_88 = arith.muli %arg0, %mul3A_87 : i32
      %add3A_89 = arith.addi %mul3A_88, %add3A_65 : i32
      %dma_start3A_90 = arith.constant 0 : i32
      %dma_start3A_91 = tpu.memref_slice %arg11[%add3A_89, %dma_start3A_90] : memref<102400x32xf32, #tpu.memory_space<hbm>> -> memref<128x32xf32, #tpu.memory_space<hbm>>
      %dma_start3A_92 = arith.constant 0 : i32
      %dma_start3A_93 = tpu.memref_slice %arg11[%add3A_89, %dma_start3A_92] : memref<102400x32xf32, #tpu.memory_space<hbm>> -> memref<128x32xf32, #tpu.memory_space<hbm>>
      tpu.enqueue_dma source(%arg15 : memref<128x32xf32, #tpu.memory_space<vmem>>) target(%dma_start3A_93 : memref<128x32xf32, #tpu.memory_space<hbm>>) target_semaphore(%arg23 : memref<!tpu.dma_semaphore, #tpu.memory_space<semaphore_mem>>)
      %dma_wait3A_94 = arith.constant 0 : i32
      %dma_wait3A_95 = tpu.memref_slice %arg11[%add3A_89, %dma_wait3A_94] : memref<102400x32xf32, #tpu.memory_space<hbm>> -> memref<128x32xf32, #tpu.memory_space<hbm>>
      %dma_wait3A_96 = arith.constant 0 : i32
      %dma_wait3A_97 = tpu.memref_slice %arg11[%add3A_89, %dma_wait3A_96] : memref<102400x32xf32, #tpu.memory_space<hbm>> -> memref<128x32xf32, #tpu.memory_space<hbm>>
      tpu.wait_dma2 semaphore(%arg23 : memref<!tpu.dma_semaphore, #tpu.memory_space<semaphore_mem>>) src(%arg15 : memref<128x32xf32, #tpu.memory_space<vmem>>) dst(%dma_wait3A_97 : memref<128x32xf32, #tpu.memory_space<hbm>>)
      %mul3A_98 = arith.constant 128 : i32
      %mul3A_99 = arith.muli %scan3A_61, %mul3A_98 : i32
      %add3A_100 = arith.addi %add3A_21, %mul3A_99 : i32
      %dma_start3A_101 = arith.constant 0 : i32
      %dma_start3A_102 = tpu.memref_slice %arg4[%add3A_100, %dma_start3A_101] : memref<102400x32xf32, #tpu.memory_space<hbm>> -> memref<128x32xf32, #tpu.memory_space<hbm>>
      %dma_start3A_103 = arith.constant 0 : i32
      %dma_start3A_104 = tpu.memref_slice %arg4[%add3A_100, %dma_start3A_103] : memref<102400x32xf32, #tpu.memory_space<hbm>> -> memref<128x32xf32, #tpu.memory_space<hbm>>
      tpu.enqueue_dma source(%dma_start3A_104 : memref<128x32xf32, #tpu.memory_space<hbm>>) target(%arg17 : memref<128x32xf32, #tpu.memory_space<vmem>>) target_semaphore(%arg27 : memref<!tpu.dma_semaphore, #tpu.memory_space<semaphore_mem>>)
      %dma_wait3A_105 = arith.constant 0 : i32
      %dma_wait3A_106 = tpu.memref_slice %arg4[%add3A_100, %dma_wait3A_105] : memref<102400x32xf32, #tpu.memory_space<hbm>> -> memref<128x32xf32, #tpu.memory_space<hbm>>
      %dma_wait3A_107 = arith.constant 0 : i32
      %dma_wait3A_108 = tpu.memref_slice %arg4[%add3A_100, %dma_wait3A_107] : memref<102400x32xf32, #tpu.memory_space<hbm>> -> memref<128x32xf32, #tpu.memory_space<hbm>>
      tpu.wait_dma2 semaphore(%arg27 : memref<!tpu.dma_semaphore, #tpu.memory_space<semaphore_mem>>) src(%dma_wait3A_108 : memref<128x32xf32, #tpu.memory_space<hbm>>) dst(%arg17 : memref<128x32xf32, #tpu.memory_space<vmem>>)
      "tpu.region"() ({
        %run_scoped3A = tpu.sem_alloc : memref<!tpu.dma_semaphore, #tpu.memory_space<semaphore_mem>>
        %dma_start3A_110 = arith.constant 0 : i32
        %dma_start3A_111 = tpu.memref_slice %arg12[%add3A_65, %dma_start3A_110] : memref<51200x32xf32, #tpu.memory_space<vmem_shared>> -> memref<128x32xf32, #tpu.memory_space<vmem_shared>>
        %dma_start3A_112 = arith.constant 0 : i32
        %dma_start3A_113 = tpu.memref_slice %arg12[%add3A_65, %dma_start3A_112] : memref<51200x32xf32, #tpu.memory_space<vmem_shared>> -> memref<128x32xf32, #tpu.memory_space<vmem_shared>>
        tpu.enqueue_dma source(%arg17 : memref<128x32xf32, #tpu.memory_space<vmem>>) target(%dma_start3A_113 : memref<128x32xf32, #tpu.memory_space<vmem_shared>>) target_semaphore(%run_scoped3A : memref<!tpu.dma_semaphore, #tpu.memory_space<semaphore_mem>>)
        %dma_wait3A_114 = arith.constant 0 : i32
        %dma_wait3A_115 = tpu.memref_slice %arg12[%add3A_65, %dma_wait3A_114] : memref<51200x32xf32, #tpu.memory_space<vmem_shared>> -> memref<128x32xf32, #tpu.memory_space<vmem_shared>>
        %dma_wait3A_116 = arith.constant 0 : i32
        %dma_wait3A_117 = tpu.memref_slice %arg12[%add3A_65, %dma_wait3A_116] : memref<51200x32xf32, #tpu.memory_space<vmem_shared>> -> memref<128x32xf32, #tpu.memory_space<vmem_shared>>
        tpu.wait_dma2 semaphore(%run_scoped3A : memref<!tpu.dma_semaphore, #tpu.memory_space<semaphore_mem>>) src(%arg17 : memref<128x32xf32, #tpu.memory_space<vmem>>) dst(%dma_wait3A_117 : memref<128x32xf32, #tpu.memory_space<vmem_shared>>)
        tpu.yield
      }) : () -> ()
      %scan3A_109 = arith.constant 0 : i32
      scf.yield %scan3A_109 : i32
    }
    %scan3A_28 = arith.constant 25 : i32
    %barrier3A_29 = arith.constant 0 : index
    tpu.barrier barrier_id(%barrier3A_29)
    %scan3A_30 = arith.constant 0 : i32
    %scan3A_31 = arith.constant 0 : i32
    %scan3A_32 = arith.constant 98 : i32
    %scan3A_33 = arith.addi %scan3A_31, %scan3A_32 : i32
    %scan3A_34 = arith.constant 1 : i32
    %scan3A_35 = scf.for %scan3A_61 = %scan3A_31 to %scan3A_33 step %scan3A_34 iter_args(%scan3A_62 = %scan3A_30) -> (i32)  : i32 {
      %mul3A_63 = arith.constant 512 : i32
      %mul3A_64 = arith.muli %scan3A_61, %mul3A_63 : i32
      %add3A_65 = arith.addi %add3A, %mul3A_64 : i32
      "tpu.region"() ({
        %run_scoped3A = tpu.sem_alloc : memref<!tpu.dma_semaphore, #tpu.memory_space<semaphore_mem>>
        %dma_start3A_166 = tpu.memref_slice %arg8[%add3A_65] : memref<1605632xi32, #tpu.memory_space<hbm>> -> memref<512xi32, #tpu.memory_space<hbm>>
        %dma_start3A_167 = tpu.memref_slice %arg8[%add3A_65] : memref<1605632xi32, #tpu.memory_space<hbm>> -> memref<512xi32, #tpu.memory_space<hbm>>
        tpu.enqueue_dma source(%dma_start3A_167 : memref<512xi32, #tpu.memory_space<hbm>>) target(%arg13 : memref<512xi32, #tpu.memory_space<vmem>>) target_semaphore(%run_scoped3A : memref<!tpu.dma_semaphore, #tpu.memory_space<semaphore_mem>>)
        %dma_wait3A_168 = tpu.memref_slice %arg8[%add3A_65] : memref<1605632xi32, #tpu.memory_space<hbm>> -> memref<512xi32, #tpu.memory_space<hbm>>
        %dma_wait3A_169 = tpu.memref_slice %arg8[%add3A_65] : memref<1605632xi32, #tpu.memory_space<hbm>> -> memref<512xi32, #tpu.memory_space<hbm>>
        tpu.wait_dma2 semaphore(%run_scoped3A : memref<!tpu.dma_semaphore, #tpu.memory_space<semaphore_mem>>) src(%dma_wait3A_169 : memref<512xi32, #tpu.memory_space<hbm>>) dst(%arg13 : memref<512xi32, #tpu.memory_space<vmem>>)
        tpu.yield
      }) : () -> ()
      %mul3A_66 = arith.constant 392 : i32
      %mul3A_67 = arith.muli %arg1, %mul3A_66 : i32
      %mul3A_68 = arith.constant 4 : i32
      %mul3A_69 = arith.muli %scan3A_61, %mul3A_68 : i32
      %add3A_70 = arith.addi %mul3A_67, %mul3A_69 : i32
      "tpu.region"() ({
        %run_scoped3A = tpu.sem_alloc : memref<!tpu.dma_semaphore, #tpu.memory_space<semaphore_mem>>
        %dma_start3A_166 = arith.constant 0 : i32
        %dma_start3A_167 = tpu.memref_slice %arg9[%add3A_70, %dma_start3A_166] : memref<6272x128xi32, #tpu.memory_space<hbm>> -> memref<4x128xi32, #tpu.memory_space<hbm>>
        %dma_start3A_168 = arith.constant 0 : i32
        %dma_start3A_169 = tpu.memref_slice %arg9[%add3A_70, %dma_start3A_168] : memref<6272x128xi32, #tpu.memory_space<hbm>> -> memref<4x128xi32, #tpu.memory_space<hbm>>
        tpu.enqueue_dma source(%dma_start3A_169 : memref<4x128xi32, #tpu.memory_space<hbm>>) target(%arg14 : memref<4x128xi32, #tpu.memory_space<vmem>>) target_semaphore(%run_scoped3A : memref<!tpu.dma_semaphore, #tpu.memory_space<semaphore_mem>>)
        %dma_wait3A_170 = arith.constant 0 : i32
        %dma_wait3A_171 = tpu.memref_slice %arg9[%add3A_70, %dma_wait3A_170] : memref<6272x128xi32, #tpu.memory_space<hbm>> -> memref<4x128xi32, #tpu.memory_space<hbm>>
        %dma_wait3A_172 = arith.constant 0 : i32
        %dma_wait3A_173 = tpu.memref_slice %arg9[%add3A_70, %dma_wait3A_172] : memref<6272x128xi32, #tpu.memory_space<hbm>> -> memref<4x128xi32, #tpu.memory_space<hbm>>
        tpu.wait_dma2 semaphore(%run_scoped3A : memref<!tpu.dma_semaphore, #tpu.memory_space<semaphore_mem>>) src(%dma_wait3A_173 : memref<4x128xi32, #tpu.memory_space<hbm>>) dst(%arg14 : memref<4x128xi32, #tpu.memory_space<vmem>>)
        tpu.yield
      }) : () -> ()
      %dma_start3A = arith.constant 0 : i32
      %dma_start3A_71 = tpu.memref_slice %arg13[%dma_start3A] : memref<512xi32, #tpu.memory_space<vmem>> -> memref<128xi32, #tpu.memory_space<vmem>>
      %dma_start3A_72 = arith.constant 0 : i32
      %dma_start3A_73 = arith.constant 0 : i32
      %dma_start3A_74 = tpu.memref_slice %arg11[%dma_start3A_72, %dma_start3A_73] : memref<102400x32xf32, #tpu.memory_space<hbm>> -> memref<102400x32xf32, #tpu.memory_space<hbm>>
      tpu.enqueue_indirect_dma source(%dma_start3A_74 : memref<102400x32xf32, #tpu.memory_space<hbm>>) target(%arg15 : memref<128x32xf32, #tpu.memory_space<vmem>>) offsets(%dma_start3A_71 : memref<128xi32, #tpu.memory_space<vmem>>) semaphore(%arg19 : memref<!tpu.dma_semaphore, #tpu.memory_space<semaphore_mem>>)
      %dma_start3A_75 = arith.constant 128 : i32
      %dma_start3A_76 = tpu.memref_slice %arg13[%dma_start3A_75] : memref<512xi32, #tpu.memory_space<vmem>> -> memref<128xi32, #tpu.memory_space<vmem>>
      %dma_start3A_77 = arith.constant 0 : i32
      %dma_start3A_78 = arith.constant 0 : i32
      %dma_start3A_79 = tpu.memref_slice %arg11[%dma_start3A_77, %dma_start3A_78] : memref<102400x32xf32, #tpu.memory_space<hbm>> -> memref<102400x32xf32, #tpu.memory_space<hbm>>
      tpu.enqueue_indirect_dma source(%dma_start3A_79 : memref<102400x32xf32, #tpu.memory_space<hbm>>) target(%arg16 : memref<128x32xf32, #tpu.memory_space<vmem>>) offsets(%dma_start3A_76 : memref<128xi32, #tpu.memory_space<vmem>>) semaphore(%arg20 : memref<!tpu.dma_semaphore, #tpu.memory_space<semaphore_mem>>)
      %dma_start3A_80 = arith.constant 256 : i32
      %dma_start3A_81 = tpu.memref_slice %arg13[%dma_start3A_80] : memref<512xi32, #tpu.memory_space<vmem>> -> memref<128xi32, #tpu.memory_space<vmem>>
      %dma_start3A_82 = arith.constant 0 : i32
      %dma_start3A_83 = arith.constant 0 : i32
      %dma_start3A_84 = tpu.memref_slice %arg11[%dma_start3A_82, %dma_start3A_83] : memref<102400x32xf32, #tpu.memory_space<hbm>> -> memref<102400x32xf32, #tpu.memory_space<hbm>>
      tpu.enqueue_indirect_dma source(%dma_start3A_84 : memref<102400x32xf32, #tpu.memory_space<hbm>>) target(%arg17 : memref<128x32xf32, #tpu.memory_space<vmem>>) offsets(%dma_start3A_81 : memref<128xi32, #tpu.memory_space<vmem>>) semaphore(%arg21 : memref<!tpu.dma_semaphore, #tpu.memory_space<semaphore_mem>>)
      %dma_start3A_85 = arith.constant 384 : i32
      %dma_start3A_86 = tpu.memref_slice %arg13[%dma_start3A_85] : memref<512xi32, #tpu.memory_space<vmem>> -> memref<128xi32, #tpu.memory_space<vmem>>
      %dma_start3A_87 = arith.constant 0 : i32
      %dma_start3A_88 = arith.constant 0 : i32
      %dma_start3A_89 = tpu.memref_slice %arg11[%dma_start3A_87, %dma_start3A_88] : memref<102400x32xf32, #tpu.memory_space<hbm>> -> memref<102400x32xf32, #tpu.memory_space<hbm>>
      tpu.enqueue_indirect_dma source(%dma_start3A_89 : memref<102400x32xf32, #tpu.memory_space<hbm>>) target(%arg18 : memref<128x32xf32, #tpu.memory_space<vmem>>) offsets(%dma_start3A_86 : memref<128xi32, #tpu.memory_space<vmem>>) semaphore(%arg22 : memref<!tpu.dma_semaphore, #tpu.memory_space<semaphore_mem>>)
      %dma_wait3A = arith.constant 0 : i32
      %dma_wait3A_90 = tpu.memref_slice %arg13[%dma_wait3A] : memref<512xi32, #tpu.memory_space<vmem>> -> memref<128xi32, #tpu.memory_space<vmem>>
      %dma_wait3A_91 = arith.constant 0 : i32
      %dma_wait3A_92 = arith.constant 0 : i32
      %dma_wait3A_93 = tpu.memref_slice %arg11[%dma_wait3A_91, %dma_wait3A_92] : memref<102400x32xf32, #tpu.memory_space<hbm>> -> memref<102400x32xf32, #tpu.memory_space<hbm>>
      tpu.wait_indirect_dma semaphore(%arg19 : memref<!tpu.dma_semaphore, #tpu.memory_space<semaphore_mem>>) src(%dma_wait3A_93 : memref<102400x32xf32, #tpu.memory_space<hbm>>) dst(%arg15 : memref<128x32xf32, #tpu.memory_space<vmem>>)
      %dma_start3A_94 = arith.constant 0 : i32
      %dma_start3A_95 = arith.constant 0 : i32
      %dma_start3A_96 = tpu.memref_slice %arg14[%dma_start3A_94, %dma_start3A_95] : memref<4x128xi32, #tpu.memory_space<vmem>> -> memref<1x128xi32, #tpu.memory_space<vmem>>
      %dma_start3A_97 = tpu.memref_squeeze %dma_start3A_96 : memref<1x128xi32, #tpu.memory_space<vmem>> -> memref<128xi32, #tpu.memory_space<vmem>>
      %dma_start3A_98 = arith.constant 0 : i32
      %dma_start3A_99 = arith.constant 0 : i32
      %dma_start3A_100 = tpu.memref_slice %arg12[%dma_start3A_98, %dma_start3A_99] : memref<51200x32xf32, #tpu.memory_space<vmem_shared>> -> memref<51200x32xf32, #tpu.memory_space<vmem_shared>>
      tpu.enqueue_indirect_dma source(%arg15 : memref<128x32xf32, #tpu.memory_space<vmem>>) target(%dma_start3A_100 : memref<51200x32xf32, #tpu.memory_space<vmem_shared>>) offsets(%dma_start3A_97 : memref<128xi32, #tpu.memory_space<vmem>>) semaphore(%arg23 : memref<!tpu.dma_semaphore, #tpu.memory_space<semaphore_mem>>) {add = true}
      %dma_wait3A_101 = arith.constant 128 : i32
      %dma_wait3A_102 = tpu.memref_slice %arg13[%dma_wait3A_101] : memref<512xi32, #tpu.memory_space<vmem>> -> memref<128xi32, #tpu.memory_space<vmem>>
      %dma_wait3A_103 = arith.constant 0 : i32
      %dma_wait3A_104 = arith.constant 0 : i32
      %dma_wait3A_105 = tpu.memref_slice %arg11[%dma_wait3A_103, %dma_wait3A_104] : memref<102400x32xf32, #tpu.memory_space<hbm>> -> memref<102400x32xf32, #tpu.memory_space<hbm>>
      tpu.wait_indirect_dma semaphore(%arg20 : memref<!tpu.dma_semaphore, #tpu.memory_space<semaphore_mem>>) src(%dma_wait3A_105 : memref<102400x32xf32, #tpu.memory_space<hbm>>) dst(%arg16 : memref<128x32xf32, #tpu.memory_space<vmem>>)
      %dma_start3A_106 = arith.constant 1 : i32
      %dma_start3A_107 = arith.constant 0 : i32
      %dma_start3A_108 = tpu.memref_slice %arg14[%dma_start3A_106, %dma_start3A_107] : memref<4x128xi32, #tpu.memory_space<vmem>> -> memref<1x128xi32, #tpu.memory_space<vmem>>
      %dma_start3A_109 = tpu.memref_squeeze %dma_start3A_108 : memref<1x128xi32, #tpu.memory_space<vmem>> -> memref<128xi32, #tpu.memory_space<vmem>>
      %dma_start3A_110 = arith.constant 0 : i32
      %dma_start3A_111 = arith.constant 0 : i32
      %dma_start3A_112 = tpu.memref_slice %arg12[%dma_start3A_110, %dma_start3A_111] : memref<51200x32xf32, #tpu.memory_space<vmem_shared>> -> memref<51200x32xf32, #tpu.memory_space<vmem_shared>>
      tpu.enqueue_indirect_dma source(%arg16 : memref<128x32xf32, #tpu.memory_space<vmem>>) target(%dma_start3A_112 : memref<51200x32xf32, #tpu.memory_space<vmem_shared>>) offsets(%dma_start3A_109 : memref<128xi32, #tpu.memory_space<vmem>>) semaphore(%arg24 : memref<!tpu.dma_semaphore, #tpu.memory_space<semaphore_mem>>) {add = true}
      %dma_wait3A_113 = arith.constant 256 : i32
      %dma_wait3A_114 = tpu.memref_slice %arg13[%dma_wait3A_113] : memref<512xi32, #tpu.memory_space<vmem>> -> memref<128xi32, #tpu.memory_space<vmem>>
      %dma_wait3A_115 = arith.constant 0 : i32
      %dma_wait3A_116 = arith.constant 0 : i32
      %dma_wait3A_117 = tpu.memref_slice %arg11[%dma_wait3A_115, %dma_wait3A_116] : memref<102400x32xf32, #tpu.memory_space<hbm>> -> memref<102400x32xf32, #tpu.memory_space<hbm>>
      tpu.wait_indirect_dma semaphore(%arg21 : memref<!tpu.dma_semaphore, #tpu.memory_space<semaphore_mem>>) src(%dma_wait3A_117 : memref<102400x32xf32, #tpu.memory_space<hbm>>) dst(%arg17 : memref<128x32xf32, #tpu.memory_space<vmem>>)
      %dma_start3A_118 = arith.constant 2 : i32
      %dma_start3A_119 = arith.constant 0 : i32
      %dma_start3A_120 = tpu.memref_slice %arg14[%dma_start3A_118, %dma_start3A_119] : memref<4x128xi32, #tpu.memory_space<vmem>> -> memref<1x128xi32, #tpu.memory_space<vmem>>
      %dma_start3A_121 = tpu.memref_squeeze %dma_start3A_120 : memref<1x128xi32, #tpu.memory_space<vmem>> -> memref<128xi32, #tpu.memory_space<vmem>>
      %dma_start3A_122 = arith.constant 0 : i32
      %dma_start3A_123 = arith.constant 0 : i32
      %dma_start3A_124 = tpu.memref_slice %arg12[%dma_start3A_122, %dma_start3A_123] : memref<51200x32xf32, #tpu.memory_space<vmem_shared>> -> memref<51200x32xf32, #tpu.memory_space<vmem_shared>>
      tpu.enqueue_indirect_dma source(%arg17 : memref<128x32xf32, #tpu.memory_space<vmem>>) target(%dma_start3A_124 : memref<51200x32xf32, #tpu.memory_space<vmem_shared>>) offsets(%dma_start3A_121 : memref<128xi32, #tpu.memory_space<vmem>>) semaphore(%arg25 : memref<!tpu.dma_semaphore, #tpu.memory_space<semaphore_mem>>) {add = true}
      %dma_wait3A_125 = arith.constant 384 : i32
      %dma_wait3A_126 = tpu.memref_slice %arg13[%dma_wait3A_125] : memref<512xi32, #tpu.memory_space<vmem>> -> memref<128xi32, #tpu.memory_space<vmem>>
      %dma_wait3A_127 = arith.constant 0 : i32
      %dma_wait3A_128 = arith.constant 0 : i32
      %dma_wait3A_129 = tpu.memref_slice %arg11[%dma_wait3A_127, %dma_wait3A_128] : memref<102400x32xf32, #tpu.memory_space<hbm>> -> memref<102400x32xf32, #tpu.memory_space<hbm>>
      tpu.wait_indirect_dma semaphore(%arg22 : memref<!tpu.dma_semaphore, #tpu.memory_space<semaphore_mem>>) src(%dma_wait3A_129 : memref<102400x32xf32, #tpu.memory_space<hbm>>) dst(%arg18 : memref<128x32xf32, #tpu.memory_space<vmem>>)
      %dma_start3A_130 = arith.constant 3 : i32
      %dma_start3A_131 = arith.constant 0 : i32
      %dma_start3A_132 = tpu.memref_slice %arg14[%dma_start3A_130, %dma_start3A_131] : memref<4x128xi32, #tpu.memory_space<vmem>> -> memref<1x128xi32, #tpu.memory_space<vmem>>
      %dma_start3A_133 = tpu.memref_squeeze %dma_start3A_132 : memref<1x128xi32, #tpu.memory_space<vmem>> -> memref<128xi32, #tpu.memory_space<vmem>>
      %dma_start3A_134 = arith.constant 0 : i32
      %dma_start3A_135 = arith.constant 0 : i32
      %dma_start3A_136 = tpu.memref_slice %arg12[%dma_start3A_134, %dma_start3A_135] : memref<51200x32xf32, #tpu.memory_space<vmem_shared>> -> memref<51200x32xf32, #tpu.memory_space<vmem_shared>>
      tpu.enqueue_indirect_dma source(%arg18 : memref<128x32xf32, #tpu.memory_space<vmem>>) target(%dma_start3A_136 : memref<51200x32xf32, #tpu.memory_space<vmem_shared>>) offsets(%dma_start3A_133 : memref<128xi32, #tpu.memory_space<vmem>>) semaphore(%arg26 : memref<!tpu.dma_semaphore, #tpu.memory_space<semaphore_mem>>) {add = true}
      %dma_wait3A_137 = arith.constant 0 : i32
      %dma_wait3A_138 = arith.constant 0 : i32
      %dma_wait3A_139 = tpu.memref_slice %arg14[%dma_wait3A_137, %dma_wait3A_138] : memref<4x128xi32, #tpu.memory_space<vmem>> -> memref<1x128xi32, #tpu.memory_space<vmem>>
      %dma_wait3A_140 = tpu.memref_squeeze %dma_wait3A_139 : memref<1x128xi32, #tpu.memory_space<vmem>> -> memref<128xi32, #tpu.memory_space<vmem>>
      %dma_wait3A_141 = arith.constant 0 : i32
      %dma_wait3A_142 = arith.constant 0 : i32
      %dma_wait3A_143 = tpu.memref_slice %arg12[%dma_wait3A_141, %dma_wait3A_142] : memref<51200x32xf32, #tpu.memory_space<vmem_shared>> -> memref<51200x32xf32, #tpu.memory_space<vmem_shared>>
      tpu.wait_indirect_dma semaphore(%arg23 : memref<!tpu.dma_semaphore, #tpu.memory_space<semaphore_mem>>) src(%arg15 : memref<128x32xf32, #tpu.memory_space<vmem>>) dst(%dma_wait3A_143 : memref<51200x32xf32, #tpu.memory_space<vmem_shared>>)
      %dma_wait3A_144 = arith.constant 1 : i32
      %dma_wait3A_145 = arith.constant 0 : i32
      %dma_wait3A_146 = tpu.memref_slice %arg14[%dma_wait3A_144, %dma_wait3A_145] : memref<4x128xi32, #tpu.memory_space<vmem>> -> memref<1x128xi32, #tpu.memory_space<vmem>>
      %dma_wait3A_147 = tpu.memref_squeeze %dma_wait3A_146 : memref<1x128xi32, #tpu.memory_space<vmem>> -> memref<128xi32, #tpu.memory_space<vmem>>
      %dma_wait3A_148 = arith.constant 0 : i32
      %dma_wait3A_149 = arith.constant 0 : i32
      %dma_wait3A_150 = tpu.memref_slice %arg12[%dma_wait3A_148, %dma_wait3A_149] : memref<51200x32xf32, #tpu.memory_space<vmem_shared>> -> memref<51200x32xf32, #tpu.memory_space<vmem_shared>>
      tpu.wait_indirect_dma semaphore(%arg24 : memref<!tpu.dma_semaphore, #tpu.memory_space<semaphore_mem>>) src(%arg16 : memref<128x32xf32, #tpu.memory_space<vmem>>) dst(%dma_wait3A_150 : memref<51200x32xf32, #tpu.memory_space<vmem_shared>>)
      %dma_wait3A_151 = arith.constant 2 : i32
      %dma_wait3A_152 = arith.constant 0 : i32
      %dma_wait3A_153 = tpu.memref_slice %arg14[%dma_wait3A_151, %dma_wait3A_152] : memref<4x128xi32, #tpu.memory_space<vmem>> -> memref<1x128xi32, #tpu.memory_space<vmem>>
      %dma_wait3A_154 = tpu.memref_squeeze %dma_wait3A_153 : memref<1x128xi32, #tpu.memory_space<vmem>> -> memref<128xi32, #tpu.memory_space<vmem>>
      %dma_wait3A_155 = arith.constant 0 : i32
      %dma_wait3A_156 = arith.constant 0 : i32
      %dma_wait3A_157 = tpu.memref_slice %arg12[%dma_wait3A_155, %dma_wait3A_156] : memref<51200x32xf32, #tpu.memory_space<vmem_shared>> -> memref<51200x32xf32, #tpu.memory_space<vmem_shared>>
      tpu.wait_indirect_dma semaphore(%arg25 : memref<!tpu.dma_semaphore, #tpu.memory_space<semaphore_mem>>) src(%arg17 : memref<128x32xf32, #tpu.memory_space<vmem>>) dst(%dma_wait3A_157 : memref<51200x32xf32, #tpu.memory_space<vmem_shared>>)
      %dma_wait3A_158 = arith.constant 3 : i32
      %dma_wait3A_159 = arith.constant 0 : i32
      %dma_wait3A_160 = tpu.memref_slice %arg14[%dma_wait3A_158, %dma_wait3A_159] : memref<4x128xi32, #tpu.memory_space<vmem>> -> memref<1x128xi32, #tpu.memory_space<vmem>>
      %dma_wait3A_161 = tpu.memref_squeeze %dma_wait3A_160 : memref<1x128xi32, #tpu.memory_space<vmem>> -> memref<128xi32, #tpu.memory_space<vmem>>
      %dma_wait3A_162 = arith.constant 0 : i32
      %dma_wait3A_163 = arith.constant 0 : i32
      %dma_wait3A_164 = tpu.memref_slice %arg12[%dma_wait3A_162, %dma_wait3A_163] : memref<51200x32xf32, #tpu.memory_space<vmem_shared>> -> memref<51200x32xf32, #tpu.memory_space<vmem_shared>>
      tpu.wait_indirect_dma semaphore(%arg26 : memref<!tpu.dma_semaphore, #tpu.memory_space<semaphore_mem>>) src(%arg18 : memref<128x32xf32, #tpu.memory_space<vmem>>) dst(%dma_wait3A_164 : memref<51200x32xf32, #tpu.memory_space<vmem_shared>>)
      %scan3A_165 = arith.constant 0 : i32
      scf.yield %scan3A_165 : i32
    }
    %scan3A_36 = arith.constant 98 : i32
    %barrier3A_37 = arith.constant 0 : index
    tpu.barrier barrier_id(%barrier3A_37)
    %scan3A_38 = arith.constant 0 : i32
    %scan3A_39 = arith.constant 0 : i32
    %scan3A_40 = arith.constant 25 : i32
    %scan3A_41 = arith.addi %scan3A_39, %scan3A_40 : i32
    %scan3A_42 = arith.constant 1 : i32
    %scan3A_43 = scf.for %scan3A_61 = %scan3A_39 to %scan3A_41 step %scan3A_42 iter_args(%scan3A_62 = %scan3A_38) -> (i32)  : i32 {
      %mul3A_63 = arith.constant 128 : i32
      %mul3A_64 = arith.muli %scan3A_61, %mul3A_63 : i32
      %add3A_65 = arith.addi %mul3A_0, %mul3A_64 : i32
      %dma_start3A = arith.constant 0 : i32
      %dma_start3A_66 = tpu.memref_slice %arg12[%add3A_65, %dma_start3A] : memref<51200x32xf32, #tpu.memory_space<vmem_shared>> -> memref<128x32xf32, #tpu.memory_space<vmem_shared>>
      %dma_start3A_67 = arith.constant 0 : i32
      %dma_start3A_68 = tpu.memref_slice %arg12[%add3A_65, %dma_start3A_67] : memref<51200x32xf32, #tpu.memory_space<vmem_shared>> -> memref<128x32xf32, #tpu.memory_space<vmem_shared>>
      tpu.enqueue_dma source(%dma_start3A_68 : memref<128x32xf32, #tpu.memory_space<vmem_shared>>) target(%arg15 : memref<128x32xf32, #tpu.memory_space<vmem>>) target_semaphore(%arg19 : memref<!tpu.dma_semaphore, #tpu.memory_space<semaphore_mem>>)
      %dma_wait3A = arith.constant 0 : i32
      %dma_wait3A_69 = tpu.memref_slice %arg12[%add3A_65, %dma_wait3A] : memref<51200x32xf32, #tpu.memory_space<vmem_shared>> -> memref<128x32xf32, #tpu.memory_space<vmem_shared>>
      %dma_wait3A_70 = arith.constant 0 : i32
      %dma_wait3A_71 = tpu.memref_slice %arg12[%add3A_65, %dma_wait3A_70] : memref<51200x32xf32, #tpu.memory_space<vmem_shared>> -> memref<128x32xf32, #tpu.memory_space<vmem_shared>>
      tpu.wait_dma2 semaphore(%arg19 : memref<!tpu.dma_semaphore, #tpu.memory_space<semaphore_mem>>) src(%dma_wait3A_71 : memref<128x32xf32, #tpu.memory_space<vmem_shared>>) dst(%arg15 : memref<128x32xf32, #tpu.memory_space<vmem>>)
      %dma_start3A_72 = arith.constant 0 : i32
      %dma_start3A_73 = tpu.memref_slice %arg6[%add3A_65, %dma_start3A_72] : memref<51200x32xf32, #tpu.memory_space<hbm>> -> memref<128x32xf32, #tpu.memory_space<hbm>>
      %dma_start3A_74 = arith.constant 0 : i32
      %dma_start3A_75 = tpu.memref_slice %arg6[%add3A_65, %dma_start3A_74] : memref<51200x32xf32, #tpu.memory_space<hbm>> -> memref<128x32xf32, #tpu.memory_space<hbm>>
      tpu.enqueue_dma source(%dma_start3A_75 : memref<128x32xf32, #tpu.memory_space<hbm>>) target(%arg16 : memref<128x32xf32, #tpu.memory_space<vmem>>) target_semaphore(%arg20 : memref<!tpu.dma_semaphore, #tpu.memory_space<semaphore_mem>>)
      %dma_wait3A_76 = arith.constant 0 : i32
      %dma_wait3A_77 = tpu.memref_slice %arg6[%add3A_65, %dma_wait3A_76] : memref<51200x32xf32, #tpu.memory_space<hbm>> -> memref<128x32xf32, #tpu.memory_space<hbm>>
      %dma_wait3A_78 = arith.constant 0 : i32
      %dma_wait3A_79 = tpu.memref_slice %arg6[%add3A_65, %dma_wait3A_78] : memref<51200x32xf32, #tpu.memory_space<hbm>> -> memref<128x32xf32, #tpu.memory_space<hbm>>
      tpu.wait_dma2 semaphore(%arg20 : memref<!tpu.dma_semaphore, #tpu.memory_space<semaphore_mem>>) src(%dma_wait3A_79 : memref<128x32xf32, #tpu.memory_space<hbm>>) dst(%arg16 : memref<128x32xf32, #tpu.memory_space<vmem>>)
      %scan3A_80 = arith.constant 0 : i32
      %scan3A_81 = arith.constant 0 : i32
      %scan3A_82 = arith.constant 128 : i32
      %scan3A_83 = arith.addi %scan3A_81, %scan3A_82 : i32
      %scan3A_84 = arith.constant 1 : i32
      %scan3A_85 = scf.for %scan3A_110 = %scan3A_81 to %scan3A_83 step %scan3A_84 iter_args(%scan3A_111 = %scan3A_80) -> (i32)  : i32 {
        %get3A = arith.index_cast %scan3A_110 : i32 to index
        %get3A_112 = arith.constant 0 : index
        %get3A_113 = tpu.vector_load %arg15[%get3A, %get3A_112] {strides = array<i32>} : memref<128x32xf32, #tpu.memory_space<vmem>>, vector<1x16xf32>,
        %get3A_114 = vector.shape_cast %get3A_113 : vector<1x16xf32> to vector<16xf32>
        %get3A_115 = arith.index_cast %scan3A_110 : i32 to index
        %get3A_116 = arith.constant 0 : index
        %get3A_117 = tpu.vector_load %arg16[%get3A_115, %get3A_116] {strides = array<i32>} : memref<128x32xf32, #tpu.memory_space<vmem>>, vector<1x16xf32>,
        %get3A_118 = vector.shape_cast %get3A_117 : vector<1x16xf32> to vector<16xf32>
        %mul3A_119 = arith.mulf %get3A_114, %get3A_118 : vector<16xf32>
        %swap3A = arith.index_cast %scan3A_110 : i32 to index
        %swap3A_120 = arith.constant 0 : index
        %swap3A_121 = tpu.vector_load %arg15[%swap3A, %swap3A_120] {strides = array<i32>} : memref<128x32xf32, #tpu.memory_space<vmem>>, vector<1x16xf32>,
        %swap3A_122 = vector.shape_cast %swap3A_121 : vector<1x16xf32> to vector<16xf32>
        %swap3A_123 = vector.shape_cast %mul3A_119 : vector<16xf32> to vector<1x16xf32>
        tpu.vector_store %arg15[%swap3A, %swap3A_120], %swap3A_123 {strides = array<i32>} : memref<128x32xf32, #tpu.memory_space<vmem>>, vector<1x16xf32>,
        %get3A_124 = arith.index_cast %scan3A_110 : i32 to index
        %get3A_125 = arith.constant 16 : index
        %get3A_126 = tpu.vector_load %arg15[%get3A_124, %get3A_125] {strides = array<i32>} : memref<128x32xf32, #tpu.memory_space<vmem>>, vector<1x16xf32>,
        %get3A_127 = vector.shape_cast %get3A_126 : vector<1x16xf32> to vector<16xf32>
        %get3A_128 = arith.index_cast %scan3A_110 : i32 to index
        %get3A_129 = arith.constant 16 : index
        %get3A_130 = tpu.vector_load %arg16[%get3A_128, %get3A_129] {strides = array<i32>} : memref<128x32xf32, #tpu.memory_space<vmem>>, vector<1x16xf32>,
        %get3A_131 = vector.shape_cast %get3A_130 : vector<1x16xf32> to vector<16xf32>
        %mul3A_132 = arith.mulf %get3A_127, %get3A_131 : vector<16xf32>
        %swap3A_133 = arith.index_cast %scan3A_110 : i32 to index
        %swap3A_134 = arith.constant 16 : index
        %swap3A_135 = tpu.vector_load %arg15[%swap3A_133, %swap3A_134] {strides = array<i32>} : memref<128x32xf32, #tpu.memory_space<vmem>>, vector<1x16xf32>,
        %swap3A_136 = vector.shape_cast %swap3A_135 : vector<1x16xf32> to vector<16xf32>
        %swap3A_137 = vector.shape_cast %mul3A_132 : vector<16xf32> to vector<1x16xf32>
        tpu.vector_store %arg15[%swap3A_133, %swap3A_134], %swap3A_137 {strides = array<i32>} : memref<128x32xf32, #tpu.memory_space<vmem>>, vector<1x16xf32>,
        %scan3A_138 = arith.constant 0 : i32
        scf.yield %scan3A_138 : i32
      }
      %scan3A_86 = arith.constant 128 : i32
      %mul3A_87 = arith.constant 51200 : i32
      %mul3A_88 = arith.muli %arg0, %mul3A_87 : i32
      %add3A_89 = arith.addi %mul3A_88, %add3A_65 : i32
      %dma_start3A_90 = arith.constant 0 : i32
      %dma_start3A_91 = tpu.memref_slice %arg11[%add3A_89, %dma_start3A_90] : memref<102400x32xf32, #tpu.memory_space<hbm>> -> memref<128x32xf32, #tpu.memory_space<hbm>>
      %dma_start3A_92 = arith.constant 0 : i32
      %dma_start3A_93 = tpu.memref_slice %arg11[%add3A_89, %dma_start3A_92] : memref<102400x32xf32, #tpu.memory_space<hbm>> -> memref<128x32xf32, #tpu.memory_space<hbm>>
      tpu.enqueue_dma source(%arg15 : memref<128x32xf32, #tpu.memory_space<vmem>>) target(%dma_start3A_93 : memref<128x32xf32, #tpu.memory_space<hbm>>) target_semaphore(%arg23 : memref<!tpu.dma_semaphore, #tpu.memory_space<semaphore_mem>>)
      %dma_wait3A_94 = arith.constant 0 : i32
      %dma_wait3A_95 = tpu.memref_slice %arg11[%add3A_89, %dma_wait3A_94] : memref<102400x32xf32, #tpu.memory_space<hbm>> -> memref<128x32xf32, #tpu.memory_space<hbm>>
      %dma_wait3A_96 = arith.constant 0 : i32
      %dma_wait3A_97 = tpu.memref_slice %arg11[%add3A_89, %dma_wait3A_96] : memref<102400x32xf32, #tpu.memory_space<hbm>> -> memref<128x32xf32, #tpu.memory_space<hbm>>
      tpu.wait_dma2 semaphore(%arg23 : memref<!tpu.dma_semaphore, #tpu.memory_space<semaphore_mem>>) src(%arg15 : memref<128x32xf32, #tpu.memory_space<vmem>>) dst(%dma_wait3A_97 : memref<128x32xf32, #tpu.memory_space<hbm>>)
      %mul3A_98 = arith.constant 128 : i32
      %mul3A_99 = arith.muli %scan3A_61, %mul3A_98 : i32
      %add3A_100 = arith.addi %mul3A_0, %mul3A_99 : i32
      %dma_start3A_101 = arith.constant 0 : i32
      %dma_start3A_102 = tpu.memref_slice %arg5[%add3A_100, %dma_start3A_101] : memref<51200x32xf32, #tpu.memory_space<hbm>> -> memref<128x32xf32, #tpu.memory_space<hbm>>
      %dma_start3A_103 = arith.constant 0 : i32
      %dma_start3A_104 = tpu.memref_slice %arg5[%add3A_100, %dma_start3A_103] : memref<51200x32xf32, #tpu.memory_space<hbm>> -> memref<128x32xf32, #tpu.memory_space<hbm>>
      tpu.enqueue_dma source(%dma_start3A_104 : memref<128x32xf32, #tpu.memory_space<hbm>>) target(%arg17 : memref<128x32xf32, #tpu.memory_space<vmem>>) target_semaphore(%arg27 : memref<!tpu.dma_semaphore, #tpu.memory_space<semaphore_mem>>)
      %dma_wait3A_105 = arith.constant 0 : i32
      %dma_wait3A_106 = tpu.memref_slice %arg5[%add3A_100, %dma_wait3A_105] : memref<51200x32xf32, #tpu.memory_space<hbm>> -> memref<128x32xf32, #tpu.memory_space<hbm>>
      %dma_wait3A_107 = arith.constant 0 : i32
      %dma_wait3A_108 = tpu.memref_slice %arg5[%add3A_100, %dma_wait3A_107] : memref<51200x32xf32, #tpu.memory_space<hbm>> -> memref<128x32xf32, #tpu.memory_space<hbm>>
      tpu.wait_dma2 semaphore(%arg27 : memref<!tpu.dma_semaphore, #tpu.memory_space<semaphore_mem>>) src(%dma_wait3A_108 : memref<128x32xf32, #tpu.memory_space<hbm>>) dst(%arg17 : memref<128x32xf32, #tpu.memory_space<vmem>>)
      "tpu.region"() ({
        %run_scoped3A = tpu.sem_alloc : memref<!tpu.dma_semaphore, #tpu.memory_space<semaphore_mem>>
        %dma_start3A_110 = arith.constant 0 : i32
        %dma_start3A_111 = tpu.memref_slice %arg12[%add3A_65, %dma_start3A_110] : memref<51200x32xf32, #tpu.memory_space<vmem_shared>> -> memref<128x32xf32, #tpu.memory_space<vmem_shared>>
        %dma_start3A_112 = arith.constant 0 : i32
        %dma_start3A_113 = tpu.memref_slice %arg12[%add3A_65, %dma_start3A_112] : memref<51200x32xf32, #tpu.memory_space<vmem_shared>> -> memref<128x32xf32, #tpu.memory_space<vmem_shared>>
        tpu.enqueue_dma source(%arg17 : memref<128x32xf32, #tpu.memory_space<vmem>>) target(%dma_start3A_113 : memref<128x32xf32, #tpu.memory_space<vmem_shared>>) target_semaphore(%run_scoped3A : memref<!tpu.dma_semaphore, #tpu.memory_space<semaphore_mem>>)
        %dma_wait3A_114 = arith.constant 0 : i32
        %dma_wait3A_115 = tpu.memref_slice %arg12[%add3A_65, %dma_wait3A_114] : memref<51200x32xf32, #tpu.memory_space<vmem_shared>> -> memref<128x32xf32, #tpu.memory_space<vmem_shared>>
        %dma_wait3A_116 = arith.constant 0 : i32
        %dma_wait3A_117 = tpu.memref_slice %arg12[%add3A_65, %dma_wait3A_116] : memref<51200x32xf32, #tpu.memory_space<vmem_shared>> -> memref<128x32xf32, #tpu.memory_space<vmem_shared>>
        tpu.wait_dma2 semaphore(%run_scoped3A : memref<!tpu.dma_semaphore, #tpu.memory_space<semaphore_mem>>) src(%arg17 : memref<128x32xf32, #tpu.memory_space<vmem>>) dst(%dma_wait3A_117 : memref<128x32xf32, #tpu.memory_space<vmem_shared>>)
        tpu.yield
      }) : () -> ()
      %scan3A_109 = arith.constant 0 : i32
      scf.yield %scan3A_109 : i32
    }
    %scan3A_44 = arith.constant 25 : i32
    %barrier3A_45 = arith.constant 0 : index
    tpu.barrier barrier_id(%barrier3A_45)
    %scan3A_46 = arith.constant 0 : i32
    %scan3A_47 = arith.constant 0 : i32
    %scan3A_48 = arith.constant 98 : i32
    %scan3A_49 = arith.addi %scan3A_47, %scan3A_48 : i32
    %scan3A_50 = arith.constant 1 : i32
    %scan3A_51 = scf.for %scan3A_61 = %scan3A_47 to %scan3A_49 step %scan3A_50 iter_args(%scan3A_62 = %scan3A_46) -> (i32)  : i32 {
      %mul3A_63 = arith.constant 512 : i32
      %mul3A_64 = arith.muli %scan3A_61, %mul3A_63 : i32
      %add3A_65 = arith.addi %add3A, %mul3A_64 : i32
      "tpu.region"() ({
        %run_scoped3A = tpu.sem_alloc : memref<!tpu.dma_semaphore, #tpu.memory_space<semaphore_mem>>
        %dma_start3A_166 = tpu.memref_slice %arg8[%add3A_65] : memref<1605632xi32, #tpu.memory_space<hbm>> -> memref<512xi32, #tpu.memory_space<hbm>>
        %dma_start3A_167 = tpu.memref_slice %arg8[%add3A_65] : memref<1605632xi32, #tpu.memory_space<hbm>> -> memref<512xi32, #tpu.memory_space<hbm>>
        tpu.enqueue_dma source(%dma_start3A_167 : memref<512xi32, #tpu.memory_space<hbm>>) target(%arg13 : memref<512xi32, #tpu.memory_space<vmem>>) target_semaphore(%run_scoped3A : memref<!tpu.dma_semaphore, #tpu.memory_space<semaphore_mem>>)
        %dma_wait3A_168 = tpu.memref_slice %arg8[%add3A_65] : memref<1605632xi32, #tpu.memory_space<hbm>> -> memref<512xi32, #tpu.memory_space<hbm>>
        %dma_wait3A_169 = tpu.memref_slice %arg8[%add3A_65] : memref<1605632xi32, #tpu.memory_space<hbm>> -> memref<512xi32, #tpu.memory_space<hbm>>
        tpu.wait_dma2 semaphore(%run_scoped3A : memref<!tpu.dma_semaphore, #tpu.memory_space<semaphore_mem>>) src(%dma_wait3A_169 : memref<512xi32, #tpu.memory_space<hbm>>) dst(%arg13 : memref<512xi32, #tpu.memory_space<vmem>>)
        tpu.yield
      }) : () -> ()
      %mul3A_66 = arith.constant 392 : i32
      %mul3A_67 = arith.muli %arg1, %mul3A_66 : i32
      %mul3A_68 = arith.constant 4 : i32
      %mul3A_69 = arith.muli %scan3A_61, %mul3A_68 : i32
      %add3A_70 = arith.addi %mul3A_67, %mul3A_69 : i32
      "tpu.region"() ({
        %run_scoped3A = tpu.sem_alloc : memref<!tpu.dma_semaphore, #tpu.memory_space<semaphore_mem>>
        %dma_start3A_166 = arith.constant 0 : i32
        %dma_start3A_167 = tpu.memref_slice %arg9[%add3A_70, %dma_start3A_166] : memref<6272x128xi32, #tpu.memory_space<hbm>> -> memref<4x128xi32, #tpu.memory_space<hbm>>
        %dma_start3A_168 = arith.constant 0 : i32
        %dma_start3A_169 = tpu.memref_slice %arg9[%add3A_70, %dma_start3A_168] : memref<6272x128xi32, #tpu.memory_space<hbm>> -> memref<4x128xi32, #tpu.memory_space<hbm>>
        tpu.enqueue_dma source(%dma_start3A_169 : memref<4x128xi32, #tpu.memory_space<hbm>>) target(%arg14 : memref<4x128xi32, #tpu.memory_space<vmem>>) target_semaphore(%run_scoped3A : memref<!tpu.dma_semaphore, #tpu.memory_space<semaphore_mem>>)
        %dma_wait3A_170 = arith.constant 0 : i32
        %dma_wait3A_171 = tpu.memref_slice %arg9[%add3A_70, %dma_wait3A_170] : memref<6272x128xi32, #tpu.memory_space<hbm>> -> memref<4x128xi32, #tpu.memory_space<hbm>>
        %dma_wait3A_172 = arith.constant 0 : i32
        %dma_wait3A_173 = tpu.memref_slice %arg9[%add3A_70, %dma_wait3A_172] : memref<6272x128xi32, #tpu.memory_space<hbm>> -> memref<4x128xi32, #tpu.memory_space<hbm>>
        tpu.wait_dma2 semaphore(%run_scoped3A : memref<!tpu.dma_semaphore, #tpu.memory_space<semaphore_mem>>) src(%dma_wait3A_173 : memref<4x128xi32, #tpu.memory_space<hbm>>) dst(%arg14 : memref<4x128xi32, #tpu.memory_space<vmem>>)
        tpu.yield
      }) : () -> ()
      %dma_start3A = arith.constant 0 : i32
      %dma_start3A_71 = tpu.memref_slice %arg13[%dma_start3A] : memref<512xi32, #tpu.memory_space<vmem>> -> memref<128xi32, #tpu.memory_space<vmem>>
      %dma_start3A_72 = arith.constant 0 : i32
      %dma_start3A_73 = arith.constant 0 : i32
      %dma_start3A_74 = tpu.memref_slice %arg11[%dma_start3A_72, %dma_start3A_73] : memref<102400x32xf32, #tpu.memory_space<hbm>> -> memref<102400x32xf32, #tpu.memory_space<hbm>>
      tpu.enqueue_indirect_dma source(%dma_start3A_74 : memref<102400x32xf32, #tpu.memory_space<hbm>>) target(%arg15 : memref<128x32xf32, #tpu.memory_space<vmem>>) offsets(%dma_start3A_71 : memref<128xi32, #tpu.memory_space<vmem>>) semaphore(%arg19 : memref<!tpu.dma_semaphore, #tpu.memory_space<semaphore_mem>>)
      %dma_start3A_75 = arith.constant 128 : i32
      %dma_start3A_76 = tpu.memref_slice %arg13[%dma_start3A_75] : memref<512xi32, #tpu.memory_space<vmem>> -> memref<128xi32, #tpu.memory_space<vmem>>
      %dma_start3A_77 = arith.constant 0 : i32
      %dma_start3A_78 = arith.constant 0 : i32
      %dma_start3A_79 = tpu.memref_slice %arg11[%dma_start3A_77, %dma_start3A_78] : memref<102400x32xf32, #tpu.memory_space<hbm>> -> memref<102400x32xf32, #tpu.memory_space<hbm>>
      tpu.enqueue_indirect_dma source(%dma_start3A_79 : memref<102400x32xf32, #tpu.memory_space<hbm>>) target(%arg16 : memref<128x32xf32, #tpu.memory_space<vmem>>) offsets(%dma_start3A_76 : memref<128xi32, #tpu.memory_space<vmem>>) semaphore(%arg20 : memref<!tpu.dma_semaphore, #tpu.memory_space<semaphore_mem>>)
      %dma_start3A_80 = arith.constant 256 : i32
      %dma_start3A_81 = tpu.memref_slice %arg13[%dma_start3A_80] : memref<512xi32, #tpu.memory_space<vmem>> -> memref<128xi32, #tpu.memory_space<vmem>>
      %dma_start3A_82 = arith.constant 0 : i32
      %dma_start3A_83 = arith.constant 0 : i32
      %dma_start3A_84 = tpu.memref_slice %arg11[%dma_start3A_82, %dma_start3A_83] : memref<102400x32xf32, #tpu.memory_space<hbm>> -> memref<102400x32xf32, #tpu.memory_space<hbm>>
      tpu.enqueue_indirect_dma source(%dma_start3A_84 : memref<102400x32xf32, #tpu.memory_space<hbm>>) target(%arg17 : memref<128x32xf32, #tpu.memory_space<vmem>>) offsets(%dma_start3A_81 : memref<128xi32, #tpu.memory_space<vmem>>) semaphore(%arg21 : memref<!tpu.dma_semaphore, #tpu.memory_space<semaphore_mem>>)
      %dma_start3A_85 = arith.constant 384 : i32
      %dma_start3A_86 = tpu.memref_slice %arg13[%dma_start3A_85] : memref<512xi32, #tpu.memory_space<vmem>> -> memref<128xi32, #tpu.memory_space<vmem>>
      %dma_start3A_87 = arith.constant 0 : i32
      %dma_start3A_88 = arith.constant 0 : i32
      %dma_start3A_89 = tpu.memref_slice %arg11[%dma_start3A_87, %dma_start3A_88] : memref<102400x32xf32, #tpu.memory_space<hbm>> -> memref<102400x32xf32, #tpu.memory_space<hbm>>
      tpu.enqueue_indirect_dma source(%dma_start3A_89 : memref<102400x32xf32, #tpu.memory_space<hbm>>) target(%arg18 : memref<128x32xf32, #tpu.memory_space<vmem>>) offsets(%dma_start3A_86 : memref<128xi32, #tpu.memory_space<vmem>>) semaphore(%arg22 : memref<!tpu.dma_semaphore, #tpu.memory_space<semaphore_mem>>)
      %dma_wait3A = arith.constant 0 : i32
      %dma_wait3A_90 = tpu.memref_slice %arg13[%dma_wait3A] : memref<512xi32, #tpu.memory_space<vmem>> -> memref<128xi32, #tpu.memory_space<vmem>>
      %dma_wait3A_91 = arith.constant 0 : i32
      %dma_wait3A_92 = arith.constant 0 : i32
      %dma_wait3A_93 = tpu.memref_slice %arg11[%dma_wait3A_91, %dma_wait3A_92] : memref<102400x32xf32, #tpu.memory_space<hbm>> -> memref<102400x32xf32, #tpu.memory_space<hbm>>
      tpu.wait_indirect_dma semaphore(%arg19 : memref<!tpu.dma_semaphore, #tpu.memory_space<semaphore_mem>>) src(%dma_wait3A_93 : memref<102400x32xf32, #tpu.memory_space<hbm>>) dst(%arg15 : memref<128x32xf32, #tpu.memory_space<vmem>>)
      %dma_start3A_94 = arith.constant 0 : i32
      %dma_start3A_95 = arith.constant 0 : i32
      %dma_start3A_96 = tpu.memref_slice %arg14[%dma_start3A_94, %dma_start3A_95] : memref<4x128xi32, #tpu.memory_space<vmem>> -> memref<1x128xi32, #tpu.memory_space<vmem>>
      %dma_start3A_97 = tpu.memref_squeeze %dma_start3A_96 : memref<1x128xi32, #tpu.memory_space<vmem>> -> memref<128xi32, #tpu.memory_space<vmem>>
      %dma_start3A_98 = arith.constant 0 : i32
      %dma_start3A_99 = arith.constant 0 : i32
      %dma_start3A_100 = tpu.memref_slice %arg12[%dma_start3A_98, %dma_start3A_99] : memref<51200x32xf32, #tpu.memory_space<vmem_shared>> -> memref<51200x32xf32, #tpu.memory_space<vmem_shared>>
      tpu.enqueue_indirect_dma source(%arg15 : memref<128x32xf32, #tpu.memory_space<vmem>>) target(%dma_start3A_100 : memref<51200x32xf32, #tpu.memory_space<vmem_shared>>) offsets(%dma_start3A_97 : memref<128xi32, #tpu.memory_space<vmem>>) semaphore(%arg23 : memref<!tpu.dma_semaphore, #tpu.memory_space<semaphore_mem>>) {add = true}
      %dma_wait3A_101 = arith.constant 128 : i32
      %dma_wait3A_102 = tpu.memref_slice %arg13[%dma_wait3A_101] : memref<512xi32, #tpu.memory_space<vmem>> -> memref<128xi32, #tpu.memory_space<vmem>>
      %dma_wait3A_103 = arith.constant 0 : i32
      %dma_wait3A_104 = arith.constant 0 : i32
      %dma_wait3A_105 = tpu.memref_slice %arg11[%dma_wait3A_103, %dma_wait3A_104] : memref<102400x32xf32, #tpu.memory_space<hbm>> -> memref<102400x32xf32, #tpu.memory_space<hbm>>
      tpu.wait_indirect_dma semaphore(%arg20 : memref<!tpu.dma_semaphore, #tpu.memory_space<semaphore_mem>>) src(%dma_wait3A_105 : memref<102400x32xf32, #tpu.memory_space<hbm>>) dst(%arg16 : memref<128x32xf32, #tpu.memory_space<vmem>>)
      %dma_start3A_106 = arith.constant 1 : i32
      %dma_start3A_107 = arith.constant 0 : i32
      %dma_start3A_108 = tpu.memref_slice %arg14[%dma_start3A_106, %dma_start3A_107] : memref<4x128xi32, #tpu.memory_space<vmem>> -> memref<1x128xi32, #tpu.memory_space<vmem>>
      %dma_start3A_109 = tpu.memref_squeeze %dma_start3A_108 : memref<1x128xi32, #tpu.memory_space<vmem>> -> memref<128xi32, #tpu.memory_space<vmem>>
      %dma_start3A_110 = arith.constant 0 : i32
      %dma_start3A_111 = arith.constant 0 : i32
      %dma_start3A_112 = tpu.memref_slice %arg12[%dma_start3A_110, %dma_start3A_111] : memref<51200x32xf32, #tpu.memory_space<vmem_shared>> -> memref<51200x32xf32, #tpu.memory_space<vmem_shared>>
      tpu.enqueue_indirect_dma source(%arg16 : memref<128x32xf32, #tpu.memory_space<vmem>>) target(%dma_start3A_112 : memref<51200x32xf32, #tpu.memory_space<vmem_shared>>) offsets(%dma_start3A_109 : memref<128xi32, #tpu.memory_space<vmem>>) semaphore(%arg24 : memref<!tpu.dma_semaphore, #tpu.memory_space<semaphore_mem>>) {add = true}
      %dma_wait3A_113 = arith.constant 256 : i32
      %dma_wait3A_114 = tpu.memref_slice %arg13[%dma_wait3A_113] : memref<512xi32, #tpu.memory_space<vmem>> -> memref<128xi32, #tpu.memory_space<vmem>>
      %dma_wait3A_115 = arith.constant 0 : i32
      %dma_wait3A_116 = arith.constant 0 : i32
      %dma_wait3A_117 = tpu.memref_slice %arg11[%dma_wait3A_115, %dma_wait3A_116] : memref<102400x32xf32, #tpu.memory_space<hbm>> -> memref<102400x32xf32, #tpu.memory_space<hbm>>
      tpu.wait_indirect_dma semaphore(%arg21 : memref<!tpu.dma_semaphore, #tpu.memory_space<semaphore_mem>>) src(%dma_wait3A_117 : memref<102400x32xf32, #tpu.memory_space<hbm>>) dst(%arg17 : memref<128x32xf32, #tpu.memory_space<vmem>>)
      %dma_start3A_118 = arith.constant 2 : i32
      %dma_start3A_119 = arith.constant 0 : i32
      %dma_start3A_120 = tpu.memref_slice %arg14[%dma_start3A_118, %dma_start3A_119] : memref<4x128xi32, #tpu.memory_space<vmem>> -> memref<1x128xi32, #tpu.memory_space<vmem>>
      %dma_start3A_121 = tpu.memref_squeeze %dma_start3A_120 : memref<1x128xi32, #tpu.memory_space<vmem>> -> memref<128xi32, #tpu.memory_space<vmem>>
      %dma_start3A_122 = arith.constant 0 : i32
      %dma_start3A_123 = arith.constant 0 : i32
      %dma_start3A_124 = tpu.memref_slice %arg12[%dma_start3A_122, %dma_start3A_123] : memref<51200x32xf32, #tpu.memory_space<vmem_shared>> -> memref<51200x32xf32, #tpu.memory_space<vmem_shared>>
      tpu.enqueue_indirect_dma source(%arg17 : memref<128x32xf32, #tpu.memory_space<vmem>>) target(%dma_start3A_124 : memref<51200x32xf32, #tpu.memory_space<vmem_shared>>) offsets(%dma_start3A_121 : memref<128xi32, #tpu.memory_space<vmem>>) semaphore(%arg25 : memref<!tpu.dma_semaphore, #tpu.memory_space<semaphore_mem>>) {add = true}
      %dma_wait3A_125 = arith.constant 384 : i32
      %dma_wait3A_126 = tpu.memref_slice %arg13[%dma_wait3A_125] : memref<512xi32, #tpu.memory_space<vmem>> -> memref<128xi32, #tpu.memory_space<vmem>>
      %dma_wait3A_127 = arith.constant 0 : i32
      %dma_wait3A_128 = arith.constant 0 : i32
      %dma_wait3A_129 = tpu.memref_slice %arg11[%dma_wait3A_127, %dma_wait3A_128] : memref<102400x32xf32, #tpu.memory_space<hbm>> -> memref<102400x32xf32, #tpu.memory_space<hbm>>
      tpu.wait_indirect_dma semaphore(%arg22 : memref<!tpu.dma_semaphore, #tpu.memory_space<semaphore_mem>>) src(%dma_wait3A_129 : memref<102400x32xf32, #tpu.memory_space<hbm>>) dst(%arg18 : memref<128x32xf32, #tpu.memory_space<vmem>>)
      %dma_start3A_130 = arith.constant 3 : i32
      %dma_start3A_131 = arith.constant 0 : i32
      %dma_start3A_132 = tpu.memref_slice %arg14[%dma_start3A_130, %dma_start3A_131] : memref<4x128xi32, #tpu.memory_space<vmem>> -> memref<1x128xi32, #tpu.memory_space<vmem>>
      %dma_start3A_133 = tpu.memref_squeeze %dma_start3A_132 : memref<1x128xi32, #tpu.memory_space<vmem>> -> memref<128xi32, #tpu.memory_space<vmem>>
      %dma_start3A_134 = arith.constant 0 : i32
      %dma_start3A_135 = arith.constant 0 : i32
      %dma_start3A_136 = tpu.memref_slice %arg12[%dma_start3A_134, %dma_start3A_135] : memref<51200x32xf32, #tpu.memory_space<vmem_shared>> -> memref<51200x32xf32, #tpu.memory_space<vmem_shared>>
      tpu.enqueue_indirect_dma source(%arg18 : memref<128x32xf32, #tpu.memory_space<vmem>>) target(%dma_start3A_136 : memref<51200x32xf32, #tpu.memory_space<vmem_shared>>) offsets(%dma_start3A_133 : memref<128xi32, #tpu.memory_space<vmem>>) semaphore(%arg26 : memref<!tpu.dma_semaphore, #tpu.memory_space<semaphore_mem>>) {add = true}
      %dma_wait3A_137 = arith.constant 0 : i32
      %dma_wait3A_138 = arith.constant 0 : i32
      %dma_wait3A_139 = tpu.memref_slice %arg14[%dma_wait3A_137, %dma_wait3A_138] : memref<4x128xi32, #tpu.memory_space<vmem>> -> memref<1x128xi32, #tpu.memory_space<vmem>>
      %dma_wait3A_140 = tpu.memref_squeeze %dma_wait3A_139 : memref<1x128xi32, #tpu.memory_space<vmem>> -> memref<128xi32, #tpu.memory_space<vmem>>
      %dma_wait3A_141 = arith.constant 0 : i32
      %dma_wait3A_142 = arith.constant 0 : i32
      %dma_wait3A_143 = tpu.memref_slice %arg12[%dma_wait3A_141, %dma_wait3A_142] : memref<51200x32xf32, #tpu.memory_space<vmem_shared>> -> memref<51200x32xf32, #tpu.memory_space<vmem_shared>>
      tpu.wait_indirect_dma semaphore(%arg23 : memref<!tpu.dma_semaphore, #tpu.memory_space<semaphore_mem>>) src(%arg15 : memref<128x32xf32, #tpu.memory_space<vmem>>) dst(%dma_wait3A_143 : memref<51200x32xf32, #tpu.memory_space<vmem_shared>>)
      %dma_wait3A_144 = arith.constant 1 : i32
      %dma_wait3A_145 = arith.constant 0 : i32
      %dma_wait3A_146 = tpu.memref_slice %arg14[%dma_wait3A_144, %dma_wait3A_145] : memref<4x128xi32, #tpu.memory_space<vmem>> -> memref<1x128xi32, #tpu.memory_space<vmem>>
      %dma_wait3A_147 = tpu.memref_squeeze %dma_wait3A_146 : memref<1x128xi32, #tpu.memory_space<vmem>> -> memref<128xi32, #tpu.memory_space<vmem>>
      %dma_wait3A_148 = arith.constant 0 : i32
      %dma_wait3A_149 = arith.constant 0 : i32
      %dma_wait3A_150 = tpu.memref_slice %arg12[%dma_wait3A_148, %dma_wait3A_149] : memref<51200x32xf32, #tpu.memory_space<vmem_shared>> -> memref<51200x32xf32, #tpu.memory_space<vmem_shared>>
      tpu.wait_indirect_dma semaphore(%arg24 : memref<!tpu.dma_semaphore, #tpu.memory_space<semaphore_mem>>) src(%arg16 : memref<128x32xf32, #tpu.memory_space<vmem>>) dst(%dma_wait3A_150 : memref<51200x32xf32, #tpu.memory_space<vmem_shared>>)
      %dma_wait3A_151 = arith.constant 2 : i32
      %dma_wait3A_152 = arith.constant 0 : i32
      %dma_wait3A_153 = tpu.memref_slice %arg14[%dma_wait3A_151, %dma_wait3A_152] : memref<4x128xi32, #tpu.memory_space<vmem>> -> memref<1x128xi32, #tpu.memory_space<vmem>>
      %dma_wait3A_154 = tpu.memref_squeeze %dma_wait3A_153 : memref<1x128xi32, #tpu.memory_space<vmem>> -> memref<128xi32, #tpu.memory_space<vmem>>
      %dma_wait3A_155 = arith.constant 0 : i32
      %dma_wait3A_156 = arith.constant 0 : i32
      %dma_wait3A_157 = tpu.memref_slice %arg12[%dma_wait3A_155, %dma_wait3A_156] : memref<51200x32xf32, #tpu.memory_space<vmem_shared>> -> memref<51200x32xf32, #tpu.memory_space<vmem_shared>>
      tpu.wait_indirect_dma semaphore(%arg25 : memref<!tpu.dma_semaphore, #tpu.memory_space<semaphore_mem>>) src(%arg17 : memref<128x32xf32, #tpu.memory_space<vmem>>) dst(%dma_wait3A_157 : memref<51200x32xf32, #tpu.memory_space<vmem_shared>>)
      %dma_wait3A_158 = arith.constant 3 : i32
      %dma_wait3A_159 = arith.constant 0 : i32
      %dma_wait3A_160 = tpu.memref_slice %arg14[%dma_wait3A_158, %dma_wait3A_159] : memref<4x128xi32, #tpu.memory_space<vmem>> -> memref<1x128xi32, #tpu.memory_space<vmem>>
      %dma_wait3A_161 = tpu.memref_squeeze %dma_wait3A_160 : memref<1x128xi32, #tpu.memory_space<vmem>> -> memref<128xi32, #tpu.memory_space<vmem>>
      %dma_wait3A_162 = arith.constant 0 : i32
      %dma_wait3A_163 = arith.constant 0 : i32
      %dma_wait3A_164 = tpu.memref_slice %arg12[%dma_wait3A_162, %dma_wait3A_163] : memref<51200x32xf32, #tpu.memory_space<vmem_shared>> -> memref<51200x32xf32, #tpu.memory_space<vmem_shared>>
      tpu.wait_indirect_dma semaphore(%arg26 : memref<!tpu.dma_semaphore, #tpu.memory_space<semaphore_mem>>) src(%arg18 : memref<128x32xf32, #tpu.memory_space<vmem>>) dst(%dma_wait3A_164 : memref<51200x32xf32, #tpu.memory_space<vmem_shared>>)
      %scan3A_165 = arith.constant 0 : i32
      scf.yield %scan3A_165 : i32
    }
    %scan3A_52 = arith.constant 98 : i32
    %barrier3A_53 = arith.constant 0 : index
    tpu.barrier barrier_id(%barrier3A_53)
    %scan3A_54 = arith.constant 0 : i32
    %scan3A_55 = arith.constant 0 : i32
    %scan3A_56 = arith.constant 25 : i32
    %scan3A_57 = arith.addi %scan3A_55, %scan3A_56 : i32
    %scan3A_58 = arith.constant 1 : i32
    %scan3A_59 = scf.for %scan3A_61 = %scan3A_55 to %scan3A_57 step %scan3A_58 iter_args(%scan3A_62 = %scan3A_54) -> (i32)  : i32 {
      %mul3A_63 = arith.constant 128 : i32
      %mul3A_64 = arith.muli %scan3A_61, %mul3A_63 : i32
      %add3A_65 = arith.addi %mul3A_0, %mul3A_64 : i32
      %dma_start3A = arith.constant 0 : i32
      %dma_start3A_66 = tpu.memref_slice %arg12[%add3A_65, %dma_start3A] : memref<51200x32xf32, #tpu.memory_space<vmem_shared>> -> memref<128x32xf32, #tpu.memory_space<vmem_shared>>
      %dma_start3A_67 = arith.constant 0 : i32
      %dma_start3A_68 = tpu.memref_slice %arg12[%add3A_65, %dma_start3A_67] : memref<51200x32xf32, #tpu.memory_space<vmem_shared>> -> memref<128x32xf32, #tpu.memory_space<vmem_shared>>
      tpu.enqueue_dma source(%dma_start3A_68 : memref<128x32xf32, #tpu.memory_space<vmem_shared>>) target(%arg15 : memref<128x32xf32, #tpu.memory_space<vmem>>) target_semaphore(%arg19 : memref<!tpu.dma_semaphore, #tpu.memory_space<semaphore_mem>>)
      %dma_wait3A = arith.constant 0 : i32
      %dma_wait3A_69 = tpu.memref_slice %arg12[%add3A_65, %dma_wait3A] : memref<51200x32xf32, #tpu.memory_space<vmem_shared>> -> memref<128x32xf32, #tpu.memory_space<vmem_shared>>
      %dma_wait3A_70 = arith.constant 0 : i32
      %dma_wait3A_71 = tpu.memref_slice %arg12[%add3A_65, %dma_wait3A_70] : memref<51200x32xf32, #tpu.memory_space<vmem_shared>> -> memref<128x32xf32, #tpu.memory_space<vmem_shared>>
      tpu.wait_dma2 semaphore(%arg19 : memref<!tpu.dma_semaphore, #tpu.memory_space<semaphore_mem>>) src(%dma_wait3A_71 : memref<128x32xf32, #tpu.memory_space<vmem_shared>>) dst(%arg15 : memref<128x32xf32, #tpu.memory_space<vmem>>)
      %dma_start3A_72 = arith.constant 0 : i32
      %dma_start3A_73 = tpu.memref_slice %arg7[%add3A_65, %dma_start3A_72] : memref<51200x32xf32, #tpu.memory_space<hbm>> -> memref<128x32xf32, #tpu.memory_space<hbm>>
      %dma_start3A_74 = arith.constant 0 : i32
      %dma_start3A_75 = tpu.memref_slice %arg7[%add3A_65, %dma_start3A_74] : memref<51200x32xf32, #tpu.memory_space<hbm>> -> memref<128x32xf32, #tpu.memory_space<hbm>>
      tpu.enqueue_dma source(%dma_start3A_75 : memref<128x32xf32, #tpu.memory_space<hbm>>) target(%arg16 : memref<128x32xf32, #tpu.memory_space<vmem>>) target_semaphore(%arg20 : memref<!tpu.dma_semaphore, #tpu.memory_space<semaphore_mem>>)
      %dma_wait3A_76 = arith.constant 0 : i32
      %dma_wait3A_77 = tpu.memref_slice %arg7[%add3A_65, %dma_wait3A_76] : memref<51200x32xf32, #tpu.memory_space<hbm>> -> memref<128x32xf32, #tpu.memory_space<hbm>>
      %dma_wait3A_78 = arith.constant 0 : i32
      %dma_wait3A_79 = tpu.memref_slice %arg7[%add3A_65, %dma_wait3A_78] : memref<51200x32xf32, #tpu.memory_space<hbm>> -> memref<128x32xf32, #tpu.memory_space<hbm>>
      tpu.wait_dma2 semaphore(%arg20 : memref<!tpu.dma_semaphore, #tpu.memory_space<semaphore_mem>>) src(%dma_wait3A_79 : memref<128x32xf32, #tpu.memory_space<hbm>>) dst(%arg16 : memref<128x32xf32, #tpu.memory_space<vmem>>)
      %scan3A_80 = arith.constant 0 : i32
      %scan3A_81 = arith.constant 0 : i32
      %scan3A_82 = arith.constant 128 : i32
      %scan3A_83 = arith.addi %scan3A_81, %scan3A_82 : i32
      %scan3A_84 = arith.constant 1 : i32
      %scan3A_85 = scf.for %scan3A_99 = %scan3A_81 to %scan3A_83 step %scan3A_84 iter_args(%scan3A_100 = %scan3A_80) -> (i32)  : i32 {
        %get3A = arith.index_cast %scan3A_99 : i32 to index
        %get3A_101 = arith.constant 0 : index
        %get3A_102 = tpu.vector_load %arg15[%get3A, %get3A_101] {strides = array<i32>} : memref<128x32xf32, #tpu.memory_space<vmem>>, vector<1x16xf32>,
        %get3A_103 = vector.shape_cast %get3A_102 : vector<1x16xf32> to vector<16xf32>
        %get3A_104 = arith.index_cast %scan3A_99 : i32 to index
        %get3A_105 = arith.constant 0 : index
        %get3A_106 = tpu.vector_load %arg16[%get3A_104, %get3A_105] {strides = array<i32>} : memref<128x32xf32, #tpu.memory_space<vmem>>, vector<1x16xf32>,
        %get3A_107 = vector.shape_cast %get3A_106 : vector<1x16xf32> to vector<16xf32>
        %mul3A_108 = arith.mulf %get3A_103, %get3A_107 : vector<16xf32>
        %swap3A = arith.index_cast %scan3A_99 : i32 to index
        %swap3A_109 = arith.constant 0 : index
        %swap3A_110 = tpu.vector_load %arg15[%swap3A, %swap3A_109] {strides = array<i32>} : memref<128x32xf32, #tpu.memory_space<vmem>>, vector<1x16xf32>,
        %swap3A_111 = vector.shape_cast %swap3A_110 : vector<1x16xf32> to vector<16xf32>
        %swap3A_112 = vector.shape_cast %mul3A_108 : vector<16xf32> to vector<1x16xf32>
        tpu.vector_store %arg15[%swap3A, %swap3A_109], %swap3A_112 {strides = array<i32>} : memref<128x32xf32, #tpu.memory_space<vmem>>, vector<1x16xf32>,
        %get3A_113 = arith.index_cast %scan3A_99 : i32 to index
        %get3A_114 = arith.constant 16 : index
        %get3A_115 = tpu.vector_load %arg15[%get3A_113, %get3A_114] {strides = array<i32>} : memref<128x32xf32, #tpu.memory_space<vmem>>, vector<1x16xf32>,
        %get3A_116 = vector.shape_cast %get3A_115 : vector<1x16xf32> to vector<16xf32>
        %get3A_117 = arith.index_cast %scan3A_99 : i32 to index
        %get3A_118 = arith.constant 16 : index
        %get3A_119 = tpu.vector_load %arg16[%get3A_117, %get3A_118] {strides = array<i32>} : memref<128x32xf32, #tpu.memory_space<vmem>>, vector<1x16xf32>,
        %get3A_120 = vector.shape_cast %get3A_119 : vector<1x16xf32> to vector<16xf32>
        %mul3A_121 = arith.mulf %get3A_116, %get3A_120 : vector<16xf32>
        %swap3A_122 = arith.index_cast %scan3A_99 : i32 to index
        %swap3A_123 = arith.constant 16 : index
        %swap3A_124 = tpu.vector_load %arg15[%swap3A_122, %swap3A_123] {strides = array<i32>} : memref<128x32xf32, #tpu.memory_space<vmem>>, vector<1x16xf32>,
        %swap3A_125 = vector.shape_cast %swap3A_124 : vector<1x16xf32> to vector<16xf32>
        %swap3A_126 = vector.shape_cast %mul3A_121 : vector<16xf32> to vector<1x16xf32>
        tpu.vector_store %arg15[%swap3A_122, %swap3A_123], %swap3A_126 {strides = array<i32>} : memref<128x32xf32, #tpu.memory_space<vmem>>, vector<1x16xf32>,
        %scan3A_127 = arith.constant 0 : i32
        scf.yield %scan3A_127 : i32
      }
      %scan3A_86 = arith.constant 128 : i32
      %mul3A_87 = arith.constant 51200 : i32
      %mul3A_88 = arith.muli %arg0, %mul3A_87 : i32
      %add3A_89 = arith.addi %mul3A_88, %add3A_65 : i32
      %dma_start3A_90 = arith.constant 0 : i32
      %dma_start3A_91 = tpu.memref_slice %arg10[%add3A_89, %dma_start3A_90] : memref<102400x32xf32, #tpu.memory_space<hbm>> -> memref<128x32xf32, #tpu.memory_space<hbm>>
      %dma_start3A_92 = arith.constant 0 : i32
      %dma_start3A_93 = tpu.memref_slice %arg10[%add3A_89, %dma_start3A_92] : memref<102400x32xf32, #tpu.memory_space<hbm>> -> memref<128x32xf32, #tpu.memory_space<hbm>>
      tpu.enqueue_dma source(%arg15 : memref<128x32xf32, #tpu.memory_space<vmem>>) target(%dma_start3A_93 : memref<128x32xf32, #tpu.memory_space<hbm>>) target_semaphore(%arg23 : memref<!tpu.dma_semaphore, #tpu.memory_space<semaphore_mem>>)
      %dma_wait3A_94 = arith.constant 0 : i32
      %dma_wait3A_95 = tpu.memref_slice %arg10[%add3A_89, %dma_wait3A_94] : memref<102400x32xf32, #tpu.memory_space<hbm>> -> memref<128x32xf32, #tpu.memory_space<hbm>>
      %dma_wait3A_96 = arith.constant 0 : i32
      %dma_wait3A_97 = tpu.memref_slice %arg10[%add3A_89, %dma_wait3A_96] : memref<102400x32xf32, #tpu.memory_space<hbm>> -> memref<128x32xf32, #tpu.memory_space<hbm>>
      tpu.wait_dma2 semaphore(%arg23 : memref<!tpu.dma_semaphore, #tpu.memory_space<semaphore_mem>>) src(%arg15 : memref<128x32xf32, #tpu.memory_space<vmem>>) dst(%dma_wait3A_97 : memref<128x32xf32, #tpu.memory_space<hbm>>)
      %scan3A_98 = arith.constant 0 : i32
      scf.yield %scan3A_98 : i32
    }
    %scan3A_60 = arith.constant 25 : i32
    return
  }
}

module attributes {stable_mosaic.version = 14 : i64} {
  func.func @_prep1_body(%arg0: i32, %arg1: memref<1024x32xf32, #tpu.memory_space<vmem>>, %arg2: memref<2x1024x16xf32, #tpu.memory_space<vmem>>, %arg3: memref<32x128xf32, #tpu.memory_space<vmem>>, %arg4: memref<1024x32xf32, #tpu.memory_space<vmem>>, %arg5: memref<1024x32xf32, #tpu.memory_space<vmem>>, %arg6: memref<1024x32xf32, #tpu.memory_space<vmem>>, %arg7: memref<1024x32xf32, #tpu.memory_space<vmem>>, %arg8: memref<1024x32xf32, #tpu.memory_space<vmem>>, %arg9: memref<1024x32xf32, #tpu.memory_space<vmem>>, %arg10: memref<1024x16xf32, #tpu.memory_space<vmem>>, %arg11: memref<1024x16xf32, #tpu.memory_space<vmem>>, %arg12: memref<1024x1xf32, #tpu.memory_space<vmem>>, %arg13: memref<1024x1xf32, #tpu.memory_space<vmem>>) attributes {dimension_semantics = [#tpu.dimension_semantics<arbitrary>], iteration_bounds = array<i64: 100>, scalar_prefetch = 0 : i64, scratch_operands = 0 : i64, tpu.core_type = #tpu.core_type<tc>, window_params = [{transform_indices = @transform_0, window_bounds = array<i64: 1024, 32>}, {transform_indices = @transform_1, window_bounds = array<i64: 2, 1024, 16>}, {pipeline_mode = #tpu.pipeline_mode<synchronous>, transform_indices = @transform_2, window_bounds = array<i64: 32, 128>}, {transform_indices = @transform_3, window_bounds = array<i64: 1024, 32>}, {transform_indices = @transform_4, window_bounds = array<i64: 1024, 32>}, {transform_indices = @transform_5, window_bounds = array<i64: 1024, 32>}, {transform_indices = @transform_6, window_bounds = array<i64: 1024, 32>}, {transform_indices = @transform_7, window_bounds = array<i64: 1024, 32>}, {transform_indices = @transform_8, window_bounds = array<i64: 1024, 32>}, {transform_indices = @transform_9, window_bounds = array<i64: 1024, 16>}, {transform_indices = @transform_10, window_bounds = array<i64: 1024, 16>}, {transform_indices = @transform_11, window_bounds = array<i64: 1024, 1>}, {transform_indices = @transform_12, window_bounds = array<i64: 1024, 1>}]} {
    %get3A = arith.constant 0 : index
    %get3A_0 = arith.constant 0 : index
    %get3A_1 = arith.constant 0 : index
    %get3A_2 = vector.load %arg2[%get3A, %get3A_0, %get3A_1] : memref<2x1024x16xf32, #tpu.memory_space<vmem>>, vector<1x1024x1xf32>
    %get3A_3 = vector.shape_cast %get3A_2 : vector<1x1024x1xf32> to vector<1024xf32>
    %get3A_4 = arith.constant 1 : index
    %get3A_5 = arith.constant 0 : index
    %get3A_6 = arith.constant 0 : index
    %get3A_7 = vector.load %arg2[%get3A_4, %get3A_5, %get3A_6] : memref<2x1024x16xf32, #tpu.memory_space<vmem>>, vector<1x1024x1xf32>
    %get3A_8 = vector.shape_cast %get3A_7 : vector<1x1024x1xf32> to vector<1024xf32>
    %add3A = arith.addf %get3A_3, %get3A_8 : vector<1024xf32>
    %gt3A = arith.constant 0.000000e+00 : f32
    %gt3A_9 = vector.broadcast %gt3A : f32 to vector<1024xf32>
    %gt3A_10 = arith.cmpf ogt, %add3A, %gt3A_9 : vector<1024xf32>
    %max3A = arith.constant 9.99999996E-13 : f32
    %max3A_11 = vector.broadcast %max3A : f32 to vector<1024xf32>
    %max3A_12 = arith.maximumf %add3A, %max3A_11 : vector<1024xf32>
    %rsqrt3A = math.rsqrt %max3A_12 : vector<1024xf32>
    %jit3A = arith.constant 0.000000e+00 : f32
    %broadcast_in_dim3A = vector.broadcast %jit3A : f32 to vector<1024xf32>
    %select_n3A = arith.select %gt3A_10, %rsqrt3A, %broadcast_in_dim3A : vector<1024xi1>, vector<1024xf32>
    %reshape3A = vector.shape_cast %select_n3A : vector<1024xf32> to vector<1024x1xf32>
    %sqrt3A = math.sqrt %add3A : vector<1024xf32>
    %reshape3A_13 = vector.shape_cast %sqrt3A : vector<1024xf32> to vector<1024x1xf32>
    %get3A_14 = arith.constant 0 : index
    %get3A_15 = arith.constant 0 : index
    %get3A_16 = vector.load %arg1[%get3A_14, %get3A_15] : memref<1024x32xf32, #tpu.memory_space<vmem>>, vector<1024x32xf32>
    %get3A_17 = arith.constant 0 : index
    %get3A_18 = arith.constant 0 : index
    %get3A_19 = vector.load %arg3[%get3A_17, %get3A_18] : memref<32x128xf32, #tpu.memory_space<vmem>>, vector<32x128xf32>
    %dot_general3A = arith.constant dense<0.000000e+00> : vector<1024x128xf32>
    %dot_general3A_20 = tpu.matmul %get3A_16, %get3A_19, %dot_general3A {dimension_numbers = #tpu.dot_dimension_numbers<[1], [0], [0], [1], [0, 0, 1, 1], [], []>, transpose_lhs_hint = false} : vector<1024x32xf32>, vector<32x128xf32>, vector<1024x128xf32> -> vector<1024x128xf32>
    %slice3A = vector.extract_strided_slice %dot_general3A_20 {offsets = [0, 0], sizes = [1024, 32], strides = [1, 1]} : vector<1024x128xf32> to vector<1024x32xf32>
    %swap3A = arith.constant 0 : index
    %swap3A_21 = arith.constant 0 : index
    %swap3A_22 = vector.load %arg4[%swap3A, %swap3A_21] : memref<1024x32xf32, #tpu.memory_space<vmem>>, vector<1024x32xf32>
    tpu.vector_store %arg4[%swap3A, %swap3A_21], %slice3A {strides = array<i32>} : memref<1024x32xf32, #tpu.memory_space<vmem>>, vector<1024x32xf32>,
    %slice3A_23 = vector.extract_strided_slice %dot_general3A_20 {offsets = [0, 32], sizes = [1024, 32], strides = [1, 1]} : vector<1024x128xf32> to vector<1024x32xf32>
    %mul3A = vector.broadcast %reshape3A_13 : vector<1024x1xf32> to vector<1024x32xf32>
    %mul3A_24 = arith.mulf %mul3A, %slice3A_23 : vector<1024x32xf32>
    %swap3A_25 = arith.constant 0 : index
    %swap3A_26 = arith.constant 0 : index
    %swap3A_27 = vector.load %arg5[%swap3A_25, %swap3A_26] : memref<1024x32xf32, #tpu.memory_space<vmem>>, vector<1024x32xf32>
    tpu.vector_store %arg5[%swap3A_25, %swap3A_26], %mul3A_24 {strides = array<i32>} : memref<1024x32xf32, #tpu.memory_space<vmem>>, vector<1024x32xf32>,
    %slice3A_28 = vector.extract_strided_slice %dot_general3A_20 {offsets = [0, 64], sizes = [1024, 32], strides = [1, 1]} : vector<1024x128xf32> to vector<1024x32xf32>
    %mul3A_29 = vector.broadcast %reshape3A_13 : vector<1024x1xf32> to vector<1024x32xf32>
    %mul3A_30 = arith.mulf %mul3A_29, %slice3A_28 : vector<1024x32xf32>
    %swap3A_31 = arith.constant 0 : index
    %swap3A_32 = arith.constant 0 : index
    %swap3A_33 = vector.load %arg6[%swap3A_31, %swap3A_32] : memref<1024x32xf32, #tpu.memory_space<vmem>>, vector<1024x32xf32>
    tpu.vector_store %arg6[%swap3A_31, %swap3A_32], %mul3A_30 {strides = array<i32>} : memref<1024x32xf32, #tpu.memory_space<vmem>>, vector<1024x32xf32>,
    %slice3A_34 = vector.extract_strided_slice %dot_general3A_20 {offsets = [0, 96], sizes = [1024, 32], strides = [1, 1]} : vector<1024x128xf32> to vector<1024x32xf32>
    %mul3A_35 = vector.broadcast %reshape3A : vector<1024x1xf32> to vector<1024x32xf32>
    %mul3A_36 = arith.mulf %mul3A_35, %slice3A_34 : vector<1024x32xf32>
    %swap3A_37 = arith.constant 0 : index
    %swap3A_38 = arith.constant 0 : index
    %swap3A_39 = vector.load %arg7[%swap3A_37, %swap3A_38] : memref<1024x32xf32, #tpu.memory_space<vmem>>, vector<1024x32xf32>
    tpu.vector_store %arg7[%swap3A_37, %swap3A_38], %mul3A_36 {strides = array<i32>} : memref<1024x32xf32, #tpu.memory_space<vmem>>, vector<1024x32xf32>,
    %mul3A_40 = arith.mulf %reshape3A, %reshape3A : vector<1024x1xf32>
    %broadcast_in_dim3A_41 = vector.shape_cast %mul3A_40 : vector<1024x1xf32> to vector<1024x1xf32>
    %broadcast_in_dim3A_42 = vector.broadcast %broadcast_in_dim3A_41 : vector<1024x1xf32> to vector<1024x32xf32>
    %swap3A_43 = arith.constant 0 : index
    %swap3A_44 = arith.constant 0 : index
    %swap3A_45 = vector.load %arg8[%swap3A_43, %swap3A_44] : memref<1024x32xf32, #tpu.memory_space<vmem>>, vector<1024x32xf32>
    tpu.vector_store %arg8[%swap3A_43, %swap3A_44], %broadcast_in_dim3A_42 {strides = array<i32>} : memref<1024x32xf32, #tpu.memory_space<vmem>>, vector<1024x32xf32>,
    %broadcast_in_dim3A_46 = vector.shape_cast %reshape3A : vector<1024x1xf32> to vector<1024x1xf32>
    %broadcast_in_dim3A_47 = vector.broadcast %broadcast_in_dim3A_46 : vector<1024x1xf32> to vector<1024x32xf32>
    %swap3A_48 = arith.constant 0 : index
    %swap3A_49 = arith.constant 0 : index
    %swap3A_50 = vector.load %arg9[%swap3A_48, %swap3A_49] : memref<1024x32xf32, #tpu.memory_space<vmem>>, vector<1024x32xf32>
    tpu.vector_store %arg9[%swap3A_48, %swap3A_49], %broadcast_in_dim3A_47 {strides = array<i32>} : memref<1024x32xf32, #tpu.memory_space<vmem>>, vector<1024x32xf32>,
    %broadcast_in_dim3A_51 = vector.shape_cast %mul3A_40 : vector<1024x1xf32> to vector<1024x1xf32>
    %broadcast_in_dim3A_52 = vector.broadcast %broadcast_in_dim3A_51 : vector<1024x1xf32> to vector<1024x16xf32>
    %swap3A_53 = arith.constant 0 : index
    %swap3A_54 = arith.constant 0 : index
    %swap3A_55 = vector.load %arg10[%swap3A_53, %swap3A_54] : memref<1024x16xf32, #tpu.memory_space<vmem>>, vector<1024x16xf32>
    tpu.vector_store %arg10[%swap3A_53, %swap3A_54], %broadcast_in_dim3A_52 {strides = array<i32>} : memref<1024x16xf32, #tpu.memory_space<vmem>>, vector<1024x16xf32>,
    %broadcast_in_dim3A_56 = vector.shape_cast %reshape3A : vector<1024x1xf32> to vector<1024x1xf32>
    %broadcast_in_dim3A_57 = vector.broadcast %broadcast_in_dim3A_56 : vector<1024x1xf32> to vector<1024x16xf32>
    %swap3A_58 = arith.constant 0 : index
    %swap3A_59 = arith.constant 0 : index
    %swap3A_60 = vector.load %arg11[%swap3A_58, %swap3A_59] : memref<1024x16xf32, #tpu.memory_space<vmem>>, vector<1024x16xf32>
    tpu.vector_store %arg11[%swap3A_58, %swap3A_59], %broadcast_in_dim3A_57 {strides = array<i32>} : memref<1024x16xf32, #tpu.memory_space<vmem>>, vector<1024x16xf32>,
    %swap3A_61 = arith.constant 0 : index
    %swap3A_62 = arith.constant 0 : index
    %swap3A_63 = vector.load %arg12[%swap3A_61, %swap3A_62] : memref<1024x1xf32, #tpu.memory_space<vmem>>, vector<1024x1xf32>
    tpu.vector_store %arg12[%swap3A_61, %swap3A_62], %reshape3A {strides = array<i32>} : memref<1024x1xf32, #tpu.memory_space<vmem>>, vector<1024x1xf32>,
    %swap3A_64 = arith.constant 0 : index
    %swap3A_65 = arith.constant 0 : index
    %swap3A_66 = vector.load %arg13[%swap3A_64, %swap3A_65] : memref<1024x1xf32, #tpu.memory_space<vmem>>, vector<1024x1xf32>
    tpu.vector_store %arg13[%swap3A_64, %swap3A_65], %reshape3A_13 {strides = array<i32>} : memref<1024x1xf32, #tpu.memory_space<vmem>>, vector<1024x1xf32>,
    return
  }
  func.func @transform_0(%arg0: i32) -> (i32, i32) {
    %c0_i32 = arith.constant 0 : i32
    %c0_i32_0 = arith.constant 0 : i32
    return %arg0, %c0_i32 : i32, i32
  }
  func.func @transform_1(%arg0: i32) -> (i32, i32, i32) {
    %jit3A = arith.constant 50 : i32
    %eq3A = arith.constant 0 : i32
    %eq3A_0 = arith.cmpi eq, %jit3A, %eq3A : i32
    %jit3A_1 = arith.constant 1 : i32
    %select_n3A = arith.select %eq3A_0, %jit3A_1, %jit3A : i32
    %rem3A = arith.remsi %arg0, %select_n3A : i32
    %ne3A = arith.constant 0 : i32
    %ne3A_2 = arith.cmpi ne, %rem3A, %ne3A : i32
    %lt3A = arith.constant 0 : i32
    %lt3A_3 = arith.cmpi slt, %rem3A, %lt3A : i32
    %lt3A_4 = arith.constant 0 : i32
    %lt3A_5 = arith.cmpi slt, %select_n3A, %lt3A_4 : i32
    %ne3A_6 = arith.xori %lt3A_3, %lt3A_5 : i1
    %and3A = arith.andi %ne3A_6, %ne3A_2 : i1
    %add3A = arith.addi %rem3A, %select_n3A : i32
    %select_n3A_7 = arith.select %and3A, %add3A, %rem3A : i32
    %c0_i32 = arith.constant 0 : i32
    %c0_i32_8 = arith.constant 0 : i32
    %c0_i32_9 = arith.constant 0 : i32
    return %c0_i32, %select_n3A_7, %c0_i32_8 : i32, i32, i32
  }
  func.func @transform_2(%arg0: i32) -> (i32, i32) {
    %c0_i32 = arith.constant 0 : i32
    %c0_i32_0 = arith.constant 0 : i32
    %c0_i32_1 = arith.constant 0 : i32
    return %c0_i32, %c0_i32_0 : i32, i32
  }
  func.func @transform_3(%arg0: i32) -> (i32, i32) {
    %c0_i32 = arith.constant 0 : i32
    %c0_i32_0 = arith.constant 0 : i32
    return %arg0, %c0_i32 : i32, i32
  }
  func.func @transform_4(%arg0: i32) -> (i32, i32) {
    %c0_i32 = arith.constant 0 : i32
    %c0_i32_0 = arith.constant 0 : i32
    return %arg0, %c0_i32 : i32, i32
  }
  func.func @transform_5(%arg0: i32) -> (i32, i32) {
    %c0_i32 = arith.constant 0 : i32
    %c0_i32_0 = arith.constant 0 : i32
    return %arg0, %c0_i32 : i32, i32
  }
  func.func @transform_6(%arg0: i32) -> (i32, i32) {
    %c0_i32 = arith.constant 0 : i32
    %c0_i32_0 = arith.constant 0 : i32
    return %arg0, %c0_i32 : i32, i32
  }
  func.func @transform_7(%arg0: i32) -> (i32, i32) {
    %jit3A = arith.constant 50 : i32
    %eq3A = arith.constant 0 : i32
    %eq3A_0 = arith.cmpi eq, %jit3A, %eq3A : i32
    %jit3A_1 = arith.constant 1 : i32
    %select_n3A = arith.select %eq3A_0, %jit3A_1, %jit3A : i32
    %rem3A = arith.remsi %arg0, %select_n3A : i32
    %ne3A = arith.constant 0 : i32
    %ne3A_2 = arith.cmpi ne, %rem3A, %ne3A : i32
    %lt3A = arith.constant 0 : i32
    %lt3A_3 = arith.cmpi slt, %rem3A, %lt3A : i32
    %lt3A_4 = arith.constant 0 : i32
    %lt3A_5 = arith.cmpi slt, %select_n3A, %lt3A_4 : i32
    %ne3A_6 = arith.xori %lt3A_3, %lt3A_5 : i1
    %and3A = arith.andi %ne3A_6, %ne3A_2 : i1
    %add3A = arith.addi %rem3A, %select_n3A : i32
    %select_n3A_7 = arith.select %and3A, %add3A, %rem3A : i32
    %c0_i32 = arith.constant 0 : i32
    %c0_i32_8 = arith.constant 0 : i32
    return %select_n3A_7, %c0_i32 : i32, i32
  }
  func.func @transform_8(%arg0: i32) -> (i32, i32) {
    %jit3A = arith.constant 50 : i32
    %eq3A = arith.constant 0 : i32
    %eq3A_0 = arith.cmpi eq, %jit3A, %eq3A : i32
    %jit3A_1 = arith.constant 1 : i32
    %select_n3A = arith.select %eq3A_0, %jit3A_1, %jit3A : i32
    %rem3A = arith.remsi %arg0, %select_n3A : i32
    %ne3A = arith.constant 0 : i32
    %ne3A_2 = arith.cmpi ne, %rem3A, %ne3A : i32
    %lt3A = arith.constant 0 : i32
    %lt3A_3 = arith.cmpi slt, %rem3A, %lt3A : i32
    %lt3A_4 = arith.constant 0 : i32
    %lt3A_5 = arith.cmpi slt, %select_n3A, %lt3A_4 : i32
    %ne3A_6 = arith.xori %lt3A_3, %lt3A_5 : i1
    %and3A = arith.andi %ne3A_6, %ne3A_2 : i1
    %add3A = arith.addi %rem3A, %select_n3A : i32
    %select_n3A_7 = arith.select %and3A, %add3A, %rem3A : i32
    %c0_i32 = arith.constant 0 : i32
    %c0_i32_8 = arith.constant 0 : i32
    return %select_n3A_7, %c0_i32 : i32, i32
  }
  func.func @transform_9(%arg0: i32) -> (i32, i32) {
    %jit3A = arith.constant 50 : i32
    %eq3A = arith.constant 0 : i32
    %eq3A_0 = arith.cmpi eq, %jit3A, %eq3A : i32
    %jit3A_1 = arith.constant 1 : i32
    %select_n3A = arith.select %eq3A_0, %jit3A_1, %jit3A : i32
    %rem3A = arith.remsi %arg0, %select_n3A : i32
    %ne3A = arith.constant 0 : i32
    %ne3A_2 = arith.cmpi ne, %rem3A, %ne3A : i32
    %lt3A = arith.constant 0 : i32
    %lt3A_3 = arith.cmpi slt, %rem3A, %lt3A : i32
    %lt3A_4 = arith.constant 0 : i32
    %lt3A_5 = arith.cmpi slt, %select_n3A, %lt3A_4 : i32
    %ne3A_6 = arith.xori %lt3A_3, %lt3A_5 : i1
    %and3A = arith.andi %ne3A_6, %ne3A_2 : i1
    %add3A = arith.addi %rem3A, %select_n3A : i32
    %select_n3A_7 = arith.select %and3A, %add3A, %rem3A : i32
    %c0_i32 = arith.constant 0 : i32
    %c0_i32_8 = arith.constant 0 : i32
    return %select_n3A_7, %c0_i32 : i32, i32
  }
  func.func @transform_10(%arg0: i32) -> (i32, i32) {
    %jit3A = arith.constant 50 : i32
    %eq3A = arith.constant 0 : i32
    %eq3A_0 = arith.cmpi eq, %jit3A, %eq3A : i32
    %jit3A_1 = arith.constant 1 : i32
    %select_n3A = arith.select %eq3A_0, %jit3A_1, %jit3A : i32
    %rem3A = arith.remsi %arg0, %select_n3A : i32
    %ne3A = arith.constant 0 : i32
    %ne3A_2 = arith.cmpi ne, %rem3A, %ne3A : i32
    %lt3A = arith.constant 0 : i32
    %lt3A_3 = arith.cmpi slt, %rem3A, %lt3A : i32
    %lt3A_4 = arith.constant 0 : i32
    %lt3A_5 = arith.cmpi slt, %select_n3A, %lt3A_4 : i32
    %ne3A_6 = arith.xori %lt3A_3, %lt3A_5 : i1
    %and3A = arith.andi %ne3A_6, %ne3A_2 : i1
    %add3A = arith.addi %rem3A, %select_n3A : i32
    %select_n3A_7 = arith.select %and3A, %add3A, %rem3A : i32
    %c0_i32 = arith.constant 0 : i32
    %c0_i32_8 = arith.constant 0 : i32
    return %select_n3A_7, %c0_i32 : i32, i32
  }
  func.func @transform_11(%arg0: i32) -> (i32, i32) {
    %jit3A = arith.constant 50 : i32
    %eq3A = arith.constant 0 : i32
    %eq3A_0 = arith.cmpi eq, %jit3A, %eq3A : i32
    %jit3A_1 = arith.constant 1 : i32
    %select_n3A = arith.select %eq3A_0, %jit3A_1, %jit3A : i32
    %rem3A = arith.remsi %arg0, %select_n3A : i32
    %ne3A = arith.constant 0 : i32
    %ne3A_2 = arith.cmpi ne, %rem3A, %ne3A : i32
    %lt3A = arith.constant 0 : i32
    %lt3A_3 = arith.cmpi slt, %rem3A, %lt3A : i32
    %lt3A_4 = arith.constant 0 : i32
    %lt3A_5 = arith.cmpi slt, %select_n3A, %lt3A_4 : i32
    %ne3A_6 = arith.xori %lt3A_3, %lt3A_5 : i1
    %and3A = arith.andi %ne3A_6, %ne3A_2 : i1
    %add3A = arith.addi %rem3A, %select_n3A : i32
    %select_n3A_7 = arith.select %and3A, %add3A, %rem3A : i32
    %c0_i32 = arith.constant 0 : i32
    %c0_i32_8 = arith.constant 0 : i32
    return %select_n3A_7, %c0_i32 : i32, i32
  }
  func.func @transform_12(%arg0: i32) -> (i32, i32) {
    %jit3A = arith.constant 50 : i32
    %eq3A = arith.constant 0 : i32
    %eq3A_0 = arith.cmpi eq, %jit3A, %eq3A : i32
    %jit3A_1 = arith.constant 1 : i32
    %select_n3A = arith.select %eq3A_0, %jit3A_1, %jit3A : i32
    %rem3A = arith.remsi %arg0, %select_n3A : i32
    %ne3A = arith.constant 0 : i32
    %ne3A_2 = arith.cmpi ne, %rem3A, %ne3A : i32
    %lt3A = arith.constant 0 : i32
    %lt3A_3 = arith.cmpi slt, %rem3A, %lt3A : i32
    %lt3A_4 = arith.constant 0 : i32
    %lt3A_5 = arith.cmpi slt, %select_n3A, %lt3A_4 : i32
    %ne3A_6 = arith.xori %lt3A_3, %lt3A_5 : i1
    %and3A = arith.andi %ne3A_6, %ne3A_2 : i1
    %add3A = arith.addi %rem3A, %select_n3A : i32
    %select_n3A_7 = arith.select %and3A, %add3A, %rem3A : i32
    %c0_i32 = arith.constant 0 : i32
    %c0_i32_8 = arith.constant 0 : i32
    return %select_n3A_7, %c0_i32 : i32, i32
  }
}

module attributes {stable_mosaic.version = 14 : i64} {
  func.func @_mid_body(%arg0: i32, %arg1: memref<2x1024x32xf32, #tpu.memory_space<vmem>>, %arg2: memref<2x1024x32xf32, #tpu.memory_space<vmem>>, %arg3: memref<1024x32xf32, #tpu.memory_space<vmem>>, %arg4: memref<1024x32xf32, #tpu.memory_space<vmem>>, %arg5: memref<1024x1xf32, #tpu.memory_space<vmem>>, %arg6: memref<1024x1xf32, #tpu.memory_space<vmem>>, %arg7: memref<1x32xf32, #tpu.memory_space<vmem>>, %arg8: memref<32x128xf32, #tpu.memory_space<vmem>>, %arg9: memref<2x1024x32xf32, #tpu.memory_space<vmem>>, %arg10: memref<2x1024x32xf32, #tpu.memory_space<vmem>>, %arg11: memref<2x1024x32xf32, #tpu.memory_space<vmem>>, %arg12: memref<2x1024x32xf32, #tpu.memory_space<vmem>>) attributes {dimension_semantics = [#tpu.dimension_semantics<arbitrary>], iteration_bounds = array<i64: 50>, scalar_prefetch = 0 : i64, scratch_operands = 0 : i64, tpu.core_type = #tpu.core_type<tc>, window_params = [{transform_indices = @transform_0, window_bounds = array<i64: 2, 1024, 32>}, {transform_indices = @transform_1, window_bounds = array<i64: 2, 1024, 32>}, {transform_indices = @transform_2, window_bounds = array<i64: 1024, 32>}, {transform_indices = @transform_3, window_bounds = array<i64: 1024, 32>}, {transform_indices = @transform_4, window_bounds = array<i64: 1024, 1>}, {transform_indices = @transform_5, window_bounds = array<i64: 1024, 1>}, {pipeline_mode = #tpu.pipeline_mode<synchronous>, transform_indices = @transform_6, window_bounds = array<i64: 1, 32>}, {pipeline_mode = #tpu.pipeline_mode<synchronous>, transform_indices = @transform_7, window_bounds = array<i64: 32, 128>}, {transform_indices = @transform_8, window_bounds = array<i64: 2, 1024, 32>}, {transform_indices = @transform_9, window_bounds = array<i64: 2, 1024, 32>}, {transform_indices = @transform_10, window_bounds = array<i64: 2, 1024, 32>}, {transform_indices = @transform_11, window_bounds = array<i64: 2, 1024, 32>}]} {
    %get3A = arith.constant 0 : index
    %get3A_0 = arith.constant 0 : index
    %get3A_1 = arith.constant 0 : index
    %get3A_2 = vector.load %arg1[%get3A, %get3A_0, %get3A_1] : memref<2x1024x32xf32, #tpu.memory_space<vmem>>, vector<2x1024x32xf32>
    %get3A_3 = arith.constant 0 : index
    %get3A_4 = arith.constant 0 : index
    %get3A_5 = arith.constant 0 : index
    %get3A_6 = vector.load %arg2[%get3A_3, %get3A_4, %get3A_5] : memref<2x1024x32xf32, #tpu.memory_space<vmem>>, vector<2x1024x32xf32>
    %add3A = arith.addf %get3A_2, %get3A_6 : vector<2x1024x32xf32>
    %get3A_7 = arith.constant 0 : index
    %get3A_8 = arith.constant 0 : index
    %get3A_9 = vector.load %arg7[%get3A_7, %get3A_8] : memref<1x32xf32, #tpu.memory_space<vmem>>, vector<1x32xf32>
    %broadcast_in_dim3A = vector.shape_cast %get3A_9 : vector<1x32xf32> to vector<1x1x32xf32>
    %add3A_10 = vector.broadcast %broadcast_in_dim3A : vector<1x1x32xf32> to vector<2x1024x32xf32>
    %add3A_11 = arith.addf %add3A, %add3A_10 : vector<2x1024x32xf32>
    %reduce_sum3A = arith.constant dense<0.000000e+00> : vector<1024x32xf32>
    %reduce_sum3A_12 = vector.multi_reduction <add>, %add3A_11, %reduce_sum3A [0] : vector<2x1024x32xf32> to vector<1024x32xf32>
    %broadcast_in_dim3A_13 = vector.shape_cast %reduce_sum3A_12 : vector<1024x32xf32> to vector<1x1024x32xf32>
    %div3A = arith.constant 2.000000e+00 : f32
    %div3A_14 = vector.broadcast %div3A : f32 to vector<1x1024x32xf32>
    %div3A_15 = arith.divf %broadcast_in_dim3A_13, %div3A_14 : vector<1x1024x32xf32>
    %sub3A = vector.broadcast %div3A_15 : vector<1x1024x32xf32> to vector<2x1024x32xf32>
    %sub3A_16 = arith.subf %add3A_11, %sub3A : vector<2x1024x32xf32>
    %integer_pow3A = arith.mulf %sub3A_16, %sub3A_16 : vector<2x1024x32xf32>
    %reduce_sum3A_17 = arith.constant dense<0.000000e+00> : vector<1024x32xf32>
    %reduce_sum3A_18 = vector.multi_reduction <add>, %integer_pow3A, %reduce_sum3A_17 [0] : vector<2x1024x32xf32> to vector<1024x32xf32>
    %broadcast_in_dim3A_19 = vector.shape_cast %reduce_sum3A_18 : vector<1024x32xf32> to vector<1x1024x32xf32>
    %div3A_20 = arith.constant 2.000000e+00 : f32
    %div3A_21 = vector.broadcast %div3A_20 : f32 to vector<1x1024x32xf32>
    %div3A_22 = arith.divf %broadcast_in_dim3A_19, %div3A_21 : vector<1x1024x32xf32>
    %get3A_23 = arith.constant 0 : index
    %get3A_24 = arith.constant 0 : index
    %get3A_25 = vector.load %arg3[%get3A_23, %get3A_24] : memref<1024x32xf32, #tpu.memory_space<vmem>>, vector<1024x32xf32>
    %sub3A_26 = vector.broadcast %div3A_15 : vector<1x1024x32xf32> to vector<2x1024x32xf32>
    %sub3A_27 = arith.subf %add3A_11, %sub3A_26 : vector<2x1024x32xf32>
    %broadcast_in_dim3A_28 = vector.shape_cast %get3A_25 : vector<1024x32xf32> to vector<1x1024x32xf32>
    %mul3A = vector.broadcast %broadcast_in_dim3A_28 : vector<1x1024x32xf32> to vector<2x1024x32xf32>
    %mul3A_29 = arith.mulf %mul3A, %sub3A_27 : vector<2x1024x32xf32>
    %add3A_30 = arith.constant 9.99999974E-6 : f32
    %add3A_31 = vector.broadcast %add3A_30 : f32 to vector<1x1024x32xf32>
    %add3A_32 = arith.addf %div3A_22, %add3A_31 : vector<1x1024x32xf32>
    %sqrt3A = math.sqrt %add3A_32 : vector<1x1024x32xf32>
    %div3A_33 = vector.broadcast %sqrt3A : vector<1x1024x32xf32> to vector<2x1024x32xf32>
    %div3A_34 = arith.divf %mul3A_29, %div3A_33 : vector<2x1024x32xf32>
    %get3A_35 = arith.constant 0 : index
    %get3A_36 = arith.constant 0 : index
    %get3A_37 = vector.load %arg4[%get3A_35, %get3A_36] : memref<1024x32xf32, #tpu.memory_space<vmem>>, vector<1024x32xf32>
    %broadcast_in_dim3A_38 = vector.shape_cast %get3A_37 : vector<1024x32xf32> to vector<1x1024x32xf32>
    %add3A_39 = vector.broadcast %broadcast_in_dim3A_38 : vector<1x1024x32xf32> to vector<2x1024x32xf32>
    %add3A_40 = arith.addf %div3A_34, %add3A_39 : vector<2x1024x32xf32>
    %ge3A = arith.constant 0.000000e+00 : f32
    %ge3A_41 = vector.broadcast %ge3A : f32 to vector<2x1024x32xf32>
    %ge3A_42 = arith.cmpf oge, %add3A_40, %ge3A_41 : vector<2x1024x32xf32>
    %mul3A_43 = arith.constant 0.00999999977 : f32
    %mul3A_44 = vector.broadcast %mul3A_43 : f32 to vector<2x1024x32xf32>
    %mul3A_45 = arith.mulf %mul3A_44, %add3A_40 : vector<2x1024x32xf32>
    %select_n3A = arith.select %ge3A_42, %add3A_40, %mul3A_45 : vector<2x1024x32xi1>, vector<2x1024x32xf32>
    %reshape3A = vector.shape_cast %select_n3A : vector<2x1024x32xf32> to vector<2048x32xf32>
    %get3A_46 = arith.constant 0 : index
    %get3A_47 = arith.constant 0 : index
    %get3A_48 = vector.load %arg8[%get3A_46, %get3A_47] : memref<32x128xf32, #tpu.memory_space<vmem>>, vector<32x128xf32>
    %dot_general3A = arith.constant dense<0.000000e+00> : vector<2048x128xf32>
    %dot_general3A_49 = tpu.matmul %reshape3A, %get3A_48, %dot_general3A {dimension_numbers = #tpu.dot_dimension_numbers<[1], [0], [0], [1], [0, 0, 1, 1], [], []>, transpose_lhs_hint = false} : vector<2048x32xf32>, vector<32x128xf32>, vector<2048x128xf32> -> vector<2048x128xf32>
    %reshape3A_50 = vector.shape_cast %dot_general3A_49 : vector<2048x128xf32> to vector<2x1024x128xf32>
    %get3A_51 = arith.constant 0 : index
    %get3A_52 = arith.constant 0 : index
    %get3A_53 = vector.load %arg5[%get3A_51, %get3A_52] : memref<1024x1xf32, #tpu.memory_space<vmem>>, vector<1024x1xf32>
    %reshape3A_54 = vector.shape_cast %get3A_53 : vector<1024x1xf32> to vector<1x1024x1xf32>
    %get3A_55 = arith.constant 0 : index
    %get3A_56 = arith.constant 0 : index
    %get3A_57 = vector.load %arg6[%get3A_55, %get3A_56] : memref<1024x1xf32, #tpu.memory_space<vmem>>, vector<1024x1xf32>
    %reshape3A_58 = vector.shape_cast %get3A_57 : vector<1024x1xf32> to vector<1x1024x1xf32>
    %slice3A = vector.extract_strided_slice %reshape3A_50 {offsets = [0, 0, 0], sizes = [2, 1024, 32], strides = [1, 1, 1]} : vector<2x1024x128xf32> to vector<2x1024x32xf32>
    %swap3A = arith.constant 0 : index
    %swap3A_59 = arith.constant 0 : index
    %swap3A_60 = arith.constant 0 : index
    %swap3A_61 = vector.load %arg9[%swap3A, %swap3A_59, %swap3A_60] : memref<2x1024x32xf32, #tpu.memory_space<vmem>>, vector<2x1024x32xf32>
    tpu.vector_store %arg9[%swap3A, %swap3A_59, %swap3A_60], %slice3A {strides = array<i32>} : memref<2x1024x32xf32, #tpu.memory_space<vmem>>, vector<2x1024x32xf32>,
    %slice3A_62 = vector.extract_strided_slice %reshape3A_50 {offsets = [0, 0, 32], sizes = [2, 1024, 32], strides = [1, 1, 1]} : vector<2x1024x128xf32> to vector<2x1024x32xf32>
    %mul3A_63 = vector.broadcast %reshape3A_58 : vector<1x1024x1xf32> to vector<2x1024x32xf32>
    %mul3A_64 = arith.mulf %mul3A_63, %slice3A_62 : vector<2x1024x32xf32>
    %swap3A_65 = arith.constant 0 : index
    %swap3A_66 = arith.constant 0 : index
    %swap3A_67 = arith.constant 0 : index
    %swap3A_68 = vector.load %arg10[%swap3A_65, %swap3A_66, %swap3A_67] : memref<2x1024x32xf32, #tpu.memory_space<vmem>>, vector<2x1024x32xf32>
    tpu.vector_store %arg10[%swap3A_65, %swap3A_66, %swap3A_67], %mul3A_64 {strides = array<i32>} : memref<2x1024x32xf32, #tpu.memory_space<vmem>>, vector<2x1024x32xf32>,
    %slice3A_69 = vector.extract_strided_slice %reshape3A_50 {offsets = [0, 0, 64], sizes = [2, 1024, 32], strides = [1, 1, 1]} : vector<2x1024x128xf32> to vector<2x1024x32xf32>
    %mul3A_70 = vector.broadcast %reshape3A_58 : vector<1x1024x1xf32> to vector<2x1024x32xf32>
    %mul3A_71 = arith.mulf %mul3A_70, %slice3A_69 : vector<2x1024x32xf32>
    %swap3A_72 = arith.constant 0 : index
    %swap3A_73 = arith.constant 0 : index
    %swap3A_74 = arith.constant 0 : index
    %swap3A_75 = vector.load %arg11[%swap3A_72, %swap3A_73, %swap3A_74] : memref<2x1024x32xf32, #tpu.memory_space<vmem>>, vector<2x1024x32xf32>
    tpu.vector_store %arg11[%swap3A_72, %swap3A_73, %swap3A_74], %mul3A_71 {strides = array<i32>} : memref<2x1024x32xf32, #tpu.memory_space<vmem>>, vector<2x1024x32xf32>,
    %slice3A_76 = vector.extract_strided_slice %reshape3A_50 {offsets = [0, 0, 96], sizes = [2, 1024, 32], strides = [1, 1, 1]} : vector<2x1024x128xf32> to vector<2x1024x32xf32>
    %mul3A_77 = vector.broadcast %reshape3A_54 : vector<1x1024x1xf32> to vector<2x1024x32xf32>
    %mul3A_78 = arith.mulf %mul3A_77, %slice3A_76 : vector<2x1024x32xf32>
    %swap3A_79 = arith.constant 0 : index
    %swap3A_80 = arith.constant 0 : index
    %swap3A_81 = arith.constant 0 : index
    %swap3A_82 = vector.load %arg12[%swap3A_79, %swap3A_80, %swap3A_81] : memref<2x1024x32xf32, #tpu.memory_space<vmem>>, vector<2x1024x32xf32>
    tpu.vector_store %arg12[%swap3A_79, %swap3A_80, %swap3A_81], %mul3A_78 {strides = array<i32>} : memref<2x1024x32xf32, #tpu.memory_space<vmem>>, vector<2x1024x32xf32>,
    return
  }
  func.func @transform_0(%arg0: i32) -> (i32, i32, i32) {
    %c0_i32 = arith.constant 0 : i32
    %c0_i32_0 = arith.constant 0 : i32
    %c0_i32_1 = arith.constant 0 : i32
    return %c0_i32, %arg0, %c0_i32_0 : i32, i32, i32
  }
  func.func @transform_1(%arg0: i32) -> (i32, i32, i32) {
    %c0_i32 = arith.constant 0 : i32
    %c0_i32_0 = arith.constant 0 : i32
    %c0_i32_1 = arith.constant 0 : i32
    return %c0_i32, %arg0, %c0_i32_0 : i32, i32, i32
  }
  func.func @transform_2(%arg0: i32) -> (i32, i32) {
    %c0_i32 = arith.constant 0 : i32
    %c0_i32_0 = arith.constant 0 : i32
    return %arg0, %c0_i32 : i32, i32
  }
  func.func @transform_3(%arg0: i32) -> (i32, i32) {
    %c0_i32 = arith.constant 0 : i32
    %c0_i32_0 = arith.constant 0 : i32
    return %arg0, %c0_i32 : i32, i32
  }
  func.func @transform_4(%arg0: i32) -> (i32, i32) {
    %c0_i32 = arith.constant 0 : i32
    %c0_i32_0 = arith.constant 0 : i32
    return %arg0, %c0_i32 : i32, i32
  }
  func.func @transform_5(%arg0: i32) -> (i32, i32) {
    %c0_i32 = arith.constant 0 : i32
    %c0_i32_0 = arith.constant 0 : i32
    return %arg0, %c0_i32 : i32, i32
  }
  func.func @transform_6(%arg0: i32) -> (i32, i32) {
    %c0_i32 = arith.constant 0 : i32
    %c0_i32_0 = arith.constant 0 : i32
    %c0_i32_1 = arith.constant 0 : i32
    return %c0_i32, %c0_i32_0 : i32, i32
  }
  func.func @transform_7(%arg0: i32) -> (i32, i32) {
    %c0_i32 = arith.constant 0 : i32
    %c0_i32_0 = arith.constant 0 : i32
    %c0_i32_1 = arith.constant 0 : i32
    return %c0_i32, %c0_i32_0 : i32, i32
  }
  func.func @transform_8(%arg0: i32) -> (i32, i32, i32) {
    %c0_i32 = arith.constant 0 : i32
    %c0_i32_0 = arith.constant 0 : i32
    %c0_i32_1 = arith.constant 0 : i32
    return %c0_i32, %arg0, %c0_i32_0 : i32, i32, i32
  }
  func.func @transform_9(%arg0: i32) -> (i32, i32, i32) {
    %c0_i32 = arith.constant 0 : i32
    %c0_i32_0 = arith.constant 0 : i32
    %c0_i32_1 = arith.constant 0 : i32
    return %c0_i32, %arg0, %c0_i32_0 : i32, i32, i32
  }
  func.func @transform_10(%arg0: i32) -> (i32, i32, i32) {
    %c0_i32 = arith.constant 0 : i32
    %c0_i32_0 = arith.constant 0 : i32
    %c0_i32_1 = arith.constant 0 : i32
    return %c0_i32, %arg0, %c0_i32_0 : i32, i32, i32
  }
  func.func @transform_11(%arg0: i32) -> (i32, i32, i32) {
    %c0_i32 = arith.constant 0 : i32
    %c0_i32_0 = arith.constant 0 : i32
    %c0_i32_1 = arith.constant 0 : i32
    return %c0_i32, %arg0, %c0_i32_0 : i32, i32, i32
  }
}

module attributes {stable_mosaic.version = 14 : i64} {
  func.func @_mid_body(%arg0: i32, %arg1: memref<2x1024x32xf32, #tpu.memory_space<vmem>>, %arg2: memref<2x1024x32xf32, #tpu.memory_space<vmem>>, %arg3: memref<1024x32xf32, #tpu.memory_space<vmem>>, %arg4: memref<1024x32xf32, #tpu.memory_space<vmem>>, %arg5: memref<1024x1xf32, #tpu.memory_space<vmem>>, %arg6: memref<1024x1xf32, #tpu.memory_space<vmem>>, %arg7: memref<1x32xf32, #tpu.memory_space<vmem>>, %arg8: memref<32x64xf32, #tpu.memory_space<vmem>>, %arg9: memref<2x1024x16xf32, #tpu.memory_space<vmem>>, %arg10: memref<2x1024x16xf32, #tpu.memory_space<vmem>>, %arg11: memref<2x1024x16xf32, #tpu.memory_space<vmem>>, %arg12: memref<2x1024x16xf32, #tpu.memory_space<vmem>>) attributes {dimension_semantics = [#tpu.dimension_semantics<arbitrary>], iteration_bounds = array<i64: 50>, scalar_prefetch = 0 : i64, scratch_operands = 0 : i64, tpu.core_type = #tpu.core_type<tc>, window_params = [{transform_indices = @transform_0, window_bounds = array<i64: 2, 1024, 32>}, {transform_indices = @transform_1, window_bounds = array<i64: 2, 1024, 32>}, {transform_indices = @transform_2, window_bounds = array<i64: 1024, 32>}, {transform_indices = @transform_3, window_bounds = array<i64: 1024, 32>}, {transform_indices = @transform_4, window_bounds = array<i64: 1024, 1>}, {transform_indices = @transform_5, window_bounds = array<i64: 1024, 1>}, {pipeline_mode = #tpu.pipeline_mode<synchronous>, transform_indices = @transform_6, window_bounds = array<i64: 1, 32>}, {pipeline_mode = #tpu.pipeline_mode<synchronous>, transform_indices = @transform_7, window_bounds = array<i64: 32, 64>}, {transform_indices = @transform_8, window_bounds = array<i64: 2, 1024, 16>}, {transform_indices = @transform_9, window_bounds = array<i64: 2, 1024, 16>}, {transform_indices = @transform_10, window_bounds = array<i64: 2, 1024, 16>}, {transform_indices = @transform_11, window_bounds = array<i64: 2, 1024, 16>}]} {
    %get3A = arith.constant 0 : index
    %get3A_0 = arith.constant 0 : index
    %get3A_1 = arith.constant 0 : index
    %get3A_2 = vector.load %arg1[%get3A, %get3A_0, %get3A_1] : memref<2x1024x32xf32, #tpu.memory_space<vmem>>, vector<2x1024x32xf32>
    %get3A_3 = arith.constant 0 : index
    %get3A_4 = arith.constant 0 : index
    %get3A_5 = arith.constant 0 : index
    %get3A_6 = vector.load %arg2[%get3A_3, %get3A_4, %get3A_5] : memref<2x1024x32xf32, #tpu.memory_space<vmem>>, vector<2x1024x32xf32>
    %add3A = arith.addf %get3A_2, %get3A_6 : vector<2x1024x32xf32>
    %get3A_7 = arith.constant 0 : index
    %get3A_8 = arith.constant 0 : index
    %get3A_9 = vector.load %arg7[%get3A_7, %get3A_8] : memref<1x32xf32, #tpu.memory_space<vmem>>, vector<1x32xf32>
    %broadcast_in_dim3A = vector.shape_cast %get3A_9 : vector<1x32xf32> to vector<1x1x32xf32>
    %add3A_10 = vector.broadcast %broadcast_in_dim3A : vector<1x1x32xf32> to vector<2x1024x32xf32>
    %add3A_11 = arith.addf %add3A, %add3A_10 : vector<2x1024x32xf32>
    %reduce_sum3A = arith.constant dense<0.000000e+00> : vector<1024x32xf32>
    %reduce_sum3A_12 = vector.multi_reduction <add>, %add3A_11, %reduce_sum3A [0] : vector<2x1024x32xf32> to vector<1024x32xf32>
    %broadcast_in_dim3A_13 = vector.shape_cast %reduce_sum3A_12 : vector<1024x32xf32> to vector<1x1024x32xf32>
    %div3A = arith.constant 2.000000e+00 : f32
    %div3A_14 = vector.broadcast %div3A : f32 to vector<1x1024x32xf32>
    %div3A_15 = arith.divf %broadcast_in_dim3A_13, %div3A_14 : vector<1x1024x32xf32>
    %sub3A = vector.broadcast %div3A_15 : vector<1x1024x32xf32> to vector<2x1024x32xf32>
    %sub3A_16 = arith.subf %add3A_11, %sub3A : vector<2x1024x32xf32>
    %integer_pow3A = arith.mulf %sub3A_16, %sub3A_16 : vector<2x1024x32xf32>
    %reduce_sum3A_17 = arith.constant dense<0.000000e+00> : vector<1024x32xf32>
    %reduce_sum3A_18 = vector.multi_reduction <add>, %integer_pow3A, %reduce_sum3A_17 [0] : vector<2x1024x32xf32> to vector<1024x32xf32>
    %broadcast_in_dim3A_19 = vector.shape_cast %reduce_sum3A_18 : vector<1024x32xf32> to vector<1x1024x32xf32>
    %div3A_20 = arith.constant 2.000000e+00 : f32
    %div3A_21 = vector.broadcast %div3A_20 : f32 to vector<1x1024x32xf32>
    %div3A_22 = arith.divf %broadcast_in_dim3A_19, %div3A_21 : vector<1x1024x32xf32>
    %get3A_23 = arith.constant 0 : index
    %get3A_24 = arith.constant 0 : index
    %get3A_25 = vector.load %arg3[%get3A_23, %get3A_24] : memref<1024x32xf32, #tpu.memory_space<vmem>>, vector<1024x32xf32>
    %sub3A_26 = vector.broadcast %div3A_15 : vector<1x1024x32xf32> to vector<2x1024x32xf32>
    %sub3A_27 = arith.subf %add3A_11, %sub3A_26 : vector<2x1024x32xf32>
    %broadcast_in_dim3A_28 = vector.shape_cast %get3A_25 : vector<1024x32xf32> to vector<1x1024x32xf32>
    %mul3A = vector.broadcast %broadcast_in_dim3A_28 : vector<1x1024x32xf32> to vector<2x1024x32xf32>
    %mul3A_29 = arith.mulf %mul3A, %sub3A_27 : vector<2x1024x32xf32>
    %add3A_30 = arith.constant 9.99999974E-6 : f32
    %add3A_31 = vector.broadcast %add3A_30 : f32 to vector<1x1024x32xf32>
    %add3A_32 = arith.addf %div3A_22, %add3A_31 : vector<1x1024x32xf32>
    %sqrt3A = math.sqrt %add3A_32 : vector<1x1024x32xf32>
    %div3A_33 = vector.broadcast %sqrt3A : vector<1x1024x32xf32> to vector<2x1024x32xf32>
    %div3A_34 = arith.divf %mul3A_29, %div3A_33 : vector<2x1024x32xf32>
    %get3A_35 = arith.constant 0 : index
    %get3A_36 = arith.constant 0 : index
    %get3A_37 = vector.load %arg4[%get3A_35, %get3A_36] : memref<1024x32xf32, #tpu.memory_space<vmem>>, vector<1024x32xf32>
    %broadcast_in_dim3A_38 = vector.shape_cast %get3A_37 : vector<1024x32xf32> to vector<1x1024x32xf32>
    %add3A_39 = vector.broadcast %broadcast_in_dim3A_38 : vector<1x1024x32xf32> to vector<2x1024x32xf32>
    %add3A_40 = arith.addf %div3A_34, %add3A_39 : vector<2x1024x32xf32>
    %ge3A = arith.constant 0.000000e+00 : f32
    %ge3A_41 = vector.broadcast %ge3A : f32 to vector<2x1024x32xf32>
    %ge3A_42 = arith.cmpf oge, %add3A_40, %ge3A_41 : vector<2x1024x32xf32>
    %mul3A_43 = arith.constant 0.00999999977 : f32
    %mul3A_44 = vector.broadcast %mul3A_43 : f32 to vector<2x1024x32xf32>
    %mul3A_45 = arith.mulf %mul3A_44, %add3A_40 : vector<2x1024x32xf32>
    %select_n3A = arith.select %ge3A_42, %add3A_40, %mul3A_45 : vector<2x1024x32xi1>, vector<2x1024x32xf32>
    %reshape3A = vector.shape_cast %select_n3A : vector<2x1024x32xf32> to vector<2048x32xf32>
    %get3A_46 = arith.constant 0 : index
    %get3A_47 = arith.constant 0 : index
    %get3A_48 = vector.load %arg8[%get3A_46, %get3A_47] : memref<32x64xf32, #tpu.memory_space<vmem>>, vector<32x64xf32>
    %dot_general3A = arith.constant dense<0.000000e+00> : vector<2048x64xf32>
    %dot_general3A_49 = tpu.matmul %reshape3A, %get3A_48, %dot_general3A {dimension_numbers = #tpu.dot_dimension_numbers<[1], [0], [0], [1], [0, 0, 1, 1], [], []>, transpose_lhs_hint = false} : vector<2048x32xf32>, vector<32x64xf32>, vector<2048x64xf32> -> vector<2048x64xf32>
    %reshape3A_50 = vector.shape_cast %dot_general3A_49 : vector<2048x64xf32> to vector<2x1024x64xf32>
    %get3A_51 = arith.constant 0 : index
    %get3A_52 = arith.constant 0 : index
    %get3A_53 = vector.load %arg5[%get3A_51, %get3A_52] : memref<1024x1xf32, #tpu.memory_space<vmem>>, vector<1024x1xf32>
    %reshape3A_54 = vector.shape_cast %get3A_53 : vector<1024x1xf32> to vector<1x1024x1xf32>
    %get3A_55 = arith.constant 0 : index
    %get3A_56 = arith.constant 0 : index
    %get3A_57 = vector.load %arg6[%get3A_55, %get3A_56] : memref<1024x1xf32, #tpu.memory_space<vmem>>, vector<1024x1xf32>
    %reshape3A_58 = vector.shape_cast %get3A_57 : vector<1024x1xf32> to vector<1x1024x1xf32>
    %slice3A = vector.extract_strided_slice %reshape3A_50 {offsets = [0, 0, 0], sizes = [2, 1024, 16], strides = [1, 1, 1]} : vector<2x1024x64xf32> to vector<2x1024x16xf32>
    %swap3A = arith.constant 0 : index
    %swap3A_59 = arith.constant 0 : index
    %swap3A_60 = arith.constant 0 : index
    %swap3A_61 = vector.load %arg9[%swap3A, %swap3A_59, %swap3A_60] : memref<2x1024x16xf32, #tpu.memory_space<vmem>>, vector<2x1024x16xf32>
    tpu.vector_store %arg9[%swap3A, %swap3A_59, %swap3A_60], %slice3A {strides = array<i32>} : memref<2x1024x16xf32, #tpu.memory_space<vmem>>, vector<2x1024x16xf32>,
    %slice3A_62 = vector.extract_strided_slice %reshape3A_50 {offsets = [0, 0, 16], sizes = [2, 1024, 16], strides = [1, 1, 1]} : vector<2x1024x64xf32> to vector<2x1024x16xf32>
    %mul3A_63 = vector.broadcast %reshape3A_58 : vector<1x1024x1xf32> to vector<2x1024x16xf32>
    %mul3A_64 = arith.mulf %mul3A_63, %slice3A_62 : vector<2x1024x16xf32>
    %swap3A_65 = arith.constant 0 : index
    %swap3A_66 = arith.constant 0 : index
    %swap3A_67 = arith.constant 0 : index
    %swap3A_68 = vector.load %arg10[%swap3A_65, %swap3A_66, %swap3A_67] : memref<2x1024x16xf32, #tpu.memory_space<vmem>>, vector<2x1024x16xf32>
    tpu.vector_store %arg10[%swap3A_65, %swap3A_66, %swap3A_67], %mul3A_64 {strides = array<i32>} : memref<2x1024x16xf32, #tpu.memory_space<vmem>>, vector<2x1024x16xf32>,
    %slice3A_69 = vector.extract_strided_slice %reshape3A_50 {offsets = [0, 0, 32], sizes = [2, 1024, 16], strides = [1, 1, 1]} : vector<2x1024x64xf32> to vector<2x1024x16xf32>
    %mul3A_70 = vector.broadcast %reshape3A_58 : vector<1x1024x1xf32> to vector<2x1024x16xf32>
    %mul3A_71 = arith.mulf %mul3A_70, %slice3A_69 : vector<2x1024x16xf32>
    %swap3A_72 = arith.constant 0 : index
    %swap3A_73 = arith.constant 0 : index
    %swap3A_74 = arith.constant 0 : index
    %swap3A_75 = vector.load %arg11[%swap3A_72, %swap3A_73, %swap3A_74] : memref<2x1024x16xf32, #tpu.memory_space<vmem>>, vector<2x1024x16xf32>
    tpu.vector_store %arg11[%swap3A_72, %swap3A_73, %swap3A_74], %mul3A_71 {strides = array<i32>} : memref<2x1024x16xf32, #tpu.memory_space<vmem>>, vector<2x1024x16xf32>,
    %slice3A_76 = vector.extract_strided_slice %reshape3A_50 {offsets = [0, 0, 48], sizes = [2, 1024, 16], strides = [1, 1, 1]} : vector<2x1024x64xf32> to vector<2x1024x16xf32>
    %mul3A_77 = vector.broadcast %reshape3A_54 : vector<1x1024x1xf32> to vector<2x1024x16xf32>
    %mul3A_78 = arith.mulf %mul3A_77, %slice3A_76 : vector<2x1024x16xf32>
    %swap3A_79 = arith.constant 0 : index
    %swap3A_80 = arith.constant 0 : index
    %swap3A_81 = arith.constant 0 : index
    %swap3A_82 = vector.load %arg12[%swap3A_79, %swap3A_80, %swap3A_81] : memref<2x1024x16xf32, #tpu.memory_space<vmem>>, vector<2x1024x16xf32>
    tpu.vector_store %arg12[%swap3A_79, %swap3A_80, %swap3A_81], %mul3A_78 {strides = array<i32>} : memref<2x1024x16xf32, #tpu.memory_space<vmem>>, vector<2x1024x16xf32>,
    return
  }
  func.func @transform_0(%arg0: i32) -> (i32, i32, i32) {
    %c0_i32 = arith.constant 0 : i32
    %c0_i32_0 = arith.constant 0 : i32
    %c0_i32_1 = arith.constant 0 : i32
    return %c0_i32, %arg0, %c0_i32_0 : i32, i32, i32
  }
  func.func @transform_1(%arg0: i32) -> (i32, i32, i32) {
    %c0_i32 = arith.constant 0 : i32
    %c0_i32_0 = arith.constant 0 : i32
    %c0_i32_1 = arith.constant 0 : i32
    return %c0_i32, %arg0, %c0_i32_0 : i32, i32, i32
  }
  func.func @transform_2(%arg0: i32) -> (i32, i32) {
    %c0_i32 = arith.constant 0 : i32
    %c0_i32_0 = arith.constant 0 : i32
    return %arg0, %c0_i32 : i32, i32
  }
  func.func @transform_3(%arg0: i32) -> (i32, i32) {
    %c0_i32 = arith.constant 0 : i32
    %c0_i32_0 = arith.constant 0 : i32
    return %arg0, %c0_i32 : i32, i32
  }
  func.func @transform_4(%arg0: i32) -> (i32, i32) {
    %c0_i32 = arith.constant 0 : i32
    %c0_i32_0 = arith.constant 0 : i32
    return %arg0, %c0_i32 : i32, i32
  }
  func.func @transform_5(%arg0: i32) -> (i32, i32) {
    %c0_i32 = arith.constant 0 : i32
    %c0_i32_0 = arith.constant 0 : i32
    return %arg0, %c0_i32 : i32, i32
  }
  func.func @transform_6(%arg0: i32) -> (i32, i32) {
    %c0_i32 = arith.constant 0 : i32
    %c0_i32_0 = arith.constant 0 : i32
    %c0_i32_1 = arith.constant 0 : i32
    return %c0_i32, %c0_i32_0 : i32, i32
  }
  func.func @transform_7(%arg0: i32) -> (i32, i32) {
    %c0_i32 = arith.constant 0 : i32
    %c0_i32_0 = arith.constant 0 : i32
    %c0_i32_1 = arith.constant 0 : i32
    return %c0_i32, %c0_i32_0 : i32, i32
  }
  func.func @transform_8(%arg0: i32) -> (i32, i32, i32) {
    %c0_i32 = arith.constant 0 : i32
    %c0_i32_0 = arith.constant 0 : i32
    %c0_i32_1 = arith.constant 0 : i32
    return %c0_i32, %arg0, %c0_i32_0 : i32, i32, i32
  }
  func.func @transform_9(%arg0: i32) -> (i32, i32, i32) {
    %c0_i32 = arith.constant 0 : i32
    %c0_i32_0 = arith.constant 0 : i32
    %c0_i32_1 = arith.constant 0 : i32
    return %c0_i32, %arg0, %c0_i32_0 : i32, i32, i32
  }
  func.func @transform_10(%arg0: i32) -> (i32, i32, i32) {
    %c0_i32 = arith.constant 0 : i32
    %c0_i32_0 = arith.constant 0 : i32
    %c0_i32_1 = arith.constant 0 : i32
    return %c0_i32, %arg0, %c0_i32_0 : i32, i32, i32
  }
  func.func @transform_11(%arg0: i32) -> (i32, i32, i32) {
    %c0_i32 = arith.constant 0 : i32
    %c0_i32_0 = arith.constant 0 : i32
    %c0_i32_1 = arith.constant 0 : i32
    return %c0_i32, %arg0, %c0_i32_0 : i32, i32, i32
  }
}

</mosaic_0001>

<sc_bundles>
// kernel: kernel.12.cloned.1.call-start
scs
__scs_entry_jumppad:
0x0: {  	(pc) =	sbr.rel $0x88, $3  }
0x1: {  	(tag) =	ssettag $0x0;
	lr =	simm.s32 $0x1  }
0x2: {  	[smem:$0x3F93] =	sst lr;
	_ =	strace $0xD0000000  }
0x3: {  	_ = 	snop  }
0x4: {  	_ = 	snop  }
0x5: {  	_ = 	snop  }
0x6: {  	_ = 	snop  }
0x7: {  	_ = 	snop  }
__scs_overlays_trampoline_lowered:
0x8: {  	[smem:$0x3FA2] =	sst s0  }
0x9: {  	[smem:$0x3FA3] =	sst s1  }
0xa: {  	[smem:$0x3FA4] =	sst s2  }
0xb: {  	[smem:$0x3FA5] =	sst s3  }
0xc: {  	[smem:$0x3FA6] =	sst s4  }
0xd: {  	[smem:$0x3FA7] =	sst s5  }
0xe: {  	[smem:$0x3FA8] =	sst s6  }
0xf: {  	[smem:$0x3FA9] =	sst s7  }
0x10: {  	[smem:$0x3FAA] =	sst s8  }
0x11: {  	[smem:$0x3FAB] =	sst s9;
	s0 =	simm.s32 @!p0 $0x0  }
0x12: {  	s1 =	sld [smem:$0x3F91];
	s0 =	simm.s32 @p0 $0x1  }
0x13: {  	[smem:$0x3FAC] =	sst s0;
	s0 =	simm.s32 @!p1 $0x0  }
0x14: {  	s2 =	sld [smem:$0x3F90];
	s0 =	simm.s32 @p1 $0x1  }
0x15: {  	[smem:$0x3FAD] =	sst s0;
	s0 =	simm.s32 @!p2 $0x0  }
0x16: {  	s3 =	sld [smem:$0x3FDB];
	s0 =	simm.s32 @p2 $0x1  }
0x17: {  	s4 =	simm.s32 $0x1BF5;
	[smem:$0x3FAF] =	sst s0  }
0x18: {  	s0 =	sld [smem:$0x3F92];
	_ =	swait.ge [sflag:s4], $0x0  }
0x19: {  	s7 =	sld [smem:$0x3F93]  }
0x1a: {  	s8 =	sadd.s32 $0xFFFFE003, lr  }
0x1b: {  	s9 =	sadd.s32 $0xFFFFFEF7, lr;
	s5 =	simm.s32 $0xFFFFFFFF;
	p2 =	slt.u32 s8, $0xFFFFF086  }
0x1c: {  	p1 =	slt.u32 s9, $0xF7A;
	s5 =	simm.s32 @!p2 $0x0  }
0x1d: {  	s5 =	simm.s32 @p1 $0x1;
	p0 =	seq.s32 s7, s2  }
0x1e: {  	s7 =	smul.u32 @!p0 $0xF7A, s2;
	p2 =	seq.s32 @!p0 s5, $0x0  }
0x1f: {  	s9 =	smul.u32 $0xF7A, s1;
	s8 =	simm.s32 @!p0 $0x1BF5;
	p2 =	por !p2, p0  }
0x20: {  	[sflag:s8] =	ssyncset.s32 @!p0 $0xFFFFF086;
	s6 =	sadd.s32 @!p0 s3, s7;
	s7 =	simm.s32 @!p0 $0x108  }
0x21: {  	s3 =	sadd.s32 s3, s9;
	s6 =	sadd.s32 @!p0 $0x88, s6;
	s7 =	simm.s32 @p2 $0x1082  }
0x22: {  	[simem:s7], [sflag:s8] =	dma.local @!p0 [hbm:s6], $0xF7A  }
0x23: {  	s9 =	sor.u32 $0xD0000000, s2;
	s6 =	simm.s32 $0x108;
	_ =	swait.ge @!p0 [sflag:s8], $0x0  }
0x24: {  	s3 =	sadd.s32 $0x88, s3;
	s6 =	simm.s32 @!p1 $0x1082;
	[sflag:s4] =	ssyncset.s32 $0xFFFFF086  }
0x25: {  	[simem:s6], [sflag:s4] =	dma.local [hbm:s3], $0xF7A  }
0x26: {  	[smem:$0x3F93] =	sst s1;
	(tag) =	ssettag s2;
	_ =	strace s9  }
0x27: {  	s1 =	sld [smem:$0x3FA3]  }
0x28: {  	s2 =	sld [smem:$0x3FA4]  }
0x29: {  	s4 =	sld [smem:$0x3FA6]  }
0x2a: {  	p0 =	seq.s32 s5, $0x0;
	s5 =	sld [smem:$0x3FA7]  }
0x2b: {  	s6 =	sld [smem:$0x3FA8]  }
0x2c: {  	s7 =	sld [smem:$0x3FA9]  }
0x2d: {  	s3 =	simm.s32 $0x108;
	s8 =	sld [smem:$0x3FAA]  }
0x2e: {  	s3 =	simm.s32 @!p0 $0x1082;
	s9 =	sld [smem:$0x3FAB]  }
0x2f: {  	lr =	sadd.s32 s0, s3;
	s0 =	sld [smem:$0x3FA2]  }
0x30: {  	s3 =	sld [smem:$0x3FA5]  }
0x31: {  	[smem:$0x3FAE] =	sst s10  }
0x32: {  	s10 =	sld [smem:$0x3FAC];
	_ =	sdelay $0x3  }
0x33: {  	p0 =	seq.s32 s10, $0x1;
	s10 =	sld [smem:$0x3FAE];
	_ =	sdelay $0x3  }
0x34: {  	[smem:$0x3FAE] =	sst s10  }
0x35: {  	s10 =	sld [smem:$0x3FAD];
	_ =	sdelay $0x3  }
0x36: {  	p1 =	seq.s32 s10, $0x1;
	s10 =	sld [smem:$0x3FAE];
	_ =	sdelay $0x3  }
0x37: {  	[smem:$0x3FAE] =	sst s10  }
0x38: {  	s10 =	sld [smem:$0x3FAF]  }
0x39: {  	_ = 	snop;
	(pc) =	sbr.ind lr, $3  }
0x3a: {  	_ = 	snop  }
0x3b: {  	_ = 	snop  }
0x3c: {  	p2 =	seq.s32 s10, $0x1;
	s10 =	sld [smem:$0x3FAE]  }
0x3d: {  	_ =	shalt  }
0x3e: {  	_ =	shalt  }
0x3f: {  	_ =	shalt  }
0x40: {  	_ =	shalt  }
0x41: {  	_ =	shalt  }
0x42: {  	_ =	shalt  }
0x43: {  	_ =	shalt  }
0x44: {  	_ =	shalt  }
0x45: {  	_ =	shalt  }
0x46: {  	_ =	shalt  }
0x47: {  	_ =	shalt  }
0x48: {  	_ =	shalt  }
0x49: {  	_ =	shalt  }
0x4a: {  	_ =	shalt  }
0x4b: {  	_ =	shalt  }
0x4c: {  	_ =	shalt  }
0x4d: {  	_ =	shalt  }
0x4e: {  	_ =	shalt  }
0x4f: {  	_ =	shalt  }
0x50: {  	_ =	shalt  }
0x51: {  	_ =	shalt  }
0x52: {  	_ =	shalt  }
0x53: {  	_ =	shalt  }
0x54: {  	_ =	shalt  }
0x55: {  	_ =	shalt  }
0x56: {  	_ =	shalt  }
0x57: {  	_ =	shalt  }
0x58: {  	_ =	shalt  }
0x59: {  	_ =	shalt  }
0x5a: {  	_ =	shalt  }
0x5b: {  	_ =	shalt  }
0x5c: {  	_ =	shalt  }
0x5d: {  	_ =	shalt  }
0x5e: {  	_ =	shalt  }
0x5f: {  	_ =	shalt  }
0x60: {  	_ =	shalt  }
0x61: {  	_ =	shalt  }
0x62: {  	_ =	shalt  }
0x63: {  	_ =	shalt  }
0x64: {  	_ =	shalt  }
0x65: {  	_ =	shalt  }
0x66: {  	_ =	shalt  }
0x67: {  	_ =	shalt  }
0x68: {  	_ =	shalt  }
0x69: {  	_ =	shalt  }
0x6a: {  	_ =	shalt  }
0x6b: {  	_ =	shalt  }
0x6c: {  	_ =	shalt  }
0x6d: {  	_ =	shalt  }
0x6e: {  	_ =	shalt  }
0x6f: {  	_ =	shalt  }
0x70: {  	_ =	shalt  }
0x71: {  	_ =	shalt  }
0x72: {  	_ =	shalt  }
0x73: {  	_ =	shalt  }
0x74: {  	_ =	shalt  }
0x75: {  	_ =	shalt  }
0x76: {  	_ =	shalt  }
0x77: {  	_ =	shalt  }
0x78: {  	_ =	shalt  }
0x79: {  	_ =	shalt  }
0x7a: {  	_ =	shalt  }
0x7b: {  	_ =	shalt  }
0x7c: {  	_ =	shalt  }
0x7d: {  	_ =	shalt  }
0x7e: {  	_ =	shalt  }
0x7f: {  	_ =	shalt  }
0x80: {  	_ =	shalt  }
0x81: {  	_ =	shalt  }
0x82: {  	_ =	shalt  }
0x83: {  	_ =	shalt  }
0x84: {  	_ =	shalt  }
0x85: {  	_ =	shalt  }
0x86: {  	_ =	shalt  }
0x87: {  	_ =	shalt  }
.Lfunc_end0:
.L_simem_size_0:
called_computation.1_lowered:
.L_overlay_start_0:
0x88: {  	s2 =	sld [smem:$0x3FD9]  }
0x89: {  	s3 =	sld [smem:$0x3FFE];
	_ =	sdelay $0x1  }
0x8a: {  	s1 =	srdreg.scid  }
0x8b: {  	s0 =	sand.u32 $0x1, s1  }
0x8c: {  	s16 =	sshll.u32 s0, $0xA;
	s2 =	sadd.s32 s3, s2  }
0x8d: {  	s2 =	sadd.s32 s2, s16  }
0x8e: {  	[smem:$0x3FBA] =	sst s2  }
0x8f: {  	_ = 	snop  }
0x90: {  	(tm) =	ssettm $0x1  }
0x91: {  	s17 =	sld [smem:$0x3FFB];
	_ =	sdelay $0x3  }
0x92: {  	_ =	strace s17  }
0x93: {  	s2 =	sld [smem:$0x3FFC];
	_ =	sdelay $0x3  }
0x94: {  	_ =	strace s2  }
0x95: {  	s2 =	sld [smem:$0x3FFD];
	_ =	sdelay $0x3  }
0x96: {  	_ =	strace s2  }
0x97: {  	_ =	strace $0x8FFFFFFF  }
0x98: {  	s18 =	sld [smem:$0x3FDB];
	_ =	sdelay $0x1  }
0x99: {  	s19 =	simm.s32 $_scs_section_size  }
0x9a: {  	s4 =	simm.s32 $_size__tile_overlayer_lowered;
	s5 =	simm.s32 $_tile_overlayer_lowered  }
0x9b: {  	s22 =	simm.s32 $0x1BFF;
	s21 =	sshll.u32 s5, $0x1;
	s2 =	sadd.s32 s19, s18  }
0x9c: {  	s6 =	simm.s32 $0x0;
	s20 =	sshll.u32 s4, $0x1;
	s4 =	sadd.s32 s21, s2  }
0x9d: {  	[timem:s6], [sflag:s22] =	dma.local [hbm:s4], s20  }
0x9e: {  	_ =	swait.ge [sflag:s22], s20  }
0x9f: {  	s3 =	ssub.s32 $0x0, s20;
	[sflag:s22] =	ssyncset.done $0x0  }
0xa0: {  	[sflag:s22] =	ssyncadd.s32 s3;
	_ =	sdelay $0x1  }
0xa1: {  	s23 =	simm.s32 $0x1B8B  }
0xa2: {  	_ =	swait.ge [sflag:s23], $0x1  }
0xa3: {  	[sflag:s23] =	ssyncset.done $0x0  }
0xa4: {  	s25 =	simm.s32 $0x1B8E;
	s24 =	sld [smem:$0x3FFE];
	[sflag:s23] =	ssyncadd.s32 $0xFFFFFFFF  }
0xa5: {  	s26 =	simm.s32 $execute0_lowered;
	[smem:$0x3FD2] =	sst s25  }
0xa6: {  	s4 =	sshll.u32 s26, $0x1;
	_ =	strace $0x80000049;
	[dreg:$0x1] =	wrdreg $0xFFFFFFFF  }
0xa7: {  	s28 =	simm.s32 $_size_execute0_lowered;
	s2 =	sadd.s32 s2, s4;
	[dreg:$0x0] =	wrdreg $0x0  }
0xa8: {  	s4 =	sshll.u32 s28, $0x1;
	[dreg:$0x2] =	wrdreg s2  }
0xa9: {  	[dreg:$0x3] =	wrdreg s4  }
0xaa: {  	[dreg:$0x4] =	wrdreg $0xC0  }
0xab: {  	_ =	task [dreg:s6], $0x5FFFF  }
0xac: {  	[dreg:$0x1] =	wrdreg $0xFFFFFFFF  }
0xad: {  	[dreg:$0x0] =	wrdreg $0x60  }
0xae: {  	[dreg:$0x2] =	wrdreg s24  }
0xaf: {  	[dreg:$0x3] =	wrdreg $0x0  }
0xb0: {  	[dreg:$0x4] =	wrdreg $0x9  }
0xb1: {  	_ =	task.clear_ibuf [dreg:s6], $0x5FFFF;
	_ =	strace $0x90000049  }
0xb2: {  	s29 =	simm.s32 $0x9;
	_ =	strace $0x8000004B  }
0xb3: {  	_ =	swait.ge [sflag:s29], $0x1  }
0xb4: {  	[sflag:s29] =	ssyncadd.s32 $0xFFFFFFFF  }
0xb5: {  	_ =	strace $0x9000004B  }
0xb6: {  	_ =	sfence  }
0xb7: {  	s30 =	sld [smem:$0x0];
	_ =	sdelay $0x2  }
0xb8: {  	s31 =	sshll.u32 s1, $0xD;
	s1 =	sshrl.u32 s1, $0x2  }
0xb9: {  	s3 =	sand.u32 $0x4000, s31;
	s1 =	sadd.s32 s1, s30  }
0xba: {  	s0 =	sor.u32 s3, s0;
	s1 =	sshll.u32 s1, $0x11  }
0xbb: {  	s0 =	sor.u32 s1, s0  }
0xbc: {  	s0 =	sadd.s32 $0x8F2B, s0  }
0xbd: {  	[sflag:s0] =	ssyncadd.remote.s32 $0x1  }
0xbe: {  	_ =	sfence.sel $0xFFFF  }
0xbf: {  	[dreg:$0x0] =	wrdreg $0xFFFFFFFF;
	(pc) =	sbr.abs _section_cstart, $3  }
0xc0: {  	[dreg:$0x1] =	wrdreg $0xFFFFFFFF  }
0xc1: {  	_ =	task.clear_ibuf [dreg:s6], $0x2FFFF;
	_ =	strace $0x9FFFFFFF  }
0xc2: {  	(tm) =	ssettm $0x7FFFFFFF  }
0xc3: {  	_ =	shalt  }
tec
execute0_lowered:
.L_overlay_start_1:
0x0: {  	(tag) =	ssettag $0x1  }
0x1: {  	s0 =	rddreg [dreg:$0x0]  }
0x2: {  	s1 =	rddreg [dreg:$0x1];
	s3 =	srdreg.scid;
	s2 =	simm.s32 $0x0  }
0x3: {  	s9 =	stileid.u32;
	s28 =	simm.s32 $0x1A400;
	s31 =	simm.s32 $0x1C400  }
0x4: {  	s15 =	simm.s32 $0x3;
	s13 =	simm.s32 $0x6;
	s7 =	smul.u32 $0xC400, s9  }
0x5: {  	s3 =	sand.u32 $0x1, s3;
	[smem:$0x7FF] =	sst s2;
	s19 =	smul.u32 $0x1880, s9  }
0x6: {  	s4 =	sadd.s32 $0x17A600, s0;
	s8 =	sadd.s32 $0xB2600, s0;
	s10 =	smul.u32 $0xC80, s9  }
0x7: {  	s17 =	sadd.s32 $0x1DE600, s0;
	s18 =	sadd.s32 $0x80600, s0;
	s22 =	smul.u32 $0x64000, s9  }
0x8: {  	s9 =	smul.u32 $0x3200, s9;
	_ =	strace $0x8000004A;
	[dreg:$0x3] =	wrdreg s8  }
0x9: {  	s20 =	sadd.s32 $0x1D600, s0;
	s5 =	smul.u32 $0x32000, s3;
	[dreg:$0x4] =	wrdreg s17  }
0xa: {  	s21 =	sadd.s32 $0x274600, s0;
	s6 =	smul.u32 $0xC4000, s3;
	[dreg:$0x5] =	wrdreg s18  }
0xb: {  	s12 =	sadd.s32 $0x210600, s0;
	[dreg:$0x6] =	wrdreg s20;
	s11 =	smul.u32 $0xC800, s3  }
0xc: {  	[dreg:$0x9] =	wrdreg s21;
	s3 =	ssub.s32 $0x2, s3;
	s21 =	simm.s32 $0xA  }
0xd: {  	s8 =	simm.s32 $0x0;
	s23 =	sshrl.u32 s3, $0x1;
	[dreg:$0x7] =	wrdreg s10  }
0xe: {  	s25 =	sshrl.u32 s22, $0x2;
	s22 =	simm.s32 $0x19000;
	s5 =	sadd.s32 s5, s0  }
0xf: {  	s6 =	sadd.s32 s7, s6;
	s7 =	sadd.s32 s19, s0;
	[dreg:$0x8] =	wrdreg s11  }
0x10: {  	s24 =	sadd.s32 s10, s11;
	s26 =	sadd.s32 s25, s1;
	s19 =	simm.s32 $0x1B400  }
0x11: {  	s25 =	simm.s32 $0x19400;
	s11 =	simm.s32 $0x5;
	[dreg:$0xa] =	wrdreg s24  }
0x12: {  	s6 =	sshrl.u32 s6, $0x3;
	[dreg:$0xc] =	wrdreg s26;
	s30 =	sadd.s32 s9, s5  }
0x13: {  	s17 =	sadd.s32 $0x4E00, s7;
	s5 =	simm.s32 $0x9;
	s24 =	simm.s32 $0x80  }
0x14: {  	s7 =	simm.s32 $0x7;
	s9 =	simm.s32 $0x8;
	s6 =	sadd.s32 s6, s0  }
0x15: {  	s0 =	ssub.s32 s3, s23;
	s29 =	sadd.s32 $0x116600, s30;
	s23 =	simm.s32 $0x19200  }
0x16: {  	s3 =	simm.s32 $0x2;
	s0 =	smax.u32 s0, $0x1;
	s18 =	sadd.s32 $0x4F600, s6  }
0x17: {  	s6 =	simm.s32 $0x4;
	[dreg:$0xb] =	wrdreg s0;
	s0 =	simm.s32 $0x1  }
.LBB2_1:
0x18: {  	[dreg:$0xd] =	wrdreg s8;
	s10 =	sadd.s32 $0x0, s29  }
0x19: {  	[tilespmem:s19], [sflag:$0x9] =	stream.linear.gather [hbm4b:s10+s2], $0x1000, $0x38;
	[tilespmem:$0x1D400] =	vst v63  }
0x1a: {  	_ =	swait.ge [sflag:s5], $0x1000  }
0x1b: {  	[sflag:s5] =	ssyncset.done $0x0  }
0x1c: {  	s30 =	rddreg [dreg:$0xc];
	[sflag:s5] =	ssyncadd.s32 $0xFFFFF000  }
0x1d: {  	[spmem:s30] =	stream.linear.scatter [tilespmem:s19], [sflag:$0xA], $0x1000, $0x38;
	[tilespmem:$0x1D400] =	vst v63  }
0x1e: {  	s16 =	simm.s32 $0x200;
	_ =	swait.ge [sflag:s21], $0x1000  }
0x1f: {  	s26 =	simm.s32 $0x400;
	s10 =	sadd.s32 $0x1000, s30;
	[sflag:s21] =	ssyncset.done $0x0  }
.LBB2_2:
0x20: {  	s14 =	smov.u32 s29;
	s29 =	sadd.s32 s16, s29  }
0x21: {  	[sflag:s21] =	ssyncadd.s32 $0xFFFFF000;
	s16 =	smov.u32 s26;
	s30 =	sadd.s32 $0x200, s26  }
0x22: {  	[tilespmem:s19], [sflag:$0x9] =	stream.linear.gather [hbm4b:s29+s2], $0x1000, $0x38;
	[tilespmem:$0x1D400] =	vst v63  }
0x23: {  	s29 =	smov.u32 s14  }
0x24: {  	p0 =	sne.s32 s26, $0x3000;
	_ =	swait.ge [sflag:s5], $0x1000  }
.Ltmp0:
0x25: {  	[sflag:s5] =	ssyncset.done $0x0;
	(pc) =	sbr.rel @p0 .LBB2_2-.Ltmp0, $4  }
0x26: {  	[sflag:s5] =	ssyncadd.s32 $0xFFFFF000  }
0x27: {  	[spmem:s10] =	stream.linear.scatter [tilespmem:s19], [sflag:$0xA], $0x1000, $0x38;
	[tilespmem:$0x1D400] =	vst v63  }
0x28: {  	_ =	swait.ge [sflag:s21], $0x1000  }
0x29: {  	s26 =	smov.u32 s30;
	s10 =	sadd.s32 $0x1000, s10;
	[sflag:s21] =	ssyncset.done $0x0  }
0x2a: {  	s16 =	sadd.s32 s16, s29;
	[sflag:s21] =	ssyncadd.s32 $0xFFFFF000  }
0x2b: {  	[tilespmem:s19], [sflag:$0x9] =	stream.linear.gather [hbm4b:s16+s2], $0x1000, $0x38;
	[tilespmem:$0x1D400] =	vst v63  }
0x2c: {  	_ =	swait.ge [sflag:s5], $0x1000  }
0x2d: {  	[sflag:s5] =	ssyncset.done $0x0  }
0x2e: {  	[sflag:s5] =	ssyncadd.s32 $0xFFFFF000  }
0x2f: {  	[spmem:s10] =	stream.linear.scatter [tilespmem:s19], [sflag:$0xA], $0x1000, $0x38;
	[tilespmem:$0x1D400] =	vst v63  }
0x30: {  	_ =	swait.ge [sflag:s21], $0x1000  }
0x31: {  	[sflag:s21] =	ssyncset.done $0x0  }
0x32: {  	[sflag:s21] =	ssyncadd.s32 $0xFFFFF000  }
0x33: {  	s30 =	sadd.s32 $0x0, s18;
	[bflag:$0x0] =	sbarrier.arrive $0xFFFF  }
0x34: {  	[tilespmem:s22], [sflag:$0xA] =	stream.linear.gather [hbm4b:s30+s2], $0x200, $0x38;
	[tilespmem:$0x1D400] =	vst v63  }
0x35: {  	_ =	swait.ge [sflag:s21], $0x200  }
0x36: {  	[sflag:s21] =	ssyncset.done $0x0  }
0x37: {  	s5 =	sadd.s32 $0x0, s17;
	[sflag:s21] =	ssyncadd.s32 $0xFFFFFE00  }
0x38: {  	[tilespmem:s23], [sflag:$0xA] =	stream.linear.gather [hbm4b:s5+s2], $0x200, $0x38;
	[tilespmem:$0x1D400] =	vst v63  }
0x39: {  	_ =	swait.ge [sflag:s21], $0x200  }
0x3a: {  	[sflag:s21] =	ssyncset.done $0x0  }
0x3b: {  	[sflag:s21] =	ssyncadd.s32 $0xFFFFFE00  }
0x3c: {  	[tilespmem:s25], [sflag:$0x1] =	stream.indirect.gather [hbm4b:s4+s24], $0x20, s22, s24, $0xb8;
	[tilespmem:$0x1D400] =	vst v63  }
0x3d: {  	s8 =	simm.s32 $0x19080  }
0x3e: {  	[tilespmem:s28], [sflag:$0x2] =	stream.indirect.gather [hbm4b:s4+s24], $0x20, s8, s24, $0xb8;
	[tilespmem:$0x1D400] =	vst v63  }
0x3f: {  	s16 =	simm.s32 $0x19100  }
0x40: {  	[tilespmem:s19], [sflag:$0x3] =	stream.indirect.gather [hbm4b:s4+s24], $0x20, s16, s24, $0xb8;
	[tilespmem:$0x1D400] =	vst v63  }
0x41: {  	s20 =	simm.s32 $0x19180  }
0x42: {  	[tilespmem:s31], [sflag:$0x4] =	stream.indirect.gather [hbm4b:s4+s24], $0x20, s20, s24, $0xb8;
	[tilespmem:$0x1D400] =	vst v63  }
0x43: {  	_ =	swait.ge [sflag:s0], $0x1000  }
0x44: {  	[sflag:s0] =	ssyncset.done $0x0  }
0x45: {  	[sflag:s0] =	ssyncadd.s32 $0xFFFFF000  }
0x46: {  	[spmem:s1] =	stream.indirect.scatter.add.f32 [tilespmem:s25], [sflag:$0x5], $0x20, s23, s24, $0xb8;
	[tilespmem:$0x1D400] =	vst v63  }
0x47: {  	_ =	swait.ge [sflag:s3], $0x1000  }
0x48: {  	[sflag:s3] =	ssyncset.done $0x0  }
0x49: {  	s26 =	simm.s32 $0x19280;
	[sflag:s3] =	ssyncadd.s32 $0xFFFFF000  }
0x4a: {  	[spmem:s1] =	stream.indirect.scatter.add.f32 [tilespmem:s28], [sflag:$0x6], $0x20, s26, s24, $0xb8;
	[tilespmem:$0x1D400] =	vst v63  }
0x4b: {  	_ =	swait.ge [sflag:s15], $0x1000  }
0x4c: {  	[sflag:s15] =	ssyncset.done $0x0  }
0x4d: {  	s29 =	simm.s32 $0x19300;
	[sflag:s15] =	ssyncadd.s32 $0xFFFFF000  }
0x4e: {  	[spmem:s1] =	stream.indirect.scatter.add.f32 [tilespmem:s19], [sflag:$0x7], $0x20, s29, s24, $0xb8;
	[tilespmem:$0x1D400] =	vst v63  }
0x4f: {  	_ =	swait.ge [sflag:s6], $0x1000  }
0x50: {  	[sflag:s6] =	ssyncset.done $0x0  }
0x51: {  	s30 =	simm.s32 $0x19380;
	[sflag:s6] =	ssyncadd.s32 $0xFFFFF000  }
0x52: {  	[spmem:s1] =	stream.indirect.scatter.add.f32 [tilespmem:s31], [sflag:$0x8], $0x20, s30, s24, $0xb8;
	[tilespmem:$0x1D400] =	vst v63  }
0x53: {  	_ =	swait.ge [sflag:s11], $0x1000  }
0x54: {  	[sflag:s11] =	ssyncset.done $0x0  }
0x55: {  	[sflag:s11] =	ssyncadd.s32 $0xFFFFF000  }
0x56: {  	_ =	swait.ge [sflag:s13], $0x1000  }
0x57: {  	[sflag:s13] =	ssyncset.done $0x0  }
0x58: {  	[sflag:s13] =	ssyncadd.s32 $0xFFFFF000  }
0x59: {  	_ =	swait.ge [sflag:s7], $0x1000  }
0x5a: {  	[sflag:s7] =	ssyncset.done $0x0  }
0x5b: {  	s10 =	simm.s32 $0x40;
	[sflag:s7] =	ssyncadd.s32 $0xFFFFF000  }
0x5c: {  	s5 =	simm.s32 $0x19380;
	s8 =	simm.s32 $0x19180;
	_ =	swait.ge [sflag:s9], $0x1000  }
0x5d: {  	s20 =	simm.s32 $0x19280;
	s26 =	simm.s32 $0x80;
	[sflag:s9] =	ssyncset.done $0x0  }
.LBB2_4:
0x5e: {  	s29 =	sadd.s32 s10, s18  }
0x5f: {  	[sflag:s9] =	ssyncadd.s32 $0xFFFFF000;
	s30 =	smov.u32 s26;
	s16 =	sadd.s32 $0x40, s26  }
0x60: {  	[tilespmem:s22], [sflag:$0xA] =	stream.linear.gather [hbm4b:s29+s2], $0x200, $0x38;
	[tilespmem:$0x1D400] =	vst v63  }
0x61: {  	s29 =	simm.s32 $0x19080  }
0x62: {  	p0 =	sne.s32 s26, $0x1840;
	_ =	swait.ge [sflag:s21], $0x200  }
0x63: {  	s26 =	sadd.s32 s10, s17;
	[sflag:s21] =	ssyncset.done $0x0  }
0x64: {  	s10 =	smov.u32 s30;
	s30 =	simm.s32 $0x19100;
	[sflag:s21] =	ssyncadd.s32 $0xFFFFFE00  }
0x65: {  	[tilespmem:s23], [sflag:$0xA] =	stream.linear.gather [hbm4b:s26+s2], $0x200, $0x38;
	[tilespmem:$0x1D400] =	vst v63  }
0x66: {  	_ =	swait.ge [sflag:s21], $0x200  }
0x67: {  	[sflag:s21] =	ssyncset.done $0x0  }
0x68: {  	[sflag:s21] =	ssyncadd.s32 $0xFFFFFE00  }
0x69: {  	[tilespmem:s25], [sflag:$0x1] =	stream.indirect.gather [hbm4b:s4+s24], $0x20, s22, s24, $0xb8;
	[tilespmem:$0x1D400] =	vst v63  }
0x6a: {  	_ = 	snop  }
0x6b: {  	[tilespmem:s28], [sflag:$0x2] =	stream.indirect.gather [hbm4b:s4+s24], $0x20, s29, s24, $0xb8;
	[tilespmem:$0x1D400] =	vst v63  }
0x6c: {  	_ = 	snop  }
0x6d: {  	[tilespmem:s19], [sflag:$0x3] =	stream.indirect.gather [hbm4b:s4+s24], $0x20, s30, s24, $0xb8;
	[tilespmem:$0x1D400] =	vst v63  }
0x6e: {  	_ = 	snop  }
0x6f: {  	[tilespmem:s31], [sflag:$0x4] =	stream.indirect.gather [hbm4b:s4+s24], $0x20, s8, s24, $0xb8;
	[tilespmem:$0x1D400] =	vst v63  }
0x70: {  	_ =	swait.ge [sflag:s0], $0x1000  }
0x71: {  	[sflag:s0] =	ssyncset.done $0x0  }
0x72: {  	[sflag:s0] =	ssyncadd.s32 $0xFFFFF000  }
0x73: {  	[spmem:s1] =	stream.indirect.scatter.add.f32 [tilespmem:s25], [sflag:$0x5], $0x20, s23, s24, $0xb8;
	[tilespmem:$0x1D400] =	vst v63  }
0x74: {  	_ =	swait.ge [sflag:s3], $0x1000  }
0x75: {  	[sflag:s3] =	ssyncset.done $0x0  }
0x76: {  	[sflag:s3] =	ssyncadd.s32 $0xFFFFF000  }
0x77: {  	[spmem:s1] =	stream.indirect.scatter.add.f32 [tilespmem:s28], [sflag:$0x6], $0x20, s20, s24, $0xb8;
	[tilespmem:$0x1D400] =	vst v63  }
0x78: {  	_ =	swait.ge [sflag:s15], $0x1000  }
0x79: {  	[sflag:s15] =	ssyncset.done $0x0  }
0x7a: {  	s26 =	simm.s32 $0x19300;
	[sflag:s15] =	ssyncadd.s32 $0xFFFFF000  }
0x7b: {  	[spmem:s1] =	stream.indirect.scatter.add.f32 [tilespmem:s19], [sflag:$0x7], $0x20, s26, s24, $0xb8;
	[tilespmem:$0x1D400] =	vst v63  }
0x7c: {  	_ =	swait.ge [sflag:s6], $0x1000  }
0x7d: {  	[sflag:s6] =	ssyncset.done $0x0  }
0x7e: {  	[sflag:s6] =	ssyncadd.s32 $0xFFFFF000  }
0x7f: {  	[spmem:s1] =	stream.indirect.scatter.add.f32 [tilespmem:s31], [sflag:$0x8], $0x20, s5, s24, $0xb8;
	[tilespmem:$0x1D400] =	vst v63  }
0x80: {  	_ =	swait.ge [sflag:s11], $0x1000  }
0x81: {  	[sflag:s11] =	ssyncset.done $0x0  }
0x82: {  	[sflag:s11] =	ssyncadd.s32 $0xFFFFF000  }
0x83: {  	_ =	swait.ge [sflag:s13], $0x1000  }
0x84: {  	[sflag:s13] =	ssyncset.done $0x0  }
0x85: {  	[sflag:s13] =	ssyncadd.s32 $0xFFFFF000  }
.Ltmp1:
0x86: {  	_ =	swait.ge [sflag:s7], $0x1000;
	(pc) =	sbr.rel @p0 .LBB2_4-.Ltmp1, $4  }
0x87: {  	[sflag:s7] =	ssyncset.done $0x0  }
0x88: {  	[sflag:s7] =	ssyncadd.s32 $0xFFFFF000  }
0x89: {  	_ =	swait.ge [sflag:s9], $0x1000  }
0x8a: {  	s26 =	smov.u32 s16;
	[sflag:s9] =	ssyncset.done $0x0  }
0x8b: {  	s16 =	sadd.s32 s10, s18;
	[sflag:s9] =	ssyncadd.s32 $0xFFFFF000  }
0x8c: {  	[tilespmem:s22], [sflag:$0xA] =	stream.linear.gather [hbm4b:s16+s2], $0x200, $0x38;
	[tilespmem:$0x1D400] =	vst v63  }
0x8d: {  	_ =	swait.ge [sflag:s21], $0x200  }
0x8e: {  	[sflag:s21] =	ssyncset.done $0x0  }
0x8f: {  	s26 =	sadd.s32 s10, s17;
	[sflag:s21] =	ssyncadd.s32 $0xFFFFFE00  }
0x90: {  	[tilespmem:s23], [sflag:$0xA] =	stream.linear.gather [hbm4b:s26+s2], $0x200, $0x38;
	[tilespmem:$0x1D400] =	vst v63  }
0x91: {  	_ =	swait.ge [sflag:s21], $0x200  }
0x92: {  	[sflag:s21] =	ssyncset.done $0x0  }
0x93: {  	[sflag:s21] =	ssyncadd.s32 $0xFFFFFE00  }
0x94: {  	[tilespmem:s25], [sflag:$0x1] =	stream.indirect.gather [hbm4b:s4+s24], $0x20, s22, s24, $0xb8;
	[tilespmem:$0x1D400] =	vst v63  }
0x95: {  	_ = 	snop  }
0x96: {  	[tilespmem:s28], [sflag:$0x2] =	stream.indirect.gather [hbm4b:s4+s24], $0x20, s29, s24, $0xb8;
	[tilespmem:$0x1D400] =	vst v63  }
0x97: {  	_ = 	snop  }
0x98: {  	[tilespmem:s19], [sflag:$0x3] =	stream.indirect.gather [hbm4b:s4+s24], $0x20, s30, s24, $0xb8;
	[tilespmem:$0x1D400] =	vst v63  }
0x99: {  	_ = 	snop  }
0x9a: {  	[tilespmem:s31], [sflag:$0x4] =	stream.indirect.gather [hbm4b:s4+s24], $0x20, s8, s24, $0xb8;
	[tilespmem:$0x1D400] =	vst v63  }
0x9b: {  	_ =	swait.ge [sflag:s0], $0x1000  }
0x9c: {  	[sflag:s0] =	ssyncset.done $0x0  }
0x9d: {  	[sflag:s0] =	ssyncadd.s32 $0xFFFFF000  }
0x9e: {  	[spmem:s1] =	stream.indirect.scatter.add.f32 [tilespmem:s25], [sflag:$0x5], $0x20, s23, s24, $0xb8;
	[tilespmem:$0x1D400] =	vst v63  }
0x9f: {  	_ =	swait.ge [sflag:s3], $0x1000  }
0xa0: {  	[sflag:s3] =	ssyncset.done $0x0  }
0xa1: {  	[sflag:s3] =	ssyncadd.s32 $0xFFFFF000  }
0xa2: {  	[spmem:s1] =	stream.indirect.scatter.add.f32 [tilespmem:s28], [sflag:$0x6], $0x20, s20, s24, $0xb8;
	[tilespmem:$0x1D400] =	vst v63  }
0xa3: {  	_ =	swait.ge [sflag:s15], $0x1000  }
0xa4: {  	[sflag:s15] =	ssyncset.done $0x0  }
0xa5: {  	s30 =	simm.s32 $0x19300;
	[sflag:s15] =	ssyncadd.s32 $0xFFFFF000  }
0xa6: {  	[spmem:s1] =	stream.indirect.scatter.add.f32 [tilespmem:s19], [sflag:$0x7], $0x20, s30, s24, $0xb8;
	[tilespmem:$0x1D400] =	vst v63  }
0xa7: {  	_ =	swait.ge [sflag:s6], $0x1000  }
0xa8: {  	[sflag:s6] =	ssyncset.done $0x0  }
0xa9: {  	[sflag:s6] =	ssyncadd.s32 $0xFFFFF000  }
0xaa: {  	[spmem:s1] =	stream.indirect.scatter.add.f32 [tilespmem:s31], [sflag:$0x8], $0x20, s5, s24, $0xb8;
	[tilespmem:$0x1D400] =	vst v63  }
0xab: {  	_ =	swait.ge [sflag:s11], $0x1000  }
0xac: {  	[sflag:s11] =	ssyncset.done $0x0  }
0xad: {  	[sflag:s11] =	ssyncadd.s32 $0xFFFFF000  }
0xae: {  	_ =	swait.ge [sflag:s13], $0x1000  }
0xaf: {  	[sflag:s13] =	ssyncset.done $0x0  }
0xb0: {  	[sflag:s13] =	ssyncadd.s32 $0xFFFFF000  }
0xb1: {  	_ =	swait.ge [sflag:s7], $0x1000  }
0xb2: {  	[sflag:s7] =	ssyncset.done $0x0  }
0xb3: {  	[sflag:s7] =	ssyncadd.s32 $0xFFFFF000  }
0xb4: {  	_ =	swait.ge [sflag:s9], $0x1000  }
0xb5: {  	[sflag:s9] =	ssyncset.done $0x0  }
0xb6: {  	[sflag:s9] =	ssyncadd.s32 $0xFFFFF000  }
0xb7: {  	s16 =	simm.s32 $0x0;
	s5 =	simm.s32 $0x9;
	[bflag:$0x0] =	sbarrier.arrive $0xFFFF  }
.LBB2_6:
0xb8: {  	s20 =	sshll.u32 s16, $0x7;
	s10 =	rddreg [dreg:$0x7]  }
0xb9: {  	s10 =	sadd.s32 s10, s20  }
0xba: {  	s26 =	sshll.u32 s10, $0x5  }
0xbb: {  	s26 =	sand.u32 $0x3FFFFFE0, s26  }
0xbc: {  	s8 =	smov.u32 s20;
	s20 =	sadd.s32 s26, s1  }
0xbd: {  	[tilespmem:s25], [sflag:$0x1] =	stream.linear.gather [spmem:s20], $0x1000, $0x38;
	[tilespmem:$0x1D400] =	vst v63  }
0xbe: {  	_ =	swait.ge [sflag:s0], $0x1000  }
0xbf: {  	s30 =	sshll.u32 s10, $0x2;
	[sflag:s0] =	ssyncset.done $0x0;
	s29 =	rddreg [dreg:$0x5]  }
0xc0: {  	[sflag:s0] =	ssyncadd.s32 $0xFFFFF000;
	s26 =	sadd.s32 s29, s30;
	s29 =	simm.s32 $0x0  }
0xc1: {  	[tilespmem:s28], [sflag:$0x2] =	stream.linear.gather [hbm4b:s26+s29], $0x1000, $0x38;
	[tilespmem:$0x1D400] =	vst v63  }
0xc2: {  	_ =	swait.ge [sflag:s3], $0x1000  }
0xc3: {  	[sflag:s3] =	ssyncset.done $0x0  }
0xc4: {  	s26 =	simm.s32 $0x0;
	[sflag:s3] =	ssyncadd.s32 $0xFFFFF000  }
0xc5: {  	v0 =	vld [tilespmem:s26+$0x1A400]  }
0xc6: {  	v1 =	vld [tilespmem:s26+$0x1A410]  }
0xc7: {  	s29 =	simm.s32 $0x80;
	v2 =	vld [tilespmem:s26+$0x19400]  }
.LBB2_7:
0xc8: {  	p0 =	sne.s32 s29, $0x3F80;
	v3 =	vld [tilespmem:s26+$0x19410];
	_ =	sdelay $0x2  }
.Ltmp2:
0xc9: {  	(pc) =	sbr.rel @p0 .LBB2_7-.Ltmp2, $4  }
0xca: {  	s30 =	sshra.s32 s29, $0x2;
	v2 =	vmul.f32 v0, v2  }
0xcb: {  	v0 =	vld [tilespmem:s30+$0x1A400];
	v3 =	vmul.f32 v1, v3  }
0xcc: {  	v1 =	vld [tilespmem:s30+$0x1A410];
	[tilespmem:s26+$0x19400] =	vst v2  }
0xcd: {  	s29 =	sadd.s32 $0x80, s29;
	v2 =	vld [tilespmem:s30+$0x19400];
	[tilespmem:s26+$0x19410] =	vst v3;
	s26 =	smov.u32 s30  }
0xce: {  	v3 =	vld [tilespmem:s26+$0x19410];
	_ =	sdelay $0x3  }
0xcf: {  	s29 =	rddreg [dreg:$0x8];
	v0 =	vmul.f32 v0, v2  }
0xd0: {  	s10 =	sadd.s32 s29, s10;
	v1 =	vmul.f32 v1, v3  }
0xd1: {  	s10 =	sshll.u32 s10, $0x2;
	[tilespmem:s26+$0x19400] =	vst v0  }
0xd2: {  	s10 =	sadd.s32 s12, s10;
	[tilespmem:s26+$0x19410] =	vst v1  }
0xd3: {  	[hbm4b:s10+s2] =	stream.linear.scatter [tilespmem:s25], [sflag:$0x5], $0x1000, $0x38;
	[tilespmem:$0x1D400] =	vst v63  }
0xd4: {  	_ =	swait.ge [sflag:s11], $0x1000  }
0xd5: {  	s29 =	rddreg [dreg:$0xa]  }
0xd6: {  	s10 =	sadd.s32 s8, s29  }
0xd7: {  	[sflag:s11] =	ssyncset.done $0x0;
	s30 =	rddreg [dreg:$0x3];
	s10 =	sshll.u32 s10, $0x2  }
0xd8: {  	[sflag:s11] =	ssyncadd.s32 $0xFFFFF000;
	s10 =	sadd.s32 s30, s10  }
0xd9: {  	[tilespmem:s19], [sflag:$0x9] =	stream.linear.gather [hbm4b:s10+s2], $0x1000, $0x38;
	[tilespmem:$0x1D400] =	vst v63  }
0xda: {  	s16 =	sadd.s32 $0x1, s16;
	_ =	swait.ge [sflag:s5], $0x1000  }
0xdb: {  	p0 =	sne.s32 s16, $0x19;
	[sflag:s5] =	ssyncset.done $0x0  }
.Ltmp3:
0xdc: {  	[sflag:s5] =	ssyncadd.s32 $0xFFFFF000;
	(pc) =	sbr.rel @p0 .LBB2_6-.Ltmp3, $4  }
0xdd: {  	[spmem:s20] =	stream.linear.scatter [tilespmem:s19], [sflag:$0xA], $0x1000, $0x38;
	[tilespmem:$0x1D400] =	vst v63  }
0xde: {  	_ =	swait.ge [sflag:s21], $0x1000  }
0xdf: {  	[sflag:s21] =	ssyncset.done $0x0  }
0xe0: {  	[sflag:s21] =	ssyncadd.s32 $0xFFFFF000  }
0xe1: {  	[bflag:$0x0] =	sbarrier.arrive $0xFFFF;
	s10 =	sadd.s32 $0x0, s18  }
0xe2: {  	[tilespmem:s22], [sflag:$0xA] =	stream.linear.gather [hbm4b:s10+s2], $0x200, $0x38;
	[tilespmem:$0x1D400] =	vst v63  }
0xe3: {  	_ =	swait.ge [sflag:s21], $0x200  }
0xe4: {  	[sflag:s21] =	ssyncset.done $0x0  }
0xe5: {  	s8 =	sadd.s32 $0x0, s17;
	[sflag:s21] =	ssyncadd.s32 $0xFFFFFE00  }
0xe6: {  	[tilespmem:s23], [sflag:$0xA] =	stream.linear.gather [hbm4b:s8+s2], $0x200, $0x38;
	[tilespmem:$0x1D400] =	vst v63  }
0xe7: {  	_ =	swait.ge [sflag:s21], $0x200  }
0xe8: {  	[sflag:s21] =	ssyncset.done $0x0  }
0xe9: {  	[sflag:s21] =	ssyncadd.s32 $0xFFFFFE00  }
0xea: {  	[tilespmem:s25], [sflag:$0x1] =	stream.indirect.gather [hbm4b:s12+s24], $0x20, s22, s24, $0xb8;
	[tilespmem:$0x1D400] =	vst v63  }
0xeb: {  	s16 =	simm.s32 $0x19080  }
0xec: {  	[tilespmem:s28], [sflag:$0x2] =	stream.indirect.gather [hbm4b:s12+s24], $0x20, s16, s24, $0xb8;
	[tilespmem:$0x1D400] =	vst v63  }
0xed: {  	s20 =	simm.s32 $0x19100  }
0xee: {  	[tilespmem:s19], [sflag:$0x3] =	stream.indirect.gather [hbm4b:s12+s24], $0x20, s20, s24, $0xb8;
	[tilespmem:$0x1D400] =	vst v63  }
0xef: {  	s5 =	simm.s32 $0x19180  }
0xf0: {  	[tilespmem:s31], [sflag:$0x4] =	stream.indirect.gather [hbm4b:s12+s24], $0x20, s5, s24, $0xb8;
	[tilespmem:$0x1D400] =	vst v63  }
0xf1: {  	_ =	swait.ge [sflag:s0], $0x1000  }
0xf2: {  	[sflag:s0] =	ssyncset.done $0x0  }
0xf3: {  	[sflag:s0] =	ssyncadd.s32 $0xFFFFF000  }
0xf4: {  	[spmem:s1] =	stream.indirect.scatter.add.f32 [tilespmem:s25], [sflag:$0x5], $0x20, s23, s24, $0xb8;
	[tilespmem:$0x1D400] =	vst v63  }
0xf5: {  	_ =	swait.ge [sflag:s3], $0x1000  }
0xf6: {  	[sflag:s3] =	ssyncset.done $0x0  }
0xf7: {  	s26 =	simm.s32 $0x19280;
	[sflag:s3] =	ssyncadd.s32 $0xFFFFF000  }
0xf8: {  	[spmem:s1] =	stream.indirect.scatter.add.f32 [tilespmem:s28], [sflag:$0x6], $0x20, s26, s24, $0xb8;
	[tilespmem:$0x1D400] =	vst v63  }
0xf9: {  	_ =	swait.ge [sflag:s15], $0x1000  }
0xfa: {  	[sflag:s15] =	ssyncset.done $0x0  }
0xfb: {  	s29 =	simm.s32 $0x19300;
	[sflag:s15] =	ssyncadd.s32 $0xFFFFF000  }
0xfc: {  	[spmem:s1] =	stream.indirect.scatter.add.f32 [tilespmem:s19], [sflag:$0x7], $0x20, s29, s24, $0xb8;
	[tilespmem:$0x1D400] =	vst v63  }
0xfd: {  	_ =	swait.ge [sflag:s6], $0x1000  }
0xfe: {  	[sflag:s6] =	ssyncset.done $0x0  }
0xff: {  	s30 =	simm.s32 $0x19380;
	[sflag:s6] =	ssyncadd.s32 $0xFFFFF000  }
0x100: {  	[spmem:s1] =	stream.indirect.scatter.add.f32 [tilespmem:s31], [sflag:$0x8], $0x20, s30, s24, $0xb8;
	[tilespmem:$0x1D400] =	vst v63  }
0x101: {  	_ =	swait.ge [sflag:s11], $0x1000  }
0x102: {  	[sflag:s11] =	ssyncset.done $0x0  }
0x103: {  	[sflag:s11] =	ssyncadd.s32 $0xFFFFF000  }
0x104: {  	_ =	swait.ge [sflag:s13], $0x1000  }
0x105: {  	[sflag:s13] =	ssyncset.done $0x0  }
0x106: {  	[sflag:s13] =	ssyncadd.s32 $0xFFFFF000  }
0x107: {  	_ =	swait.ge [sflag:s7], $0x1000  }
0x108: {  	[sflag:s7] =	ssyncset.done $0x0  }
0x109: {  	s10 =	simm.s32 $0x40;
	[sflag:s7] =	ssyncadd.s32 $0xFFFFF000  }
0x10a: {  	s8 =	simm.s32 $0x19180;
	s20 =	simm.s32 $0x19280;
	_ =	swait.ge [sflag:s9], $0x1000  }
0x10b: {  	s5 =	simm.s32 $0x19380;
	s26 =	simm.s32 $0x80;
	[sflag:s9] =	ssyncset.done $0x0  }
.LBB2_10:
0x10c: {  	s29 =	sadd.s32 s10, s18  }
0x10d: {  	[sflag:s9] =	ssyncadd.s32 $0xFFFFF000;
	s30 =	smov.u32 s26;
	s16 =	sadd.s32 $0x40, s26  }
0x10e: {  	[tilespmem:s22], [sflag:$0xA] =	stream.linear.gather [hbm4b:s29+s2], $0x200, $0x38;
	[tilespmem:$0x1D400] =	vst v63  }
0x10f: {  	s29 =	simm.s32 $0x19080  }
0x110: {  	p0 =	sne.s32 s26, $0x1840;
	_ =	swait.ge [sflag:s21], $0x200  }
0x111: {  	s26 =	sadd.s32 s10, s17;
	[sflag:s21] =	ssyncset.done $0x0  }
0x112: {  	s10 =	smov.u32 s30;
	s30 =	simm.s32 $0x19100;
	[sflag:s21] =	ssyncadd.s32 $0xFFFFFE00  }
0x113: {  	[tilespmem:s23], [sflag:$0xA] =	stream.linear.gather [hbm4b:s26+s2], $0x200, $0x38;
	[tilespmem:$0x1D400] =	vst v63  }
0x114: {  	_ =	swait.ge [sflag:s21], $0x200  }
0x115: {  	[sflag:s21] =	ssyncset.done $0x0  }
0x116: {  	[sflag:s21] =	ssyncadd.s32 $0xFFFFFE00  }
0x117: {  	[tilespmem:s25], [sflag:$0x1] =	stream.indirect.gather [hbm4b:s12+s24], $0x20, s22, s24, $0xb8;
	[tilespmem:$0x1D400] =	vst v63  }
0x118: {  	_ = 	snop  }
0x119: {  	[tilespmem:s28], [sflag:$0x2] =	stream.indirect.gather [hbm4b:s12+s24], $0x20, s29, s24, $0xb8;
	[tilespmem:$0x1D400] =	vst v63  }
0x11a: {  	_ = 	snop  }
0x11b: {  	[tilespmem:s19], [sflag:$0x3] =	stream.indirect.gather [hbm4b:s12+s24], $0x20, s30, s24, $0xb8;
	[tilespmem:$0x1D400] =	vst v63  }
0x11c: {  	_ = 	snop  }
0x11d: {  	[tilespmem:s31], [sflag:$0x4] =	stream.indirect.gather [hbm4b:s12+s24], $0x20, s8, s24, $0xb8;
	[tilespmem:$0x1D400] =	vst v63  }
0x11e: {  	_ =	swait.ge [sflag:s0], $0x1000  }
0x11f: {  	[sflag:s0] =	ssyncset.done $0x0  }
0x120: {  	[sflag:s0] =	ssyncadd.s32 $0xFFFFF000  }
0x121: {  	[spmem:s1] =	stream.indirect.scatter.add.f32 [tilespmem:s25], [sflag:$0x5], $0x20, s23, s24, $0xb8;
	[tilespmem:$0x1D400] =	vst v63  }
0x122: {  	_ =	swait.ge [sflag:s3], $0x1000  }
0x123: {  	[sflag:s3] =	ssyncset.done $0x0  }
0x124: {  	[sflag:s3] =	ssyncadd.s32 $0xFFFFF000  }
0x125: {  	[spmem:s1] =	stream.indirect.scatter.add.f32 [tilespmem:s28], [sflag:$0x6], $0x20, s20, s24, $0xb8;
	[tilespmem:$0x1D400] =	vst v63  }
0x126: {  	_ =	swait.ge [sflag:s15], $0x1000  }
0x127: {  	[sflag:s15] =	ssyncset.done $0x0  }
0x128: {  	s26 =	simm.s32 $0x19300;
	[sflag:s15] =	ssyncadd.s32 $0xFFFFF000  }
0x129: {  	[spmem:s1] =	stream.indirect.scatter.add.f32 [tilespmem:s19], [sflag:$0x7], $0x20, s26, s24, $0xb8;
	[tilespmem:$0x1D400] =	vst v63  }
0x12a: {  	_ =	swait.ge [sflag:s6], $0x1000  }
0x12b: {  	[sflag:s6] =	ssyncset.done $0x0  }
0x12c: {  	[sflag:s6] =	ssyncadd.s32 $0xFFFFF000  }
0x12d: {  	[spmem:s1] =	stream.indirect.scatter.add.f32 [tilespmem:s31], [sflag:$0x8], $0x20, s5, s24, $0xb8;
	[tilespmem:$0x1D400] =	vst v63  }
0x12e: {  	_ =	swait.ge [sflag:s11], $0x1000  }
0x12f: {  	[sflag:s11] =	ssyncset.done $0x0  }
0x130: {  	[sflag:s11] =	ssyncadd.s32 $0xFFFFF000  }
0x131: {  	_ =	swait.ge [sflag:s13], $0x1000  }
0x132: {  	[sflag:s13] =	ssyncset.done $0x0  }
0x133: {  	[sflag:s13] =	ssyncadd.s32 $0xFFFFF000  }
.Ltmp4:
0x134: {  	_ =	swait.ge [sflag:s7], $0x1000;
	(pc) =	sbr.rel @p0 .LBB2_10-.Ltmp4, $4  }
0x135: {  	[sflag:s7] =	ssyncset.done $0x0  }
0x136: {  	[sflag:s7] =	ssyncadd.s32 $0xFFFFF000  }
0x137: {  	_ =	swait.ge [sflag:s9], $0x1000  }
0x138: {  	s26 =	smov.u32 s16;
	[sflag:s9] =	ssyncset.done $0x0  }
0x139: {  	s16 =	sadd.s32 s10, s18;
	[sflag:s9] =	ssyncadd.s32 $0xFFFFF000  }
0x13a: {  	[tilespmem:s22], [sflag:$0xA] =	stream.linear.gather [hbm4b:s16+s2], $0x200, $0x38;
	[tilespmem:$0x1D400] =	vst v63  }
0x13b: {  	_ =	swait.ge [sflag:s21], $0x200  }
0x13c: {  	[sflag:s21] =	ssyncset.done $0x0  }
0x13d: {  	s26 =	sadd.s32 s10, s17;
	[sflag:s21] =	ssyncadd.s32 $0xFFFFFE00  }
0x13e: {  	[tilespmem:s23], [sflag:$0xA] =	stream.linear.gather [hbm4b:s26+s2], $0x200, $0x38;
	[tilespmem:$0x1D400] =	vst v63  }
0x13f: {  	_ =	swait.ge [sflag:s21], $0x200  }
0x140: {  	[sflag:s21] =	ssyncset.done $0x0  }
0x141: {  	[sflag:s21] =	ssyncadd.s32 $0xFFFFFE00  }
0x142: {  	[tilespmem:s25], [sflag:$0x1] =	stream.indirect.gather [hbm4b:s12+s24], $0x20, s22, s24, $0xb8;
	[tilespmem:$0x1D400] =	vst v63  }
0x143: {  	_ = 	snop  }
0x144: {  	[tilespmem:s28], [sflag:$0x2] =	stream.indirect.gather [hbm4b:s12+s24], $0x20, s29, s24, $0xb8;
	[tilespmem:$0x1D400] =	vst v63  }
0x145: {  	_ = 	snop  }
0x146: {  	[tilespmem:s19], [sflag:$0x3] =	stream.indirect.gather [hbm4b:s12+s24], $0x20, s30, s24, $0xb8;
	[tilespmem:$0x1D400] =	vst v63  }
0x147: {  	_ = 	snop  }
0x148: {  	[tilespmem:s31], [sflag:$0x4] =	stream.indirect.gather [hbm4b:s12+s24], $0x20, s8, s24, $0xb8;
	[tilespmem:$0x1D400] =	vst v63  }
0x149: {  	_ =	swait.ge [sflag:s0], $0x1000  }
0x14a: {  	[sflag:s0] =	ssyncset.done $0x0  }
0x14b: {  	[sflag:s0] =	ssyncadd.s32 $0xFFFFF000  }
0x14c: {  	[spmem:s1] =	stream.indirect.scatter.add.f32 [tilespmem:s25], [sflag:$0x5], $0x20, s23, s24, $0xb8;
	[tilespmem:$0x1D400] =	vst v63  }
0x14d: {  	_ =	swait.ge [sflag:s3], $0x1000  }
0x14e: {  	[sflag:s3] =	ssyncset.done $0x0  }
0x14f: {  	[sflag:s3] =	ssyncadd.s32 $0xFFFFF000  }
0x150: {  	[spmem:s1] =	stream.indirect.scatter.add.f32 [tilespmem:s28], [sflag:$0x6], $0x20, s20, s24, $0xb8;
	[tilespmem:$0x1D400] =	vst v63  }
0x151: {  	_ =	swait.ge [sflag:s15], $0x1000  }
0x152: {  	[sflag:s15] =	ssyncset.done $0x0  }
0x153: {  	s30 =	simm.s32 $0x19300;
	[sflag:s15] =	ssyncadd.s32 $0xFFFFF000  }
0x154: {  	[spmem:s1] =	stream.indirect.scatter.add.f32 [tilespmem:s19], [sflag:$0x7], $0x20, s30, s24, $0xb8;
	[tilespmem:$0x1D400] =	vst v63  }
0x155: {  	_ =	swait.ge [sflag:s6], $0x1000  }
0x156: {  	[sflag:s6] =	ssyncset.done $0x0  }
0x157: {  	[sflag:s6] =	ssyncadd.s32 $0xFFFFF000  }
0x158: {  	[spmem:s1] =	stream.indirect.scatter.add.f32 [tilespmem:s31], [sflag:$0x8], $0x20, s5, s24, $0xb8;
	[tilespmem:$0x1D400] =	vst v63  }
0x159: {  	_ =	swait.ge [sflag:s11], $0x1000  }
0x15a: {  	[sflag:s11] =	ssyncset.done $0x0  }
0x15b: {  	[sflag:s11] =	ssyncadd.s32 $0xFFFFF000  }
0x15c: {  	_ =	swait.ge [sflag:s13], $0x1000  }
0x15d: {  	[sflag:s13] =	ssyncset.done $0x0  }
0x15e: {  	[sflag:s13] =	ssyncadd.s32 $0xFFFFF000  }
0x15f: {  	_ =	swait.ge [sflag:s7], $0x1000  }
0x160: {  	[sflag:s7] =	ssyncset.done $0x0  }
0x161: {  	[sflag:s7] =	ssyncadd.s32 $0xFFFFF000  }
0x162: {  	_ =	swait.ge [sflag:s9], $0x1000  }
0x163: {  	[sflag:s9] =	ssyncset.done $0x0  }
0x164: {  	[sflag:s9] =	ssyncadd.s32 $0xFFFFF000  }
0x165: {  	s16 =	simm.s32 $0x0;
	s5 =	simm.s32 $0x9;
	[bflag:$0x0] =	sbarrier.arrive $0xFFFF  }
.LBB2_12:
0x166: {  	s10 =	sshll.u32 s16, $0x7;
	s26 =	rddreg [dreg:$0x7]  }
0x167: {  	s10 =	sadd.s32 s26, s10  }
0x168: {  	s26 =	sshll.u32 s10, $0x5  }
0x169: {  	s26 =	sand.u32 $0x3FFFFFE0, s26  }
0x16a: {  	s20 =	sadd.s32 s26, s1  }
0x16b: {  	[tilespmem:s25], [sflag:$0x1] =	stream.linear.gather [spmem:s20], $0x1000, $0x38;
	[tilespmem:$0x1D400] =	vst v63  }
0x16c: {  	s29 =	sshll.u32 s10, $0x2;
	_ =	swait.ge [sflag:s0], $0x1000  }
0x16d: {  	s8 =	smov.u32 s29;
	[sflag:s0] =	ssyncset.done $0x0;
	s30 =	rddreg [dreg:$0x5]  }
0x16e: {  	[sflag:s0] =	ssyncadd.s32 $0xFFFFF000;
	s26 =	sadd.s32 s30, s29;
	s29 =	simm.s32 $0x0  }
0x16f: {  	[tilespmem:s28], [sflag:$0x2] =	stream.linear.gather [hbm4b:s26+s29], $0x1000, $0x38;
	[tilespmem:$0x1D400] =	vst v63  }
0x170: {  	_ =	swait.ge [sflag:s3], $0x1000  }
0x171: {  	[sflag:s3] =	ssyncset.done $0x0  }
0x172: {  	s26 =	simm.s32 $0x0;
	[sflag:s3] =	ssyncadd.s32 $0xFFFFF000  }
0x173: {  	v0 =	vld [tilespmem:s26+$0x1A400]  }
0x174: {  	v1 =	vld [tilespmem:s26+$0x1A410]  }
0x175: {  	s29 =	simm.s32 $0x80;
	v2 =	vld [tilespmem:s26+$0x19400]  }
.LBB2_13:
0x176: {  	p0 =	sne.s32 s29, $0x3F80;
	v3 =	vld [tilespmem:s26+$0x19410];
	_ =	sdelay $0x2  }
.Ltmp5:
0x177: {  	(pc) =	sbr.rel @p0 .LBB2_13-.Ltmp5, $4  }
0x178: {  	s30 =	sshra.s32 s29, $0x2;
	v2 =	vmul.f32 v0, v2  }
0x179: {  	v0 =	vld [tilespmem:s30+$0x1A400];
	v3 =	vmul.f32 v1, v3  }
0x17a: {  	v1 =	vld [tilespmem:s30+$0x1A410];
	[tilespmem:s26+$0x19400] =	vst v2  }
0x17b: {  	s29 =	sadd.s32 $0x80, s29;
	v2 =	vld [tilespmem:s30+$0x19400];
	[tilespmem:s26+$0x19410] =	vst v3;
	s26 =	smov.u32 s30  }
0x17c: {  	v3 =	vld [tilespmem:s26+$0x19410];
	_ =	sdelay $0x3  }
0x17d: {  	s29 =	rddreg [dreg:$0x8];
	v0 =	vmul.f32 v0, v2  }
0x17e: {  	s10 =	sadd.s32 s29, s10;
	v1 =	vmul.f32 v1, v3  }
0x17f: {  	s10 =	sshll.u32 s10, $0x2;
	[tilespmem:s26+$0x19400] =	vst v0  }
0x180: {  	s10 =	sadd.s32 s12, s10;
	[tilespmem:s26+$0x19410] =	vst v1  }
0x181: {  	[hbm4b:s10+s2] =	stream.linear.scatter [tilespmem:s25], [sflag:$0x5], $0x1000, $0x38;
	[tilespmem:$0x1D400] =	vst v63  }
0x182: {  	_ =	swait.ge [sflag:s11], $0x1000  }
0x183: {  	[sflag:s11] =	ssyncset.done $0x0;
	s30 =	rddreg [dreg:$0x4]  }
0x184: {  	[sflag:s11] =	ssyncadd.s32 $0xFFFFF000;
	s10 =	sadd.s32 s30, s8  }
0x185: {  	[tilespmem:s19], [sflag:$0x9] =	stream.linear.gather [hbm4b:s10+s2], $0x1000, $0x38;
	[tilespmem:$0x1D400] =	vst v63  }
0x186: {  	s16 =	sadd.s32 $0x1, s16;
	_ =	swait.ge [sflag:s5], $0x1000  }
0x187: {  	p0 =	sne.s32 s16, $0x19;
	[sflag:s5] =	ssyncset.done $0x0  }
.Ltmp6:
0x188: {  	[sflag:s5] =	ssyncadd.s32 $0xFFFFF000;
	(pc) =	sbr.rel @p0 .LBB2_12-.Ltmp6, $4  }
0x189: {  	[spmem:s20] =	stream.linear.scatter [tilespmem:s19], [sflag:$0xA], $0x1000, $0x38;
	[tilespmem:$0x1D400] =	vst v63  }
0x18a: {  	_ =	swait.ge [sflag:s21], $0x1000  }
0x18b: {  	[sflag:s21] =	ssyncset.done $0x0  }
0x18c: {  	[sflag:s21] =	ssyncadd.s32 $0xFFFFF000  }
0x18d: {  	[bflag:$0x0] =	sbarrier.arrive $0xFFFF;
	s10 =	sadd.s32 $0x0, s18  }
0x18e: {  	[tilespmem:s22], [sflag:$0xA] =	stream.linear.gather [hbm4b:s10+s2], $0x200, $0x38;
	[tilespmem:$0x1D400] =	vst v63  }
0x18f: {  	_ =	swait.ge [sflag:s21], $0x200  }
0x190: {  	[sflag:s21] =	ssyncset.done $0x0  }
0x191: {  	s8 =	sadd.s32 $0x0, s17;
	[sflag:s21] =	ssyncadd.s32 $0xFFFFFE00  }
0x192: {  	[tilespmem:s23], [sflag:$0xA] =	stream.linear.gather [hbm4b:s8+s2], $0x200, $0x38;
	[tilespmem:$0x1D400] =	vst v63  }
0x193: {  	_ =	swait.ge [sflag:s21], $0x200  }
0x194: {  	[sflag:s21] =	ssyncset.done $0x0  }
0x195: {  	[sflag:s21] =	ssyncadd.s32 $0xFFFFFE00  }
0x196: {  	[tilespmem:s25], [sflag:$0x1] =	stream.indirect.gather [hbm4b:s12+s24], $0x20, s22, s24, $0xb8;
	[tilespmem:$0x1D400] =	vst v63  }
0x197: {  	s16 =	simm.s32 $0x19080  }
0x198: {  	[tilespmem:s28], [sflag:$0x2] =	stream.indirect.gather [hbm4b:s12+s24], $0x20, s16, s24, $0xb8;
	[tilespmem:$0x1D400] =	vst v63  }
0x199: {  	s20 =	simm.s32 $0x19100  }
0x19a: {  	[tilespmem:s19], [sflag:$0x3] =	stream.indirect.gather [hbm4b:s12+s24], $0x20, s20, s24, $0xb8;
	[tilespmem:$0x1D400] =	vst v63  }
0x19b: {  	s5 =	simm.s32 $0x19180  }
0x19c: {  	[tilespmem:s31], [sflag:$0x4] =	stream.indirect.gather [hbm4b:s12+s24], $0x20, s5, s24, $0xb8;
	[tilespmem:$0x1D400] =	vst v63  }
0x19d: {  	_ =	swait.ge [sflag:s0], $0x1000  }
0x19e: {  	[sflag:s0] =	ssyncset.done $0x0  }
0x19f: {  	[sflag:s0] =	ssyncadd.s32 $0xFFFFF000  }
0x1a0: {  	[spmem:s1] =	stream.indirect.scatter.add.f32 [tilespmem:s25], [sflag:$0x5], $0x20, s23, s24, $0xb8;
	[tilespmem:$0x1D400] =	vst v63  }
0x1a1: {  	_ =	swait.ge [sflag:s3], $0x1000  }
0x1a2: {  	[sflag:s3] =	ssyncset.done $0x0  }
0x1a3: {  	s26 =	simm.s32 $0x19280;
	[sflag:s3] =	ssyncadd.s32 $0xFFFFF000  }
0x1a4: {  	[spmem:s1] =	stream.indirect.scatter.add.f32 [tilespmem:s28], [sflag:$0x6], $0x20, s26, s24, $0xb8;
	[tilespmem:$0x1D400] =	vst v63  }
0x1a5: {  	_ =	swait.ge [sflag:s15], $0x1000  }
0x1a6: {  	[sflag:s15] =	ssyncset.done $0x0  }
0x1a7: {  	s29 =	simm.s32 $0x19300;
	[sflag:s15] =	ssyncadd.s32 $0xFFFFF000  }
0x1a8: {  	[spmem:s1] =	stream.indirect.scatter.add.f32 [tilespmem:s19], [sflag:$0x7], $0x20, s29, s24, $0xb8;
	[tilespmem:$0x1D400] =	vst v63  }
0x1a9: {  	_ =	swait.ge [sflag:s6], $0x1000  }
0x1aa: {  	[sflag:s6] =	ssyncset.done $0x0  }
0x1ab: {  	s30 =	simm.s32 $0x19380;
	[sflag:s6] =	ssyncadd.s32 $0xFFFFF000  }
0x1ac: {  	[spmem:s1] =	stream.indirect.scatter.add.f32 [tilespmem:s31], [sflag:$0x8], $0x20, s30, s24, $0xb8;
	[tilespmem:$0x1D400] =	vst v63  }
0x1ad: {  	_ =	swait.ge [sflag:s11], $0x1000  }
0x1ae: {  	[sflag:s11] =	ssyncset.done $0x0  }
0x1af: {  	[sflag:s11] =	ssyncadd.s32 $0xFFFFF000  }
0x1b0: {  	_ =	swait.ge [sflag:s13], $0x1000  }
0x1b1: {  	[sflag:s13] =	ssyncset.done $0x0  }
0x1b2: {  	[sflag:s13] =	ssyncadd.s32 $0xFFFFF000  }
0x1b3: {  	_ =	swait.ge [sflag:s7], $0x1000  }
0x1b4: {  	[sflag:s7] =	ssyncset.done $0x0  }
0x1b5: {  	s10 =	simm.s32 $0x40;
	[sflag:s7] =	ssyncadd.s32 $0xFFFFF000  }
0x1b6: {  	s8 =	simm.s32 $0x19180;
	s20 =	simm.s32 $0x19280;
	_ =	swait.ge [sflag:s9], $0x1000  }
0x1b7: {  	s5 =	simm.s32 $0x19380;
	s26 =	simm.s32 $0x80;
	[sflag:s9] =	ssyncset.done $0x0  }
.LBB2_16:
0x1b8: {  	s29 =	sadd.s32 s10, s18  }
0x1b9: {  	[sflag:s9] =	ssyncadd.s32 $0xFFFFF000;
	s30 =	smov.u32 s26;
	s16 =	sadd.s32 $0x40, s26  }
0x1ba: {  	[tilespmem:s22], [sflag:$0xA] =	stream.linear.gather [hbm4b:s29+s2], $0x200, $0x38;
	[tilespmem:$0x1D400] =	vst v63  }
0x1bb: {  	s29 =	simm.s32 $0x19080  }
0x1bc: {  	p0 =	sne.s32 s26, $0x1840;
	_ =	swait.ge [sflag:s21], $0x200  }
0x1bd: {  	s26 =	sadd.s32 s10, s17;
	[sflag:s21] =	ssyncset.done $0x0  }
0x1be: {  	s10 =	smov.u32 s30;
	s30 =	simm.s32 $0x19100;
	[sflag:s21] =	ssyncadd.s32 $0xFFFFFE00  }
0x1bf: {  	[tilespmem:s23], [sflag:$0xA] =	stream.linear.gather [hbm4b:s26+s2], $0x200, $0x38;
	[tilespmem:$0x1D400] =	vst v63  }
0x1c0: {  	_ =	swait.ge [sflag:s21], $0x200  }
0x1c1: {  	[sflag:s21] =	ssyncset.done $0x0  }
0x1c2: {  	[sflag:s21] =	ssyncadd.s32 $0xFFFFFE00  }
0x1c3: {  	[tilespmem:s25], [sflag:$0x1] =	stream.indirect.gather [hbm4b:s12+s24], $0x20, s22, s24, $0xb8;
	[tilespmem:$0x1D400] =	vst v63  }
0x1c4: {  	_ = 	snop  }
0x1c5: {  	[tilespmem:s28], [sflag:$0x2] =	stream.indirect.gather [hbm4b:s12+s24], $0x20, s29, s24, $0xb8;
	[tilespmem:$0x1D400] =	vst v63  }
0x1c6: {  	_ = 	snop  }
0x1c7: {  	[tilespmem:s19], [sflag:$0x3] =	stream.indirect.gather [hbm4b:s12+s24], $0x20, s30, s24, $0xb8;
	[tilespmem:$0x1D400] =	vst v63  }
0x1c8: {  	_ = 	snop  }
0x1c9: {  	[tilespmem:s31], [sflag:$0x4] =	stream.indirect.gather [hbm4b:s12+s24], $0x20, s8, s24, $0xb8;
	[tilespmem:$0x1D400] =	vst v63  }
0x1ca: {  	_ =	swait.ge [sflag:s0], $0x1000  }
0x1cb: {  	[sflag:s0] =	ssyncset.done $0x0  }
0x1cc: {  	[sflag:s0] =	ssyncadd.s32 $0xFFFFF000  }
0x1cd: {  	[spmem:s1] =	stream.indirect.scatter.add.f32 [tilespmem:s25], [sflag:$0x5], $0x20, s23, s24, $0xb8;
	[tilespmem:$0x1D400] =	vst v63  }
0x1ce: {  	_ =	swait.ge [sflag:s3], $0x1000  }
0x1cf: {  	[sflag:s3] =	ssyncset.done $0x0  }
0x1d0: {  	[sflag:s3] =	ssyncadd.s32 $0xFFFFF000  }
0x1d1: {  	[spmem:s1] =	stream.indirect.scatter.add.f32 [tilespmem:s28], [sflag:$0x6], $0x20, s20, s24, $0xb8;
	[tilespmem:$0x1D400] =	vst v63  }
0x1d2: {  	_ =	swait.ge [sflag:s15], $0x1000  }
0x1d3: {  	[sflag:s15] =	ssyncset.done $0x0  }
0x1d4: {  	s26 =	simm.s32 $0x19300;
	[sflag:s15] =	ssyncadd.s32 $0xFFFFF000  }
0x1d5: {  	[spmem:s1] =	stream.indirect.scatter.add.f32 [tilespmem:s19], [sflag:$0x7], $0x20, s26, s24, $0xb8;
	[tilespmem:$0x1D400] =	vst v63  }
0x1d6: {  	_ =	swait.ge [sflag:s6], $0x1000  }
0x1d7: {  	[sflag:s6] =	ssyncset.done $0x0  }
0x1d8: {  	[sflag:s6] =	ssyncadd.s32 $0xFFFFF000  }
0x1d9: {  	[spmem:s1] =	stream.indirect.scatter.add.f32 [tilespmem:s31], [sflag:$0x8], $0x20, s5, s24, $0xb8;
	[tilespmem:$0x1D400] =	vst v63  }
0x1da: {  	_ =	swait.ge [sflag:s11], $0x1000  }
0x1db: {  	[sflag:s11] =	ssyncset.done $0x0  }
0x1dc: {  	[sflag:s11] =	ssyncadd.s32 $0xFFFFF000  }
0x1dd: {  	_ =	swait.ge [sflag:s13], $0x1000  }
0x1de: {  	[sflag:s13] =	ssyncset.done $0x0  }
0x1df: {  	[sflag:s13] =	ssyncadd.s32 $0xFFFFF000  }
.Ltmp7:
0x1e0: {  	_ =	swait.ge [sflag:s7], $0x1000;
	(pc) =	sbr.rel @p0 .LBB2_16-.Ltmp7, $4  }
0x1e1: {  	[sflag:s7] =	ssyncset.done $0x0  }
0x1e2: {  	[sflag:s7] =	ssyncadd.s32 $0xFFFFF000  }
0x1e3: {  	_ =	swait.ge [sflag:s9], $0x1000  }
0x1e4: {  	s26 =	smov.u32 s16;
	[sflag:s9] =	ssyncset.done $0x0  }
0x1e5: {  	s16 =	sadd.s32 s10, s18;
	[sflag:s9] =	ssyncadd.s32 $0xFFFFF000  }
0x1e6: {  	[tilespmem:s22], [sflag:$0xA] =	stream.linear.gather [hbm4b:s16+s2], $0x200, $0x38;
	[tilespmem:$0x1D400] =	vst v63  }
0x1e7: {  	_ =	swait.ge [sflag:s21], $0x200  }
0x1e8: {  	[sflag:s21] =	ssyncset.done $0x0  }
0x1e9: {  	s26 =	sadd.s32 s10, s17;
	[sflag:s21] =	ssyncadd.s32 $0xFFFFFE00  }
0x1ea: {  	[tilespmem:s23], [sflag:$0xA] =	stream.linear.gather [hbm4b:s26+s2], $0x200, $0x38;
	[tilespmem:$0x1D400] =	vst v63  }
0x1eb: {  	_ =	swait.ge [sflag:s21], $0x200  }
0x1ec: {  	[sflag:s21] =	ssyncset.done $0x0  }
0x1ed: {  	[sflag:s21] =	ssyncadd.s32 $0xFFFFFE00  }
0x1ee: {  	[tilespmem:s25], [sflag:$0x1] =	stream.indirect.gather [hbm4b:s12+s24], $0x20, s22, s24, $0xb8;
	[tilespmem:$0x1D400] =	vst v63  }
0x1ef: {  	_ = 	snop  }
0x1f0: {  	[tilespmem:s28], [sflag:$0x2] =	stream.indirect.gather [hbm4b:s12+s24], $0x20, s29, s24, $0xb8;
	[tilespmem:$0x1D400] =	vst v63  }
0x1f1: {  	_ = 	snop  }
0x1f2: {  	[tilespmem:s19], [sflag:$0x3] =	stream.indirect.gather [hbm4b:s12+s24], $0x20, s30, s24, $0xb8;
	[tilespmem:$0x1D400] =	vst v63  }
0x1f3: {  	_ = 	snop  }
0x1f4: {  	[tilespmem:s31], [sflag:$0x4] =	stream.indirect.gather [hbm4b:s12+s24], $0x20, s8, s24, $0xb8;
	[tilespmem:$0x1D400] =	vst v63  }
0x1f5: {  	_ =	swait.ge [sflag:s0], $0x1000  }
0x1f6: {  	[sflag:s0] =	ssyncset.done $0x0  }
0x1f7: {  	[sflag:s0] =	ssyncadd.s32 $0xFFFFF000  }
0x1f8: {  	[spmem:s1] =	stream.indirect.scatter.add.f32 [tilespmem:s25], [sflag:$0x5], $0x20, s23, s24, $0xb8;
	[tilespmem:$0x1D400] =	vst v63  }
0x1f9: {  	_ =	swait.ge [sflag:s3], $0x1000  }
0x1fa: {  	[sflag:s3] =	ssyncset.done $0x0  }
0x1fb: {  	[sflag:s3] =	ssyncadd.s32 $0xFFFFF000  }
0x1fc: {  	[spmem:s1] =	stream.indirect.scatter.add.f32 [tilespmem:s28], [sflag:$0x6], $0x20, s20, s24, $0xb8;
	[tilespmem:$0x1D400] =	vst v63  }
0x1fd: {  	_ =	swait.ge [sflag:s15], $0x1000  }
0x1fe: {  	[sflag:s15] =	ssyncset.done $0x0  }
0x1ff: {  	s30 =	simm.s32 $0x19300;
	[sflag:s15] =	ssyncadd.s32 $0xFFFFF000  }
0x200: {  	[spmem:s1] =	stream.indirect.scatter.add.f32 [tilespmem:s19], [sflag:$0x7], $0x20, s30, s24, $0xb8;
	[tilespmem:$0x1D400] =	vst v63  }
0x201: {  	_ =	swait.ge [sflag:s6], $0x1000  }
0x202: {  	[sflag:s6] =	ssyncset.done $0x0  }
0x203: {  	[sflag:s6] =	ssyncadd.s32 $0xFFFFF000  }
0x204: {  	[spmem:s1] =	stream.indirect.scatter.add.f32 [tilespmem:s31], [sflag:$0x8], $0x20, s5, s24, $0xb8;
	[tilespmem:$0x1D400] =	vst v63  }
0x205: {  	_ =	swait.ge [sflag:s11], $0x1000  }
0x206: {  	[sflag:s11] =	ssyncset.done $0x0  }
0x207: {  	[sflag:s11] =	ssyncadd.s32 $0xFFFFF000  }
0x208: {  	_ =	swait.ge [sflag:s13], $0x1000  }
0x209: {  	[sflag:s13] =	ssyncset.done $0x0  }
0x20a: {  	[sflag:s13] =	ssyncadd.s32 $0xFFFFF000  }
0x20b: {  	_ =	swait.ge [sflag:s7], $0x1000  }
0x20c: {  	[sflag:s7] =	ssyncset.done $0x0  }
0x20d: {  	[sflag:s7] =	ssyncadd.s32 $0xFFFFF000  }
0x20e: {  	_ =	swait.ge [sflag:s9], $0x1000  }
0x20f: {  	[sflag:s9] =	ssyncset.done $0x0  }
0x210: {  	[sflag:s9] =	ssyncadd.s32 $0xFFFFF000  }
0x211: {  	s16 =	simm.s32 $0x0;
	[bflag:$0x0] =	sbarrier.arrive $0xFFFF  }
0x212: {  	s20 =	simm.s32 $0x0;
	s5 =	simm.s32 $0x9;
	s8 =	rddreg [dreg:$0xd]  }
.LBB2_18:
0x213: {  	s10 =	sshll.u32 s16, $0x7;
	s26 =	rddreg [dreg:$0x7]  }
0x214: {  	s10 =	sadd.s32 s26, s10  }
0x215: {  	s26 =	sshll.u32 s10, $0x5  }
0x216: {  	s26 =	sand.u32 $0x3FFFFFE0, s26  }
0x217: {  	s26 =	sadd.s32 s26, s1  }
0x218: {  	[tilespmem:s25], [sflag:$0x1] =	stream.linear.gather [spmem:s26], $0x1000, $0x38;
	[tilespmem:$0x1D400] =	vst v63  }
0x219: {  	_ =	swait.ge [sflag:s0], $0x1000  }
0x21a: {  	s30 =	sshll.u32 s10, $0x2;
	[sflag:s0] =	ssyncset.done $0x0;
	s29 =	rddreg [dreg:$0x6]  }
0x21b: {  	[sflag:s0] =	ssyncadd.s32 $0xFFFFF000;
	s26 =	sadd.s32 s29, s30  }
0x21c: {  	[tilespmem:s28], [sflag:$0x2] =	stream.linear.gather [hbm4b:s26+s20], $0x1000, $0x38;
	[tilespmem:$0x1D400] =	vst v63  }
0x21d: {  	_ =	swait.ge [sflag:s3], $0x1000  }
0x21e: {  	[sflag:s3] =	ssyncset.done $0x0  }
0x21f: {  	s26 =	simm.s32 $0x0;
	[sflag:s3] =	ssyncadd.s32 $0xFFFFF000  }
0x220: {  	v0 =	vld [tilespmem:s26+$0x1A400]  }
0x221: {  	v1 =	vld [tilespmem:s26+$0x1A410]  }
0x222: {  	s29 =	simm.s32 $0x80;
	v2 =	vld [tilespmem:s26+$0x19400]  }
.LBB2_19:
0x223: {  	p0 =	sne.s32 s29, $0x3F80;
	v3 =	vld [tilespmem:s26+$0x19410];
	_ =	sdelay $0x2  }
.Ltmp8:
0x224: {  	(pc) =	sbr.rel @p0 .LBB2_19-.Ltmp8, $4  }
0x225: {  	s30 =	sshra.s32 s29, $0x2;
	v2 =	vmul.f32 v0, v2  }
0x226: {  	v0 =	vld [tilespmem:s30+$0x1A400];
	v3 =	vmul.f32 v1, v3  }
0x227: {  	v1 =	vld [tilespmem:s30+$0x1A410];
	[tilespmem:s26+$0x19400] =	vst v2  }
0x228: {  	s29 =	sadd.s32 $0x80, s29;
	v2 =	vld [tilespmem:s30+$0x19400];
	[tilespmem:s26+$0x19410] =	vst v3;
	s26 =	smov.u32 s30  }
0x229: {  	v3 =	vld [tilespmem:s26+$0x19410];
	_ =	sdelay $0x3  }
0x22a: {  	s29 =	rddreg [dreg:$0x8];
	v0 =	vmul.f32 v0, v2  }
0x22b: {  	s16 =	sadd.s32 $0x1, s16;
	s10 =	sadd.s32 s29, s10;
	v1 =	vmul.f32 v1, v3  }
0x22c: {  	s30 =	rddreg [dreg:$0x9];
	p0 =	sne.s32 s16, $0x19;
	s10 =	sshll.u32 s10, $0x2;
	[tilespmem:s26+$0x19400] =	vst v0  }
.Ltmp9:
0x22d: {  	s10 =	sadd.s32 s30, s10;
	[tilespmem:s26+$0x19410] =	vst v1;
	(pc) =	sbr.rel @p0 .LBB2_18-.Ltmp9, $4  }
0x22e: {  	[hbm4b:s10+s2] =	stream.linear.scatter [tilespmem:s25], [sflag:$0x5], $0x1000, $0x38;
	[tilespmem:$0x1D400] =	vst v63  }
0x22f: {  	_ =	swait.ge [sflag:s11], $0x1000  }
0x230: {  	[sflag:s11] =	ssyncset.done $0x0  }
0x231: {  	[sflag:s11] =	ssyncadd.s32 $0xFFFFF000  }
0x232: {  	s8 =	sadd.s32 $0x1, s8;
	s10 =	rddreg [dreg:$0xb]  }
0x233: {  	p0 =	sne.s32 s8, s10  }
.Ltmp10:
0x234: {  	_ = 	snop;
	(pc) =	sbr.rel @p0 .LBB2_1-.Ltmp10, $2  }
0x235: {  	_ =	sdelay $0x2  }
0x236: {  	s29 =	smov.u32 s14  }
0x237: {  	_ =	sfence.sel $0x180000  }
0x238: {  	[bflag:$0x0] =	sbarrier.arrive $0xFFFF  }
0x239: {  	_ =	strace $0x9000004A  }
0x23a: {  	s0 =	stileid.u32;
	[bflag:$0x2] =	sbarrier.arrive $0xFFFF  }
0x23b: {  	p0 =	sne.s32 s0, $0x0;
	s0 =	rddreg [dreg:$0x2]  }
0x23c: {  	s0 =	sadd.s32 @!p0 $0x100000, s0  }
0x23d: {  	[sflag:s0] =	ssyncadd.tile.s32 @!p0 $0x1;
	_ =	shalt  }
.Lfunc_end2:
_tile_overlayer_lowered:
.L_overlay_start_2:
0x23e: {  	(tag) =	ssettag $0x2  }
0x23f: {  	s0 =	rddreg [dreg:$0x0];
	s2 =	stileid.u32  }
0x240: {  	s1 =	rddreg [dreg:$0x1];
	p0 =	sne.s32 s2, $0x0  }
0x241: {  	s3 =	rddreg [dreg:$0x2];
	[bflag:$0x3] =	sbarrier.arrive $0xFFFF;
	s2 =	simm.s32 @!p0 $0x1C0A  }
0x242: {  	[timem:s3], [sflag:s2] =	dma.local @!p0 [hbm:s0], s1  }
0x243: {  	s0 =	simm.s32 @!p0 $0xA  }
0x244: {  	_ =	swait.ge @!p0 [sflag:s0], s1  }
0x245: {  	s1 =	ssub.s32 @!p0 $0x0, s1;
	[sflag:s0] =	ssyncset.done @!p0 $0x0  }
0x246: {  	[sflag:s0] =	ssyncadd.s32 @!p0 s1  }
0x247: {  	[bflag:$0x3] =	sbarrier.arrive $0xFFFF  }
0x248: {  	_ =	shalt  }

// kernel: kernel.15.cloned.1.call-start
scs
__scs_entry_jumppad:
0x0: {  	(pc) =	sbr.rel $0x88, $3  }
0x1: {  	(tag) =	ssettag $0x0;
	lr =	simm.s32 $0x1  }
0x2: {  	[smem:$0x3F93] =	sst lr;
	_ =	strace $0xD0000000  }
0x3: {  	_ = 	snop  }
0x4: {  	_ = 	snop  }
0x5: {  	_ = 	snop  }
0x6: {  	_ = 	snop  }
0x7: {  	_ = 	snop  }
__scs_overlays_trampoline_lowered:
0x8: {  	[smem:$0x3FA2] =	sst s0  }
0x9: {  	[smem:$0x3FA3] =	sst s1  }
0xa: {  	[smem:$0x3FA4] =	sst s2  }
0xb: {  	[smem:$0x3FA5] =	sst s3  }
0xc: {  	[smem:$0x3FA6] =	sst s4  }
0xd: {  	[smem:$0x3FA7] =	sst s5  }
0xe: {  	[smem:$0x3FA8] =	sst s6  }
0xf: {  	[smem:$0x3FA9] =	sst s7  }
0x10: {  	[smem:$0x3FAA] =	sst s8  }
0x11: {  	[smem:$0x3FAB] =	sst s9;
	s0 =	simm.s32 @!p0 $0x0  }
0x12: {  	s1 =	sld [smem:$0x3F91];
	s0 =	simm.s32 @p0 $0x1  }
0x13: {  	[smem:$0x3FAC] =	sst s0;
	s0 =	simm.s32 @!p1 $0x0  }
0x14: {  	s2 =	sld [smem:$0x3F90];
	s0 =	simm.s32 @p1 $0x1  }
0x15: {  	[smem:$0x3FAD] =	sst s0;
	s0 =	simm.s32 @!p2 $0x0  }
0x16: {  	s3 =	sld [smem:$0x3FDB];
	s0 =	simm.s32 @p2 $0x1  }
0x17: {  	s4 =	simm.s32 $0x1BF5;
	[smem:$0x3FAF] =	sst s0  }
0x18: {  	s0 =	sld [smem:$0x3F92];
	_ =	swait.ge [sflag:s4], $0x0  }
0x19: {  	s7 =	sld [smem:$0x3F93]  }
0x1a: {  	s8 =	sadd.s32 $0xFFFFE003, lr  }
0x1b: {  	s9 =	sadd.s32 $0xFFFFFEF7, lr;
	s5 =	simm.s32 $0xFFFFFFFF;
	p2 =	slt.u32 s8, $0xFFFFF086  }
0x1c: {  	p1 =	slt.u32 s9, $0xF7A;
	s5 =	simm.s32 @!p2 $0x0  }
0x1d: {  	s5 =	simm.s32 @p1 $0x1;
	p0 =	seq.s32 s7, s2  }
0x1e: {  	s7 =	smul.u32 @!p0 $0xF7A, s2;
	p2 =	seq.s32 @!p0 s5, $0x0  }
0x1f: {  	s9 =	smul.u32 $0xF7A, s1;
	s8 =	simm.s32 @!p0 $0x1BF5;
	p2 =	por !p2, p0  }
0x20: {  	[sflag:s8] =	ssyncset.s32 @!p0 $0xFFFFF086;
	s6 =	sadd.s32 @!p0 s3, s7;
	s7 =	simm.s32 @!p0 $0x108  }
0x21: {  	s3 =	sadd.s32 s3, s9;
	s6 =	sadd.s32 @!p0 $0x88, s6;
	s7 =	simm.s32 @p2 $0x1082  }
0x22: {  	[simem:s7], [sflag:s8] =	dma.local @!p0 [hbm:s6], $0xF7A  }
0x23: {  	s9 =	sor.u32 $0xD0000000, s2;
	s6 =	simm.s32 $0x108;
	_ =	swait.ge @!p0 [sflag:s8], $0x0  }
0x24: {  	s3 =	sadd.s32 $0x88, s3;
	s6 =	simm.s32 @!p1 $0x1082;
	[sflag:s4] =	ssyncset.s32 $0xFFFFF086  }
0x25: {  	[simem:s6], [sflag:s4] =	dma.local [hbm:s3], $0xF7A  }
0x26: {  	[smem:$0x3F93] =	sst s1;
	(tag) =	ssettag s2;
	_ =	strace s9  }
0x27: {  	s1 =	sld [smem:$0x3FA3]  }
0x28: {  	s2 =	sld [smem:$0x3FA4]  }
0x29: {  	s4 =	sld [smem:$0x3FA6]  }
0x2a: {  	p0 =	seq.s32 s5, $0x0;
	s5 =	sld [smem:$0x3FA7]  }
0x2b: {  	s6 =	sld [smem:$0x3FA8]  }
0x2c: {  	s7 =	sld [smem:$0x3FA9]  }
0x2d: {  	s3 =	simm.s32 $0x108;
	s8 =	sld [smem:$0x3FAA]  }
0x2e: {  	s3 =	simm.s32 @!p0 $0x1082;
	s9 =	sld [smem:$0x3FAB]  }
0x2f: {  	lr =	sadd.s32 s0, s3;
	s0 =	sld [smem:$0x3FA2]  }
0x30: {  	s3 =	sld [smem:$0x3FA5]  }
0x31: {  	[smem:$0x3FAE] =	sst s10  }
0x32: {  	s10 =	sld [smem:$0x3FAC];
	_ =	sdelay $0x3  }
0x33: {  	p0 =	seq.s32 s10, $0x1;
	s10 =	sld [smem:$0x3FAE];
	_ =	sdelay $0x3  }
0x34: {  	[smem:$0x3FAE] =	sst s10  }
0x35: {  	s10 =	sld [smem:$0x3FAD];
	_ =	sdelay $0x3  }
0x36: {  	p1 =	seq.s32 s10, $0x1;
	s10 =	sld [smem:$0x3FAE];
	_ =	sdelay $0x3  }
0x37: {  	[smem:$0x3FAE] =	sst s10  }
0x38: {  	s10 =	sld [smem:$0x3FAF]  }
0x39: {  	_ = 	snop;
	(pc) =	sbr.ind lr, $3  }
0x3a: {  	_ = 	snop  }
0x3b: {  	_ = 	snop  }
0x3c: {  	p2 =	seq.s32 s10, $0x1;
	s10 =	sld [smem:$0x3FAE]  }
0x3d: {  	_ =	shalt  }
0x3e: {  	_ =	shalt  }
0x3f: {  	_ =	shalt  }
0x40: {  	_ =	shalt  }
0x41: {  	_ =	shalt  }
0x42: {  	_ =	shalt  }
0x43: {  	_ =	shalt  }
0x44: {  	_ =	shalt  }
0x45: {  	_ =	shalt  }
0x46: {  	_ =	shalt  }
0x47: {  	_ =	shalt  }
0x48: {  	_ =	shalt  }
0x49: {  	_ =	shalt  }
0x4a: {  	_ =	shalt  }
0x4b: {  	_ =	shalt  }
0x4c: {  	_ =	shalt  }
0x4d: {  	_ =	shalt  }
0x4e: {  	_ =	shalt  }
0x4f: {  	_ =	shalt  }
0x50: {  	_ =	shalt  }
0x51: {  	_ =	shalt  }
0x52: {  	_ =	shalt  }
0x53: {  	_ =	shalt  }
0x54: {  	_ =	shalt  }
0x55: {  	_ =	shalt  }
0x56: {  	_ =	shalt  }
0x57: {  	_ =	shalt  }
0x58: {  	_ =	shalt  }
0x59: {  	_ =	shalt  }
0x5a: {  	_ =	shalt  }
0x5b: {  	_ =	shalt  }
0x5c: {  	_ =	shalt  }
0x5d: {  	_ =	shalt  }
0x5e: {  	_ =	shalt  }
0x5f: {  	_ =	shalt  }
0x60: {  	_ =	shalt  }
0x61: {  	_ =	shalt  }
0x62: {  	_ =	shalt  }
0x63: {  	_ =	shalt  }
0x64: {  	_ =	shalt  }
0x65: {  	_ =	shalt  }
0x66: {  	_ =	shalt  }
0x67: {  	_ =	shalt  }
0x68: {  	_ =	shalt  }
0x69: {  	_ =	shalt  }
0x6a: {  	_ =	shalt  }
0x6b: {  	_ =	shalt  }
0x6c: {  	_ =	shalt  }
0x6d: {  	_ =	shalt  }
0x6e: {  	_ =	shalt  }
0x6f: {  	_ =	shalt  }
0x70: {  	_ =	shalt  }
0x71: {  	_ =	shalt  }
0x72: {  	_ =	shalt  }
0x73: {  	_ =	shalt  }
0x74: {  	_ =	shalt  }
0x75: {  	_ =	shalt  }
0x76: {  	_ =	shalt  }
0x77: {  	_ =	shalt  }
0x78: {  	_ =	shalt  }
0x79: {  	_ =	shalt  }
0x7a: {  	_ =	shalt  }
0x7b: {  	_ =	shalt  }
0x7c: {  	_ =	shalt  }
0x7d: {  	_ =	shalt  }
0x7e: {  	_ =	shalt  }
0x7f: {  	_ =	shalt  }
0x80: {  	_ =	shalt  }
0x81: {  	_ =	shalt  }
0x82: {  	_ =	shalt  }
0x83: {  	_ =	shalt  }
0x84: {  	_ =	shalt  }
0x85: {  	_ =	shalt  }
0x86: {  	_ =	shalt  }
0x87: {  	_ =	shalt  }
.Lfunc_end0:
.L_simem_size_0:
called_computation.2_lowered:
.L_overlay_start_0:
0x88: {  	s2 =	sld [smem:$0x3FD9]  }
0x89: {  	s3 =	sld [smem:$0x3FFE];
	_ =	sdelay $0x1  }
0x8a: {  	s1 =	srdreg.scid  }
0x8b: {  	s0 =	sand.u32 $0x1, s1  }
0x8c: {  	s16 =	sshll.u32 s0, $0xA;
	s2 =	sadd.s32 s3, s2  }
0x8d: {  	s2 =	sadd.s32 s2, s16  }
0x8e: {  	[smem:$0x3FBA] =	sst s2  }
0x8f: {  	_ = 	snop  }
0x90: {  	(tm) =	ssettm $0x1  }
0x91: {  	s17 =	sld [smem:$0x3FFB];
	_ =	sdelay $0x3  }
0x92: {  	_ =	strace s17  }
0x93: {  	s2 =	sld [smem:$0x3FFC];
	_ =	sdelay $0x3  }
0x94: {  	_ =	strace s2  }
0x95: {  	s2 =	sld [smem:$0x3FFD];
	_ =	sdelay $0x3  }
0x96: {  	_ =	strace s2  }
0x97: {  	_ =	strace $0x8FFFFFFF  }
0x98: {  	s18 =	sld [smem:$0x3FDB];
	_ =	sdelay $0x1  }
0x99: {  	s19 =	simm.s32 $_scs_section_size  }
0x9a: {  	s4 =	simm.s32 $_size__tile_overlayer_lowered;
	s5 =	simm.s32 $_tile_overlayer_lowered  }
0x9b: {  	s22 =	simm.s32 $0x1BFF;
	s21 =	sshll.u32 s5, $0x1;
	s2 =	sadd.s32 s19, s18  }
0x9c: {  	s6 =	simm.s32 $0x0;
	s20 =	sshll.u32 s4, $0x1;
	s4 =	sadd.s32 s21, s2  }
0x9d: {  	[timem:s6], [sflag:s22] =	dma.local [hbm:s4], s20  }
0x9e: {  	_ =	swait.ge [sflag:s22], s20  }
0x9f: {  	s3 =	ssub.s32 $0x0, s20;
	[sflag:s22] =	ssyncset.done $0x0  }
0xa0: {  	[sflag:s22] =	ssyncadd.s32 s3;
	_ =	sdelay $0x1  }
0xa1: {  	s23 =	simm.s32 $0x1B8B  }
0xa2: {  	_ =	swait.ge [sflag:s23], $0x1  }
0xa3: {  	[sflag:s23] =	ssyncset.done $0x0  }
0xa4: {  	s25 =	simm.s32 $0x1B8E;
	s24 =	sld [smem:$0x3FFE];
	[sflag:s23] =	ssyncadd.s32 $0xFFFFFFFF  }
0xa5: {  	s26 =	simm.s32 $execute0_lowered;
	[smem:$0x3FD2] =	sst s25  }
0xa6: {  	s4 =	sshll.u32 s26, $0x1;
	_ =	strace $0x8000004C;
	[dreg:$0x1] =	wrdreg $0xFFFFFFFF  }
0xa7: {  	s28 =	simm.s32 $_size_execute0_lowered;
	s2 =	sadd.s32 s2, s4;
	[dreg:$0x0] =	wrdreg $0x0  }
0xa8: {  	s4 =	sshll.u32 s28, $0x1;
	[dreg:$0x2] =	wrdreg s2  }
0xa9: {  	[dreg:$0x3] =	wrdreg s4  }
0xaa: {  	[dreg:$0x4] =	wrdreg $0xC0  }
0xab: {  	_ =	task [dreg:s6], $0x5FFFF  }
0xac: {  	[dreg:$0x1] =	wrdreg $0xFFFFFFFF  }
0xad: {  	[dreg:$0x0] =	wrdreg $0x60  }
0xae: {  	[dreg:$0x2] =	wrdreg s24  }
0xaf: {  	[dreg:$0x3] =	wrdreg $0x0  }
0xb0: {  	[dreg:$0x4] =	wrdreg $0x9  }
0xb1: {  	_ =	task.clear_ibuf [dreg:s6], $0x5FFFF;
	_ =	strace $0x9000004C  }
0xb2: {  	s29 =	simm.s32 $0x9;
	_ =	strace $0x8000004E  }
0xb3: {  	_ =	swait.ge [sflag:s29], $0x1  }
0xb4: {  	[sflag:s29] =	ssyncadd.s32 $0xFFFFFFFF  }
0xb5: {  	_ =	strace $0x9000004E  }
0xb6: {  	_ =	sfence  }
0xb7: {  	s30 =	sld [smem:$0x0];
	_ =	sdelay $0x2  }
0xb8: {  	s31 =	sshll.u32 s1, $0xD;
	s1 =	sshrl.u32 s1, $0x2  }
0xb9: {  	s3 =	sand.u32 $0x4000, s31;
	s1 =	sadd.s32 s1, s30  }
0xba: {  	s0 =	sor.u32 s3, s0;
	s1 =	sshll.u32 s1, $0x11  }
0xbb: {  	s0 =	sor.u32 s1, s0  }
0xbc: {  	s0 =	sadd.s32 $0x8F2B, s0  }
0xbd: {  	[sflag:s0] =	ssyncadd.remote.s32 $0x1  }
0xbe: {  	_ =	sfence.sel $0xFFFF  }
0xbf: {  	[dreg:$0x0] =	wrdreg $0xFFFFFFFF;
	(pc) =	sbr.abs _section_cstart, $3  }
0xc0: {  	[dreg:$0x1] =	wrdreg $0xFFFFFFFF  }
0xc1: {  	_ =	task.clear_ibuf [dreg:s6], $0x2FFFF;
	_ =	strace $0x9FFFFFFF  }
0xc2: {  	(tm) =	ssettm $0x7FFFFFFF  }
0xc3: {  	_ =	shalt  }
tec
execute0_lowered:
.L_overlay_start_1:
0x0: {  	(tag) =	ssettag $0x1  }
0x1: {  	s0 =	rddreg [dreg:$0x0]  }
0x2: {  	s1 =	rddreg [dreg:$0x1];
	s3 =	srdreg.scid;
	s2 =	simm.s32 $0x0  }
0x3: {  	s9 =	stileid.u32;
	s28 =	simm.s32 $0x1A400;
	s31 =	simm.s32 $0x1C400  }
0x4: {  	s15 =	simm.s32 $0x3;
	s13 =	simm.s32 $0x6;
	s7 =	smul.u32 $0xC400, s9  }
0x5: {  	s3 =	sand.u32 $0x1, s3;
	[smem:$0x7FF] =	sst s2;
	s19 =	smul.u32 $0x1880, s9  }
0x6: {  	s4 =	sadd.s32 $0x17A600, s0;
	s8 =	sadd.s32 $0xB2600, s0;
	s10 =	smul.u32 $0xC80, s9  }
0x7: {  	s17 =	sadd.s32 $0x1DE600, s0;
	s18 =	sadd.s32 $0x80600, s0;
	s22 =	smul.u32 $0x64000, s9  }
0x8: {  	s9 =	smul.u32 $0x3200, s9;
	_ =	strace $0x8000004D;
	[dreg:$0x3] =	wrdreg s8  }
0x9: {  	s20 =	sadd.s32 $0x1D600, s0;
	s5 =	smul.u32 $0x32000, s3;
	[dreg:$0x4] =	wrdreg s17  }
0xa: {  	s21 =	sadd.s32 $0xF82000, s0;
	s6 =	smul.u32 $0xC4000, s3;
	[dreg:$0x5] =	wrdreg s18  }
0xb: {  	s12 =	sadd.s32 $0xF1E000, s0;
	[dreg:$0x6] =	wrdreg s20;
	s11 =	smul.u32 $0xC800, s3  }
0xc: {  	[dreg:$0x9] =	wrdreg s21;
	s3 =	ssub.s32 $0x2, s3;
	s21 =	simm.s32 $0xA  }
0xd: {  	s8 =	simm.s32 $0x0;
	s23 =	sshrl.u32 s3, $0x1;
	[dreg:$0x7] =	wrdreg s10  }
0xe: {  	s25 =	sshrl.u32 s22, $0x2;
	s22 =	simm.s32 $0x19000;
	s5 =	sadd.s32 s5, s0  }
0xf: {  	s6 =	sadd.s32 s7, s6;
	s7 =	sadd.s32 s19, s0;
	[dreg:$0x8] =	wrdreg s11  }
0x10: {  	s24 =	sadd.s32 s10, s11;
	s26 =	sadd.s32 s25, s1;
	s19 =	simm.s32 $0x1B400  }
0x11: {  	s25 =	simm.s32 $0x19400;
	s11 =	simm.s32 $0x5;
	[dreg:$0xa] =	wrdreg s24  }
0x12: {  	s6 =	sshrl.u32 s6, $0x3;
	[dreg:$0xc] =	wrdreg s26;
	s30 =	sadd.s32 s9, s5  }
0x13: {  	s17 =	sadd.s32 $0x4E00, s7;
	s5 =	simm.s32 $0x9;
	s24 =	simm.s32 $0x80  }
0x14: {  	s7 =	simm.s32 $0x7;
	s9 =	simm.s32 $0x8;
	s6 =	sadd.s32 s6, s0  }
0x15: {  	s0 =	ssub.s32 s3, s23;
	s29 =	sadd.s32 $0x116600, s30;
	s23 =	simm.s32 $0x19200  }
0x16: {  	s3 =	simm.s32 $0x2;
	s0 =	smax.u32 s0, $0x1;
	s18 =	sadd.s32 $0x4F600, s6  }
0x17: {  	s6 =	simm.s32 $0x4;
	[dreg:$0xb] =	wrdreg s0;
	s0 =	simm.s32 $0x1  }
.LBB2_1:
0x18: {  	[dreg:$0xd] =	wrdreg s8;
	s10 =	sadd.s32 $0x0, s29  }
0x19: {  	[tilespmem:s19], [sflag:$0x9] =	stream.linear.gather [hbm4b:s10+s2], $0x1000, $0x38;
	[tilespmem:$0x1D400] =	vst v63  }
0x1a: {  	_ =	swait.ge [sflag:s5], $0x1000  }
0x1b: {  	[sflag:s5] =	ssyncset.done $0x0  }
0x1c: {  	s30 =	rddreg [dreg:$0xc];
	[sflag:s5] =	ssyncadd.s32 $0xFFFFF000  }
0x1d: {  	[spmem:s30] =	stream.linear.scatter [tilespmem:s19], [sflag:$0xA], $0x1000, $0x38;
	[tilespmem:$0x1D400] =	vst v63  }
0x1e: {  	s16 =	simm.s32 $0x200;
	_ =	swait.ge [sflag:s21], $0x1000  }
0x1f: {  	s26 =	simm.s32 $0x400;
	s10 =	sadd.s32 $0x1000, s30;
	[sflag:s21] =	ssyncset.done $0x0  }
.LBB2_2:
0x20: {  	s14 =	smov.u32 s29;
	s29 =	sadd.s32 s16, s29  }
0x21: {  	[sflag:s21] =	ssyncadd.s32 $0xFFFFF000;
	s16 =	smov.u32 s26;
	s30 =	sadd.s32 $0x200, s26  }
0x22: {  	[tilespmem:s19], [sflag:$0x9] =	stream.linear.gather [hbm4b:s29+s2], $0x1000, $0x38;
	[tilespmem:$0x1D400] =	vst v63  }
0x23: {  	s29 =	smov.u32 s14  }
0x24: {  	p0 =	sne.s32 s26, $0x3000;
	_ =	swait.ge [sflag:s5], $0x1000  }
.Ltmp0:
0x25: {  	[sflag:s5] =	ssyncset.done $0x0;
	(pc) =	sbr.rel @p0 .LBB2_2-.Ltmp0, $4  }
0x26: {  	[sflag:s5] =	ssyncadd.s32 $0xFFFFF000  }
0x27: {  	[spmem:s10] =	stream.linear.scatter [tilespmem:s19], [sflag:$0xA], $0x1000, $0x38;
	[tilespmem:$0x1D400] =	vst v63  }
0x28: {  	_ =	swait.ge [sflag:s21], $0x1000  }
0x29: {  	s26 =	smov.u32 s30;
	s10 =	sadd.s32 $0x1000, s10;
	[sflag:s21] =	ssyncset.done $0x0  }
0x2a: {  	s16 =	sadd.s32 s16, s29;
	[sflag:s21] =	ssyncadd.s32 $0xFFFFF000  }
0x2b: {  	[tilespmem:s19], [sflag:$0x9] =	stream.linear.gather [hbm4b:s16+s2], $0x1000, $0x38;
	[tilespmem:$0x1D400] =	vst v63  }
0x2c: {  	_ =	swait.ge [sflag:s5], $0x1000  }
0x2d: {  	[sflag:s5] =	ssyncset.done $0x0  }
0x2e: {  	[sflag:s5] =	ssyncadd.s32 $0xFFFFF000  }
0x2f: {  	[spmem:s10] =	stream.linear.scatter [tilespmem:s19], [sflag:$0xA], $0x1000, $0x38;
	[tilespmem:$0x1D400] =	vst v63  }
0x30: {  	_ =	swait.ge [sflag:s21], $0x1000  }
0x31: {  	[sflag:s21] =	ssyncset.done $0x0  }
0x32: {  	[sflag:s21] =	ssyncadd.s32 $0xFFFFF000  }
0x33: {  	s30 =	sadd.s32 $0x0, s18;
	[bflag:$0x0] =	sbarrier.arrive $0xFFFF  }
0x34: {  	[tilespmem:s22], [sflag:$0xA] =	stream.linear.gather [hbm4b:s30+s2], $0x200, $0x38;
	[tilespmem:$0x1D400] =	vst v63  }
0x35: {  	_ =	swait.ge [sflag:s21], $0x200  }
0x36: {  	[sflag:s21] =	ssyncset.done $0x0  }
0x37: {  	s5 =	sadd.s32 $0x0, s17;
	[sflag:s21] =	ssyncadd.s32 $0xFFFFFE00  }
0x38: {  	[tilespmem:s23], [sflag:$0xA] =	stream.linear.gather [hbm4b:s5+s2], $0x200, $0x38;
	[tilespmem:$0x1D400] =	vst v63  }
0x39: {  	_ =	swait.ge [sflag:s21], $0x200  }
0x3a: {  	[sflag:s21] =	ssyncset.done $0x0  }
0x3b: {  	[sflag:s21] =	ssyncadd.s32 $0xFFFFFE00  }
0x3c: {  	[tilespmem:s25], [sflag:$0x1] =	stream.indirect.gather [hbm4b:s4+s24], $0x20, s22, s24, $0xb8;
	[tilespmem:$0x1D400] =	vst v63  }
0x3d: {  	s8 =	simm.s32 $0x19080  }
0x3e: {  	[tilespmem:s28], [sflag:$0x2] =	stream.indirect.gather [hbm4b:s4+s24], $0x20, s8, s24, $0xb8;
	[tilespmem:$0x1D400] =	vst v63  }
0x3f: {  	s16 =	simm.s32 $0x19100  }
0x40: {  	[tilespmem:s19], [sflag:$0x3] =	stream.indirect.gather [hbm4b:s4+s24], $0x20, s16, s24, $0xb8;
	[tilespmem:$0x1D400] =	vst v63  }
0x41: {  	s20 =	simm.s32 $0x19180  }
0x42: {  	[tilespmem:s31], [sflag:$0x4] =	stream.indirect.gather [hbm4b:s4+s24], $0x20, s20, s24, $0xb8;
	[tilespmem:$0x1D400] =	vst v63  }
0x43: {  	_ =	swait.ge [sflag:s0], $0x1000  }
0x44: {  	[sflag:s0] =	ssyncset.done $0x0  }
0x45: {  	[sflag:s0] =	ssyncadd.s32 $0xFFFFF000  }
0x46: {  	[spmem:s1] =	stream.indirect.scatter.add.f32 [tilespmem:s25], [sflag:$0x5], $0x20, s23, s24, $0xb8;
	[tilespmem:$0x1D400] =	vst v63  }
0x47: {  	_ =	swait.ge [sflag:s3], $0x1000  }
0x48: {  	[sflag:s3] =	ssyncset.done $0x0  }
0x49: {  	s26 =	simm.s32 $0x19280;
	[sflag:s3] =	ssyncadd.s32 $0xFFFFF000  }
0x4a: {  	[spmem:s1] =	stream.indirect.scatter.add.f32 [tilespmem:s28], [sflag:$0x6], $0x20, s26, s24, $0xb8;
	[tilespmem:$0x1D400] =	vst v63  }
0x4b: {  	_ =	swait.ge [sflag:s15], $0x1000  }
0x4c: {  	[sflag:s15] =	ssyncset.done $0x0  }
0x4d: {  	s29 =	simm.s32 $0x19300;
	[sflag:s15] =	ssyncadd.s32 $0xFFFFF000  }
0x4e: {  	[spmem:s1] =	stream.indirect.scatter.add.f32 [tilespmem:s19], [sflag:$0x7], $0x20, s29, s24, $0xb8;
	[tilespmem:$0x1D400] =	vst v63  }
0x4f: {  	_ =	swait.ge [sflag:s6], $0x1000  }
0x50: {  	[sflag:s6] =	ssyncset.done $0x0  }
0x51: {  	s30 =	simm.s32 $0x19380;
	[sflag:s6] =	ssyncadd.s32 $0xFFFFF000  }
0x52: {  	[spmem:s1] =	stream.indirect.scatter.add.f32 [tilespmem:s31], [sflag:$0x8], $0x20, s30, s24, $0xb8;
	[tilespmem:$0x1D400] =	vst v63  }
0x53: {  	_ =	swait.ge [sflag:s11], $0x1000  }
0x54: {  	[sflag:s11] =	ssyncset.done $0x0  }
0x55: {  	[sflag:s11] =	ssyncadd.s32 $0xFFFFF000  }
0x56: {  	_ =	swait.ge [sflag:s13], $0x1000  }
0x57: {  	[sflag:s13] =	ssyncset.done $0x0  }
0x58: {  	[sflag:s13] =	ssyncadd.s32 $0xFFFFF000  }
0x59: {  	_ =	swait.ge [sflag:s7], $0x1000  }
0x5a: {  	[sflag:s7] =	ssyncset.done $0x0  }
0x5b: {  	s10 =	simm.s32 $0x40;
	[sflag:s7] =	ssyncadd.s32 $0xFFFFF000  }
0x5c: {  	s5 =	simm.s32 $0x19380;
	s8 =	simm.s32 $0x19180;
	_ =	swait.ge [sflag:s9], $0x1000  }
0x5d: {  	s20 =	simm.s32 $0x19280;
	s26 =	simm.s32 $0x80;
	[sflag:s9] =	ssyncset.done $0x0  }
.LBB2_4:
0x5e: {  	s29 =	sadd.s32 s10, s18  }
0x5f: {  	[sflag:s9] =	ssyncadd.s32 $0xFFFFF000;
	s30 =	smov.u32 s26;
	s16 =	sadd.s32 $0x40, s26  }
0x60: {  	[tilespmem:s22], [sflag:$0xA] =	stream.linear.gather [hbm4b:s29+s2], $0x200, $0x38;
	[tilespmem:$0x1D400] =	vst v63  }
0x61: {  	s29 =	simm.s32 $0x19080  }
0x62: {  	p0 =	sne.s32 s26, $0x1840;
	_ =	swait.ge [sflag:s21], $0x200  }
0x63: {  	s26 =	sadd.s32 s10, s17;
	[sflag:s21] =	ssyncset.done $0x0  }
0x64: {  	s10 =	smov.u32 s30;
	s30 =	simm.s32 $0x19100;
	[sflag:s21] =	ssyncadd.s32 $0xFFFFFE00  }
0x65: {  	[tilespmem:s23], [sflag:$0xA] =	stream.linear.gather [hbm4b:s26+s2], $0x200, $0x38;
	[tilespmem:$0x1D400] =	vst v63  }
0x66: {  	_ =	swait.ge [sflag:s21], $0x200  }
0x67: {  	[sflag:s21] =	ssyncset.done $0x0  }
0x68: {  	[sflag:s21] =	ssyncadd.s32 $0xFFFFFE00  }
0x69: {  	[tilespmem:s25], [sflag:$0x1] =	stream.indirect.gather [hbm4b:s4+s24], $0x20, s22, s24, $0xb8;
	[tilespmem:$0x1D400] =	vst v63  }
0x6a: {  	_ = 	snop  }
0x6b: {  	[tilespmem:s28], [sflag:$0x2] =	stream.indirect.gather [hbm4b:s4+s24], $0x20, s29, s24, $0xb8;
	[tilespmem:$0x1D400] =	vst v63  }
0x6c: {  	_ = 	snop  }
0x6d: {  	[tilespmem:s19], [sflag:$0x3] =	stream.indirect.gather [hbm4b:s4+s24], $0x20, s30, s24, $0xb8;
	[tilespmem:$0x1D400] =	vst v63  }
0x6e: {  	_ = 	snop  }
0x6f: {  	[tilespmem:s31], [sflag:$0x4] =	stream.indirect.gather [hbm4b:s4+s24], $0x20, s8, s24, $0xb8;
	[tilespmem:$0x1D400] =	vst v63  }
0x70: {  	_ =	swait.ge [sflag:s0], $0x1000  }
0x71: {  	[sflag:s0] =	ssyncset.done $0x0  }
0x72: {  	[sflag:s0] =	ssyncadd.s32 $0xFFFFF000  }
0x73: {  	[spmem:s1] =	stream.indirect.scatter.add.f32 [tilespmem:s25], [sflag:$0x5], $0x20, s23, s24, $0xb8;
	[tilespmem:$0x1D400] =	vst v63  }
0x74: {  	_ =	swait.ge [sflag:s3], $0x1000  }
0x75: {  	[sflag:s3] =	ssyncset.done $0x0  }
0x76: {  	[sflag:s3] =	ssyncadd.s32 $0xFFFFF000  }
0x77: {  	[spmem:s1] =	stream.indirect.scatter.add.f32 [tilespmem:s28], [sflag:$0x6], $0x20, s20, s24, $0xb8;
	[tilespmem:$0x1D400] =	vst v63  }
0x78: {  	_ =	swait.ge [sflag:s15], $0x1000  }
0x79: {  	[sflag:s15] =	ssyncset.done $0x0  }
0x7a: {  	s26 =	simm.s32 $0x19300;
	[sflag:s15] =	ssyncadd.s32 $0xFFFFF000  }
0x7b: {  	[spmem:s1] =	stream.indirect.scatter.add.f32 [tilespmem:s19], [sflag:$0x7], $0x20, s26, s24, $0xb8;
	[tilespmem:$0x1D400] =	vst v63  }
0x7c: {  	_ =	swait.ge [sflag:s6], $0x1000  }
0x7d: {  	[sflag:s6] =	ssyncset.done $0x0  }
0x7e: {  	[sflag:s6] =	ssyncadd.s32 $0xFFFFF000  }
0x7f: {  	[spmem:s1] =	stream.indirect.scatter.add.f32 [tilespmem:s31], [sflag:$0x8], $0x20, s5, s24, $0xb8;
	[tilespmem:$0x1D400] =	vst v63  }
0x80: {  	_ =	swait.ge [sflag:s11], $0x1000  }
0x81: {  	[sflag:s11] =	ssyncset.done $0x0  }
0x82: {  	[sflag:s11] =	ssyncadd.s32 $0xFFFFF000  }
0x83: {  	_ =	swait.ge [sflag:s13], $0x1000  }
0x84: {  	[sflag:s13] =	ssyncset.done $0x0  }
0x85: {  	[sflag:s13] =	ssyncadd.s32 $0xFFFFF000  }
.Ltmp1:
0x86: {  	_ =	swait.ge [sflag:s7], $0x1000;
	(pc) =	sbr.rel @p0 .LBB2_4-.Ltmp1, $4  }
0x87: {  	[sflag:s7] =	ssyncset.done $0x0  }
0x88: {  	[sflag:s7] =	ssyncadd.s32 $0xFFFFF000  }
0x89: {  	_ =	swait.ge [sflag:s9], $0x1000  }
0x8a: {  	s26 =	smov.u32 s16;
	[sflag:s9] =	ssyncset.done $0x0  }
0x8b: {  	s16 =	sadd.s32 s10, s18;
	[sflag:s9] =	ssyncadd.s32 $0xFFFFF000  }
0x8c: {  	[tilespmem:s22], [sflag:$0xA] =	stream.linear.gather [hbm4b:s16+s2], $0x200, $0x38;
	[tilespmem:$0x1D400] =	vst v63  }
0x8d: {  	_ =	swait.ge [sflag:s21], $0x200  }
0x8e: {  	[sflag:s21] =	ssyncset.done $0x0  }
0x8f: {  	s26 =	sadd.s32 s10, s17;
	[sflag:s21] =	ssyncadd.s32 $0xFFFFFE00  }
0x90: {  	[tilespmem:s23], [sflag:$0xA] =	stream.linear.gather [hbm4b:s26+s2], $0x200, $0x38;
	[tilespmem:$0x1D400] =	vst v63  }
0x91: {  	_ =	swait.ge [sflag:s21], $0x200  }
0x92: {  	[sflag:s21] =	ssyncset.done $0x0  }
0x93: {  	[sflag:s21] =	ssyncadd.s32 $0xFFFFFE00  }
0x94: {  	[tilespmem:s25], [sflag:$0x1] =	stream.indirect.gather [hbm4b:s4+s24], $0x20, s22, s24, $0xb8;
	[tilespmem:$0x1D400] =	vst v63  }
0x95: {  	_ = 	snop  }
0x96: {  	[tilespmem:s28], [sflag:$0x2] =	stream.indirect.gather [hbm4b:s4+s24], $0x20, s29, s24, $0xb8;
	[tilespmem:$0x1D400] =	vst v63  }
0x97: {  	_ = 	snop  }
0x98: {  	[tilespmem:s19], [sflag:$0x3] =	stream.indirect.gather [hbm4b:s4+s24], $0x20, s30, s24, $0xb8;
	[tilespmem:$0x1D400] =	vst v63  }
0x99: {  	_ = 	snop  }
0x9a: {  	[tilespmem:s31], [sflag:$0x4] =	stream.indirect.gather [hbm4b:s4+s24], $0x20, s8, s24, $0xb8;
	[tilespmem:$0x1D400] =	vst v63  }
0x9b: {  	_ =	swait.ge [sflag:s0], $0x1000  }
0x9c: {  	[sflag:s0] =	ssyncset.done $0x0  }
0x9d: {  	[sflag:s0] =	ssyncadd.s32 $0xFFFFF000  }
0x9e: {  	[spmem:s1] =	stream.indirect.scatter.add.f32 [tilespmem:s25], [sflag:$0x5], $0x20, s23, s24, $0xb8;
	[tilespmem:$0x1D400] =	vst v63  }
0x9f: {  	_ =	swait.ge [sflag:s3], $0x1000  }
0xa0: {  	[sflag:s3] =	ssyncset.done $0x0  }
0xa1: {  	[sflag:s3] =	ssyncadd.s32 $0xFFFFF000  }
0xa2: {  	[spmem:s1] =	stream.indirect.scatter.add.f32 [tilespmem:s28], [sflag:$0x6], $0x20, s20, s24, $0xb8;
	[tilespmem:$0x1D400] =	vst v63  }
0xa3: {  	_ =	swait.ge [sflag:s15], $0x1000  }
0xa4: {  	[sflag:s15] =	ssyncset.done $0x0  }
0xa5: {  	s30 =	simm.s32 $0x19300;
	[sflag:s15] =	ssyncadd.s32 $0xFFFFF000  }
0xa6: {  	[spmem:s1] =	stream.indirect.scatter.add.f32 [tilespmem:s19], [sflag:$0x7], $0x20, s30, s24, $0xb8;
	[tilespmem:$0x1D400] =	vst v63  }
0xa7: {  	_ =	swait.ge [sflag:s6], $0x1000  }
0xa8: {  	[sflag:s6] =	ssyncset.done $0x0  }
0xa9: {  	[sflag:s6] =	ssyncadd.s32 $0xFFFFF000  }
0xaa: {  	[spmem:s1] =	stream.indirect.scatter.add.f32 [tilespmem:s31], [sflag:$0x8], $0x20, s5, s24, $0xb8;
	[tilespmem:$0x1D400] =	vst v63  }
0xab: {  	_ =	swait.ge [sflag:s11], $0x1000  }
0xac: {  	[sflag:s11] =	ssyncset.done $0x0  }
0xad: {  	[sflag:s11] =	ssyncadd.s32 $0xFFFFF000  }
0xae: {  	_ =	swait.ge [sflag:s13], $0x1000  }
0xaf: {  	[sflag:s13] =	ssyncset.done $0x0  }
0xb0: {  	[sflag:s13] =	ssyncadd.s32 $0xFFFFF000  }
0xb1: {  	_ =	swait.ge [sflag:s7], $0x1000  }
0xb2: {  	[sflag:s7] =	ssyncset.done $0x0  }
0xb3: {  	[sflag:s7] =	ssyncadd.s32 $0xFFFFF000  }
0xb4: {  	_ =	swait.ge [sflag:s9], $0x1000  }
0xb5: {  	[sflag:s9] =	ssyncset.done $0x0  }
0xb6: {  	[sflag:s9] =	ssyncadd.s32 $0xFFFFF000  }
0xb7: {  	s16 =	simm.s32 $0x0;
	s5 =	simm.s32 $0x9;
	[bflag:$0x0] =	sbarrier.arrive $0xFFFF  }
.LBB2_6:
0xb8: {  	s20 =	sshll.u32 s16, $0x7;
	s10 =	rddreg [dreg:$0x7]  }
0xb9: {  	s10 =	sadd.s32 s10, s20  }
0xba: {  	s26 =	sshll.u32 s10, $0x5  }
0xbb: {  	s26 =	sand.u32 $0x3FFFFFE0, s26  }
0xbc: {  	s8 =	smov.u32 s20;
	s20 =	sadd.s32 s26, s1  }
0xbd: {  	[tilespmem:s25], [sflag:$0x1] =	stream.linear.gather [spmem:s20], $0x1000, $0x38;
	[tilespmem:$0x1D400] =	vst v63  }
0xbe: {  	_ =	swait.ge [sflag:s0], $0x1000  }
0xbf: {  	s30 =	sshll.u32 s10, $0x2;
	[sflag:s0] =	ssyncset.done $0x0;
	s29 =	rddreg [dreg:$0x5]  }
0xc0: {  	[sflag:s0] =	ssyncadd.s32 $0xFFFFF000;
	s26 =	sadd.s32 s29, s30;
	s29 =	simm.s32 $0x0  }
0xc1: {  	[tilespmem:s28], [sflag:$0x2] =	stream.linear.gather [hbm4b:s26+s29], $0x1000, $0x38;
	[tilespmem:$0x1D400] =	vst v63  }
0xc2: {  	_ =	swait.ge [sflag:s3], $0x1000  }
0xc3: {  	[sflag:s3] =	ssyncset.done $0x0  }
0xc4: {  	s26 =	simm.s32 $0x0;
	[sflag:s3] =	ssyncadd.s32 $0xFFFFF000  }
0xc5: {  	v0 =	vld [tilespmem:s26+$0x1A400]  }
0xc6: {  	v1 =	vld [tilespmem:s26+$0x1A410]  }
0xc7: {  	s29 =	simm.s32 $0x80;
	v2 =	vld [tilespmem:s26+$0x19400]  }
.LBB2_7:
0xc8: {  	p0 =	sne.s32 s29, $0x3F80;
	v3 =	vld [tilespmem:s26+$0x19410];
	_ =	sdelay $0x2  }
.Ltmp2:
0xc9: {  	(pc) =	sbr.rel @p0 .LBB2_7-.Ltmp2, $4  }
0xca: {  	s30 =	sshra.s32 s29, $0x2;
	v2 =	vmul.f32 v0, v2  }
0xcb: {  	v0 =	vld [tilespmem:s30+$0x1A400];
	v3 =	vmul.f32 v1, v3  }
0xcc: {  	v1 =	vld [tilespmem:s30+$0x1A410];
	[tilespmem:s26+$0x19400] =	vst v2  }
0xcd: {  	s29 =	sadd.s32 $0x80, s29;
	v2 =	vld [tilespmem:s30+$0x19400];
	[tilespmem:s26+$0x19410] =	vst v3;
	s26 =	smov.u32 s30  }
0xce: {  	v3 =	vld [tilespmem:s26+$0x19410];
	_ =	sdelay $0x3  }
0xcf: {  	s29 =	rddreg [dreg:$0x8];
	v0 =	vmul.f32 v0, v2  }
0xd0: {  	s10 =	sadd.s32 s29, s10;
	v1 =	vmul.f32 v1, v3  }
0xd1: {  	s10 =	sshll.u32 s10, $0x2;
	[tilespmem:s26+$0x19400] =	vst v0  }
0xd2: {  	s10 =	sadd.s32 s12, s10;
	[tilespmem:s26+$0x19410] =	vst v1  }
0xd3: {  	[hbm4b:s10+s2] =	stream.linear.scatter [tilespmem:s25], [sflag:$0x5], $0x1000, $0x38;
	[tilespmem:$0x1D400] =	vst v63  }
0xd4: {  	_ =	swait.ge [sflag:s11], $0x1000  }
0xd5: {  	s29 =	rddreg [dreg:$0xa]  }
0xd6: {  	s10 =	sadd.s32 s8, s29  }
0xd7: {  	[sflag:s11] =	ssyncset.done $0x0;
	s30 =	rddreg [dreg:$0x3];
	s10 =	sshll.u32 s10, $0x2  }
0xd8: {  	[sflag:s11] =	ssyncadd.s32 $0xFFFFF000;
	s10 =	sadd.s32 s30, s10  }
0xd9: {  	[tilespmem:s19], [sflag:$0x9] =	stream.linear.gather [hbm4b:s10+s2], $0x1000, $0x38;
	[tilespmem:$0x1D400] =	vst v63  }
0xda: {  	s16 =	sadd.s32 $0x1, s16;
	_ =	swait.ge [sflag:s5], $0x1000  }
0xdb: {  	p0 =	sne.s32 s16, $0x19;
	[sflag:s5] =	ssyncset.done $0x0  }
.Ltmp3:
0xdc: {  	[sflag:s5] =	ssyncadd.s32 $0xFFFFF000;
	(pc) =	sbr.rel @p0 .LBB2_6-.Ltmp3, $4  }
0xdd: {  	[spmem:s20] =	stream.linear.scatter [tilespmem:s19], [sflag:$0xA], $0x1000, $0x38;
	[tilespmem:$0x1D400] =	vst v63  }
0xde: {  	_ =	swait.ge [sflag:s21], $0x1000  }
0xdf: {  	[sflag:s21] =	ssyncset.done $0x0  }
0xe0: {  	[sflag:s21] =	ssyncadd.s32 $0xFFFFF000  }
0xe1: {  	[bflag:$0x0] =	sbarrier.arrive $0xFFFF;
	s10 =	sadd.s32 $0x0, s18  }
0xe2: {  	[tilespmem:s22], [sflag:$0xA] =	stream.linear.gather [hbm4b:s10+s2], $0x200, $0x38;
	[tilespmem:$0x1D400] =	vst v63  }
0xe3: {  	_ =	swait.ge [sflag:s21], $0x200  }
0xe4: {  	[sflag:s21] =	ssyncset.done $0x0  }
0xe5: {  	s8 =	sadd.s32 $0x0, s17;
	[sflag:s21] =	ssyncadd.s32 $0xFFFFFE00  }
0xe6: {  	[tilespmem:s23], [sflag:$0xA] =	stream.linear.gather [hbm4b:s8+s2], $0x200, $0x38;
	[tilespmem:$0x1D400] =	vst v63  }
0xe7: {  	_ =	swait.ge [sflag:s21], $0x200  }
0xe8: {  	[sflag:s21] =	ssyncset.done $0x0  }
0xe9: {  	[sflag:s21] =	ssyncadd.s32 $0xFFFFFE00  }
0xea: {  	[tilespmem:s25], [sflag:$0x1] =	stream.indirect.gather [hbm4b:s12+s24], $0x20, s22, s24, $0xb8;
	[tilespmem:$0x1D400] =	vst v63  }
0xeb: {  	s16 =	simm.s32 $0x19080  }
0xec: {  	[tilespmem:s28], [sflag:$0x2] =	stream.indirect.gather [hbm4b:s12+s24], $0x20, s16, s24, $0xb8;
	[tilespmem:$0x1D400] =	vst v63  }
0xed: {  	s20 =	simm.s32 $0x19100  }
0xee: {  	[tilespmem:s19], [sflag:$0x3] =	stream.indirect.gather [hbm4b:s12+s24], $0x20, s20, s24, $0xb8;
	[tilespmem:$0x1D400] =	vst v63  }
0xef: {  	s5 =	simm.s32 $0x19180  }
0xf0: {  	[tilespmem:s31], [sflag:$0x4] =	stream.indirect.gather [hbm4b:s12+s24], $0x20, s5, s24, $0xb8;
	[tilespmem:$0x1D400] =	vst v63  }
0xf1: {  	_ =	swait.ge [sflag:s0], $0x1000  }
0xf2: {  	[sflag:s0] =	ssyncset.done $0x0  }
0xf3: {  	[sflag:s0] =	ssyncadd.s32 $0xFFFFF000  }
0xf4: {  	[spmem:s1] =	stream.indirect.scatter.add.f32 [tilespmem:s25], [sflag:$0x5], $0x20, s23, s24, $0xb8;
	[tilespmem:$0x1D400] =	vst v63  }
0xf5: {  	_ =	swait.ge [sflag:s3], $0x1000  }
0xf6: {  	[sflag:s3] =	ssyncset.done $0x0  }
0xf7: {  	s26 =	simm.s32 $0x19280;
	[sflag:s3] =	ssyncadd.s32 $0xFFFFF000  }
0xf8: {  	[spmem:s1] =	stream.indirect.scatter.add.f32 [tilespmem:s28], [sflag:$0x6], $0x20, s26, s24, $0xb8;
	[tilespmem:$0x1D400] =	vst v63  }
0xf9: {  	_ =	swait.ge [sflag:s15], $0x1000  }
0xfa: {  	[sflag:s15] =	ssyncset.done $0x0  }
0xfb: {  	s29 =	simm.s32 $0x19300;
	[sflag:s15] =	ssyncadd.s32 $0xFFFFF000  }
0xfc: {  	[spmem:s1] =	stream.indirect.scatter.add.f32 [tilespmem:s19], [sflag:$0x7], $0x20, s29, s24, $0xb8;
	[tilespmem:$0x1D400] =	vst v63  }
0xfd: {  	_ =	swait.ge [sflag:s6], $0x1000  }
0xfe: {  	[sflag:s6] =	ssyncset.done $0x0  }
0xff: {  	s30 =	simm.s32 $0x19380;
	[sflag:s6] =	ssyncadd.s32 $0xFFFFF000  }
0x100: {  	[spmem:s1] =	stream.indirect.scatter.add.f32 [tilespmem:s31], [sflag:$0x8], $0x20, s30, s24, $0xb8;
	[tilespmem:$0x1D400] =	vst v63  }
0x101: {  	_ =	swait.ge [sflag:s11], $0x1000  }
0x102: {  	[sflag:s11] =	ssyncset.done $0x0  }
0x103: {  	[sflag:s11] =	ssyncadd.s32 $0xFFFFF000  }
0x104: {  	_ =	swait.ge [sflag:s13], $0x1000  }
0x105: {  	[sflag:s13] =	ssyncset.done $0x0  }
0x106: {  	[sflag:s13] =	ssyncadd.s32 $0xFFFFF000  }
0x107: {  	_ =	swait.ge [sflag:s7], $0x1000  }
0x108: {  	[sflag:s7] =	ssyncset.done $0x0  }
0x109: {  	s10 =	simm.s32 $0x40;
	[sflag:s7] =	ssyncadd.s32 $0xFFFFF000  }
0x10a: {  	s8 =	simm.s32 $0x19180;
	s20 =	simm.s32 $0x19280;
	_ =	swait.ge [sflag:s9], $0x1000  }
0x10b: {  	s5 =	simm.s32 $0x19380;
	s26 =	simm.s32 $0x80;
	[sflag:s9] =	ssyncset.done $0x0  }
.LBB2_10:
0x10c: {  	s29 =	sadd.s32 s10, s18  }
0x10d: {  	[sflag:s9] =	ssyncadd.s32 $0xFFFFF000;
	s30 =	smov.u32 s26;
	s16 =	sadd.s32 $0x40, s26  }
0x10e: {  	[tilespmem:s22], [sflag:$0xA] =	stream.linear.gather [hbm4b:s29+s2], $0x200, $0x38;
	[tilespmem:$0x1D400] =	vst v63  }
0x10f: {  	s29 =	simm.s32 $0x19080  }
0x110: {  	p0 =	sne.s32 s26, $0x1840;
	_ =	swait.ge [sflag:s21], $0x200  }
0x111: {  	s26 =	sadd.s32 s10, s17;
	[sflag:s21] =	ssyncset.done $0x0  }
0x112: {  	s10 =	smov.u32 s30;
	s30 =	simm.s32 $0x19100;
	[sflag:s21] =	ssyncadd.s32 $0xFFFFFE00  }
0x113: {  	[tilespmem:s23], [sflag:$0xA] =	stream.linear.gather [hbm4b:s26+s2], $0x200, $0x38;
	[tilespmem:$0x1D400] =	vst v63  }
0x114: {  	_ =	swait.ge [sflag:s21], $0x200  }
0x115: {  	[sflag:s21] =	ssyncset.done $0x0  }
0x116: {  	[sflag:s21] =	ssyncadd.s32 $0xFFFFFE00  }
0x117: {  	[tilespmem:s25], [sflag:$0x1] =	stream.indirect.gather [hbm4b:s12+s24], $0x20, s22, s24, $0xb8;
	[tilespmem:$0x1D400] =	vst v63  }
0x118: {  	_ = 	snop  }
0x119: {  	[tilespmem:s28], [sflag:$0x2] =	stream.indirect.gather [hbm4b:s12+s24], $0x20, s29, s24, $0xb8;
	[tilespmem:$0x1D400] =	vst v63  }
0x11a: {  	_ = 	snop  }
0x11b: {  	[tilespmem:s19], [sflag:$0x3] =	stream.indirect.gather [hbm4b:s12+s24], $0x20, s30, s24, $0xb8;
	[tilespmem:$0x1D400] =	vst v63  }
0x11c: {  	_ = 	snop  }
0x11d: {  	[tilespmem:s31], [sflag:$0x4] =	stream.indirect.gather [hbm4b:s12+s24], $0x20, s8, s24, $0xb8;
	[tilespmem:$0x1D400] =	vst v63  }
0x11e: {  	_ =	swait.ge [sflag:s0], $0x1000  }
0x11f: {  	[sflag:s0] =	ssyncset.done $0x0  }
0x120: {  	[sflag:s0] =	ssyncadd.s32 $0xFFFFF000  }
0x121: {  	[spmem:s1] =	stream.indirect.scatter.add.f32 [tilespmem:s25], [sflag:$0x5], $0x20, s23, s24, $0xb8;
	[tilespmem:$0x1D400] =	vst v63  }
0x122: {  	_ =	swait.ge [sflag:s3], $0x1000  }
0x123: {  	[sflag:s3] =	ssyncset.done $0x0  }
0x124: {  	[sflag:s3] =	ssyncadd.s32 $0xFFFFF000  }
0x125: {  	[spmem:s1] =	stream.indirect.scatter.add.f32 [tilespmem:s28], [sflag:$0x6], $0x20, s20, s24, $0xb8;
	[tilespmem:$0x1D400] =	vst v63  }
0x126: {  	_ =	swait.ge [sflag:s15], $0x1000  }
0x127: {  	[sflag:s15] =	ssyncset.done $0x0  }
0x128: {  	s26 =	simm.s32 $0x19300;
	[sflag:s15] =	ssyncadd.s32 $0xFFFFF000  }
0x129: {  	[spmem:s1] =	stream.indirect.scatter.add.f32 [tilespmem:s19], [sflag:$0x7], $0x20, s26, s24, $0xb8;
	[tilespmem:$0x1D400] =	vst v63  }
0x12a: {  	_ =	swait.ge [sflag:s6], $0x1000  }
0x12b: {  	[sflag:s6] =	ssyncset.done $0x0  }
0x12c: {  	[sflag:s6] =	ssyncadd.s32 $0xFFFFF000  }
0x12d: {  	[spmem:s1] =	stream.indirect.scatter.add.f32 [tilespmem:s31], [sflag:$0x8], $0x20, s5, s24, $0xb8;
	[tilespmem:$0x1D400] =	vst v63  }
0x12e: {  	_ =	swait.ge [sflag:s11], $0x1000  }
0x12f: {  	[sflag:s11] =	ssyncset.done $0x0  }
0x130: {  	[sflag:s11] =	ssyncadd.s32 $0xFFFFF000  }
0x131: {  	_ =	swait.ge [sflag:s13], $0x1000  }
0x132: {  	[sflag:s13] =	ssyncset.done $0x0  }
0x133: {  	[sflag:s13] =	ssyncadd.s32 $0xFFFFF000  }
.Ltmp4:
0x134: {  	_ =	swait.ge [sflag:s7], $0x1000;
	(pc) =	sbr.rel @p0 .LBB2_10-.Ltmp4, $4  }
0x135: {  	[sflag:s7] =	ssyncset.done $0x0  }
0x136: {  	[sflag:s7] =	ssyncadd.s32 $0xFFFFF000  }
0x137: {  	_ =	swait.ge [sflag:s9], $0x1000  }
0x138: {  	s26 =	smov.u32 s16;
	[sflag:s9] =	ssyncset.done $0x0  }
0x139: {  	s16 =	sadd.s32 s10, s18;
	[sflag:s9] =	ssyncadd.s32 $0xFFFFF000  }
0x13a: {  	[tilespmem:s22], [sflag:$0xA] =	stream.linear.gather [hbm4b:s16+s2], $0x200, $0x38;
	[tilespmem:$0x1D400] =	vst v63  }
0x13b: {  	_ =	swait.ge [sflag:s21], $0x200  }
0x13c: {  	[sflag:s21] =	ssyncset.done $0x0  }
0x13d: {  	s26 =	sadd.s32 s10, s17;
	[sflag:s21] =	ssyncadd.s32 $0xFFFFFE00  }
0x13e: {  	[tilespmem:s23], [sflag:$0xA] =	stream.linear.gather [hbm4b:s26+s2], $0x200, $0x38;
	[tilespmem:$0x1D400] =	vst v63  }
0x13f: {  	_ =	swait.ge [sflag:s21], $0x200  }
0x140: {  	[sflag:s21] =	ssyncset.done $0x0  }
0x141: {  	[sflag:s21] =	ssyncadd.s32 $0xFFFFFE00  }
0x142: {  	[tilespmem:s25], [sflag:$0x1] =	stream.indirect.gather [hbm4b:s12+s24], $0x20, s22, s24, $0xb8;
	[tilespmem:$0x1D400] =	vst v63  }
0x143: {  	_ = 	snop  }
0x144: {  	[tilespmem:s28], [sflag:$0x2] =	stream.indirect.gather [hbm4b:s12+s24], $0x20, s29, s24, $0xb8;
	[tilespmem:$0x1D400] =	vst v63  }
0x145: {  	_ = 	snop  }
0x146: {  	[tilespmem:s19], [sflag:$0x3] =	stream.indirect.gather [hbm4b:s12+s24], $0x20, s30, s24, $0xb8;
	[tilespmem:$0x1D400] =	vst v63  }
0x147: {  	_ = 	snop  }
0x148: {  	[tilespmem:s31], [sflag:$0x4] =	stream.indirect.gather [hbm4b:s12+s24], $0x20, s8, s24, $0xb8;
	[tilespmem:$0x1D400] =	vst v63  }
0x149: {  	_ =	swait.ge [sflag:s0], $0x1000  }
0x14a: {  	[sflag:s0] =	ssyncset.done $0x0  }
0x14b: {  	[sflag:s0] =	ssyncadd.s32 $0xFFFFF000  }
0x14c: {  	[spmem:s1] =	stream.indirect.scatter.add.f32 [tilespmem:s25], [sflag:$0x5], $0x20, s23, s24, $0xb8;
	[tilespmem:$0x1D400] =	vst v63  }
0x14d: {  	_ =	swait.ge [sflag:s3], $0x1000  }
0x14e: {  	[sflag:s3] =	ssyncset.done $0x0  }
0x14f: {  	[sflag:s3] =	ssyncadd.s32 $0xFFFFF000  }
0x150: {  	[spmem:s1] =	stream.indirect.scatter.add.f32 [tilespmem:s28], [sflag:$0x6], $0x20, s20, s24, $0xb8;
	[tilespmem:$0x1D400] =	vst v63  }
0x151: {  	_ =	swait.ge [sflag:s15], $0x1000  }
0x152: {  	[sflag:s15] =	ssyncset.done $0x0  }
0x153: {  	s30 =	simm.s32 $0x19300;
	[sflag:s15] =	ssyncadd.s32 $0xFFFFF000  }
0x154: {  	[spmem:s1] =	stream.indirect.scatter.add.f32 [tilespmem:s19], [sflag:$0x7], $0x20, s30, s24, $0xb8;
	[tilespmem:$0x1D400] =	vst v63  }
0x155: {  	_ =	swait.ge [sflag:s6], $0x1000  }
0x156: {  	[sflag:s6] =	ssyncset.done $0x0  }
0x157: {  	[sflag:s6] =	ssyncadd.s32 $0xFFFFF000  }
0x158: {  	[spmem:s1] =	stream.indirect.scatter.add.f32 [tilespmem:s31], [sflag:$0x8], $0x20, s5, s24, $0xb8;
	[tilespmem:$0x1D400] =	vst v63  }
0x159: {  	_ =	swait.ge [sflag:s11], $0x1000  }
0x15a: {  	[sflag:s11] =	ssyncset.done $0x0  }
0x15b: {  	[sflag:s11] =	ssyncadd.s32 $0xFFFFF000  }
0x15c: {  	_ =	swait.ge [sflag:s13], $0x1000  }
0x15d: {  	[sflag:s13] =	ssyncset.done $0x0  }
0x15e: {  	[sflag:s13] =	ssyncadd.s32 $0xFFFFF000  }
0x15f: {  	_ =	swait.ge [sflag:s7], $0x1000  }
0x160: {  	[sflag:s7] =	ssyncset.done $0x0  }
0x161: {  	[sflag:s7] =	ssyncadd.s32 $0xFFFFF000  }
0x162: {  	_ =	swait.ge [sflag:s9], $0x1000  }
0x163: {  	[sflag:s9] =	ssyncset.done $0x0  }
0x164: {  	[sflag:s9] =	ssyncadd.s32 $0xFFFFF000  }
0x165: {  	s16 =	simm.s32 $0x0;
	s5 =	simm.s32 $0x9;
	[bflag:$0x0] =	sbarrier.arrive $0xFFFF  }
.LBB2_12:
0x166: {  	s10 =	sshll.u32 s16, $0x7;
	s26 =	rddreg [dreg:$0x7]  }
0x167: {  	s10 =	sadd.s32 s26, s10  }
0x168: {  	s26 =	sshll.u32 s10, $0x5  }
0x169: {  	s26 =	sand.u32 $0x3FFFFFE0, s26  }
0x16a: {  	s20 =	sadd.s32 s26, s1  }
0x16b: {  	[tilespmem:s25], [sflag:$0x1] =	stream.linear.gather [spmem:s20], $0x1000, $0x38;
	[tilespmem:$0x1D400] =	vst v63  }
0x16c: {  	s29 =	sshll.u32 s10, $0x2;
	_ =	swait.ge [sflag:s0], $0x1000  }
0x16d: {  	s8 =	smov.u32 s29;
	[sflag:s0] =	ssyncset.done $0x0;
	s30 =	rddreg [dreg:$0x5]  }
0x16e: {  	[sflag:s0] =	ssyncadd.s32 $0xFFFFF000;
	s26 =	sadd.s32 s30, s29;
	s29 =	simm.s32 $0x0  }
0x16f: {  	[tilespmem:s28], [sflag:$0x2] =	stream.linear.gather [hbm4b:s26+s29], $0x1000, $0x38;
	[tilespmem:$0x1D400] =	vst v63  }
0x170: {  	_ =	swait.ge [sflag:s3], $0x1000  }
0x171: {  	[sflag:s3] =	ssyncset.done $0x0  }
0x172: {  	s26 =	simm.s32 $0x0;
	[sflag:s3] =	ssyncadd.s32 $0xFFFFF000  }
0x173: {  	v0 =	vld [tilespmem:s26+$0x1A400]  }
0x174: {  	v1 =	vld [tilespmem:s26+$0x1A410]  }
0x175: {  	s29 =	simm.s32 $0x80;
	v2 =	vld [tilespmem:s26+$0x19400]  }
.LBB2_13:
0x176: {  	p0 =	sne.s32 s29, $0x3F80;
	v3 =	vld [tilespmem:s26+$0x19410];
	_ =	sdelay $0x2  }
.Ltmp5:
0x177: {  	(pc) =	sbr.rel @p0 .LBB2_13-.Ltmp5, $4  }
0x178: {  	s30 =	sshra.s32 s29, $0x2;
	v2 =	vmul.f32 v0, v2  }
0x179: {  	v0 =	vld [tilespmem:s30+$0x1A400];
	v3 =	vmul.f32 v1, v3  }
0x17a: {  	v1 =	vld [tilespmem:s30+$0x1A410];
	[tilespmem:s26+$0x19400] =	vst v2  }
0x17b: {  	s29 =	sadd.s32 $0x80, s29;
	v2 =	vld [tilespmem:s30+$0x19400];
	[tilespmem:s26+$0x19410] =	vst v3;
	s26 =	smov.u32 s30  }
0x17c: {  	v3 =	vld [tilespmem:s26+$0x19410];
	_ =	sdelay $0x3  }
0x17d: {  	s29 =	rddreg [dreg:$0x8];
	v0 =	vmul.f32 v0, v2  }
0x17e: {  	s10 =	sadd.s32 s29, s10;
	v1 =	vmul.f32 v1, v3  }
0x17f: {  	s10 =	sshll.u32 s10, $0x2;
	[tilespmem:s26+$0x19400] =	vst v0  }
0x180: {  	s10 =	sadd.s32 s12, s10;
	[tilespmem:s26+$0x19410] =	vst v1  }
0x181: {  	[hbm4b:s10+s2] =	stream.linear.scatter [tilespmem:s25], [sflag:$0x5], $0x1000, $0x38;
	[tilespmem:$0x1D400] =	vst v63  }
0x182: {  	_ =	swait.ge [sflag:s11], $0x1000  }
0x183: {  	[sflag:s11] =	ssyncset.done $0x0;
	s30 =	rddreg [dreg:$0x4]  }
0x184: {  	[sflag:s11] =	ssyncadd.s32 $0xFFFFF000;
	s10 =	sadd.s32 s30, s8  }
0x185: {  	[tilespmem:s19], [sflag:$0x9] =	stream.linear.gather [hbm4b:s10+s2], $0x1000, $0x38;
	[tilespmem:$0x1D400] =	vst v63  }
0x186: {  	s16 =	sadd.s32 $0x1, s16;
	_ =	swait.ge [sflag:s5], $0x1000  }
0x187: {  	p0 =	sne.s32 s16, $0x19;
	[sflag:s5] =	ssyncset.done $0x0  }
.Ltmp6:
0x188: {  	[sflag:s5] =	ssyncadd.s32 $0xFFFFF000;
	(pc) =	sbr.rel @p0 .LBB2_12-.Ltmp6, $4  }
0x189: {  	[spmem:s20] =	stream.linear.scatter [tilespmem:s19], [sflag:$0xA], $0x1000, $0x38;
	[tilespmem:$0x1D400] =	vst v63  }
0x18a: {  	_ =	swait.ge [sflag:s21], $0x1000  }
0x18b: {  	[sflag:s21] =	ssyncset.done $0x0  }
0x18c: {  	[sflag:s21] =	ssyncadd.s32 $0xFFFFF000  }
0x18d: {  	[bflag:$0x0] =	sbarrier.arrive $0xFFFF;
	s10 =	sadd.s32 $0x0, s18  }
0x18e: {  	[tilespmem:s22], [sflag:$0xA] =	stream.linear.gather [hbm4b:s10+s2], $0x200, $0x38;
	[tilespmem:$0x1D400] =	vst v63  }
0x18f: {  	_ =	swait.ge [sflag:s21], $0x200  }
0x190: {  	[sflag:s21] =	ssyncset.done $0x0  }
0x191: {  	s8 =	sadd.s32 $0x0, s17;
	[sflag:s21] =	ssyncadd.s32 $0xFFFFFE00  }
0x192: {  	[tilespmem:s23], [sflag:$0xA] =	stream.linear.gather [hbm4b:s8+s2], $0x200, $0x38;
	[tilespmem:$0x1D400] =	vst v63  }
0x193: {  	_ =	swait.ge [sflag:s21], $0x200  }
0x194: {  	[sflag:s21] =	ssyncset.done $0x0  }
0x195: {  	[sflag:s21] =	ssyncadd.s32 $0xFFFFFE00  }
0x196: {  	[tilespmem:s25], [sflag:$0x1] =	stream.indirect.gather [hbm4b:s12+s24], $0x20, s22, s24, $0xb8;
	[tilespmem:$0x1D400] =	vst v63  }
0x197: {  	s16 =	simm.s32 $0x19080  }
0x198: {  	[tilespmem:s28], [sflag:$0x2] =	stream.indirect.gather [hbm4b:s12+s24], $0x20, s16, s24, $0xb8;
	[tilespmem:$0x1D400] =	vst v63  }
0x199: {  	s20 =	simm.s32 $0x19100  }
0x19a: {  	[tilespmem:s19], [sflag:$0x3] =	stream.indirect.gather [hbm4b:s12+s24], $0x20, s20, s24, $0xb8;
	[tilespmem:$0x1D400] =	vst v63  }
0x19b: {  	s5 =	simm.s32 $0x19180  }
0x19c: {  	[tilespmem:s31], [sflag:$0x4] =	stream.indirect.gather [hbm4b:s12+s24], $0x20, s5, s24, $0xb8;
	[tilespmem:$0x1D400] =	vst v63  }
0x19d: {  	_ =	swait.ge [sflag:s0], $0x1000  }
0x19e: {  	[sflag:s0] =	ssyncset.done $0x0  }
0x19f: {  	[sflag:s0] =	ssyncadd.s32 $0xFFFFF000  }
0x1a0: {  	[spmem:s1] =	stream.indirect.scatter.add.f32 [tilespmem:s25], [sflag:$0x5], $0x20, s23, s24, $0xb8;
	[tilespmem:$0x1D400] =	vst v63  }
0x1a1: {  	_ =	swait.ge [sflag:s3], $0x1000  }
0x1a2: {  	[sflag:s3] =	ssyncset.done $0x0  }
0x1a3: {  	s26 =	simm.s32 $0x19280;
	[sflag:s3] =	ssyncadd.s32 $0xFFFFF000  }
0x1a4: {  	[spmem:s1] =	stream.indirect.scatter.add.f32 [tilespmem:s28], [sflag:$0x6], $0x20, s26, s24, $0xb8;
	[tilespmem:$0x1D400] =	vst v63  }
0x1a5: {  	_ =	swait.ge [sflag:s15], $0x1000  }
0x1a6: {  	[sflag:s15] =	ssyncset.done $0x0  }
0x1a7: {  	s29 =	simm.s32 $0x19300;
	[sflag:s15] =	ssyncadd.s32 $0xFFFFF000  }
0x1a8: {  	[spmem:s1] =	stream.indirect.scatter.add.f32 [tilespmem:s19], [sflag:$0x7], $0x20, s29, s24, $0xb8;
	[tilespmem:$0x1D400] =	vst v63  }
0x1a9: {  	_ =	swait.ge [sflag:s6], $0x1000  }
0x1aa: {  	[sflag:s6] =	ssyncset.done $0x0  }
0x1ab: {  	s30 =	simm.s32 $0x19380;
	[sflag:s6] =	ssyncadd.s32 $0xFFFFF000  }
0x1ac: {  	[spmem:s1] =	stream.indirect.scatter.add.f32 [tilespmem:s31], [sflag:$0x8], $0x20, s30, s24, $0xb8;
	[tilespmem:$0x1D400] =	vst v63  }
0x1ad: {  	_ =	swait.ge [sflag:s11], $0x1000  }
0x1ae: {  	[sflag:s11] =	ssyncset.done $0x0  }
0x1af: {  	[sflag:s11] =	ssyncadd.s32 $0xFFFFF000  }
0x1b0: {  	_ =	swait.ge [sflag:s13], $0x1000  }
0x1b1: {  	[sflag:s13] =	ssyncset.done $0x0  }
0x1b2: {  	[sflag:s13] =	ssyncadd.s32 $0xFFFFF000  }
0x1b3: {  	_ =	swait.ge [sflag:s7], $0x1000  }
0x1b4: {  	[sflag:s7] =	ssyncset.done $0x0  }
0x1b5: {  	s10 =	simm.s32 $0x40;
	[sflag:s7] =	ssyncadd.s32 $0xFFFFF000  }
0x1b6: {  	s8 =	simm.s32 $0x19180;
	s20 =	simm.s32 $0x19280;
	_ =	swait.ge [sflag:s9], $0x1000  }
0x1b7: {  	s5 =	simm.s32 $0x19380;
	s26 =	simm.s32 $0x80;
	[sflag:s9] =	ssyncset.done $0x0  }
.LBB2_16:
0x1b8: {  	s29 =	sadd.s32 s10, s18  }
0x1b9: {  	[sflag:s9] =	ssyncadd.s32 $0xFFFFF000;
	s30 =	smov.u32 s26;
	s16 =	sadd.s32 $0x40, s26  }
0x1ba: {  	[tilespmem:s22], [sflag:$0xA] =	stream.linear.gather [hbm4b:s29+s2], $0x200, $0x38;
	[tilespmem:$0x1D400] =	vst v63  }
0x1bb: {  	s29 =	simm.s32 $0x19080  }
0x1bc: {  	p0 =	sne.s32 s26, $0x1840;
	_ =	swait.ge [sflag:s21], $0x200  }
0x1bd: {  	s26 =	sadd.s32 s10, s17;
	[sflag:s21] =	ssyncset.done $0x0  }
0x1be: {  	s10 =	smov.u32 s30;
	s30 =	simm.s32 $0x19100;
	[sflag:s21] =	ssyncadd.s32 $0xFFFFFE00  }
0x1bf: {  	[tilespmem:s23], [sflag:$0xA] =	stream.linear.gather [hbm4b:s26+s2], $0x200, $0x38;
	[tilespmem:$0x1D400] =	vst v63  }
0x1c0: {  	_ =	swait.ge [sflag:s21], $0x200  }
0x1c1: {  	[sflag:s21] =	ssyncset.done $0x0  }
0x1c2: {  	[sflag:s21] =	ssyncadd.s32 $0xFFFFFE00  }
0x1c3: {  	[tilespmem:s25], [sflag:$0x1] =	stream.indirect.gather [hbm4b:s12+s24], $0x20, s22, s24, $0xb8;
	[tilespmem:$0x1D400] =	vst v63  }
0x1c4: {  	_ = 	snop  }
0x1c5: {  	[tilespmem:s28], [sflag:$0x2] =	stream.indirect.gather [hbm4b:s12+s24], $0x20, s29, s24, $0xb8;
	[tilespmem:$0x1D400] =	vst v63  }
0x1c6: {  	_ = 	snop  }
0x1c7: {  	[tilespmem:s19], [sflag:$0x3] =	stream.indirect.gather [hbm4b:s12+s24], $0x20, s30, s24, $0xb8;
	[tilespmem:$0x1D400] =	vst v63  }
0x1c8: {  	_ = 	snop  }
0x1c9: {  	[tilespmem:s31], [sflag:$0x4] =	stream.indirect.gather [hbm4b:s12+s24], $0x20, s8, s24, $0xb8;
	[tilespmem:$0x1D400] =	vst v63  }
0x1ca: {  	_ =	swait.ge [sflag:s0], $0x1000  }
0x1cb: {  	[sflag:s0] =	ssyncset.done $0x0  }
0x1cc: {  	[sflag:s0] =	ssyncadd.s32 $0xFFFFF000  }
0x1cd: {  	[spmem:s1] =	stream.indirect.scatter.add.f32 [tilespmem:s25], [sflag:$0x5], $0x20, s23, s24, $0xb8;
	[tilespmem:$0x1D400] =	vst v63  }
0x1ce: {  	_ =	swait.ge [sflag:s3], $0x1000  }
0x1cf: {  	[sflag:s3] =	ssyncset.done $0x0  }
0x1d0: {  	[sflag:s3] =	ssyncadd.s32 $0xFFFFF000  }
0x1d1: {  	[spmem:s1] =	stream.indirect.scatter.add.f32 [tilespmem:s28], [sflag:$0x6], $0x20, s20, s24, $0xb8;
	[tilespmem:$0x1D400] =	vst v63  }
0x1d2: {  	_ =	swait.ge [sflag:s15], $0x1000  }
0x1d3: {  	[sflag:s15] =	ssyncset.done $0x0  }
0x1d4: {  	s26 =	simm.s32 $0x19300;
	[sflag:s15] =	ssyncadd.s32 $0xFFFFF000  }
0x1d5: {  	[spmem:s1] =	stream.indirect.scatter.add.f32 [tilespmem:s19], [sflag:$0x7], $0x20, s26, s24, $0xb8;
	[tilespmem:$0x1D400] =	vst v63  }
0x1d6: {  	_ =	swait.ge [sflag:s6], $0x1000  }
0x1d7: {  	[sflag:s6] =	ssyncset.done $0x0  }
0x1d8: {  	[sflag:s6] =	ssyncadd.s32 $0xFFFFF000  }
0x1d9: {  	[spmem:s1] =	stream.indirect.scatter.add.f32 [tilespmem:s31], [sflag:$0x8], $0x20, s5, s24, $0xb8;
	[tilespmem:$0x1D400] =	vst v63  }
0x1da: {  	_ =	swait.ge [sflag:s11], $0x1000  }
0x1db: {  	[sflag:s11] =	ssyncset.done $0x0  }
0x1dc: {  	[sflag:s11] =	ssyncadd.s32 $0xFFFFF000  }
0x1dd: {  	_ =	swait.ge [sflag:s13], $0x1000  }
0x1de: {  	[sflag:s13] =	ssyncset.done $0x0  }
0x1df: {  	[sflag:s13] =	ssyncadd.s32 $0xFFFFF000  }
.Ltmp7:
0x1e0: {  	_ =	swait.ge [sflag:s7], $0x1000;
	(pc) =	sbr.rel @p0 .LBB2_16-.Ltmp7, $4  }
0x1e1: {  	[sflag:s7] =	ssyncset.done $0x0  }
0x1e2: {  	[sflag:s7] =	ssyncadd.s32 $0xFFFFF000  }
0x1e3: {  	_ =	swait.ge [sflag:s9], $0x1000  }
0x1e4: {  	s26 =	smov.u32 s16;
	[sflag:s9] =	ssyncset.done $0x0  }
0x1e5: {  	s16 =	sadd.s32 s10, s18;
	[sflag:s9] =	ssyncadd.s32 $0xFFFFF000  }
0x1e6: {  	[tilespmem:s22], [sflag:$0xA] =	stream.linear.gather [hbm4b:s16+s2], $0x200, $0x38;
	[tilespmem:$0x1D400] =	vst v63  }
0x1e7: {  	_ =	swait.ge [sflag:s21], $0x200  }
0x1e8: {  	[sflag:s21] =	ssyncset.done $0x0  }
0x1e9: {  	s26 =	sadd.s32 s10, s17;
	[sflag:s21] =	ssyncadd.s32 $0xFFFFFE00  }
0x1ea: {  	[tilespmem:s23], [sflag:$0xA] =	stream.linear.gather [hbm4b:s26+s2], $0x200, $0x38;
	[tilespmem:$0x1D400] =	vst v63  }
0x1eb: {  	_ =	swait.ge [sflag:s21], $0x200  }
0x1ec: {  	[sflag:s21] =	ssyncset.done $0x0  }
0x1ed: {  	[sflag:s21] =	ssyncadd.s32 $0xFFFFFE00  }
0x1ee: {  	[tilespmem:s25], [sflag:$0x1] =	stream.indirect.gather [hbm4b:s12+s24], $0x20, s22, s24, $0xb8;
	[tilespmem:$0x1D400] =	vst v63  }
0x1ef: {  	_ = 	snop  }
0x1f0: {  	[tilespmem:s28], [sflag:$0x2] =	stream.indirect.gather [hbm4b:s12+s24], $0x20, s29, s24, $0xb8;
	[tilespmem:$0x1D400] =	vst v63  }
0x1f1: {  	_ = 	snop  }
0x1f2: {  	[tilespmem:s19], [sflag:$0x3] =	stream.indirect.gather [hbm4b:s12+s24], $0x20, s30, s24, $0xb8;
	[tilespmem:$0x1D400] =	vst v63  }
0x1f3: {  	_ = 	snop  }
0x1f4: {  	[tilespmem:s31], [sflag:$0x4] =	stream.indirect.gather [hbm4b:s12+s24], $0x20, s8, s24, $0xb8;
	[tilespmem:$0x1D400] =	vst v63  }
0x1f5: {  	_ =	swait.ge [sflag:s0], $0x1000  }
0x1f6: {  	[sflag:s0] =	ssyncset.done $0x0  }
0x1f7: {  	[sflag:s0] =	ssyncadd.s32 $0xFFFFF000  }
0x1f8: {  	[spmem:s1] =	stream.indirect.scatter.add.f32 [tilespmem:s25], [sflag:$0x5], $0x20, s23, s24, $0xb8;
	[tilespmem:$0x1D400] =	vst v63  }
0x1f9: {  	_ =	swait.ge [sflag:s3], $0x1000  }
0x1fa: {  	[sflag:s3] =	ssyncset.done $0x0  }
0x1fb: {  	[sflag:s3] =	ssyncadd.s32 $0xFFFFF000  }
0x1fc: {  	[spmem:s1] =	stream.indirect.scatter.add.f32 [tilespmem:s28], [sflag:$0x6], $0x20, s20, s24, $0xb8;
	[tilespmem:$0x1D400] =	vst v63  }
0x1fd: {  	_ =	swait.ge [sflag:s15], $0x1000  }
0x1fe: {  	[sflag:s15] =	ssyncset.done $0x0  }
0x1ff: {  	s30 =	simm.s32 $0x19300;
	[sflag:s15] =	ssyncadd.s32 $0xFFFFF000  }
0x200: {  	[spmem:s1] =	stream.indirect.scatter.add.f32 [tilespmem:s19], [sflag:$0x7], $0x20, s30, s24, $0xb8;
	[tilespmem:$0x1D400] =	vst v63  }
0x201: {  	_ =	swait.ge [sflag:s6], $0x1000  }
0x202: {  	[sflag:s6] =	ssyncset.done $0x0  }
0x203: {  	[sflag:s6] =	ssyncadd.s32 $0xFFFFF000  }
0x204: {  	[spmem:s1] =	stream.indirect.scatter.add.f32 [tilespmem:s31], [sflag:$0x8], $0x20, s5, s24, $0xb8;
	[tilespmem:$0x1D400] =	vst v63  }
0x205: {  	_ =	swait.ge [sflag:s11], $0x1000  }
0x206: {  	[sflag:s11] =	ssyncset.done $0x0  }
0x207: {  	[sflag:s11] =	ssyncadd.s32 $0xFFFFF000  }
0x208: {  	_ =	swait.ge [sflag:s13], $0x1000  }
0x209: {  	[sflag:s13] =	ssyncset.done $0x0  }
0x20a: {  	[sflag:s13] =	ssyncadd.s32 $0xFFFFF000  }
0x20b: {  	_ =	swait.ge [sflag:s7], $0x1000  }
0x20c: {  	[sflag:s7] =	ssyncset.done $0x0  }
0x20d: {  	[sflag:s7] =	ssyncadd.s32 $0xFFFFF000  }
0x20e: {  	_ =	swait.ge [sflag:s9], $0x1000  }
0x20f: {  	[sflag:s9] =	ssyncset.done $0x0  }
0x210: {  	[sflag:s9] =	ssyncadd.s32 $0xFFFFF000  }
0x211: {  	s16 =	simm.s32 $0x0;
	[bflag:$0x0] =	sbarrier.arrive $0xFFFF  }
0x212: {  	s20 =	simm.s32 $0x0;
	s5 =	simm.s32 $0x9;
	s8 =	rddreg [dreg:$0xd]  }
.LBB2_18:
0x213: {  	s10 =	sshll.u32 s16, $0x7;
	s26 =	rddreg [dreg:$0x7]  }
0x214: {  	s10 =	sadd.s32 s26, s10  }
0x215: {  	s26 =	sshll.u32 s10, $0x5  }
0x216: {  	s26 =	sand.u32 $0x3FFFFFE0, s26  }
0x217: {  	s26 =	sadd.s32 s26, s1  }
0x218: {  	[tilespmem:s25], [sflag:$0x1] =	stream.linear.gather [spmem:s26], $0x1000, $0x38;
	[tilespmem:$0x1D400] =	vst v63  }
0x219: {  	_ =	swait.ge [sflag:s0], $0x1000  }
0x21a: {  	s30 =	sshll.u32 s10, $0x2;
	[sflag:s0] =	ssyncset.done $0x0;
	s29 =	rddreg [dreg:$0x6]  }
0x21b: {  	[sflag:s0] =	ssyncadd.s32 $0xFFFFF000;
	s26 =	sadd.s32 s29, s30  }
0x21c: {  	[tilespmem:s28], [sflag:$0x2] =	stream.linear.gather [hbm4b:s26+s20], $0x1000, $0x38;
	[tilespmem:$0x1D400] =	vst v63  }
0x21d: {  	_ =	swait.ge [sflag:s3], $0x1000  }
0x21e: {  	[sflag:s3] =	ssyncset.done $0x0  }
0x21f: {  	s26 =	simm.s32 $0x0;
	[sflag:s3] =	ssyncadd.s32 $0xFFFFF000  }
0x220: {  	v0 =	vld [tilespmem:s26+$0x1A400]  }
0x221: {  	v1 =	vld [tilespmem:s26+$0x1A410]  }
0x222: {  	s29 =	simm.s32 $0x80;
	v2 =	vld [tilespmem:s26+$0x19400]  }
.LBB2_19:
0x223: {  	p0 =	sne.s32 s29, $0x3F80;
	v3 =	vld [tilespmem:s26+$0x19410];
	_ =	sdelay $0x2  }
.Ltmp8:
0x224: {  	(pc) =	sbr.rel @p0 .LBB2_19-.Ltmp8, $4  }
0x225: {  	s30 =	sshra.s32 s29, $0x2;
	v2 =	vmul.f32 v0, v2  }
0x226: {  	v0 =	vld [tilespmem:s30+$0x1A400];
	v3 =	vmul.f32 v1, v3  }
0x227: {  	v1 =	vld [tilespmem:s30+$0x1A410];
	[tilespmem:s26+$0x19400] =	vst v2  }
0x228: {  	s29 =	sadd.s32 $0x80, s29;
	v2 =	vld [tilespmem:s30+$0x19400];
	[tilespmem:s26+$0x19410] =	vst v3;
	s26 =	smov.u32 s30  }
0x229: {  	v3 =	vld [tilespmem:s26+$0x19410];
	_ =	sdelay $0x3  }
0x22a: {  	s29 =	rddreg [dreg:$0x8];
	v0 =	vmul.f32 v0, v2  }
0x22b: {  	s16 =	sadd.s32 $0x1, s16;
	s10 =	sadd.s32 s29, s10;
	v1 =	vmul.f32 v1, v3  }
0x22c: {  	s30 =	rddreg [dreg:$0x9];
	p0 =	sne.s32 s16, $0x19;
	s10 =	sshll.u32 s10, $0x2;
	[tilespmem:s26+$0x19400] =	vst v0  }
.Ltmp9:
0x22d: {  	s10 =	sadd.s32 s30, s10;
	[tilespmem:s26+$0x19410] =	vst v1;
	(pc) =	sbr.rel @p0 .LBB2_18-.Ltmp9, $4  }
0x22e: {  	[hbm4b:s10+s2] =	stream.linear.scatter [tilespmem:s25], [sflag:$0x5], $0x1000, $0x38;
	[tilespmem:$0x1D400] =	vst v63  }
0x22f: {  	_ =	swait.ge [sflag:s11], $0x1000  }
0x230: {  	[sflag:s11] =	ssyncset.done $0x0  }
0x231: {  	[sflag:s11] =	ssyncadd.s32 $0xFFFFF000  }
0x232: {  	s8 =	sadd.s32 $0x1, s8;
	s10 =	rddreg [dreg:$0xb]  }
0x233: {  	p0 =	sne.s32 s8, s10  }
.Ltmp10:
0x234: {  	_ = 	snop;
	(pc) =	sbr.rel @p0 .LBB2_1-.Ltmp10, $2  }
0x235: {  	_ =	sdelay $0x2  }
0x236: {  	s29 =	smov.u32 s14  }
0x237: {  	_ =	sfence.sel $0x180000  }
0x238: {  	[bflag:$0x0] =	sbarrier.arrive $0xFFFF  }
0x239: {  	_ =	strace $0x9000004D  }
0x23a: {  	s0 =	stileid.u32;
	[bflag:$0x2] =	sbarrier.arrive $0xFFFF  }
0x23b: {  	p0 =	sne.s32 s0, $0x0;
	s0 =	rddreg [dreg:$0x2]  }
0x23c: {  	s0 =	sadd.s32 @!p0 $0x100000, s0  }
0x23d: {  	[sflag:s0] =	ssyncadd.tile.s32 @!p0 $0x1;
	_ =	shalt  }
.Lfunc_end2:
_tile_overlayer_lowered:
.L_overlay_start_2:
0x23e: {  	(tag) =	ssettag $0x2  }
0x23f: {  	s0 =	rddreg [dreg:$0x0];
	s2 =	stileid.u32  }
0x240: {  	s1 =	rddreg [dreg:$0x1];
	p0 =	sne.s32 s2, $0x0  }
0x241: {  	s3 =	rddreg [dreg:$0x2];
	[bflag:$0x3] =	sbarrier.arrive $0xFFFF;
	s2 =	simm.s32 @!p0 $0x1C0A  }
0x242: {  	[timem:s3], [sflag:s2] =	dma.local @!p0 [hbm:s0], s1  }
0x243: {  	s0 =	simm.s32 @!p0 $0xA  }
0x244: {  	_ =	swait.ge @!p0 [sflag:s0], s1  }
0x245: {  	s1 =	ssub.s32 @!p0 $0x0, s1;
	[sflag:s0] =	ssyncset.done @!p0 $0x0  }
0x246: {  	[sflag:s0] =	ssyncadd.s32 @!p0 s1  }
0x247: {  	[bflag:$0x3] =	sbarrier.arrive $0xFFFF  }
0x248: {  	_ =	shalt  }

// kernel: kernel.18.cloned.1.call-start
scs
__scs_entry_jumppad:
0x0: {  	(pc) =	sbr.rel $0x88, $3  }
0x1: {  	(tag) =	ssettag $0x0;
	lr =	simm.s32 $0x1  }
0x2: {  	[smem:$0x3F93] =	sst lr;
	_ =	strace $0xD0000000  }
0x3: {  	_ = 	snop  }
0x4: {  	_ = 	snop  }
0x5: {  	_ = 	snop  }
0x6: {  	_ = 	snop  }
0x7: {  	_ = 	snop  }
__scs_overlays_trampoline_lowered:
0x8: {  	[smem:$0x3FA2] =	sst s0  }
0x9: {  	[smem:$0x3FA3] =	sst s1  }
0xa: {  	[smem:$0x3FA4] =	sst s2  }
0xb: {  	[smem:$0x3FA5] =	sst s3  }
0xc: {  	[smem:$0x3FA6] =	sst s4  }
0xd: {  	[smem:$0x3FA7] =	sst s5  }
0xe: {  	[smem:$0x3FA8] =	sst s6  }
0xf: {  	[smem:$0x3FA9] =	sst s7  }
0x10: {  	[smem:$0x3FAA] =	sst s8  }
0x11: {  	[smem:$0x3FAB] =	sst s9;
	s0 =	simm.s32 @!p0 $0x0  }
0x12: {  	s1 =	sld [smem:$0x3F91];
	s0 =	simm.s32 @p0 $0x1  }
0x13: {  	[smem:$0x3FAC] =	sst s0;
	s0 =	simm.s32 @!p1 $0x0  }
0x14: {  	s2 =	sld [smem:$0x3F90];
	s0 =	simm.s32 @p1 $0x1  }
0x15: {  	[smem:$0x3FAD] =	sst s0;
	s0 =	simm.s32 @!p2 $0x0  }
0x16: {  	s3 =	sld [smem:$0x3FDB];
	s0 =	simm.s32 @p2 $0x1  }
0x17: {  	s4 =	simm.s32 $0x1BF5;
	[smem:$0x3FAF] =	sst s0  }
0x18: {  	s0 =	sld [smem:$0x3F92];
	_ =	swait.ge [sflag:s4], $0x0  }
0x19: {  	s7 =	sld [smem:$0x3F93]  }
0x1a: {  	s8 =	sadd.s32 $0xFFFFE003, lr  }
0x1b: {  	s9 =	sadd.s32 $0xFFFFFEF7, lr;
	s5 =	simm.s32 $0xFFFFFFFF;
	p2 =	slt.u32 s8, $0xFFFFF086  }
0x1c: {  	p1 =	slt.u32 s9, $0xF7A;
	s5 =	simm.s32 @!p2 $0x0  }
0x1d: {  	s5 =	simm.s32 @p1 $0x1;
	p0 =	seq.s32 s7, s2  }
0x1e: {  	s7 =	smul.u32 @!p0 $0xF7A, s2;
	p2 =	seq.s32 @!p0 s5, $0x0  }
0x1f: {  	s9 =	smul.u32 $0xF7A, s1;
	s8 =	simm.s32 @!p0 $0x1BF5;
	p2 =	por !p2, p0  }
0x20: {  	[sflag:s8] =	ssyncset.s32 @!p0 $0xFFFFF086;
	s6 =	sadd.s32 @!p0 s3, s7;
	s7 =	simm.s32 @!p0 $0x108  }
0x21: {  	s3 =	sadd.s32 s3, s9;
	s6 =	sadd.s32 @!p0 $0x88, s6;
	s7 =	simm.s32 @p2 $0x1082  }
0x22: {  	[simem:s7], [sflag:s8] =	dma.local @!p0 [hbm:s6], $0xF7A  }
0x23: {  	s9 =	sor.u32 $0xD0000000, s2;
	s6 =	simm.s32 $0x108;
	_ =	swait.ge @!p0 [sflag:s8], $0x0  }
0x24: {  	s3 =	sadd.s32 $0x88, s3;
	s6 =	simm.s32 @!p1 $0x1082;
	[sflag:s4] =	ssyncset.s32 $0xFFFFF086  }
0x25: {  	[simem:s6], [sflag:s4] =	dma.local [hbm:s3], $0xF7A  }
0x26: {  	[smem:$0x3F93] =	sst s1;
	(tag) =	ssettag s2;
	_ =	strace s9  }
0x27: {  	s1 =	sld [smem:$0x3FA3]  }
0x28: {  	s2 =	sld [smem:$0x3FA4]  }
0x29: {  	s4 =	sld [smem:$0x3FA6]  }
0x2a: {  	p0 =	seq.s32 s5, $0x0;
	s5 =	sld [smem:$0x3FA7]  }
0x2b: {  	s6 =	sld [smem:$0x3FA8]  }
0x2c: {  	s7 =	sld [smem:$0x3FA9]  }
0x2d: {  	s3 =	simm.s32 $0x108;
	s8 =	sld [smem:$0x3FAA]  }
0x2e: {  	s3 =	simm.s32 @!p0 $0x1082;
	s9 =	sld [smem:$0x3FAB]  }
0x2f: {  	lr =	sadd.s32 s0, s3;
	s0 =	sld [smem:$0x3FA2]  }
0x30: {  	s3 =	sld [smem:$0x3FA5]  }
0x31: {  	[smem:$0x3FAE] =	sst s10  }
0x32: {  	s10 =	sld [smem:$0x3FAC];
	_ =	sdelay $0x3  }
0x33: {  	p0 =	seq.s32 s10, $0x1;
	s10 =	sld [smem:$0x3FAE];
	_ =	sdelay $0x3  }
0x34: {  	[smem:$0x3FAE] =	sst s10  }
0x35: {  	s10 =	sld [smem:$0x3FAD];
	_ =	sdelay $0x3  }
0x36: {  	p1 =	seq.s32 s10, $0x1;
	s10 =	sld [smem:$0x3FAE];
	_ =	sdelay $0x3  }
0x37: {  	[smem:$0x3FAE] =	sst s10  }
0x38: {  	s10 =	sld [smem:$0x3FAF]  }
0x39: {  	_ = 	snop;
	(pc) =	sbr.ind lr, $3  }
0x3a: {  	_ = 	snop  }
0x3b: {  	_ = 	snop  }
0x3c: {  	p2 =	seq.s32 s10, $0x1;
	s10 =	sld [smem:$0x3FAE]  }
0x3d: {  	_ =	shalt  }
0x3e: {  	_ =	shalt  }
0x3f: {  	_ =	shalt  }
0x40: {  	_ =	shalt  }
0x41: {  	_ =	shalt  }
0x42: {  	_ =	shalt  }
0x43: {  	_ =	shalt  }
0x44: {  	_ =	shalt  }
0x45: {  	_ =	shalt  }
0x46: {  	_ =	shalt  }
0x47: {  	_ =	shalt  }
0x48: {  	_ =	shalt  }
0x49: {  	_ =	shalt  }
0x4a: {  	_ =	shalt  }
0x4b: {  	_ =	shalt  }
0x4c: {  	_ =	shalt  }
0x4d: {  	_ =	shalt  }
0x4e: {  	_ =	shalt  }
0x4f: {  	_ =	shalt  }
0x50: {  	_ =	shalt  }
0x51: {  	_ =	shalt  }
0x52: {  	_ =	shalt  }
0x53: {  	_ =	shalt  }
0x54: {  	_ =	shalt  }
0x55: {  	_ =	shalt  }
0x56: {  	_ =	shalt  }
0x57: {  	_ =	shalt  }
0x58: {  	_ =	shalt  }
0x59: {  	_ =	shalt  }
0x5a: {  	_ =	shalt  }
0x5b: {  	_ =	shalt  }
0x5c: {  	_ =	shalt  }
0x5d: {  	_ =	shalt  }
0x5e: {  	_ =	shalt  }
0x5f: {  	_ =	shalt  }
0x60: {  	_ =	shalt  }
0x61: {  	_ =	shalt  }
0x62: {  	_ =	shalt  }
0x63: {  	_ =	shalt  }
0x64: {  	_ =	shalt  }
0x65: {  	_ =	shalt  }
0x66: {  	_ =	shalt  }
0x67: {  	_ =	shalt  }
0x68: {  	_ =	shalt  }
0x69: {  	_ =	shalt  }
0x6a: {  	_ =	shalt  }
0x6b: {  	_ =	shalt  }
0x6c: {  	_ =	shalt  }
0x6d: {  	_ =	shalt  }
0x6e: {  	_ =	shalt  }
0x6f: {  	_ =	shalt  }
0x70: {  	_ =	shalt  }
0x71: {  	_ =	shalt  }
0x72: {  	_ =	shalt  }
0x73: {  	_ =	shalt  }
0x74: {  	_ =	shalt  }
0x75: {  	_ =	shalt  }
0x76: {  	_ =	shalt  }
0x77: {  	_ =	shalt  }
0x78: {  	_ =	shalt  }
0x79: {  	_ =	shalt  }
0x7a: {  	_ =	shalt  }
0x7b: {  	_ =	shalt  }
0x7c: {  	_ =	shalt  }
0x7d: {  	_ =	shalt  }
0x7e: {  	_ =	shalt  }
0x7f: {  	_ =	shalt  }
0x80: {  	_ =	shalt  }
0x81: {  	_ =	shalt  }
0x82: {  	_ =	shalt  }
0x83: {  	_ =	shalt  }
0x84: {  	_ =	shalt  }
0x85: {  	_ =	shalt  }
0x86: {  	_ =	shalt  }
0x87: {  	_ =	shalt  }
.Lfunc_end0:
.L_simem_size_0:
called_computation.3_lowered:
.L_overlay_start_0:
0x88: {  	s2 =	sld [smem:$0x3FD9]  }
0x89: {  	s3 =	sld [smem:$0x3FFE];
	_ =	sdelay $0x1  }
0x8a: {  	s1 =	srdreg.scid  }
0x8b: {  	s0 =	sand.u32 $0x1, s1  }
0x8c: {  	s17 =	sshll.u32 s0, $0xA;
	s2 =	sadd.s32 s3, s2  }
0x8d: {  	s2 =	sadd.s32 s2, s17  }
0x8e: {  	[smem:$0x3FBA] =	sst s2  }
0x8f: {  	_ = 	snop  }
0x90: {  	s2 =	sld [smem:$0x3FD0];
	(tm) =	ssettm $0x1  }
0x91: {  	s18 =	sld [smem:$0x3FFB];
	_ =	sdelay $0x3  }
0x92: {  	_ =	strace s18  }
0x93: {  	s3 =	sld [smem:$0x3FFC];
	_ =	sdelay $0x3  }
0x94: {  	_ =	strace s3  }
0x95: {  	s3 =	sld [smem:$0x3FFD];
	_ =	sdelay $0x3  }
0x96: {  	_ =	strace s3  }
0x97: {  	_ =	strace $0x8FFFFFFF  }
0x98: {  	s19 =	sld [smem:$0x3FDB];
	_ =	sdelay $0x1  }
0x99: {  	s4 =	simm.s32 $_scs_section_size  }
0x9a: {  	s5 =	simm.s32 $_size__tile_overlayer_lowered;
	s6 =	simm.s32 $_tile_overlayer_lowered  }
0x9b: {  	s22 =	simm.s32 $0x1BFF;
	s21 =	sshll.u32 s6, $0x1;
	s3 =	sadd.s32 s4, s19  }
0x9c: {  	s7 =	simm.s32 $0x0;
	s20 =	sshll.u32 s5, $0x1;
	s5 =	sadd.s32 s21, s3  }
0x9d: {  	[timem:s7], [sflag:s22] =	dma.local [hbm:s5], s20  }
0x9e: {  	_ =	swait.ge [sflag:s22], s20  }
0x9f: {  	s4 =	ssub.s32 $0x0, s20;
	[sflag:s22] =	ssyncset.done $0x0  }
0xa0: {  	[sflag:s22] =	ssyncadd.s32 s4;
	_ =	sdelay $0x1  }
0xa1: {  	s23 =	simm.s32 $0x1B8B  }
0xa2: {  	_ =	swait.ge [sflag:s23], $0x1  }
0xa3: {  	[sflag:s23] =	ssyncset.done $0x0  }
0xa4: {  	s25 =	simm.s32 $0x1B8E;
	s24 =	sld [smem:$0x3FFE];
	[sflag:s23] =	ssyncadd.s32 $0xFFFFFFFF  }
0xa5: {  	s26 =	simm.s32 $execute0_lowered;
	[smem:$0x3FD2] =	sst s25  }
0xa6: {  	s5 =	sshll.u32 s26, $0x1;
	_ =	strace $0x8000004F;
	[dreg:$0x1] =	wrdreg $0xFFFFFFFF  }
0xa7: {  	s28 =	simm.s32 $_size_execute0_lowered;
	s3 =	sadd.s32 s3, s5;
	[dreg:$0x0] =	wrdreg $0x0  }
0xa8: {  	s5 =	sshll.u32 s28, $0x1;
	[dreg:$0x2] =	wrdreg s3  }
0xa9: {  	[dreg:$0x3] =	wrdreg s5  }
0xaa: {  	[dreg:$0x4] =	wrdreg $0xC0  }
0xab: {  	_ =	task [dreg:s7], $0x5FFFF  }
0xac: {  	[dreg:$0x1] =	wrdreg $0xFFFFFFFF  }
0xad: {  	[dreg:$0x0] =	wrdreg $0x60  }
0xae: {  	[dreg:$0x2] =	wrdreg s24  }
0xaf: {  	[dreg:$0x3] =	wrdreg s2  }
0xb0: {  	[dreg:$0x4] =	wrdreg $0x0  }
0xb1: {  	[dreg:$0x5] =	wrdreg $0x9  }
0xb2: {  	_ =	task.clear_ibuf [dreg:s7], $0x6FFFF;
	_ =	strace $0x9000004F  }
0xb3: {  	s29 =	simm.s32 $0x9;
	_ =	strace $0x80000051  }
0xb4: {  	_ =	swait.ge [sflag:s29], $0x1  }
0xb5: {  	[sflag:s29] =	ssyncadd.s32 $0xFFFFFFFF  }
0xb6: {  	_ =	strace $0x90000051  }
0xb7: {  	_ =	sfence  }
0xb8: {  	s30 =	sld [smem:$0x0];
	_ =	sdelay $0x2  }
0xb9: {  	s31 =	sshll.u32 s1, $0xD;
	s1 =	sshrl.u32 s1, $0x2  }
0xba: {  	s3 =	sand.u32 $0x4000, s31;
	s1 =	sadd.s32 s1, s30  }
0xbb: {  	s0 =	sor.u32 s3, s0;
	s1 =	sshll.u32 s1, $0x11  }
0xbc: {  	s0 =	sor.u32 s1, s0  }
0xbd: {  	s0 =	sadd.s32 $0x8F2B, s0  }
0xbe: {  	[sflag:s0] =	ssyncadd.remote.s32 $0x1  }
0xbf: {  	_ =	sfence.sel $0xFFFF  }
0xc0: {  	[dreg:$0x0] =	wrdreg $0xFFFFFFFF;
	(pc) =	sbr.abs _section_cstart, $3  }
0xc1: {  	[dreg:$0x1] =	wrdreg $0xFFFFFFFF  }
0xc2: {  	_ =	task.clear_ibuf [dreg:s7], $0x2FFFF;
	_ =	strace $0x9FFFFFFF  }
0xc3: {  	(tm) =	ssettm $0x7FFFFFFF  }
tec
execute0_lowered:
.L_overlay_start_1:
0x0: {  	(tag) =	ssettag $0x1  }
0x1: {  	s0 =	rddreg [dreg:$0x0]  }
0x2: {  	s2 =	rddreg [dreg:$0x2];
	s1 =	srdreg.scid  }
0x3: {  	s3 =	simm.s32 $0x0;
	s13 =	stileid.u32;
	s28 =	simm.s32 $0xC800  }
0x4: {  	s29 =	simm.s32 $0x400;
	s30 =	simm.s32 $0xD800;
	s31 =	simm.s32 $0xD000  }
0x5: {  	s1 =	sand.u32 $0x1, s1;
	[smem:$0x7FF] =	sst s3;
	s6 =	sadd.s32 $0x323600, s0  }
0x6: {  	s5 =	sadd.s32 $0x80600, s0;
	s21 =	sadd.s32 $0x1D600, s0;
	s15 =	sadd.s32 $0x30A600, s0  }
0x7: {  	s22 =	smul.u32 $0x1880, s13;
	s7 =	sadd.s32 $0xE4600, s0;
	s23 =	sadd.s32 $0x2F1600, s0  }
0x8: {  	s16 =	smul.u32 $0xC80, s13;
	_ =	strace $0x80000050;
	[dreg:$0x4] =	wrdreg s6  }
0x9: {  	s24 =	sadd.s32 $0xB2600, s0;
	s10 =	smul.u32 $0xC400, s13;
	[dreg:$0x5] =	wrdreg s21  }
0xa: {  	s25 =	sadd.s32 $0x2D8600, s0;
	s12 =	smul.u32 $0x32000, s13;
	[dreg:$0x7] =	wrdreg s7  }
0xb: {  	s8 =	sadd.s32 $0x4F600, s0;
	s4 =	smul.u32 $0x19000, s1;
	[dreg:$0x8] =	wrdreg s23  }
0xc: {  	s14 =	sadd.s32 $0xFD600, s0;
	[dreg:$0xa] =	wrdreg s24;
	s26 =	smul.u32 $0xC4000, s1  }
0xd: {  	[dreg:$0xb] =	wrdreg s25;
	s9 =	ssub.s32 $0x2, s1;
	s18 =	smul.u32 $0xC800, s1  }
0xe: {  	s21 =	smul.u32 $0x1900, s13;
	s7 =	simm.s32 $0x4;
	[dreg:$0x6] =	wrdreg s15  }
0xf: {  	s6 =	sadd.s32 s22, s0;
	s11 =	sshrl.u32 s9, $0x1;
	s20 =	sshrl.u32 s12, $0x2  }
0x10: {  	[dreg:$0x9] =	wrdreg s16;
	s4 =	sadd.s32 s4, s0;
	s17 =	ssub.s32 s9, s11  }
0x11: {  	s19 =	sadd.s32 s10, s26;
	[dreg:$0xc] =	wrdreg s18;
	s22 =	sadd.s32 s16, s18  }
0x12: {  	s23 =	sadd.s32 s20, s2;
	s18 =	simm.s32 $0x3;
	[dreg:$0xd] =	wrdreg s22  }
0x13: {  	s9 =	simm.s32 $0x0;
	s0 =	smax.u32 s17, $0x1;
	[dreg:$0xf] =	wrdreg s23  }
0x14: {  	s24 =	sadd.s32 s21, s4;
	s25 =	sshrl.u32 s19, $0x3;
	s1 =	sadd.s32 $0x400, s19  }
0x15: {  	s22 =	sadd.s32 $0x4E00, s6;
	s4 =	simm.s32 $0xCC00;
	s23 =	simm.s32 $0x1  }
0x16: {  	s17 =	simm.s32 $0x2;
	[dreg:$0xe] =	wrdreg s0;
	s19 =	sadd.s32 $0x33C600, s24  }
0x17: {  	s20 =	sadd.s32 s25, s8;
	s26 =	sshrl.u32 s1, $0x3;
	s24 =	simm.s32 $0x6  }
0x18: {  	s25 =	simm.s32 $0x16800;
	s0 =	simm.s32 $0x11800;
	s1 =	simm.s32 $0xD400  }
0x19: {  	s21 =	sadd.s32 s26, s8;
	s26 =	simm.s32 $0x5;
	s8 =	simm.s32 $0x15800  }
.LBB2_1:
0x1a: {  	[dreg:$0x10] =	wrdreg s9  }
0x1b: {  	s6 =	rddreg [dreg:$0x1];
	s13 =	simm.s32 $0x17800  }
0x1c: {  	[tilespmem:s13], [sflag:$0x6] =	stream.linear.gather [hbm4b:s6+s3], $0x10, $0x38;
	[tilespmem:$0x17810] =	vst v63  }
0x1d: {  	_ =	swait.ge [sflag:s24], $0x10  }
0x1e: {  	[sflag:s24] =	ssyncset.done $0x0  }
0x1f: {  	s15 =	sadd.s32 $0x0, s19;
	[sflag:s24] =	ssyncadd.s32 $0xFFFFFFF0  }
0x20: {  	[tilespmem:s25], [sflag:$0x5] =	stream.linear.gather [hbm4b:s15+s3], $0x800, $0x38;
	[tilespmem:$0x17810] =	vst v63  }
0x21: {  	_ =	swait.ge [sflag:s26], $0x800  }
0x22: {  	[sflag:s26] =	ssyncset.done $0x0  }
0x23: {  	s16 =	rddreg [dreg:$0xf];
	[sflag:s26] =	ssyncadd.s32 $0xFFFFF800  }
0x24: {  	[spmem:s16] =	stream.linear.scatter [tilespmem:s25], [sflag:$0x6], $0x800, $0x38;
	[tilespmem:$0x17810] =	vst v63  }
0x25: {  	s9 =	simm.s32 $0x100;
	_ =	swait.ge [sflag:s24], $0x800  }
0x26: {  	s10 =	simm.s32 $0x200;
	s6 =	sadd.s32 $0x800, s16;
	[sflag:s24] =	ssyncset.done $0x0  }
.LBB2_2:
0x27: {  	s11 =	sadd.s32 s9, s19  }
0x28: {  	[sflag:s24] =	ssyncadd.s32 $0xFFFFF800;
	s9 =	smov.u32 s10;
	s12 =	sadd.s32 $0x100, s10  }
0x29: {  	[tilespmem:s25], [sflag:$0x5] =	stream.linear.gather [hbm4b:s11+s3], $0x800, $0x38;
	[tilespmem:$0x17810] =	vst v63  }
0x2a: {  	p0 =	sne.s32 s10, $0x1800;
	_ =	swait.ge [sflag:s26], $0x800  }
.Ltmp0:
0x2b: {  	[sflag:s26] =	ssyncset.done $0x0;
	(pc) =	sbr.rel @p0 .LBB2_2-.Ltmp0, $4  }
0x2c: {  	[sflag:s26] =	ssyncadd.s32 $0xFFFFF800  }
0x2d: {  	[spmem:s6] =	stream.linear.scatter [tilespmem:s25], [sflag:$0x6], $0x800, $0x38;
	[tilespmem:$0x17810] =	vst v63  }
0x2e: {  	_ =	swait.ge [sflag:s24], $0x800  }
0x2f: {  	s10 =	smov.u32 s12;
	s6 =	sadd.s32 $0x800, s6;
	[sflag:s24] =	ssyncset.done $0x0  }
0x30: {  	s9 =	sadd.s32 s9, s19;
	[sflag:s24] =	ssyncadd.s32 $0xFFFFF800  }
0x31: {  	[tilespmem:s25], [sflag:$0x5] =	stream.linear.gather [hbm4b:s9+s3], $0x800, $0x38;
	[tilespmem:$0x17810] =	vst v63  }
0x32: {  	_ =	swait.ge [sflag:s26], $0x800  }
0x33: {  	[sflag:s26] =	ssyncset.done $0x0  }
0x34: {  	[sflag:s26] =	ssyncadd.s32 $0xFFFFF800  }
0x35: {  	[spmem:s6] =	stream.linear.scatter [tilespmem:s25], [sflag:$0x6], $0x800, $0x38;
	[tilespmem:$0x17810] =	vst v63  }
0x36: {  	_ =	swait.ge [sflag:s24], $0x800  }
0x37: {  	[sflag:s24] =	ssyncset.done $0x0  }
0x38: {  	[sflag:s24] =	ssyncadd.s32 $0xFFFFF800  }
0x39: {  	s13 =	sadd.s32 $0x0, s20;
	[bflag:$0x0] =	sbarrier.arrive $0xFFFF  }
0x3a: {  	[tilespmem:s28], [sflag:$0x6] =	stream.linear.gather [hbm4b:s13+s3], $0x400, $0x38;
	[tilespmem:$0x17810] =	vst v63  }
0x3b: {  	_ =	swait.ge [sflag:s24], $0x400  }
0x3c: {  	[sflag:s24] =	ssyncset.done $0x0  }
0x3d: {  	[sflag:s24] =	ssyncadd.s32 $0xFFFFFC00  }
0x3e: {  	[tilespmem:s30], [sflag:$0x1] =	stream.indirect.gather [hbm4b:s5+s29], $0x10, s28, s29, $0xb8;
	[tilespmem:$0x17810] =	vst v63  }
0x3f: {  	s15 =	sadd.s32 $0x0, s21  }
0x40: {  	[tilespmem:s31], [sflag:$0x6] =	stream.linear.gather [hbm4b:s15+s3], $0x400, $0x38;
	[tilespmem:$0x17810] =	vst v63  }
0x41: {  	_ =	swait.ge [sflag:s24], $0x400  }
0x42: {  	[sflag:s24] =	ssyncset.done $0x0  }
0x43: {  	[sflag:s24] =	ssyncadd.s32 $0xFFFFFC00  }
0x44: {  	[tilespmem:s0], [sflag:$0x2] =	stream.indirect.gather [hbm4b:s5+s29], $0x10, s31, s29, $0xb8;
	[tilespmem:$0x17810] =	vst v63  }
0x45: {  	s16 =	sadd.s32 $0x0, s22  }
0x46: {  	[tilespmem:s4], [sflag:$0x6] =	stream.linear.gather [hbm4b:s16+s3], $0x400, $0x38;
	[tilespmem:$0x17810] =	vst v63  }
0x47: {  	_ =	swait.ge [sflag:s24], $0x400  }
0x48: {  	[sflag:s24] =	ssyncset.done $0x0  }
0x49: {  	s6 =	sadd.s32 $0x80, s16;
	[sflag:s24] =	ssyncadd.s32 $0xFFFFFC00  }
0x4a: {  	[tilespmem:s1], [sflag:$0x6] =	stream.linear.gather [hbm4b:s6+s3], $0x400, $0x38;
	[tilespmem:$0x17810] =	vst v63  }
0x4b: {  	_ =	swait.ge [sflag:s24], $0x400  }
0x4c: {  	[sflag:s24] =	ssyncset.done $0x0  }
0x4d: {  	[sflag:s24] =	ssyncadd.s32 $0xFFFFFC00  }
0x4e: {  	_ =	swait.ge [sflag:s23], $0x4000  }
0x4f: {  	[sflag:s23] =	ssyncset.done $0x0  }
0x50: {  	[sflag:s23] =	ssyncadd.s32 $0xFFFFC000  }
0x51: {  	[spmem:s2] =	stream.indirect.scatter.add.f32 [tilespmem:s30], [sflag:$0x3], $0x10, s4, s29, $0xb8;
	[tilespmem:$0x17810] =	vst v63  }
0x52: {  	_ =	swait.ge [sflag:s17], $0x4000  }
0x53: {  	[sflag:s17] =	ssyncset.done $0x0  }
0x54: {  	[sflag:s17] =	ssyncadd.s32 $0xFFFFC000  }
0x55: {  	[spmem:s2] =	stream.indirect.scatter.add.f32 [tilespmem:s0], [sflag:$0x4], $0x10, s1, s29, $0xb8;
	[tilespmem:$0x17810] =	vst v63  }
0x56: {  	_ =	swait.ge [sflag:s18], $0x4000  }
0x57: {  	[sflag:s18] =	ssyncset.done $0x0  }
0x58: {  	[sflag:s18] =	ssyncadd.s32 $0xFFFFC000  }
0x59: {  	_ =	swait.ge [sflag:s7], $0x4000  }
0x5a: {  	s10 =	simm.s32 $0x100;
	s9 =	simm.s32 $0x200;
	[sflag:s7] =	ssyncset.done $0x0  }
.LBB2_4:
0x5b: {  	s11 =	sadd.s32 s10, s20  }
0x5c: {  	[sflag:s7] =	ssyncadd.s32 $0xFFFFC000;
	s12 =	smov.u32 s9;
	s6 =	sadd.s32 $0x100, s9  }
0x5d: {  	[tilespmem:s28], [sflag:$0x6] =	stream.linear.gather [hbm4b:s11+s3], $0x400, $0x38;
	[tilespmem:$0x17810] =	vst v63  }
0x5e: {  	p0 =	sne.s32 s9, $0x1700;
	_ =	swait.ge [sflag:s24], $0x400  }
0x5f: {  	[sflag:s24] =	ssyncset.done $0x0  }
0x60: {  	[sflag:s24] =	ssyncadd.s32 $0xFFFFFC00  }
0x61: {  	[tilespmem:s30], [sflag:$0x1] =	stream.indirect.gather [hbm4b:s5+s29], $0x10, s28, s29, $0xb8;
	[tilespmem:$0x17810] =	vst v63  }
0x62: {  	s9 =	sadd.s32 s10, s21  }
0x63: {  	[tilespmem:s31], [sflag:$0x6] =	stream.linear.gather [hbm4b:s9+s3], $0x400, $0x38;
	[tilespmem:$0x17810] =	vst v63  }
0x64: {  	_ =	swait.ge [sflag:s24], $0x400  }
0x65: {  	[sflag:s24] =	ssyncset.done $0x0  }
0x66: {  	[sflag:s24] =	ssyncadd.s32 $0xFFFFFC00  }
0x67: {  	[tilespmem:s0], [sflag:$0x2] =	stream.indirect.gather [hbm4b:s5+s29], $0x10, s31, s29, $0xb8;
	[tilespmem:$0x17810] =	vst v63  }
0x68: {  	s9 =	sadd.s32 s10, s22;
	s10 =	smov.u32 s12  }
0x69: {  	[tilespmem:s4], [sflag:$0x6] =	stream.linear.gather [hbm4b:s9+s3], $0x400, $0x38;
	[tilespmem:$0x17810] =	vst v63  }
0x6a: {  	_ =	swait.ge [sflag:s24], $0x400  }
0x6b: {  	[sflag:s24] =	ssyncset.done $0x0  }
0x6c: {  	s9 =	sadd.s32 $0x80, s9;
	[sflag:s24] =	ssyncadd.s32 $0xFFFFFC00  }
0x6d: {  	[tilespmem:s1], [sflag:$0x6] =	stream.linear.gather [hbm4b:s9+s3], $0x400, $0x38;
	[tilespmem:$0x17810] =	vst v63  }
0x6e: {  	_ =	swait.ge [sflag:s24], $0x400  }
0x6f: {  	[sflag:s24] =	ssyncset.done $0x0  }
0x70: {  	[sflag:s24] =	ssyncadd.s32 $0xFFFFFC00  }
0x71: {  	_ =	swait.ge [sflag:s23], $0x4000  }
0x72: {  	[sflag:s23] =	ssyncset.done $0x0  }
0x73: {  	[sflag:s23] =	ssyncadd.s32 $0xFFFFC000  }
0x74: {  	[spmem:s2] =	stream.indirect.scatter.add.f32 [tilespmem:s30], [sflag:$0x3], $0x10, s4, s29, $0xb8;
	[tilespmem:$0x17810] =	vst v63  }
0x75: {  	_ =	swait.ge [sflag:s17], $0x4000  }
0x76: {  	[sflag:s17] =	ssyncset.done $0x0  }
0x77: {  	[sflag:s17] =	ssyncadd.s32 $0xFFFFC000  }
0x78: {  	[spmem:s2] =	stream.indirect.scatter.add.f32 [tilespmem:s0], [sflag:$0x4], $0x10, s1, s29, $0xb8;
	[tilespmem:$0x17810] =	vst v63  }
.Ltmp1:
0x79: {  	_ =	swait.ge [sflag:s18], $0x4000;
	(pc) =	sbr.rel @p0 .LBB2_4-.Ltmp1, $4  }
0x7a: {  	[sflag:s18] =	ssyncset.done $0x0  }
0x7b: {  	[sflag:s18] =	ssyncadd.s32 $0xFFFFC000  }
0x7c: {  	_ =	swait.ge [sflag:s7], $0x4000  }
0x7d: {  	s9 =	smov.u32 s6;
	[sflag:s7] =	ssyncset.done $0x0  }
0x7e: {  	s6 =	sadd.s32 s10, s20;
	[sflag:s7] =	ssyncadd.s32 $0xFFFFC000  }
0x7f: {  	[tilespmem:s28], [sflag:$0x6] =	stream.linear.gather [hbm4b:s6+s3], $0x400, $0x38;
	[tilespmem:$0x17810] =	vst v63  }
0x80: {  	_ =	swait.ge [sflag:s24], $0x400  }
0x81: {  	[sflag:s24] =	ssyncset.done $0x0  }
0x82: {  	[sflag:s24] =	ssyncadd.s32 $0xFFFFFC00  }
0x83: {  	[tilespmem:s30], [sflag:$0x1] =	stream.indirect.gather [hbm4b:s5+s29], $0x10, s28, s29, $0xb8;
	[tilespmem:$0x17810] =	vst v63  }
0x84: {  	s15 =	sadd.s32 s10, s21  }
0x85: {  	[tilespmem:s31], [sflag:$0x6] =	stream.linear.gather [hbm4b:s15+s3], $0x400, $0x38;
	[tilespmem:$0x17810] =	vst v63  }
0x86: {  	_ =	swait.ge [sflag:s24], $0x400  }
0x87: {  	[sflag:s24] =	ssyncset.done $0x0  }
0x88: {  	[sflag:s24] =	ssyncadd.s32 $0xFFFFFC00  }
0x89: {  	[tilespmem:s0], [sflag:$0x2] =	stream.indirect.gather [hbm4b:s5+s29], $0x10, s31, s29, $0xb8;
	[tilespmem:$0x17810] =	vst v63  }
0x8a: {  	s16 =	sadd.s32 s10, s22  }
0x8b: {  	[tilespmem:s4], [sflag:$0x6] =	stream.linear.gather [hbm4b:s16+s3], $0x400, $0x38;
	[tilespmem:$0x17810] =	vst v63  }
0x8c: {  	_ =	swait.ge [sflag:s24], $0x400  }
0x8d: {  	[sflag:s24] =	ssyncset.done $0x0  }
0x8e: {  	s6 =	sadd.s32 $0x80, s16;
	[sflag:s24] =	ssyncadd.s32 $0xFFFFFC00  }
0x8f: {  	[tilespmem:s1], [sflag:$0x6] =	stream.linear.gather [hbm4b:s6+s3], $0x400, $0x38;
	[tilespmem:$0x17810] =	vst v63  }
0x90: {  	_ =	swait.ge [sflag:s24], $0x400  }
0x91: {  	[sflag:s24] =	ssyncset.done $0x0  }
0x92: {  	[sflag:s24] =	ssyncadd.s32 $0xFFFFFC00  }
0x93: {  	_ =	swait.ge [sflag:s23], $0x4000  }
0x94: {  	[sflag:s23] =	ssyncset.done $0x0  }
0x95: {  	[sflag:s23] =	ssyncadd.s32 $0xFFFFC000  }
0x96: {  	[spmem:s2] =	stream.indirect.scatter.add.f32 [tilespmem:s30], [sflag:$0x3], $0x10, s4, s29, $0xb8;
	[tilespmem:$0x17810] =	vst v63  }
0x97: {  	_ =	swait.ge [sflag:s17], $0x4000  }
0x98: {  	[sflag:s17] =	ssyncset.done $0x0  }
0x99: {  	[sflag:s17] =	ssyncadd.s32 $0xFFFFC000  }
0x9a: {  	[spmem:s2] =	stream.indirect.scatter.add.f32 [tilespmem:s0], [sflag:$0x4], $0x10, s1, s29, $0xb8;
	[tilespmem:$0x17810] =	vst v63  }
0x9b: {  	_ =	swait.ge [sflag:s18], $0x4000  }
0x9c: {  	[sflag:s18] =	ssyncset.done $0x0  }
0x9d: {  	[sflag:s18] =	ssyncadd.s32 $0xFFFFC000  }
0x9e: {  	_ =	swait.ge [sflag:s7], $0x4000  }
0x9f: {  	[sflag:s7] =	ssyncset.done $0x0  }
0xa0: {  	[sflag:s7] =	ssyncadd.s32 $0xFFFFC000  }
0xa1: {  	s10 =	simm.s32 $0x0;
	s6 =	simm.s32 $0x0;
	[bflag:$0x0] =	sbarrier.arrive $0xFFFF  }
.LBB2_6:
0xa2: {  	s12 =	sshll.u32 s10, $0x7;
	s9 =	rddreg [dreg:$0x9]  }
0xa3: {  	s13 =	sadd.s32 s9, s12  }
0xa4: {  	s9 =	sshll.u32 s13, $0x4  }
0xa5: {  	s9 =	sand.u32 $0x3FFFFFF0, s9  }
0xa6: {  	s9 =	sadd.s32 s9, s2  }
0xa7: {  	[tilespmem:s8], [sflag:$0x1] =	stream.linear.gather [spmem:s9], $0x800, $0x38;
	[tilespmem:$0x17810] =	vst v63  }
0xa8: {  	_ =	swait.ge [sflag:s23], $0x800  }
0xa9: {  	s11 =	sshll.u32 s13, $0x1;
	[sflag:s23] =	ssyncset.done $0x0;
	s15 =	rddreg [dreg:$0x4]  }
0xaa: {  	s16 =	simm.s32 $0x16000;
	[sflag:s23] =	ssyncadd.s32 $0xFFFFF800;
	s11 =	sadd.s32 s15, s11  }
0xab: {  	[tilespmem:s16], [sflag:$0x2] =	stream.linear.gather [hbm4b:s11+s6], $0x800, $0x38;
	[tilespmem:$0x17810] =	vst v63  }
0xac: {  	_ =	swait.ge [sflag:s17], $0x800  }
0xad: {  	[sflag:s17] =	ssyncset.done $0x0  }
0xae: {  	s16 =	simm.s32 $0x0;
	[sflag:s17] =	ssyncadd.s32 $0xFFFFF800  }
0xaf: {  	s11 =	simm.s32 $0x40;
	v0 =	vld [tilespmem:s16+$0x16000]  }
.LBB2_7:
0xb0: {  	p0 =	sne.s32 s11, $0x1FC0;
	v1 =	vld [tilespmem:s16+$0x15800];
	_ =	sdelay $0x2  }
.Ltmp2:
0xb1: {  	(pc) =	sbr.rel @p0 .LBB2_7-.Ltmp2, $4  }
0xb2: {  	_ = 	snop  }
0xb3: {  	v1 =	vmul.f32 v0, v1  }
0xb4: {  	s15 =	sshra.s32 s11, $0x2  }
0xb5: {  	s11 =	sadd.s32 $0x40, s11;
	v0 =	vld [tilespmem:s15+$0x16000];
	[tilespmem:s16+$0x15800] =	vst v1;
	s16 =	smov.u32 s15  }
0xb6: {  	v1 =	vld [tilespmem:s16+$0x15800];
	_ =	sdelay $0x3  }
0xb7: {  	s11 =	rddreg [dreg:$0xc]  }
0xb8: {  	s11 =	sadd.s32 s11, s13;
	v0 =	vmul.f32 v0, v1  }
0xb9: {  	s11 =	sshll.u32 s11, $0x1  }
0xba: {  	s11 =	sadd.s32 s14, s11;
	[tilespmem:s16+$0x15800] =	vst v0  }
0xbb: {  	[hbm4b:s11+s3] =	stream.linear.scatter [tilespmem:s8], [sflag:$0x3], $0x800, $0x38;
	[tilespmem:$0x17810] =	vst v63  }
0xbc: {  	_ =	swait.ge [sflag:s18], $0x800  }
0xbd: {  	s15 =	rddreg [dreg:$0xd]  }
0xbe: {  	s11 =	sadd.s32 s12, s15  }
0xbf: {  	[sflag:s18] =	ssyncset.done $0x0;
	s16 =	rddreg [dreg:$0x5];
	s11 =	sshll.u32 s11, $0x1  }
0xc0: {  	[sflag:s18] =	ssyncadd.s32 $0xFFFFF800;
	s11 =	sadd.s32 s16, s11  }
0xc1: {  	[tilespmem:s25], [sflag:$0x5] =	stream.linear.gather [hbm4b:s11+s3], $0x800, $0x38;
	[tilespmem:$0x17810] =	vst v63  }
0xc2: {  	s10 =	sadd.s32 $0x1, s10;
	_ =	swait.ge [sflag:s26], $0x800  }
0xc3: {  	p0 =	sne.s32 s10, $0x19;
	[sflag:s26] =	ssyncset.done $0x0  }
.Ltmp3:
0xc4: {  	[sflag:s26] =	ssyncadd.s32 $0xFFFFF800;
	(pc) =	sbr.rel @p0 .LBB2_6-.Ltmp3, $4  }
0xc5: {  	[spmem:s9] =	stream.linear.scatter [tilespmem:s25], [sflag:$0x6], $0x800, $0x38;
	[tilespmem:$0x17810] =	vst v63  }
0xc6: {  	_ =	swait.ge [sflag:s24], $0x800  }
0xc7: {  	[sflag:s24] =	ssyncset.done $0x0  }
0xc8: {  	[sflag:s24] =	ssyncadd.s32 $0xFFFFF800  }
0xc9: {  	[bflag:$0x0] =	sbarrier.arrive $0xFFFF;
	s6 =	sadd.s32 $0x0, s20  }
0xca: {  	[tilespmem:s28], [sflag:$0x6] =	stream.linear.gather [hbm4b:s6+s3], $0x400, $0x38;
	[tilespmem:$0x17810] =	vst v63  }
0xcb: {  	_ =	swait.ge [sflag:s24], $0x400  }
0xcc: {  	[sflag:s24] =	ssyncset.done $0x0  }
0xcd: {  	[sflag:s24] =	ssyncadd.s32 $0xFFFFFC00  }
0xce: {  	[tilespmem:s30], [sflag:$0x1] =	stream.indirect.gather [hbm4b:s14+s29], $0x10, s28, s29, $0xb8;
	[tilespmem:$0x17810] =	vst v63  }
0xcf: {  	s15 =	sadd.s32 $0x0, s21  }
0xd0: {  	[tilespmem:s31], [sflag:$0x6] =	stream.linear.gather [hbm4b:s15+s3], $0x400, $0x38;
	[tilespmem:$0x17810] =	vst v63  }
0xd1: {  	_ =	swait.ge [sflag:s24], $0x400  }
0xd2: {  	[sflag:s24] =	ssyncset.done $0x0  }
0xd3: {  	[sflag:s24] =	ssyncadd.s32 $0xFFFFFC00  }
0xd4: {  	[tilespmem:s0], [sflag:$0x2] =	stream.indirect.gather [hbm4b:s14+s29], $0x10, s31, s29, $0xb8;
	[tilespmem:$0x17810] =	vst v63  }
0xd5: {  	s16 =	sadd.s32 $0x0, s22  }
0xd6: {  	[tilespmem:s4], [sflag:$0x6] =	stream.linear.gather [hbm4b:s16+s3], $0x400, $0x38;
	[tilespmem:$0x17810] =	vst v63  }
0xd7: {  	_ =	swait.ge [sflag:s24], $0x400  }
0xd8: {  	[sflag:s24] =	ssyncset.done $0x0  }
0xd9: {  	s6 =	sadd.s32 $0x80, s16;
	[sflag:s24] =	ssyncadd.s32 $0xFFFFFC00  }
0xda: {  	[tilespmem:s1], [sflag:$0x6] =	stream.linear.gather [hbm4b:s6+s3], $0x400, $0x38;
	[tilespmem:$0x17810] =	vst v63  }
0xdb: {  	_ =	swait.ge [sflag:s24], $0x400  }
0xdc: {  	[sflag:s24] =	ssyncset.done $0x0  }
0xdd: {  	[sflag:s24] =	ssyncadd.s32 $0xFFFFFC00  }
0xde: {  	_ =	swait.ge [sflag:s23], $0x4000  }
0xdf: {  	[sflag:s23] =	ssyncset.done $0x0  }
0xe0: {  	[sflag:s23] =	ssyncadd.s32 $0xFFFFC000  }
0xe1: {  	[spmem:s2] =	stream.indirect.scatter.add.f32 [tilespmem:s30], [sflag:$0x3], $0x10, s4, s29, $0xb8;
	[tilespmem:$0x17810] =	vst v63  }
0xe2: {  	_ =	swait.ge [sflag:s17], $0x4000  }
0xe3: {  	[sflag:s17] =	ssyncset.done $0x0  }
0xe4: {  	[sflag:s17] =	ssyncadd.s32 $0xFFFFC000  }
0xe5: {  	[spmem:s2] =	stream.indirect.scatter.add.f32 [tilespmem:s0], [sflag:$0x4], $0x10, s1, s29, $0xb8;
	[tilespmem:$0x17810] =	vst v63  }
0xe6: {  	_ =	swait.ge [sflag:s18], $0x4000  }
0xe7: {  	[sflag:s18] =	ssyncset.done $0x0  }
0xe8: {  	[sflag:s18] =	ssyncadd.s32 $0xFFFFC000  }
0xe9: {  	_ =	swait.ge [sflag:s7], $0x4000  }
0xea: {  	s10 =	simm.s32 $0x100;
	s9 =	simm.s32 $0x200;
	[sflag:s7] =	ssyncset.done $0x0  }
.LBB2_10:
0xeb: {  	s11 =	sadd.s32 s10, s20  }
0xec: {  	[sflag:s7] =	ssyncadd.s32 $0xFFFFC000;
	s12 =	smov.u32 s9;
	s6 =	sadd.s32 $0x100, s9  }
0xed: {  	[tilespmem:s28], [sflag:$0x6] =	stream.linear.gather [hbm4b:s11+s3], $0x400, $0x38;
	[tilespmem:$0x17810] =	vst v63  }
0xee: {  	p0 =	sne.s32 s9, $0x1700;
	_ =	swait.ge [sflag:s24], $0x400  }
0xef: {  	[sflag:s24] =	ssyncset.done $0x0  }
0xf0: {  	[sflag:s24] =	ssyncadd.s32 $0xFFFFFC00  }
0xf1: {  	[tilespmem:s30], [sflag:$0x1] =	stream.indirect.gather [hbm4b:s14+s29], $0x10, s28, s29, $0xb8;
	[tilespmem:$0x17810] =	vst v63  }
0xf2: {  	s9 =	sadd.s32 s10, s21  }
0xf3: {  	[tilespmem:s31], [sflag:$0x6] =	stream.linear.gather [hbm4b:s9+s3], $0x400, $0x38;
	[tilespmem:$0x17810] =	vst v63  }
0xf4: {  	_ =	swait.ge [sflag:s24], $0x400  }
0xf5: {  	[sflag:s24] =	ssyncset.done $0x0  }
0xf6: {  	[sflag:s24] =	ssyncadd.s32 $0xFFFFFC00  }
0xf7: {  	[tilespmem:s0], [sflag:$0x2] =	stream.indirect.gather [hbm4b:s14+s29], $0x10, s31, s29, $0xb8;
	[tilespmem:$0x17810] =	vst v63  }
0xf8: {  	s9 =	sadd.s32 s10, s22;
	s10 =	smov.u32 s12  }
0xf9: {  	[tilespmem:s4], [sflag:$0x6] =	stream.linear.gather [hbm4b:s9+s3], $0x400, $0x38;
	[tilespmem:$0x17810] =	vst v63  }
0xfa: {  	_ =	swait.ge [sflag:s24], $0x400  }
0xfb: {  	[sflag:s24] =	ssyncset.done $0x0  }
0xfc: {  	s9 =	sadd.s32 $0x80, s9;
	[sflag:s24] =	ssyncadd.s32 $0xFFFFFC00  }
0xfd: {  	[tilespmem:s1], [sflag:$0x6] =	stream.linear.gather [hbm4b:s9+s3], $0x400, $0x38;
	[tilespmem:$0x17810] =	vst v63  }
0xfe: {  	_ =	swait.ge [sflag:s24], $0x400  }
0xff: {  	[sflag:s24] =	ssyncset.done $0x0  }
0x100: {  	[sflag:s24] =	ssyncadd.s32 $0xFFFFFC00  }
0x101: {  	_ =	swait.ge [sflag:s23], $0x4000  }
0x102: {  	[sflag:s23] =	ssyncset.done $0x0  }
0x103: {  	[sflag:s23] =	ssyncadd.s32 $0xFFFFC000  }
0x104: {  	[spmem:s2] =	stream.indirect.scatter.add.f32 [tilespmem:s30], [sflag:$0x3], $0x10, s4, s29, $0xb8;
	[tilespmem:$0x17810] =	vst v63  }
0x105: {  	_ =	swait.ge [sflag:s17], $0x4000  }
0x106: {  	[sflag:s17] =	ssyncset.done $0x0  }
0x107: {  	[sflag:s17] =	ssyncadd.s32 $0xFFFFC000  }
0x108: {  	[spmem:s2] =	stream.indirect.scatter.add.f32 [tilespmem:s0], [sflag:$0x4], $0x10, s1, s29, $0xb8;
	[tilespmem:$0x17810] =	vst v63  }
.Ltmp4:
0x109: {  	_ =	swait.ge [sflag:s18], $0x4000;
	(pc) =	sbr.rel @p0 .LBB2_10-.Ltmp4, $4  }
0x10a: {  	[sflag:s18] =	ssyncset.done $0x0  }
0x10b: {  	[sflag:s18] =	ssyncadd.s32 $0xFFFFC000  }
0x10c: {  	_ =	swait.ge [sflag:s7], $0x4000  }
0x10d: {  	s9 =	smov.u32 s6;
	[sflag:s7] =	ssyncset.done $0x0  }
0x10e: {  	s6 =	sadd.s32 s10, s20;
	[sflag:s7] =	ssyncadd.s32 $0xFFFFC000  }
0x10f: {  	[tilespmem:s28], [sflag:$0x6] =	stream.linear.gather [hbm4b:s6+s3], $0x400, $0x38;
	[tilespmem:$0x17810] =	vst v63  }
0x110: {  	_ =	swait.ge [sflag:s24], $0x400  }
0x111: {  	[sflag:s24] =	ssyncset.done $0x0  }
0x112: {  	[sflag:s24] =	ssyncadd.s32 $0xFFFFFC00  }
0x113: {  	[tilespmem:s30], [sflag:$0x1] =	stream.indirect.gather [hbm4b:s14+s29], $0x10, s28, s29, $0xb8;
	[tilespmem:$0x17810] =	vst v63  }
0x114: {  	s15 =	sadd.s32 s10, s21  }
0x115: {  	[tilespmem:s31], [sflag:$0x6] =	stream.linear.gather [hbm4b:s15+s3], $0x400, $0x38;
	[tilespmem:$0x17810] =	vst v63  }
0x116: {  	_ =	swait.ge [sflag:s24], $0x400  }
0x117: {  	[sflag:s24] =	ssyncset.done $0x0  }
0x118: {  	[sflag:s24] =	ssyncadd.s32 $0xFFFFFC00  }
0x119: {  	[tilespmem:s0], [sflag:$0x2] =	stream.indirect.gather [hbm4b:s14+s29], $0x10, s31, s29, $0xb8;
	[tilespmem:$0x17810] =	vst v63  }
0x11a: {  	s16 =	sadd.s32 s10, s22  }
0x11b: {  	[tilespmem:s4], [sflag:$0x6] =	stream.linear.gather [hbm4b:s16+s3], $0x400, $0x38;
	[tilespmem:$0x17810] =	vst v63  }
0x11c: {  	_ =	swait.ge [sflag:s24], $0x400  }
0x11d: {  	[sflag:s24] =	ssyncset.done $0x0  }
0x11e: {  	s6 =	sadd.s32 $0x80, s16;
	[sflag:s24] =	ssyncadd.s32 $0xFFFFFC00  }
0x11f: {  	[tilespmem:s1], [sflag:$0x6] =	stream.linear.gather [hbm4b:s6+s3], $0x400, $0x38;
	[tilespmem:$0x17810] =	vst v63  }
0x120: {  	_ =	swait.ge [sflag:s24], $0x400  }
0x121: {  	[sflag:s24] =	ssyncset.done $0x0  }
0x122: {  	[sflag:s24] =	ssyncadd.s32 $0xFFFFFC00  }
0x123: {  	_ =	swait.ge [sflag:s23], $0x4000  }
0x124: {  	[sflag:s23] =	ssyncset.done $0x0  }
0x125: {  	[sflag:s23] =	ssyncadd.s32 $0xFFFFC000  }
0x126: {  	[spmem:s2] =	stream.indirect.scatter.add.f32 [tilespmem:s30], [sflag:$0x3], $0x10, s4, s29, $0xb8;
	[tilespmem:$0x17810] =	vst v63  }
0x127: {  	_ =	swait.ge [sflag:s17], $0x4000  }
0x128: {  	[sflag:s17] =	ssyncset.done $0x0  }
0x129: {  	[sflag:s17] =	ssyncadd.s32 $0xFFFFC000  }
0x12a: {  	[spmem:s2] =	stream.indirect.scatter.add.f32 [tilespmem:s0], [sflag:$0x4], $0x10, s1, s29, $0xb8;
	[tilespmem:$0x17810] =	vst v63  }
0x12b: {  	_ =	swait.ge [sflag:s18], $0x4000  }
0x12c: {  	[sflag:s18] =	ssyncset.done $0x0  }
0x12d: {  	[sflag:s18] =	ssyncadd.s32 $0xFFFFC000  }
0x12e: {  	_ =	swait.ge [sflag:s7], $0x4000  }
0x12f: {  	[sflag:s7] =	ssyncset.done $0x0  }
0x130: {  	[sflag:s7] =	ssyncadd.s32 $0xFFFFC000  }
0x131: {  	s10 =	simm.s32 $0x0;
	s6 =	simm.s32 $0x0;
	[bflag:$0x0] =	sbarrier.arrive $0xFFFF  }
.LBB2_12:
0x132: {  	s9 =	sshll.u32 s10, $0x7;
	s11 =	rddreg [dreg:$0x9]  }
0x133: {  	s13 =	sadd.s32 s11, s9  }
0x134: {  	s9 =	sshll.u32 s13, $0x4  }
0x135: {  	s9 =	sand.u32 $0x3FFFFFF0, s9  }
0x136: {  	s9 =	sadd.s32 s9, s2  }
0x137: {  	[tilespmem:s8], [sflag:$0x1] =	stream.linear.gather [spmem:s9], $0x800, $0x38;
	[tilespmem:$0x17810] =	vst v63  }
0x138: {  	_ =	swait.ge [sflag:s23], $0x800  }
0x139: {  	s12 =	sshll.u32 s13, $0x1;
	[sflag:s23] =	ssyncset.done $0x0;
	s16 =	rddreg [dreg:$0x4]  }
0x13a: {  	s15 =	simm.s32 $0x16000;
	[sflag:s23] =	ssyncadd.s32 $0xFFFFF800;
	s11 =	sadd.s32 s16, s12  }
0x13b: {  	[tilespmem:s15], [sflag:$0x2] =	stream.linear.gather [hbm4b:s11+s6], $0x800, $0x38;
	[tilespmem:$0x17810] =	vst v63  }
0x13c: {  	_ =	swait.ge [sflag:s17], $0x800  }
0x13d: {  	[sflag:s17] =	ssyncset.done $0x0  }
0x13e: {  	s16 =	simm.s32 $0x0;
	[sflag:s17] =	ssyncadd.s32 $0xFFFFF800  }
0x13f: {  	s11 =	simm.s32 $0x40;
	v0 =	vld [tilespmem:s16+$0x16000]  }
.LBB2_13:
0x140: {  	p0 =	sne.s32 s11, $0x1FC0;
	v1 =	vld [tilespmem:s16+$0x15800];
	_ =	sdelay $0x2  }
.Ltmp5:
0x141: {  	(pc) =	sbr.rel @p0 .LBB2_13-.Ltmp5, $4  }
0x142: {  	_ = 	snop  }
0x143: {  	v1 =	vmul.f32 v0, v1  }
0x144: {  	s15 =	sshra.s32 s11, $0x2  }
0x145: {  	s11 =	sadd.s32 $0x40, s11;
	v0 =	vld [tilespmem:s15+$0x16000];
	[tilespmem:s16+$0x15800] =	vst v1;
	s16 =	smov.u32 s15  }
0x146: {  	v1 =	vld [tilespmem:s16+$0x15800];
	_ =	sdelay $0x3  }
0x147: {  	s11 =	rddreg [dreg:$0xc]  }
0x148: {  	s11 =	sadd.s32 s11, s13;
	v0 =	vmul.f32 v0, v1  }
0x149: {  	s11 =	sshll.u32 s11, $0x1  }
0x14a: {  	s11 =	sadd.s32 s14, s11;
	[tilespmem:s16+$0x15800] =	vst v0  }
0x14b: {  	[hbm4b:s11+s3] =	stream.linear.scatter [tilespmem:s8], [sflag:$0x3], $0x800, $0x38;
	[tilespmem:$0x17810] =	vst v63  }
0x14c: {  	_ =	swait.ge [sflag:s18], $0x800  }
0x14d: {  	[sflag:s18] =	ssyncset.done $0x0;
	s16 =	rddreg [dreg:$0x7]  }
0x14e: {  	[sflag:s18] =	ssyncadd.s32 $0xFFFFF800;
	s11 =	sadd.s32 s16, s12  }
0x14f: {  	[tilespmem:s25], [sflag:$0x5] =	stream.linear.gather [hbm4b:s11+s3], $0x800, $0x38;
	[tilespmem:$0x17810] =	vst v63  }
0x150: {  	s10 =	sadd.s32 $0x1, s10;
	_ =	swait.ge [sflag:s26], $0x800  }
0x151: {  	p0 =	sne.s32 s10, $0x19;
	[sflag:s26] =	ssyncset.done $0x0  }
.Ltmp6:
0x152: {  	[sflag:s26] =	ssyncadd.s32 $0xFFFFF800;
	(pc) =	sbr.rel @p0 .LBB2_12-.Ltmp6, $4  }
0x153: {  	[spmem:s9] =	stream.linear.scatter [tilespmem:s25], [sflag:$0x6], $0x800, $0x38;
	[tilespmem:$0x17810] =	vst v63  }
0x154: {  	_ =	swait.ge [sflag:s24], $0x800  }
0x155: {  	[sflag:s24] =	ssyncset.done $0x0  }
0x156: {  	[sflag:s24] =	ssyncadd.s32 $0xFFFFF800  }
0x157: {  	[bflag:$0x0] =	sbarrier.arrive $0xFFFF;
	s6 =	sadd.s32 $0x0, s20  }
0x158: {  	[tilespmem:s28], [sflag:$0x6] =	stream.linear.gather [hbm4b:s6+s3], $0x400, $0x38;
	[tilespmem:$0x17810] =	vst v63  }
0x159: {  	_ =	swait.ge [sflag:s24], $0x400  }
0x15a: {  	[sflag:s24] =	ssyncset.done $0x0  }
0x15b: {  	[sflag:s24] =	ssyncadd.s32 $0xFFFFFC00  }
0x15c: {  	[tilespmem:s30], [sflag:$0x1] =	stream.indirect.gather [hbm4b:s14+s29], $0x10, s28, s29, $0xb8;
	[tilespmem:$0x17810] =	vst v63  }
0x15d: {  	s15 =	sadd.s32 $0x0, s21  }
0x15e: {  	[tilespmem:s31], [sflag:$0x6] =	stream.linear.gather [hbm4b:s15+s3], $0x400, $0x38;
	[tilespmem:$0x17810] =	vst v63  }
0x15f: {  	_ =	swait.ge [sflag:s24], $0x400  }
0x160: {  	[sflag:s24] =	ssyncset.done $0x0  }
0x161: {  	[sflag:s24] =	ssyncadd.s32 $0xFFFFFC00  }
0x162: {  	[tilespmem:s0], [sflag:$0x2] =	stream.indirect.gather [hbm4b:s14+s29], $0x10, s31, s29, $0xb8;
	[tilespmem:$0x17810] =	vst v63  }
0x163: {  	s16 =	sadd.s32 $0x0, s22  }
0x164: {  	[tilespmem:s4], [sflag:$0x6] =	stream.linear.gather [hbm4b:s16+s3], $0x400, $0x38;
	[tilespmem:$0x17810] =	vst v63  }
0x165: {  	_ =	swait.ge [sflag:s24], $0x400  }
0x166: {  	[sflag:s24] =	ssyncset.done $0x0  }
0x167: {  	s6 =	sadd.s32 $0x80, s16;
	[sflag:s24] =	ssyncadd.s32 $0xFFFFFC00  }
0x168: {  	[tilespmem:s1], [sflag:$0x6] =	stream.linear.gather [hbm4b:s6+s3], $0x400, $0x38;
	[tilespmem:$0x17810] =	vst v63  }
0x169: {  	_ =	swait.ge [sflag:s24], $0x400  }
0x16a: {  	[sflag:s24] =	ssyncset.done $0x0  }
0x16b: {  	[sflag:s24] =	ssyncadd.s32 $0xFFFFFC00  }
0x16c: {  	_ =	swait.ge [sflag:s23], $0x4000  }
0x16d: {  	[sflag:s23] =	ssyncset.done $0x0  }
0x16e: {  	[sflag:s23] =	ssyncadd.s32 $0xFFFFC000  }
0x16f: {  	[spmem:s2] =	stream.indirect.scatter.add.f32 [tilespmem:s30], [sflag:$0x3], $0x10, s4, s29, $0xb8;
	[tilespmem:$0x17810] =	vst v63  }
0x170: {  	_ =	swait.ge [sflag:s17], $0x4000  }
0x171: {  	[sflag:s17] =	ssyncset.done $0x0  }
0x172: {  	[sflag:s17] =	ssyncadd.s32 $0xFFFFC000  }
0x173: {  	[spmem:s2] =	stream.indirect.scatter.add.f32 [tilespmem:s0], [sflag:$0x4], $0x10, s1, s29, $0xb8;
	[tilespmem:$0x17810] =	vst v63  }
0x174: {  	_ =	swait.ge [sflag:s18], $0x4000  }
0x175: {  	[sflag:s18] =	ssyncset.done $0x0  }
0x176: {  	[sflag:s18] =	ssyncadd.s32 $0xFFFFC000  }
0x177: {  	_ =	swait.ge [sflag:s7], $0x4000  }
0x178: {  	s10 =	simm.s32 $0x100;
	s9 =	simm.s32 $0x200;
	[sflag:s7] =	ssyncset.done $0x0  }
.LBB2_16:
0x179: {  	s11 =	sadd.s32 s10, s20  }
0x17a: {  	[sflag:s7] =	ssyncadd.s32 $0xFFFFC000;
	s12 =	smov.u32 s9;
	s6 =	sadd.s32 $0x100, s9  }
0x17b: {  	[tilespmem:s28], [sflag:$0x6] =	stream.linear.gather [hbm4b:s11+s3], $0x400, $0x38;
	[tilespmem:$0x17810] =	vst v63  }
0x17c: {  	p0 =	sne.s32 s9, $0x1700;
	_ =	swait.ge [sflag:s24], $0x400  }
0x17d: {  	[sflag:s24] =	ssyncset.done $0x0  }
0x17e: {  	[sflag:s24] =	ssyncadd.s32 $0xFFFFFC00  }
0x17f: {  	[tilespmem:s30], [sflag:$0x1] =	stream.indirect.gather [hbm4b:s14+s29], $0x10, s28, s29, $0xb8;
	[tilespmem:$0x17810] =	vst v63  }
0x180: {  	s9 =	sadd.s32 s10, s21  }
0x181: {  	[tilespmem:s31], [sflag:$0x6] =	stream.linear.gather [hbm4b:s9+s3], $0x400, $0x38;
	[tilespmem:$0x17810] =	vst v63  }
0x182: {  	_ =	swait.ge [sflag:s24], $0x400  }
0x183: {  	[sflag:s24] =	ssyncset.done $0x0  }
0x184: {  	[sflag:s24] =	ssyncadd.s32 $0xFFFFFC00  }
0x185: {  	[tilespmem:s0], [sflag:$0x2] =	stream.indirect.gather [hbm4b:s14+s29], $0x10, s31, s29, $0xb8;
	[tilespmem:$0x17810] =	vst v63  }
0x186: {  	s9 =	sadd.s32 s10, s22;
	s10 =	smov.u32 s12  }
0x187: {  	[tilespmem:s4], [sflag:$0x6] =	stream.linear.gather [hbm4b:s9+s3], $0x400, $0x38;
	[tilespmem:$0x17810] =	vst v63  }
0x188: {  	_ =	swait.ge [sflag:s24], $0x400  }
0x189: {  	[sflag:s24] =	ssyncset.done $0x0  }
0x18a: {  	s9 =	sadd.s32 $0x80, s9;
	[sflag:s24] =	ssyncadd.s32 $0xFFFFFC00  }
0x18b: {  	[tilespmem:s1], [sflag:$0x6] =	stream.linear.gather [hbm4b:s9+s3], $0x400, $0x38;
	[tilespmem:$0x17810] =	vst v63  }
0x18c: {  	_ =	swait.ge [sflag:s24], $0x400  }
0x18d: {  	[sflag:s24] =	ssyncset.done $0x0  }
0x18e: {  	[sflag:s24] =	ssyncadd.s32 $0xFFFFFC00  }
0x18f: {  	_ =	swait.ge [sflag:s23], $0x4000  }
0x190: {  	[sflag:s23] =	ssyncset.done $0x0  }
0x191: {  	[sflag:s23] =	ssyncadd.s32 $0xFFFFC000  }
0x192: {  	[spmem:s2] =	stream.indirect.scatter.add.f32 [tilespmem:s30], [sflag:$0x3], $0x10, s4, s29, $0xb8;
	[tilespmem:$0x17810] =	vst v63  }
0x193: {  	_ =	swait.ge [sflag:s17], $0x4000  }
0x194: {  	[sflag:s17] =	ssyncset.done $0x0  }
0x195: {  	[sflag:s17] =	ssyncadd.s32 $0xFFFFC000  }
0x196: {  	[spmem:s2] =	stream.indirect.scatter.add.f32 [tilespmem:s0], [sflag:$0x4], $0x10, s1, s29, $0xb8;
	[tilespmem:$0x17810] =	vst v63  }
.Ltmp7:
0x197: {  	_ =	swait.ge [sflag:s18], $0x4000;
	(pc) =	sbr.rel @p0 .LBB2_16-.Ltmp7, $4  }
0x198: {  	[sflag:s18] =	ssyncset.done $0x0  }
0x199: {  	[sflag:s18] =	ssyncadd.s32 $0xFFFFC000  }
0x19a: {  	_ =	swait.ge [sflag:s7], $0x4000  }
0x19b: {  	s9 =	smov.u32 s6;
	[sflag:s7] =	ssyncset.done $0x0  }
0x19c: {  	s6 =	sadd.s32 s10, s20;
	[sflag:s7] =	ssyncadd.s32 $0xFFFFC000  }
0x19d: {  	[tilespmem:s28], [sflag:$0x6] =	stream.linear.gather [hbm4b:s6+s3], $0x400, $0x38;
	[tilespmem:$0x17810] =	vst v63  }
0x19e: {  	_ =	swait.ge [sflag:s24], $0x400  }
0x19f: {  	[sflag:s24] =	ssyncset.done $0x0  }
0x1a0: {  	[sflag:s24] =	ssyncadd.s32 $0xFFFFFC00  }
0x1a1: {  	[tilespmem:s30], [sflag:$0x1] =	stream.indirect.gather [hbm4b:s14+s29], $0x10, s28, s29, $0xb8;
	[tilespmem:$0x17810] =	vst v63  }
0x1a2: {  	s15 =	sadd.s32 s10, s21  }
0x1a3: {  	[tilespmem:s31], [sflag:$0x6] =	stream.linear.gather [hbm4b:s15+s3], $0x400, $0x38;
	[tilespmem:$0x17810] =	vst v63  }
0x1a4: {  	_ =	swait.ge [sflag:s24], $0x400  }
0x1a5: {  	[sflag:s24] =	ssyncset.done $0x0  }
0x1a6: {  	[sflag:s24] =	ssyncadd.s32 $0xFFFFFC00  }
0x1a7: {  	[tilespmem:s0], [sflag:$0x2] =	stream.indirect.gather [hbm4b:s14+s29], $0x10, s31, s29, $0xb8;
	[tilespmem:$0x17810] =	vst v63  }
0x1a8: {  	s16 =	sadd.s32 s10, s22  }
0x1a9: {  	[tilespmem:s4], [sflag:$0x6] =	stream.linear.gather [hbm4b:s16+s3], $0x400, $0x38;
	[tilespmem:$0x17810] =	vst v63  }
0x1aa: {  	_ =	swait.ge [sflag:s24], $0x400  }
0x1ab: {  	[sflag:s24] =	ssyncset.done $0x0  }
0x1ac: {  	s6 =	sadd.s32 $0x80, s16;
	[sflag:s24] =	ssyncadd.s32 $0xFFFFFC00  }
0x1ad: {  	[tilespmem:s1], [sflag:$0x6] =	stream.linear.gather [hbm4b:s6+s3], $0x400, $0x38;
	[tilespmem:$0x17810] =	vst v63  }
0x1ae: {  	_ =	swait.ge [sflag:s24], $0x400  }
0x1af: {  	[sflag:s24] =	ssyncset.done $0x0  }
0x1b0: {  	[sflag:s24] =	ssyncadd.s32 $0xFFFFFC00  }
0x1b1: {  	_ =	swait.ge [sflag:s23], $0x4000  }
0x1b2: {  	[sflag:s23] =	ssyncset.done $0x0  }
0x1b3: {  	[sflag:s23] =	ssyncadd.s32 $0xFFFFC000  }
0x1b4: {  	[spmem:s2] =	stream.indirect.scatter.add.f32 [tilespmem:s30], [sflag:$0x3], $0x10, s4, s29, $0xb8;
	[tilespmem:$0x17810] =	vst v63  }
0x1b5: {  	_ =	swait.ge [sflag:s17], $0x4000  }
0x1b6: {  	[sflag:s17] =	ssyncset.done $0x0  }
0x1b7: {  	[sflag:s17] =	ssyncadd.s32 $0xFFFFC000  }
0x1b8: {  	[spmem:s2] =	stream.indirect.scatter.add.f32 [tilespmem:s0], [sflag:$0x4], $0x10, s1, s29, $0xb8;
	[tilespmem:$0x17810] =	vst v63  }
0x1b9: {  	_ =	swait.ge [sflag:s18], $0x4000  }
0x1ba: {  	[sflag:s18] =	ssyncset.done $0x0  }
0x1bb: {  	[sflag:s18] =	ssyncadd.s32 $0xFFFFC000  }
0x1bc: {  	_ =	swait.ge [sflag:s7], $0x4000  }
0x1bd: {  	[sflag:s7] =	ssyncset.done $0x0  }
0x1be: {  	[sflag:s7] =	ssyncadd.s32 $0xFFFFC000  }
0x1bf: {  	[bflag:$0x0] =	sbarrier.arrive $0xFFFF  }
0x1c0: {  	s10 =	simm.s32 $0x0;
	s12 =	simm.s32 $0x0;
	v0 =	vld [tilespmem:$0x17800];
	s15 =	rddreg [dreg:$0x6]  }
.LBB2_18:
0x1c1: {  	s6 =	sshll.u32 s12, $0x7;
	s9 =	rddreg [dreg:$0x9]  }
0x1c2: {  	s6 =	sadd.s32 s9, s6  }
0x1c3: {  	s9 =	sshll.u32 s6, $0x4  }
0x1c4: {  	s9 =	sand.u32 $0x3FFFFFF0, s9  }
0x1c5: {  	s9 =	sadd.s32 s9, s2  }
0x1c6: {  	[tilespmem:s8], [sflag:$0x1] =	stream.linear.gather [spmem:s9], $0x800, $0x38;
	[tilespmem:$0x17810] =	vst v63  }
0x1c7: {  	_ =	swait.ge [sflag:s23], $0x800  }
0x1c8: {  	s16 =	sshll.u32 s6, $0x1;
	[sflag:s23] =	ssyncset.done $0x0  }
0x1c9: {  	s11 =	simm.s32 $0x16000;
	s13 =	sadd.s32 s15, s16;
	[sflag:s23] =	ssyncadd.s32 $0xFFFFF800  }
0x1ca: {  	[tilespmem:s11], [sflag:$0x2] =	stream.linear.gather [hbm4b:s13+s10], $0x800, $0x38;
	[tilespmem:$0x17810] =	vst v63  }
0x1cb: {  	_ =	swait.ge [sflag:s17], $0x800  }
0x1cc: {  	s13 =	rddreg [dreg:$0xc]  }
0x1cd: {  	s6 =	sadd.s32 s13, s6  }
0x1ce: {  	[sflag:s17] =	ssyncset.done $0x0;
	s11 =	rddreg [dreg:$0xa];
	s13 =	sshll.u32 s6, $0x1  }
0x1cf: {  	[sflag:s17] =	ssyncadd.s32 $0xFFFFF800;
	s6 =	sadd.s32 s11, s13  }
0x1d0: {  	[tilespmem:s25], [sflag:$0x5] =	stream.linear.gather [hbm4b:s6+s10], $0x800, $0x38;
	[tilespmem:$0x17810] =	vst v63  }
0x1d1: {  	_ =	swait.ge [sflag:s26], $0x800  }
0x1d2: {  	[sflag:s26] =	ssyncset.done $0x0;
	s9 =	rddreg [dreg:$0x8]  }
0x1d3: {  	s11 =	simm.s32 $0x17000;
	[sflag:s26] =	ssyncadd.s32 $0xFFFFF800;
	s6 =	sadd.s32 s9, s16  }
0x1d4: {  	[tilespmem:s11], [sflag:$0x4] =	stream.linear.gather [hbm4b:s6+s10], $0x800, $0x38;
	[tilespmem:$0x17810] =	vst v63  }
0x1d5: {  	_ =	swait.ge [sflag:s7], $0x800  }
0x1d6: {  	[sflag:s7] =	ssyncset.done $0x0  }
0x1d7: {  	s6 =	simm.s32 $0x0;
	[sflag:s7] =	ssyncadd.s32 $0xFFFFF800  }
0x1d8: {  	s9 =	simm.s32 $0x40;
	v1 =	vld [tilespmem:s6+$0x16000]  }
.LBB2_19:
0x1d9: {  	p0 =	sne.s32 s9, $0x1FC0;
	v2 =	vld [tilespmem:s6+$0x15800];
	_ =	sdelay $0x1  }
0x1da: {  	v3 =	vld [tilespmem:s6+$0x16800];
	_ =	sdelay $0x2  }
0x1db: {  	v1 =	vmul.f32 v1, v2;
	_ =	sdelay $0x1  }
0x1dc: {  	v1 =	vadd.f32 v1, v3;
	_ =	sdelay $0x1  }
0x1dd: {  	v1 =	vadd.f32 v1, v0;
	_ =	sdelay $0x1  }
0x1de: {  	v1 =	vmul.f32 $-1.000000010e-01, v1;
	_ =	sdelay $0x1  }
0x1df: {  	v1 =	vadd.f32 $0.0e+00, v1;
	_ =	sdelay $0x1  }
0x1e0: {  	v1 =	vmul.f32 $1.442695020e+00, v1;
	_ =	sdelay $0x1  }
0x1e1: {  	(erf) = vpow2.f32 v1;
	_ =	sdelay $0x8  }
0x1e2: {  	v1 =	vpop (erf)  }
0x1e3: {  	v1 =	vadd.f32 $1.000000000e+00, v1;
	_ =	sdelay $0x1  }
0x1e4: {  	(erf) = vrcp.f32 v1;
	_ =	sdelay $0x5  }
.Ltmp8:
0x1e5: {  	(pc) =	sbr.rel @p0 .LBB2_19-.Ltmp8, $3  }
0x1e6: {  	_ =	sdelay $0x1  }
0x1e7: {  	s11 =	sshra.s32 s9, $0x2;
	v2 =	vpop (erf)  }
0x1e8: {  	s9 =	sadd.s32 $0x40, s9;
	v1 =	vld [tilespmem:s11+$0x16000];
	[tilespmem:s6+$0x15800] =	vst v2;
	s6 =	smov.u32 s11  }
0x1e9: {  	v2 =	vld [tilespmem:s6+$0x15800];
	_ =	sdelay $0x1  }
0x1ea: {  	v3 =	vld [tilespmem:s6+$0x16800];
	_ =	sdelay $0x2  }
0x1eb: {  	v1 =	vmul.f32 v1, v2;
	_ =	sdelay $0x1  }
0x1ec: {  	v1 =	vadd.f32 v1, v3;
	_ =	sdelay $0x1  }
0x1ed: {  	v1 =	vadd.f32 v1, v0;
	_ =	sdelay $0x1  }
0x1ee: {  	v1 =	vmul.f32 $-1.000000010e-01, v1;
	_ =	sdelay $0x1  }
0x1ef: {  	v1 =	vadd.f32 $0.0e+00, v1;
	_ =	sdelay $0x1  }
0x1f0: {  	v1 =	vmul.f32 $1.442695020e+00, v1;
	_ =	sdelay $0x1  }
0x1f1: {  	(erf) = vpow2.f32 v1;
	_ =	sdelay $0x8  }
0x1f2: {  	v1 =	vpop (erf)  }
0x1f3: {  	v1 =	vadd.f32 $1.000000000e+00, v1;
	_ =	sdelay $0x1  }
0x1f4: {  	(erf) = vrcp.f32 v1;
	_ =	sdelay $0x8  }
0x1f5: {  	s11 =	rddreg [dreg:$0xb];
	v1 =	vpop (erf)  }
0x1f6: {  	s9 =	simm.s32 $0x0;
	[tilespmem:s6+$0x15800] =	vst v1;
	s6 =	sadd.s32 s11, s16;
	s11 =	simm.s32 $0x16000  }
0x1f7: {  	[tilespmem:s11], [sflag:$0x4] =	stream.linear.gather [hbm4b:s6+s9], $0x800, $0x38;
	[tilespmem:$0x17810] =	vst v63  }
0x1f8: {  	_ =	swait.ge [sflag:s7], $0x800  }
0x1f9: {  	[sflag:s7] =	ssyncset.done $0x0  }
0x1fa: {  	s6 =	simm.s32 $0x0;
	[sflag:s7] =	ssyncadd.s32 $0xFFFFF800  }
0x1fb: {  	v2 =	vld [tilespmem:s6+$0x17000]  }
0x1fc: {  	v1 =	vld [tilespmem:s6+$0x16000];
	_ =	sdelay $0x1  }
0x1fd: {  	v3 =	vld [tilespmem:s6+$0x15800];
	_ =	sdelay $0x2  }
0x1fe: {  	v1 =	vsub.f32 v1, v2;
	_ =	sdelay $0x1  }
0x1ff: {  	v3 =	vmul.f32 v3, v1  }
0x200: {  	s16 =	simm.s32 $0x10  }
0x201: {  	s9 =	simm.s32 $0x80;
	v1 =	vld [tilespmem:s16+$0x17000];
	v2 =	vadd.f32 v3, v2  }
.LBB2_21:
0x202: {  	p0 =	sne.s32 s9, $0x1FC0;
	v3 =	vld [tilespmem:s16+$0x16000]  }
0x203: {  	[tilespmem:s6+$0x15800] =	vst v2;
	s6 =	smov.u32 s16  }
0x204: {  	v2 =	vld [tilespmem:s6+$0x15800];
	_ =	sdelay $0x2  }
.Ltmp9:
0x205: {  	v3 =	vsub.f32 v3, v1;
	(pc) =	sbr.rel @p0 .LBB2_21-.Ltmp9, $4  }
0x206: {  	_ = 	snop  }
0x207: {  	v2 =	vmul.f32 v2, v3  }
0x208: {  	s16 =	sshra.s32 s9, $0x2  }
0x209: {  	s9 =	sadd.s32 $0x40, s9;
	v2 =	vadd.f32 v2, v1;
	v1 =	vld [tilespmem:s16+$0x17000]  }
0x20a: {  	v3 =	vld [tilespmem:s16+$0x16000]  }
0x20b: {  	[tilespmem:s6+$0x15800] =	vst v2  }
0x20c: {  	v2 =	vld [tilespmem:s16+$0x15800];
	_ =	sdelay $0x2  }
0x20d: {  	v3 =	vsub.f32 v3, v1;
	_ =	sdelay $0x1  }
0x20e: {  	v2 =	vmul.f32 v2, v3;
	_ =	sdelay $0x1  }
0x20f: {  	s12 =	sadd.s32 $0x1, s12;
	v1 =	vadd.f32 v2, v1  }
0x210: {  	p0 =	sne.s32 s12, $0x19  }
.Ltmp10:
0x211: {  	[tilespmem:s16+$0x15800] =	vst v1;
	s16 =	sadd.s32 s14, s13;
	(pc) =	sbr.rel @p0 .LBB2_18-.Ltmp10, $4  }
0x212: {  	[hbm4b:s16+s3] =	stream.linear.scatter [tilespmem:s8], [sflag:$0x3], $0x800, $0x38;
	[tilespmem:$0x17810] =	vst v63  }
0x213: {  	_ =	swait.ge [sflag:s18], $0x800  }
0x214: {  	[sflag:s18] =	ssyncset.done $0x0  }
0x215: {  	[sflag:s18] =	ssyncadd.s32 $0xFFFFF800  }
0x216: {  	s9 =	rddreg [dreg:$0x10]  }
0x217: {  	s6 =	rddreg [dreg:$0xe];
	s9 =	sadd.s32 $0x1, s9  }
0x218: {  	p0 =	sne.s32 s9, s6  }
.Ltmp11:
0x219: {  	_ = 	snop;
	(pc) =	sbr.rel @p0 .LBB2_1-.Ltmp11, $1  }
0x21a: {  	_ =	sdelay $0x3  }
0x21b: {  	_ =	sfence.sel $0x180000  }
0x21c: {  	[bflag:$0x0] =	sbarrier.arrive $0xFFFF  }
0x21d: {  	_ =	strace $0x90000050  }
0x21e: {  	s0 =	stileid.u32;
	[bflag:$0x2] =	sbarrier.arrive $0xFFFF  }
0x21f: {  	p0 =	sne.s32 s0, $0x0;
	s0 =	rddreg [dreg:$0x3]  }
0x220: {  	s0 =	sadd.s32 @!p0 $0x100000, s0  }
0x221: {  	[sflag:s0] =	ssyncadd.tile.s32 @!p0 $0x1;
	_ =	shalt  }
.Lfunc_end2:
_tile_overlayer_lowered:
.L_overlay_start_2:
0x222: {  	(tag) =	ssettag $0x2  }
0x223: {  	s0 =	rddreg [dreg:$0x0];
	s2 =	stileid.u32  }
0x224: {  	s1 =	rddreg [dreg:$0x1];
	p0 =	sne.s32 s2, $0x0  }
0x225: {  	s3 =	rddreg [dreg:$0x2];
	[bflag:$0x3] =	sbarrier.arrive $0xFFFF;
	s2 =	simm.s32 @!p0 $0x1C06  }
0x226: {  	[timem:s3], [sflag:s2] =	dma.local @!p0 [hbm:s0], s1  }
0x227: {  	s0 =	simm.s32 @!p0 $0x6  }
0x228: {  	_ =	swait.ge @!p0 [sflag:s0], s1  }
0x229: {  	s1 =	ssub.s32 @!p0 $0x0, s1;
	[sflag:s0] =	ssyncset.done @!p0 $0x0  }
0x22a: {  	[sflag:s0] =	ssyncadd.s32 @!p0 s1  }
0x22b: {  	[bflag:$0x3] =	sbarrier.arrive $0xFFFF  }
0x22c: {  	_ =	shalt  }

// kernel: kernel.9.cloned.1.call-start
scs
__scs_entry_jumppad:
0x0: {  	(pc) =	sbr.rel $0x88, $3  }
0x1: {  	(tag) =	ssettag $0x0;
	lr =	simm.s32 $0x1  }
0x2: {  	[smem:$0x3F93] =	sst lr;
	_ =	strace $0xD0000000  }
0x3: {  	_ = 	snop  }
0x4: {  	_ = 	snop  }
0x5: {  	_ = 	snop  }
0x6: {  	_ = 	snop  }
0x7: {  	_ = 	snop  }
__scs_overlays_trampoline_lowered:
0x8: {  	[smem:$0x3FA2] =	sst s0  }
0x9: {  	[smem:$0x3FA3] =	sst s1  }
0xa: {  	[smem:$0x3FA4] =	sst s2  }
0xb: {  	[smem:$0x3FA5] =	sst s3  }
0xc: {  	[smem:$0x3FA6] =	sst s4  }
0xd: {  	[smem:$0x3FA7] =	sst s5  }
0xe: {  	[smem:$0x3FA8] =	sst s6  }
0xf: {  	[smem:$0x3FA9] =	sst s7  }
0x10: {  	[smem:$0x3FAA] =	sst s8  }
0x11: {  	[smem:$0x3FAB] =	sst s9;
	s0 =	simm.s32 @!p0 $0x0  }
0x12: {  	s1 =	sld [smem:$0x3F91];
	s0 =	simm.s32 @p0 $0x1  }
0x13: {  	[smem:$0x3FAC] =	sst s0;
	s0 =	simm.s32 @!p1 $0x0  }
0x14: {  	s2 =	sld [smem:$0x3F90];
	s0 =	simm.s32 @p1 $0x1  }
0x15: {  	[smem:$0x3FAD] =	sst s0;
	s0 =	simm.s32 @!p2 $0x0  }
0x16: {  	s3 =	sld [smem:$0x3FDB];
	s0 =	simm.s32 @p2 $0x1  }
0x17: {  	s4 =	simm.s32 $0x1BF5;
	[smem:$0x3FAF] =	sst s0  }
0x18: {  	s0 =	sld [smem:$0x3F92];
	_ =	swait.ge [sflag:s4], $0x0  }
0x19: {  	s7 =	sld [smem:$0x3F93]  }
0x1a: {  	s8 =	sadd.s32 $0xFFFFE003, lr  }
0x1b: {  	s9 =	sadd.s32 $0xFFFFFEF7, lr;
	s5 =	simm.s32 $0xFFFFFFFF;
	p2 =	slt.u32 s8, $0xFFFFF086  }
0x1c: {  	p1 =	slt.u32 s9, $0xF7A;
	s5 =	simm.s32 @!p2 $0x0  }
0x1d: {  	s5 =	simm.s32 @p1 $0x1;
	p0 =	seq.s32 s7, s2  }
0x1e: {  	s7 =	smul.u32 @!p0 $0xF7A, s2;
	p2 =	seq.s32 @!p0 s5, $0x0  }
0x1f: {  	s9 =	smul.u32 $0xF7A, s1;
	s8 =	simm.s32 @!p0 $0x1BF5;
	p2 =	por !p2, p0  }
0x20: {  	[sflag:s8] =	ssyncset.s32 @!p0 $0xFFFFF086;
	s6 =	sadd.s32 @!p0 s3, s7;
	s7 =	simm.s32 @!p0 $0x108  }
0x21: {  	s3 =	sadd.s32 s3, s9;
	s6 =	sadd.s32 @!p0 $0x88, s6;
	s7 =	simm.s32 @p2 $0x1082  }
0x22: {  	[simem:s7], [sflag:s8] =	dma.local @!p0 [hbm:s6], $0xF7A  }
0x23: {  	s9 =	sor.u32 $0xD0000000, s2;
	s6 =	simm.s32 $0x108;
	_ =	swait.ge @!p0 [sflag:s8], $0x0  }
0x24: {  	s3 =	sadd.s32 $0x88, s3;
	s6 =	simm.s32 @!p1 $0x1082;
	[sflag:s4] =	ssyncset.s32 $0xFFFFF086  }
0x25: {  	[simem:s6], [sflag:s4] =	dma.local [hbm:s3], $0xF7A  }
0x26: {  	[smem:$0x3F93] =	sst s1;
	(tag) =	ssettag s2;
	_ =	strace s9  }
0x27: {  	s1 =	sld [smem:$0x3FA3]  }
0x28: {  	s2 =	sld [smem:$0x3FA4]  }
0x29: {  	s4 =	sld [smem:$0x3FA6]  }
0x2a: {  	p0 =	seq.s32 s5, $0x0;
	s5 =	sld [smem:$0x3FA7]  }
0x2b: {  	s6 =	sld [smem:$0x3FA8]  }
0x2c: {  	s7 =	sld [smem:$0x3FA9]  }
0x2d: {  	s3 =	simm.s32 $0x108;
	s8 =	sld [smem:$0x3FAA]  }
0x2e: {  	s3 =	simm.s32 @!p0 $0x1082;
	s9 =	sld [smem:$0x3FAB]  }
0x2f: {  	lr =	sadd.s32 s0, s3;
	s0 =	sld [smem:$0x3FA2]  }
0x30: {  	s3 =	sld [smem:$0x3FA5]  }
0x31: {  	[smem:$0x3FAE] =	sst s10  }
0x32: {  	s10 =	sld [smem:$0x3FAC];
	_ =	sdelay $0x3  }
0x33: {  	p0 =	seq.s32 s10, $0x1;
	s10 =	sld [smem:$0x3FAE];
	_ =	sdelay $0x3  }
0x34: {  	[smem:$0x3FAE] =	sst s10  }
0x35: {  	s10 =	sld [smem:$0x3FAD];
	_ =	sdelay $0x3  }
0x36: {  	p1 =	seq.s32 s10, $0x1;
	s10 =	sld [smem:$0x3FAE];
	_ =	sdelay $0x3  }
0x37: {  	[smem:$0x3FAE] =	sst s10  }
0x38: {  	s10 =	sld [smem:$0x3FAF]  }
0x39: {  	_ = 	snop;
	(pc) =	sbr.ind lr, $3  }
0x3a: {  	_ = 	snop  }
0x3b: {  	_ = 	snop  }
0x3c: {  	p2 =	seq.s32 s10, $0x1;
	s10 =	sld [smem:$0x3FAE]  }
0x3d: {  	_ =	shalt  }
0x3e: {  	_ =	shalt  }
0x3f: {  	_ =	shalt  }
0x40: {  	_ =	shalt  }
0x41: {  	_ =	shalt  }
0x42: {  	_ =	shalt  }
0x43: {  	_ =	shalt  }
0x44: {  	_ =	shalt  }
0x45: {  	_ =	shalt  }
0x46: {  	_ =	shalt  }
0x47: {  	_ =	shalt  }
0x48: {  	_ =	shalt  }
0x49: {  	_ =	shalt  }
0x4a: {  	_ =	shalt  }
0x4b: {  	_ =	shalt  }
0x4c: {  	_ =	shalt  }
0x4d: {  	_ =	shalt  }
0x4e: {  	_ =	shalt  }
0x4f: {  	_ =	shalt  }
0x50: {  	_ =	shalt  }
0x51: {  	_ =	shalt  }
0x52: {  	_ =	shalt  }
0x53: {  	_ =	shalt  }
0x54: {  	_ =	shalt  }
0x55: {  	_ =	shalt  }
0x56: {  	_ =	shalt  }
0x57: {  	_ =	shalt  }
0x58: {  	_ =	shalt  }
0x59: {  	_ =	shalt  }
0x5a: {  	_ =	shalt  }
0x5b: {  	_ =	shalt  }
0x5c: {  	_ =	shalt  }
0x5d: {  	_ =	shalt  }
0x5e: {  	_ =	shalt  }
0x5f: {  	_ =	shalt  }
0x60: {  	_ =	shalt  }
0x61: {  	_ =	shalt  }
0x62: {  	_ =	shalt  }
0x63: {  	_ =	shalt  }
0x64: {  	_ =	shalt  }
0x65: {  	_ =	shalt  }
0x66: {  	_ =	shalt  }
0x67: {  	_ =	shalt  }
0x68: {  	_ =	shalt  }
0x69: {  	_ =	shalt  }
0x6a: {  	_ =	shalt  }
0x6b: {  	_ =	shalt  }
0x6c: {  	_ =	shalt  }
0x6d: {  	_ =	shalt  }
0x6e: {  	_ =	shalt  }
0x6f: {  	_ =	shalt  }
0x70: {  	_ =	shalt  }
0x71: {  	_ =	shalt  }
0x72: {  	_ =	shalt  }
0x73: {  	_ =	shalt  }
0x74: {  	_ =	shalt  }
0x75: {  	_ =	shalt  }
0x76: {  	_ =	shalt  }
0x77: {  	_ =	shalt  }
0x78: {  	_ =	shalt  }
0x79: {  	_ =	shalt  }
0x7a: {  	_ =	shalt  }
0x7b: {  	_ =	shalt  }
0x7c: {  	_ =	shalt  }
0x7d: {  	_ =	shalt  }
0x7e: {  	_ =	shalt  }
0x7f: {  	_ =	shalt  }
0x80: {  	_ =	shalt  }
0x81: {  	_ =	shalt  }
0x82: {  	_ =	shalt  }
0x83: {  	_ =	shalt  }
0x84: {  	_ =	shalt  }
0x85: {  	_ =	shalt  }
0x86: {  	_ =	shalt  }
0x87: {  	_ =	shalt  }
.Lfunc_end0:
.L_simem_size_0:
called_computation_lowered:
.L_overlay_start_0:
0x88: {  	s2 =	sld [smem:$0x3FD9]  }
0x89: {  	s3 =	sld [smem:$0x3FFE];
	_ =	sdelay $0x1  }
0x8a: {  	s1 =	srdreg.scid  }
0x8b: {  	s0 =	sand.u32 $0x1, s1  }
0x8c: {  	s16 =	sshll.u32 s0, $0xA;
	s2 =	sadd.s32 s3, s2  }
0x8d: {  	s2 =	sadd.s32 s2, s16  }
0x8e: {  	[smem:$0x3FBA] =	sst s2  }
0x8f: {  	_ = 	snop  }
0x90: {  	(tm) =	ssettm $0x1  }
0x91: {  	s17 =	sld [smem:$0x3FFB];
	_ =	sdelay $0x3  }
0x92: {  	_ =	strace s17  }
0x93: {  	s2 =	sld [smem:$0x3FFC];
	_ =	sdelay $0x3  }
0x94: {  	_ =	strace s2  }
0x95: {  	s2 =	sld [smem:$0x3FFD];
	_ =	sdelay $0x3  }
0x96: {  	_ =	strace s2  }
0x97: {  	_ =	strace $0x8FFFFFFF  }
0x98: {  	s18 =	sld [smem:$0x3FDB];
	_ =	sdelay $0x1  }
0x99: {  	s19 =	simm.s32 $_scs_section_size  }
0x9a: {  	s4 =	simm.s32 $_size__tile_overlayer_lowered;
	s5 =	simm.s32 $_tile_overlayer_lowered  }
0x9b: {  	s22 =	simm.s32 $0x1BFF;
	s21 =	sshll.u32 s5, $0x1;
	s2 =	sadd.s32 s19, s18  }
0x9c: {  	s6 =	simm.s32 $0x0;
	s20 =	sshll.u32 s4, $0x1;
	s4 =	sadd.s32 s21, s2  }
0x9d: {  	[timem:s6], [sflag:s22] =	dma.local [hbm:s4], s20  }
0x9e: {  	_ =	swait.ge [sflag:s22], s20  }
0x9f: {  	s3 =	ssub.s32 $0x0, s20;
	[sflag:s22] =	ssyncset.done $0x0  }
0xa0: {  	[sflag:s22] =	ssyncadd.s32 s3;
	_ =	sdelay $0x1  }
0xa1: {  	s23 =	simm.s32 $0x1B8B  }
0xa2: {  	_ =	swait.ge [sflag:s23], $0x1  }
0xa3: {  	[sflag:s23] =	ssyncset.done $0x0  }
0xa4: {  	s25 =	simm.s32 $0x1B8E;
	s24 =	sld [smem:$0x3FFE];
	[sflag:s23] =	ssyncadd.s32 $0xFFFFFFFF  }
0xa5: {  	s26 =	simm.s32 $execute0_lowered;
	[smem:$0x3FD2] =	sst s25  }
0xa6: {  	s4 =	sshll.u32 s26, $0x1;
	_ =	strace $0x80000046;
	[dreg:$0x1] =	wrdreg $0xFFFFFFFF  }
0xa7: {  	s28 =	simm.s32 $_size_execute0_lowered;
	s2 =	sadd.s32 s2, s4;
	[dreg:$0x0] =	wrdreg $0x0  }
0xa8: {  	s4 =	sshll.u32 s28, $0x1;
	[dreg:$0x2] =	wrdreg s2  }
0xa9: {  	[dreg:$0x3] =	wrdreg s4  }
0xaa: {  	[dreg:$0x4] =	wrdreg $0xC0  }
0xab: {  	_ =	task [dreg:s6], $0x5FFFF  }
0xac: {  	[dreg:$0x1] =	wrdreg $0xFFFFFFFF  }
0xad: {  	[dreg:$0x0] =	wrdreg $0x60  }
0xae: {  	[dreg:$0x2] =	wrdreg s24  }
0xaf: {  	[dreg:$0x3] =	wrdreg $0x0  }
0xb0: {  	[dreg:$0x4] =	wrdreg $0x9  }
0xb1: {  	_ =	task.clear_ibuf [dreg:s6], $0x5FFFF;
	_ =	strace $0x90000046  }
0xb2: {  	s29 =	simm.s32 $0x9;
	_ =	strace $0x80000048  }
0xb3: {  	_ =	swait.ge [sflag:s29], $0x1  }
0xb4: {  	[sflag:s29] =	ssyncadd.s32 $0xFFFFFFFF  }
0xb5: {  	_ =	strace $0x90000048  }
0xb6: {  	_ =	sfence  }
0xb7: {  	s30 =	sld [smem:$0x0];
	_ =	sdelay $0x2  }
0xb8: {  	s31 =	sshll.u32 s1, $0xD;
	s1 =	sshrl.u32 s1, $0x2  }
0xb9: {  	s3 =	sand.u32 $0x4000, s31;
	s1 =	sadd.s32 s1, s30  }
0xba: {  	s0 =	sor.u32 s3, s0;
	s1 =	sshll.u32 s1, $0x11  }
0xbb: {  	s0 =	sor.u32 s1, s0  }
0xbc: {  	s0 =	sadd.s32 $0x8F2B, s0  }
0xbd: {  	[sflag:s0] =	ssyncadd.remote.s32 $0x1  }
0xbe: {  	_ =	sfence.sel $0xFFFF  }
0xbf: {  	[dreg:$0x0] =	wrdreg $0xFFFFFFFF;
	(pc) =	sbr.abs _section_cstart, $3  }
0xc0: {  	[dreg:$0x1] =	wrdreg $0xFFFFFFFF  }
0xc1: {  	_ =	task.clear_ibuf [dreg:s6], $0x2FFFF;
	_ =	strace $0x9FFFFFFF  }
0xc2: {  	(tm) =	ssettm $0x7FFFFFFF  }
0xc3: {  	_ =	shalt  }
tec
execute0_lowered:
.L_overlay_start_1:
0x0: {  	(tag) =	ssettag $0x1  }
0x1: {  	s4 =	rddreg [dreg:$0x0];
	s0 =	srdreg.scid  }
0x2: {  	s2 =	rddreg [dreg:$0x1];
	s1 =	stileid.u32  }
0x3: {  	s3 =	simm.s32 $0x0;
	s11 =	simm.s32 $0x200;
	s7 =	smul.u32 $0x6200, s1  }
0x4: {  	s12 =	simm.s32 $0xCA00;
	s13 =	simm.s32 $0x1;
	s8 =	smul.u32 $0x32000, s1  }
0x5: {  	s5 =	sand.u32 $0x1, s0;
	s0 =	rddreg [dreg:$0x2];
	s10 =	smul.u32 $0x1900, s1  }
0x6: {  	s14 =	simm.s32 $0x0;
	[smem:$0x7FF] =	sst s3;
	s6 =	smul.u32 $0x62000, s5  }
0x7: {  	_ =	strace $0x80000047;
	s30 =	smul.u32 $0x19000, s5;
	s5 =	ssub.s32 $0x2, s5  }
0x8: {  	s9 =	sshrl.u32 s5, $0x1;
	s31 =	sshrl.u32 s8, $0x2;
	s8 =	simm.s32 $0xEA00  }
0x9: {  	s6 =	sadd.s32 s7, s6;
	s7 =	sadd.s32 s30, s4;
	s5 =	ssub.s32 s5, s9  }
0xa: {  	s9 =	simm.s32 $0x2;
	s6 =	sshrl.u32 s6, $0x3;
	s5 =	smax.u32 s5, $0x1  }
0xb: {  	s7 =	sadd.s32 s10, s7;
	s10 =	simm.s32 $0xC800;
	s6 =	sadd.s32 s6, s4  }
0xc: {  	v0 =	vimm.f32 $1.000000000e+00;
	v1 =	vimm.f32 $0.0e+00;
	s4 =	sadd.s32 s31, s2;
	s7 =	sadd.s32 $0x1D600, s7;
	s6 =	sadd.s32 $0x4E00, s6  }
.LBB2_1:
0xd: {  	s15 =	simm.s32 $0x40;
	s16 =	simm.s32 $0x0  }
.LBB2_2:
0xe: {  	p0 =	sne.s32 s15, $0x7FC0;
	[tilespmem:s16+$0xCA00] =	vst v0;
	s16 =	smov.u32 s15;
	s15 =	sadd.s32 $0x40, s15  }
.Ltmp0:
0xf: {  	(pc) =	sbr.rel @p0 .LBB2_2-.Ltmp0, $2  }
0x10: {  	_ =	sdelay $0x2  }
0x11: {  	s16 =	sshra.s32 s16, $0x2  }
0x12: {  	[tilespmem:s16+$0xCA00] =	vst v0;
	s15 =	simm.s32 $0x40;
	s16 =	simm.s32 $0x0  }
.LBB2_4:
0x13: {  	p0 =	sne.s32 s15, $0xFC0;
	[tilespmem:s16+$0xEA00] =	vst v1;
	s16 =	smov.u32 s15;
	s15 =	sadd.s32 $0x40, s15  }
.Ltmp1:
0x14: {  	(pc) =	sbr.rel @p0 .LBB2_4-.Ltmp1, $2  }
0x15: {  	_ =	sdelay $0x2  }
0x16: {  	s16 =	sshra.s32 s16, $0x2  }
0x17: {  	[tilespmem:s16+$0xEA00] =	vst v1;
	s15 =	sadd.s32 $0x0, s4  }
0x18: {  	[spmem:s15] =	stream.linear.scatter [tilespmem:s8], [sflag:$0x2], $0x400, $0x38;
	[tilespmem:$0xEE00] =	vst v63  }
0x19: {  	s15 =	simm.s32 $0x1000;
	_ =	swait.ge [sflag:s9], $0x400  }
.LBB2_6:
0x1a: {  	s16 =	sshra.s32 s15, $0x2;
	[sflag:s9] =	ssyncset.done $0x0;
	p0 =	sne.s32 s15, $0x31000  }
.Ltmp2:
0x1b: {  	s16 =	sadd.s32 s16, s4;
	[sflag:s9] =	ssyncadd.s32 $0xFFFFFC00;
	(pc) =	sbr.rel @p0 .LBB2_6-.Ltmp2, $3  }
0x1c: {  	[spmem:s16] =	stream.linear.scatter [tilespmem:s8], [sflag:$0x2], $0x400, $0x38;
	[tilespmem:$0xEE00] =	vst v63  }
0x1d: {  	s15 =	sadd.s32 $0x1000, s15;
	_ =	sdelay $0x1  }
0x1e: {  	_ =	swait.ge [sflag:s9], $0x400  }
0x1f: {  	[sflag:s9] =	ssyncset.done $0x0  }
0x20: {  	[sflag:s9] =	ssyncadd.s32 $0xFFFFFC00  }
0x21: {  	s15 =	sadd.s32 $0x0, s6;
	[bflag:$0x0] =	sbarrier.arrive $0xFFFF  }
0x22: {  	[tilespmem:s10], [sflag:$0x2] =	stream.linear.gather [hbm4b:s15+s3], $0x200, $0x38;
	[tilespmem:$0xEE00] =	vst v63  }
0x23: {  	_ =	swait.ge [sflag:s9], $0x200  }
0x24: {  	[sflag:s9] =	ssyncset.done $0x0  }
0x25: {  	[sflag:s9] =	ssyncadd.s32 $0xFFFFFE00  }
0x26: {  	[spmem:s2] =	stream.indirect.scatter.add.f32 [tilespmem:s12], [sflag:$0x1], $0x10, s10, s11, $0xb8;
	[tilespmem:$0xEE00] =	vst v63  }
0x27: {  	_ =	swait.ge [sflag:s13], $0x2000  }
0x28: {  	s16 =	simm.s32 $0x80;
	s15 =	simm.s32 $0x40;
	[sflag:s13] =	ssyncset.done $0x0  }
.LBB2_8:
0x29: {  	s17 =	sadd.s32 s15, s6  }
0x2a: {  	[sflag:s13] =	ssyncadd.s32 $0xFFFFE000;
	s15 =	smov.u32 s16;
	s18 =	sadd.s32 $0x40, s16  }
0x2b: {  	[tilespmem:s10], [sflag:$0x2] =	stream.linear.gather [hbm4b:s17+s3], $0x200, $0x38;
	[tilespmem:$0xEE00] =	vst v63  }
0x2c: {  	p0 =	sne.s32 s16, $0xC00;
	_ =	swait.ge [sflag:s9], $0x200  }
.Ltmp3:
0x2d: {  	[sflag:s9] =	ssyncset.done $0x0;
	(pc) =	sbr.rel @p0 .LBB2_8-.Ltmp3, $4  }
0x2e: {  	[sflag:s9] =	ssyncadd.s32 $0xFFFFFE00  }
0x2f: {  	[spmem:s2] =	stream.indirect.scatter.add.f32 [tilespmem:s12], [sflag:$0x1], $0x10, s10, s11, $0xb8;
	[tilespmem:$0xEE00] =	vst v63  }
0x30: {  	_ =	swait.ge [sflag:s13], $0x2000  }
0x31: {  	s16 =	smov.u32 s18;
	[sflag:s13] =	ssyncset.done $0x0  }
0x32: {  	s15 =	sadd.s32 s15, s6;
	[sflag:s13] =	ssyncadd.s32 $0xFFFFE000  }
0x33: {  	[tilespmem:s10], [sflag:$0x2] =	stream.linear.gather [hbm4b:s15+s3], $0x200, $0x38;
	[tilespmem:$0xEE00] =	vst v63  }
0x34: {  	_ =	swait.ge [sflag:s9], $0x200  }
0x35: {  	[sflag:s9] =	ssyncset.done $0x0  }
0x36: {  	[sflag:s9] =	ssyncadd.s32 $0xFFFFFE00  }
0x37: {  	[spmem:s2] =	stream.indirect.scatter.add.f32 [tilespmem:s12], [sflag:$0x1], $0x10, s10, s11, $0xb8;
	[tilespmem:$0xEE00] =	vst v63  }
0x38: {  	_ =	swait.ge [sflag:s13], $0x2000  }
0x39: {  	[sflag:s13] =	ssyncset.done $0x0  }
0x3a: {  	[sflag:s13] =	ssyncadd.s32 $0xFFFFE000  }
0x3b: {  	[bflag:$0x0] =	sbarrier.arrive $0xFFFF  }
0x3c: {  	[tilespmem:s8], [sflag:$0x2] =	stream.linear.gather [spmem:s4], $0x400, $0x38;
	[tilespmem:$0xEE00] =	vst v63  }
0x3d: {  	_ =	swait.ge [sflag:s9], $0x400  }
0x3e: {  	[sflag:s9] =	ssyncset.done $0x0  }
0x3f: {  	s31 =	sadd.s32 $0x0, s7;
	[sflag:s9] =	ssyncadd.s32 $0xFFFFFC00  }
0x40: {  	[hbm4b:s31+s3] =	stream.linear.scatter [tilespmem:s8], [sflag:$0x2], $0x400, $0x38;
	[tilespmem:$0xEE00] =	vst v63  }
0x41: {  	_ =	swait.ge [sflag:s9], $0x400  }
0x42: {  	s16 =	smov.u32 s4;
	s15 =	simm.s32 $0x80;
	[sflag:s9] =	ssyncset.done $0x0  }
.LBB2_10:
0x43: {  	p0 =	sne.s32 s15, $0x1880;
	[sflag:s9] =	ssyncadd.s32 $0xFFFFFC00;
	s16 =	sadd.s32 $0x400, s16  }
0x44: {  	[tilespmem:s8], [sflag:$0x2] =	stream.linear.gather [spmem:s16], $0x400, $0x38;
	[tilespmem:$0xEE00] =	vst v63  }
0x45: {  	s17 =	smov.u32 s15;
	s15 =	sadd.s32 $0x80, s15;
	_ =	swait.ge [sflag:s9], $0x400  }
.Ltmp4:
0x46: {  	[sflag:s9] =	ssyncset.done $0x0;
	(pc) =	sbr.rel @p0 .LBB2_10-.Ltmp4, $4  }
0x47: {  	s17 =	sadd.s32 s17, s7;
	[sflag:s9] =	ssyncadd.s32 $0xFFFFFC00  }
0x48: {  	[hbm4b:s17+s3] =	stream.linear.scatter [tilespmem:s8], [sflag:$0x2], $0x400, $0x38;
	[tilespmem:$0xEE00] =	vst v63  }
0x49: {  	_ =	swait.ge [sflag:s9], $0x400  }
0x4a: {  	[sflag:s9] =	ssyncset.done $0x0  }
0x4b: {  	s14 =	sadd.s32 $0x1, s14  }
0x4c: {  	p0 =	sne.s32 s14, s5  }
.Ltmp5:
0x4d: {  	_ = 	snop;
	(pc) =	sbr.rel @p0 .LBB2_1-.Ltmp5, $2  }
0x4e: {  	_ =	sdelay $0x2  }
0x4f: {  	[sflag:s9] =	ssyncadd.s32 $0xFFFFFC00  }
0x50: {  	_ =	sfence.sel $0x180000  }
0x51: {  	[bflag:$0x0] =	sbarrier.arrive $0xFFFF  }
0x52: {  	p0 =	sne.s32 s1, $0x0;
	_ =	strace $0x90000047  }
0x53: {  	s0 =	sadd.s32 @!p0 $0x100000, s0;
	[bflag:$0x2] =	sbarrier.arrive $0xFFFF  }
0x54: {  	[sflag:s0] =	ssyncadd.tile.s32 @!p0 $0x1;
	_ =	shalt  }
.Lfunc_end2:
_tile_overlayer_lowered:
.L_overlay_start_2:
0x55: {  	(tag) =	ssettag $0x2  }
0x56: {  	s0 =	rddreg [dreg:$0x0];
	s2 =	stileid.u32  }
0x57: {  	s1 =	rddreg [dreg:$0x1];
	p0 =	sne.s32 s2, $0x0  }
0x58: {  	s3 =	rddreg [dreg:$0x2];
	[bflag:$0x3] =	sbarrier.arrive $0xFFFF;
	s2 =	simm.s32 @!p0 $0x1C02  }
0x59: {  	[timem:s3], [sflag:s2] =	dma.local @!p0 [hbm:s0], s1  }
0x5a: {  	s0 =	simm.s32 @!p0 $0x2  }
0x5b: {  	_ =	swait.ge @!p0 [sflag:s0], s1  }
0x5c: {  	s1 =	ssub.s32 @!p0 $0x0, s1;
	[sflag:s0] =	ssyncset.done @!p0 $0x0  }
0x5d: {  	[sflag:s0] =	ssyncadd.s32 @!p0 s1  }
0x5e: {  	[bflag:$0x3] =	sbarrier.arrive $0xFFFF  }
0x5f: {  	_ =	shalt  }

</sc_bundles>
